<compile_context>
chip_gen: v7x
topology: tpu7x:2x2x1
jax: 0.10.2.dev20260603
libtpu: 0.0.44.dev20260713+nightly
codegen_flags: <defaults>
</compile_context>

<pallas_src>
import jax
import jax.numpy as jnp
from jax import lax
from jax.experimental import pallas as pl
from jax.experimental.pallas import tpu as pltpu
from jax.experimental.pallas import tpu_sc as plsc

NC, NS, L = 2, 16, 16
NW = NC * NS
HID = 128
ROWS = 65
NF = 4
B, S = 4096, 200
BG = B // 128
SLAB = NF * 128
WS = 40
NWIN = S // WS
WROW = WS * NF
STGST = WROW + 1
NRING = 4
TAB_WORDS = NF * ROWS * HID


def _body(ids_hbm, tab_hbm, out_hbm, tab_v, slab_v, stg_v, out_v, sem_tab,
          sem_ids, sem_out):
    wid = lax.axis_index("s") * NC + lax.axis_index("c")
    bg = wid
    b0 = bg * 128

    pltpu.async_copy(tab_hbm, tab_v, sem_tab).wait()

    iota = jnp.arange(L, dtype=jnp.int32)
    iotastg = iota * STGST

    def win_body(w, _):
        s0 = w * WS
        pltpu.async_copy(ids_hbm.at[pl.ds(w * WS, WS), bg], slab_v,
                         sem_ids).wait()

        @plsc.parallel_loop(0, WS, unroll=2)
        def tr_body(sl):
            for grp in range(128 // L):
                for f in range(NF):
                    v = slab_v[sl, pl.ds(f * 128 + grp * L, L)]
                    plsc.store_scatter(
                        stg_v,
                        [iotastg + (grp * (L * STGST) + sl * NF + f)], v)

        def quad_body(qd, _):
            ring = lax.rem(qd, 2)

            @pl.when(qd >= 2)
            def _():
                pltpu.make_async_copy(
                    out_v.at[0], out_hbm.at[pl.ds(0, 4), pl.ds(0, WS)],
                    sem_out).wait()

            @plsc.parallel_loop(0, 4 * (WROW // L), unroll=2)
            def sub_body(i):
                bl = i % 4
                q = i // 4
                vec = plsc.load_gather(
                    stg_v,
                    [iota + ((qd * 4 + bl) * STGST + q * L)])
                for j in range(4):
                    t = q * 4 + j
                    for c in range(HID // L):
                        t0 = tab_v[pl.ds(vec[4 * j + 0] + c * L, L)]
                        t1 = tab_v[pl.ds(vec[4 * j + 1] + c * L, L)]
                        t2 = tab_v[pl.ds(vec[4 * j + 2] + c * L, L)]
                        t3 = tab_v[pl.ds(vec[4 * j + 3] + c * L, L)]
                        out_v[ring, bl, t, pl.ds(c * L, L)] = \
                            (t0 + t1) + (t2 + t3)

            for bl in range(4):
                pltpu.async_copy(
                    out_v.at[ring, bl],
                    out_hbm.at[b0 + qd * 4 + bl, pl.ds(s0, WS)], sem_out)
            return 0

        lax.fori_loop(0, 32, quad_body, 0)

        for _ in range(2):
            pltpu.make_async_copy(
                out_v.at[0], out_hbm.at[pl.ds(0, 4), pl.ds(0, WS)],
                sem_out).wait()
        return 0

    lax.fori_loop(0, NWIN, win_body, 0)


@jax.jit
def _run(offs, tab_flat):
    mesh = plsc.VectorSubcoreMesh(core_axis_name="c", subcore_axis_name="s",
                                  num_cores=NC, num_subcores=NS)
    return pl.kernel(
        _body,
        out_type=jax.ShapeDtypeStruct((B, S, HID), jnp.float32),
        mesh=mesh,
        scratch_types=[
            pltpu.VMEM((TAB_WORDS,), jnp.float32),
            pltpu.VMEM((WS, SLAB), jnp.int32),
            pltpu.VMEM((128 * STGST,), jnp.int32),
            pltpu.VMEM((2, 4, WS, HID), jnp.float32),
            pltpu.SemaphoreType.DMA,
            pltpu.SemaphoreType.DMA,
            pltpu.SemaphoreType.DMA,
        ],
        compiler_params=pltpu.CompilerParams(needs_layout_passes=False),
    )(offs, tab_flat)


def kernel(noise_ids, W0, W1, W2, W3):
    featbase = jnp.array([i * ROWS * HID for i in range(NF)], jnp.int32)
    offs = noise_ids * HID + featbase
    offs_sb = (offs.reshape(BG, 128, S, NF)
               .transpose(2, 0, 3, 1)
               .reshape(S, BG, SLAB))
    tab_flat = jnp.concatenate([W0, W1, W2, W3], axis=0).reshape(-1)
    return _run(offs_sb, tab_flat)

# --- scband reference (transcript-rebuilt; emitter-appended) ---
"""Pipeline reference for scband-bucket-noise-embedder-5695126634914 (READ-ONLY COPY).

The authoritative reference and input builder live on the scoring server;
editing this copy changes nothing except your own understanding.
"""

import jax, jax.numpy as jnp
import numpy as np

# Module-level constants assumed (undefined in source): 4 bucket-noise features,
# each with default NUM_BINS=64 -> embedding tables of (64+1) rows.
FEATURES = ["feat_a", "feat_b", "feat_c", "feat_d"]
NUM_BINS = {}
HIDDEN = 128
B, S = 4096, 200


def setup_inputs(seed: int = 0) -> dict:
    key = jax.random.key(seed)
    kid, k0, k1, k2, k3 = jax.random.split(key, 5)
    noise_ids = jax.random.randint(kid, (B, S, len(FEATURES)), 0, 65, dtype=jnp.int32)
    inp = {"noise_ids": noise_ids}
    for i, kk in enumerate([k0, k1, k2, k3]):
        rows = NUM_BINS.get(FEATURES[i], 64) + 1
        inp[f"W{i}"] = jax.random.normal(kk, (rows, HIDDEN), dtype=jnp.float32) * 0.02
    return inp


def reference(noise_ids, W0, W1, W2, W3):
    tables = [W0, W1, W2, W3]
    assert noise_ids.shape[-1] == len(FEATURES)
    out = 0.0
    for i, tab in enumerate(tables):
        ids = jnp.clip(noise_ids[:, :, i], 0, tab.shape[0] - 1)
        out = out + jnp.take(tab, ids, axis=0)
    return out

if __name__ == "__main__":
    import jax
    _d = setup_inputs()
    print(jax.jit(kernel)(*tuple(_d.values())))

</pallas_src>

<mosaic_0001>
#map = affine_map<(d0, d1) -> (0, 0, 0)>
#map1 = affine_map<(d0, d1) -> (0)>
module attributes {stable_mosaic.version = 14 : i64} {
  func.func @_body(%arg0: i32, %arg1: i32, %arg2: memref<200x32x512xi32, #tpu.memory_space<hbm>>, %arg3: memref<33280xf32, #tpu.memory_space<hbm>>, %arg4: memref<4096x200x128xf32, #tpu.memory_space<hbm>>, %arg5: memref<33280xf32, #tpu.memory_space<vmem>>, %arg6: memref<40x512xi32, #tpu.memory_space<vmem>>, %arg7: memref<20608xi32, #tpu.memory_space<vmem>>, %arg8: memref<2x4x40x128xf32, #tpu.memory_space<vmem>>, %arg9: memref<!tpu.dma_semaphore, #tpu.memory_space<semaphore_mem>>, %arg10: memref<!tpu.dma_semaphore, #tpu.memory_space<semaphore_mem>>, %arg11: memref<!tpu.dma_semaphore, #tpu.memory_space<semaphore_mem>>) attributes {dimension_semantics = [#tpu.dimension_semantics<core_parallel>, #tpu.dimension_semantics<subcore_parallel>], iteration_bounds = array<i64: 2, 16>, scalar_prefetch = 0 : i64, scratch_operands = 7 : i64, tpu.core_type = #tpu.core_type<sc_vector_subcore>, window_params = [{transform_indices = #map}, {transform_indices = #map1}, {transform_indices = #map}]} {
    %mul3A = arith.constant 2 : i32
    %mul3A_0 = arith.muli %arg1, %mul3A : i32
    %add3A = arith.addi %mul3A_0, %arg0 : i32
    %mul3A_1 = arith.constant 128 : i32
    %mul3A_2 = arith.muli %add3A, %mul3A_1 : i32
    tpu.enqueue_dma source(%arg3 : memref<33280xf32, #tpu.memory_space<hbm>>) target(%arg5 : memref<33280xf32, #tpu.memory_space<vmem>>) target_semaphore(%arg9 : memref<!tpu.dma_semaphore, #tpu.memory_space<semaphore_mem>>)
    tpu.wait_dma2 semaphore(%arg9 : memref<!tpu.dma_semaphore, #tpu.memory_space<semaphore_mem>>) src(%arg3 : memref<33280xf32, #tpu.memory_space<hbm>>) dst(%arg5 : memref<33280xf32, #tpu.memory_space<vmem>>)
    %iota3A = tpu.iota {dimensions = array<i32: 0>} : vector<16xi32>
    %mul3A_3 = arith.constant 161 : i32
    %mul3A_4 = vector.broadcast %mul3A_3 : i32 to vector<16xi32>
    %mul3A_5 = arith.muli %iota3A, %mul3A_4 : vector<16xi32>
    %scan3A = arith.constant 0 : i32
    %scan3A_6 = arith.constant 0 : i32
    %scan3A_7 = arith.constant 5 : i32
    %scan3A_8 = arith.addi %scan3A_6, %scan3A_7 : i32
    %scan3A_9 = arith.constant 1 : i32
    %scan3A_10 = scf.for %scan3A_12 = %scan3A_6 to %scan3A_8 step %scan3A_9 iter_args(%scan3A_13 = %scan3A) -> (i32)  : i32 {
      %mul3A_14 = arith.constant 40 : i32
      %mul3A_15 = arith.muli %scan3A_12, %mul3A_14 : i32
      %mul3A_16 = arith.constant 40 : i32
      %mul3A_17 = arith.muli %scan3A_12, %mul3A_16 : i32
      %dma_start3A = arith.constant 0 : i32
      %dma_start3A_18 = tpu.memref_slice %arg2[%mul3A_17, %add3A, %dma_start3A] : memref<200x32x512xi32, #tpu.memory_space<hbm>> -> memref<40x1x512xi32, #tpu.memory_space<hbm>>
      %dma_start3A_19 = tpu.memref_squeeze %dma_start3A_18 : memref<40x1x512xi32, #tpu.memory_space<hbm>> -> memref<40x512xi32, #tpu.memory_space<hbm>>
      %dma_start3A_20 = arith.constant 0 : i32
      %dma_start3A_21 = tpu.memref_slice %arg2[%mul3A_17, %add3A, %dma_start3A_20] : memref<200x32x512xi32, #tpu.memory_space<hbm>> -> memref<40x1x512xi32, #tpu.memory_space<hbm>>
      %dma_start3A_22 = tpu.memref_squeeze %dma_start3A_21 : memref<40x1x512xi32, #tpu.memory_space<hbm>> -> memref<40x512xi32, #tpu.memory_space<hbm>>
      tpu.enqueue_dma source(%dma_start3A_22 : memref<40x512xi32, #tpu.memory_space<hbm>>) target(%arg6 : memref<40x512xi32, #tpu.memory_space<vmem>>) target_semaphore(%arg10 : memref<!tpu.dma_semaphore, #tpu.memory_space<semaphore_mem>>)
      %dma_wait3A = arith.constant 0 : i32
      %dma_wait3A_23 = tpu.memref_slice %arg2[%mul3A_17, %add3A, %dma_wait3A] : memref<200x32x512xi32, #tpu.memory_space<hbm>> -> memref<40x1x512xi32, #tpu.memory_space<hbm>>
      %dma_wait3A_24 = tpu.memref_squeeze %dma_wait3A_23 : memref<40x1x512xi32, #tpu.memory_space<hbm>> -> memref<40x512xi32, #tpu.memory_space<hbm>>
      %dma_wait3A_25 = arith.constant 0 : i32
      %dma_wait3A_26 = tpu.memref_slice %arg2[%mul3A_17, %add3A, %dma_wait3A_25] : memref<200x32x512xi32, #tpu.memory_space<hbm>> -> memref<40x1x512xi32, #tpu.memory_space<hbm>>
      %dma_wait3A_27 = tpu.memref_squeeze %dma_wait3A_26 : memref<40x1x512xi32, #tpu.memory_space<hbm>> -> memref<40x512xi32, #tpu.memory_space<hbm>>
      tpu.wait_dma2 semaphore(%arg10 : memref<!tpu.dma_semaphore, #tpu.memory_space<semaphore_mem>>) src(%dma_wait3A_27 : memref<40x512xi32, #tpu.memory_space<hbm>>) dst(%arg6 : memref<40x512xi32, #tpu.memory_space<vmem>>)
      %parallel_loop3A = arith.constant 0 : i32
      %parallel_loop3A_28 = arith.constant 40 : i32
      %parallel_loop3A_29 = arith.constant 1 : i32
      scf.for %parallel_loop3A_76 = %parallel_loop3A to %parallel_loop3A_28 step %parallel_loop3A_29  : i32 {
        %parallel_loop3A_77 = arith.index_cast %parallel_loop3A_76 : i32 to index
        %parallel_loop3A_78 = arith.constant 0 : index
        %parallel_loop3A_79 = tpu.vector_load %arg6[%parallel_loop3A_77, %parallel_loop3A_78] {strides = array<i32>} : memref<40x512xi32, #tpu.memory_space<vmem>>, vector<16xi32>,
        %parallel_loop3A_80 = arith.constant 4 : i32
        %parallel_loop3A_81 = arith.muli %parallel_loop3A_76, %parallel_loop3A_80 : i32
        %parallel_loop3A_82 = arith.constant 0 : i32
        %parallel_loop3A_83 = arith.addi %parallel_loop3A_82, %parallel_loop3A_81 : i32
        %parallel_loop3A_84 = arith.constant 0 : i32
        %parallel_loop3A_85 = arith.addi %parallel_loop3A_83, %parallel_loop3A_84 : i32
        %parallel_loop3A_86 = vector.broadcast %parallel_loop3A_85 : i32 to vector<16xi32>
        %parallel_loop3A_87 = arith.addi %mul3A_5, %parallel_loop3A_86 : vector<16xi32>
        tpu.vector_store_idx %arg7[%parallel_loop3A_87], %parallel_loop3A_79 : memref<20608xi32, #tpu.memory_space<vmem>>[vector<16xi32>], vector<16xi32>,
        %parallel_loop3A_88 = arith.index_cast %parallel_loop3A_76 : i32 to index
        %parallel_loop3A_89 = arith.constant 128 : index
        %parallel_loop3A_90 = tpu.vector_load %arg6[%parallel_loop3A_88, %parallel_loop3A_89] {strides = array<i32>} : memref<40x512xi32, #tpu.memory_space<vmem>>, vector<16xi32>,
        %parallel_loop3A_91 = arith.constant 4 : i32
        %parallel_loop3A_92 = arith.muli %parallel_loop3A_76, %parallel_loop3A_91 : i32
        %parallel_loop3A_93 = arith.constant 0 : i32
        %parallel_loop3A_94 = arith.addi %parallel_loop3A_93, %parallel_loop3A_92 : i32
        %parallel_loop3A_95 = arith.constant 1 : i32
        %parallel_loop3A_96 = arith.addi %parallel_loop3A_94, %parallel_loop3A_95 : i32
        %parallel_loop3A_97 = vector.broadcast %parallel_loop3A_96 : i32 to vector<16xi32>
        %parallel_loop3A_98 = arith.addi %mul3A_5, %parallel_loop3A_97 : vector<16xi32>
        tpu.vector_store_idx %arg7[%parallel_loop3A_98], %parallel_loop3A_90 : memref<20608xi32, #tpu.memory_space<vmem>>[vector<16xi32>], vector<16xi32>,
        %parallel_loop3A_99 = arith.index_cast %parallel_loop3A_76 : i32 to index
        %parallel_loop3A_100 = arith.constant 256 : index
        %parallel_loop3A_101 = tpu.vector_load %arg6[%parallel_loop3A_99, %parallel_loop3A_100] {strides = array<i32>} : memref<40x512xi32, #tpu.memory_space<vmem>>, vector<16xi32>,
        %parallel_loop3A_102 = arith.constant 4 : i32
        %parallel_loop3A_103 = arith.muli %parallel_loop3A_76, %parallel_loop3A_102 : i32
        %parallel_loop3A_104 = arith.constant 0 : i32
        %parallel_loop3A_105 = arith.addi %parallel_loop3A_104, %parallel_loop3A_103 : i32
        %parallel_loop3A_106 = arith.constant 2 : i32
        %parallel_loop3A_107 = arith.addi %parallel_loop3A_105, %parallel_loop3A_106 : i32
        %parallel_loop3A_108 = vector.broadcast %parallel_loop3A_107 : i32 to vector<16xi32>
        %parallel_loop3A_109 = arith.addi %mul3A_5, %parallel_loop3A_108 : vector<16xi32>
        tpu.vector_store_idx %arg7[%parallel_loop3A_109], %parallel_loop3A_101 : memref<20608xi32, #tpu.memory_space<vmem>>[vector<16xi32>], vector<16xi32>,
        %parallel_loop3A_110 = arith.index_cast %parallel_loop3A_76 : i32 to index
        %parallel_loop3A_111 = arith.constant 384 : index
        %parallel_loop3A_112 = tpu.vector_load %arg6[%parallel_loop3A_110, %parallel_loop3A_111] {strides = array<i32>} : memref<40x512xi32, #tpu.memory_space<vmem>>, vector<16xi32>,
        %parallel_loop3A_113 = arith.constant 4 : i32
        %parallel_loop3A_114 = arith.muli %parallel_loop3A_76, %parallel_loop3A_113 : i32
        %parallel_loop3A_115 = arith.constant 0 : i32
        %parallel_loop3A_116 = arith.addi %parallel_loop3A_115, %parallel_loop3A_114 : i32
        %parallel_loop3A_117 = arith.constant 3 : i32
        %parallel_loop3A_118 = arith.addi %parallel_loop3A_116, %parallel_loop3A_117 : i32
        %parallel_loop3A_119 = vector.broadcast %parallel_loop3A_118 : i32 to vector<16xi32>
        %parallel_loop3A_120 = arith.addi %mul3A_5, %parallel_loop3A_119 : vector<16xi32>
        tpu.vector_store_idx %arg7[%parallel_loop3A_120], %parallel_loop3A_112 : memref<20608xi32, #tpu.memory_space<vmem>>[vector<16xi32>], vector<16xi32>,
        %parallel_loop3A_121 = arith.index_cast %parallel_loop3A_76 : i32 to index
        %parallel_loop3A_122 = arith.constant 16 : index
        %parallel_loop3A_123 = tpu.vector_load %arg6[%parallel_loop3A_121, %parallel_loop3A_122] {strides = array<i32>} : memref<40x512xi32, #tpu.memory_space<vmem>>, vector<16xi32>,
        %parallel_loop3A_124 = arith.constant 4 : i32
        %parallel_loop3A_125 = arith.muli %parallel_loop3A_76, %parallel_loop3A_124 : i32
        %parallel_loop3A_126 = arith.constant 2576 : i32
        %parallel_loop3A_127 = arith.addi %parallel_loop3A_126, %parallel_loop3A_125 : i32
        %parallel_loop3A_128 = arith.constant 0 : i32
        %parallel_loop3A_129 = arith.addi %parallel_loop3A_127, %parallel_loop3A_128 : i32
        %parallel_loop3A_130 = vector.broadcast %parallel_loop3A_129 : i32 to vector<16xi32>
        %parallel_loop3A_131 = arith.addi %mul3A_5, %parallel_loop3A_130 : vector<16xi32>
        tpu.vector_store_idx %arg7[%parallel_loop3A_131], %parallel_loop3A_123 : memref<20608xi32, #tpu.memory_space<vmem>>[vector<16xi32>], vector<16xi32>,
        %parallel_loop3A_132 = arith.index_cast %parallel_loop3A_76 : i32 to index
        %parallel_loop3A_133 = arith.constant 144 : index
        %parallel_loop3A_134 = tpu.vector_load %arg6[%parallel_loop3A_132, %parallel_loop3A_133] {strides = array<i32>} : memref<40x512xi32, #tpu.memory_space<vmem>>, vector<16xi32>,
        %parallel_loop3A_135 = arith.constant 4 : i32
        %parallel_loop3A_136 = arith.muli %parallel_loop3A_76, %parallel_loop3A_135 : i32
        %parallel_loop3A_137 = arith.constant 2576 : i32
        %parallel_loop3A_138 = arith.addi %parallel_loop3A_137, %parallel_loop3A_136 : i32
        %parallel_loop3A_139 = arith.constant 1 : i32
        %parallel_loop3A_140 = arith.addi %parallel_loop3A_138, %parallel_loop3A_139 : i32
        %parallel_loop3A_141 = vector.broadcast %parallel_loop3A_140 : i32 to vector<16xi32>
        %parallel_loop3A_142 = arith.addi %mul3A_5, %parallel_loop3A_141 : vector<16xi32>
        tpu.vector_store_idx %arg7[%parallel_loop3A_142], %parallel_loop3A_134 : memref<20608xi32, #tpu.memory_space<vmem>>[vector<16xi32>], vector<16xi32>,
        %parallel_loop3A_143 = arith.index_cast %parallel_loop3A_76 : i32 to index
        %parallel_loop3A_144 = arith.constant 272 : index
        %parallel_loop3A_145 = tpu.vector_load %arg6[%parallel_loop3A_143, %parallel_loop3A_144] {strides = array<i32>} : memref<40x512xi32, #tpu.memory_space<vmem>>, vector<16xi32>,
        %parallel_loop3A_146 = arith.constant 4 : i32
        %parallel_loop3A_147 = arith.muli %parallel_loop3A_76, %parallel_loop3A_146 : i32
        %parallel_loop3A_148 = arith.constant 2576 : i32
        %parallel_loop3A_149 = arith.addi %parallel_loop3A_148, %parallel_loop3A_147 : i32
        %parallel_loop3A_150 = arith.constant 2 : i32
        %parallel_loop3A_151 = arith.addi %parallel_loop3A_149, %parallel_loop3A_150 : i32
        %parallel_loop3A_152 = vector.broadcast %parallel_loop3A_151 : i32 to vector<16xi32>
        %parallel_loop3A_153 = arith.addi %mul3A_5, %parallel_loop3A_152 : vector<16xi32>
        tpu.vector_store_idx %arg7[%parallel_loop3A_153], %parallel_loop3A_145 : memref<20608xi32, #tpu.memory_space<vmem>>[vector<16xi32>], vector<16xi32>,
        %parallel_loop3A_154 = arith.index_cast %parallel_loop3A_76 : i32 to index
        %parallel_loop3A_155 = arith.constant 400 : index
        %parallel_loop3A_156 = tpu.vector_load %arg6[%parallel_loop3A_154, %parallel_loop3A_155] {strides = array<i32>} : memref<40x512xi32, #tpu.memory_space<vmem>>, vector<16xi32>,
        %parallel_loop3A_157 = arith.constant 4 : i32
        %parallel_loop3A_158 = arith.muli %parallel_loop3A_76, %parallel_loop3A_157 : i32
        %parallel_loop3A_159 = arith.constant 2576 : i32
        %parallel_loop3A_160 = arith.addi %parallel_loop3A_159, %parallel_loop3A_158 : i32
        %parallel_loop3A_161 = arith.constant 3 : i32
        %parallel_loop3A_162 = arith.addi %parallel_loop3A_160, %parallel_loop3A_161 : i32
        %parallel_loop3A_163 = vector.broadcast %parallel_loop3A_162 : i32 to vector<16xi32>
        %parallel_loop3A_164 = arith.addi %mul3A_5, %parallel_loop3A_163 : vector<16xi32>
        tpu.vector_store_idx %arg7[%parallel_loop3A_164], %parallel_loop3A_156 : memref<20608xi32, #tpu.memory_space<vmem>>[vector<16xi32>], vector<16xi32>,
        %parallel_loop3A_165 = arith.index_cast %parallel_loop3A_76 : i32 to index
        %parallel_loop3A_166 = arith.constant 32 : index
        %parallel_loop3A_167 = tpu.vector_load %arg6[%parallel_loop3A_165, %parallel_loop3A_166] {strides = array<i32>} : memref<40x512xi32, #tpu.memory_space<vmem>>, vector<16xi32>,
        %parallel_loop3A_168 = arith.constant 4 : i32
        %parallel_loop3A_169 = arith.muli %parallel_loop3A_76, %parallel_loop3A_168 : i32
        %parallel_loop3A_170 = arith.constant 5152 : i32
        %parallel_loop3A_171 = arith.addi %parallel_loop3A_170, %parallel_loop3A_169 : i32
        %parallel_loop3A_172 = arith.constant 0 : i32
        %parallel_loop3A_173 = arith.addi %parallel_loop3A_171, %parallel_loop3A_172 : i32
        %parallel_loop3A_174 = vector.broadcast %parallel_loop3A_173 : i32 to vector<16xi32>
        %parallel_loop3A_175 = arith.addi %mul3A_5, %parallel_loop3A_174 : vector<16xi32>
        tpu.vector_store_idx %arg7[%parallel_loop3A_175], %parallel_loop3A_167 : memref<20608xi32, #tpu.memory_space<vmem>>[vector<16xi32>], vector<16xi32>,
        %parallel_loop3A_176 = arith.index_cast %parallel_loop3A_76 : i32 to index
        %parallel_loop3A_177 = arith.constant 160 : index
        %parallel_loop3A_178 = tpu.vector_load %arg6[%parallel_loop3A_176, %parallel_loop3A_177] {strides = array<i32>} : memref<40x512xi32, #tpu.memory_space<vmem>>, vector<16xi32>,
        %parallel_loop3A_179 = arith.constant 4 : i32
        %parallel_loop3A_180 = arith.muli %parallel_loop3A_76, %parallel_loop3A_179 : i32
        %parallel_loop3A_181 = arith.constant 5152 : i32
        %parallel_loop3A_182 = arith.addi %parallel_loop3A_181, %parallel_loop3A_180 : i32
        %parallel_loop3A_183 = arith.constant 1 : i32
        %parallel_loop3A_184 = arith.addi %parallel_loop3A_182, %parallel_loop3A_183 : i32
        %parallel_loop3A_185 = vector.broadcast %parallel_loop3A_184 : i32 to vector<16xi32>
        %parallel_loop3A_186 = arith.addi %mul3A_5, %parallel_loop3A_185 : vector<16xi32>
        tpu.vector_store_idx %arg7[%parallel_loop3A_186], %parallel_loop3A_178 : memref<20608xi32, #tpu.memory_space<vmem>>[vector<16xi32>], vector<16xi32>,
        %parallel_loop3A_187 = arith.index_cast %parallel_loop3A_76 : i32 to index
        %parallel_loop3A_188 = arith.constant 288 : index
        %parallel_loop3A_189 = tpu.vector_load %arg6[%parallel_loop3A_187, %parallel_loop3A_188] {strides = array<i32>} : memref<40x512xi32, #tpu.memory_space<vmem>>, vector<16xi32>,
        %parallel_loop3A_190 = arith.constant 4 : i32
        %parallel_loop3A_191 = arith.muli %parallel_loop3A_76, %parallel_loop3A_190 : i32
        %parallel_loop3A_192 = arith.constant 5152 : i32
        %parallel_loop3A_193 = arith.addi %parallel_loop3A_192, %parallel_loop3A_191 : i32
        %parallel_loop3A_194 = arith.constant 2 : i32
        %parallel_loop3A_195 = arith.addi %parallel_loop3A_193, %parallel_loop3A_194 : i32
        %parallel_loop3A_196 = vector.broadcast %parallel_loop3A_195 : i32 to vector<16xi32>
        %parallel_loop3A_197 = arith.addi %mul3A_5, %parallel_loop3A_196 : vector<16xi32>
        tpu.vector_store_idx %arg7[%parallel_loop3A_197], %parallel_loop3A_189 : memref<20608xi32, #tpu.memory_space<vmem>>[vector<16xi32>], vector<16xi32>,
        %parallel_loop3A_198 = arith.index_cast %parallel_loop3A_76 : i32 to index
        %parallel_loop3A_199 = arith.constant 416 : index
        %parallel_loop3A_200 = tpu.vector_load %arg6[%parallel_loop3A_198, %parallel_loop3A_199] {strides = array<i32>} : memref<40x512xi32, #tpu.memory_space<vmem>>, vector<16xi32>,
        %parallel_loop3A_201 = arith.constant 4 : i32
        %parallel_loop3A_202 = arith.muli %parallel_loop3A_76, %parallel_loop3A_201 : i32
        %parallel_loop3A_203 = arith.constant 5152 : i32
        %parallel_loop3A_204 = arith.addi %parallel_loop3A_203, %parallel_loop3A_202 : i32
        %parallel_loop3A_205 = arith.constant 3 : i32
        %parallel_loop3A_206 = arith.addi %parallel_loop3A_204, %parallel_loop3A_205 : i32
        %parallel_loop3A_207 = vector.broadcast %parallel_loop3A_206 : i32 to vector<16xi32>
        %parallel_loop3A_208 = arith.addi %mul3A_5, %parallel_loop3A_207 : vector<16xi32>
        tpu.vector_store_idx %arg7[%parallel_loop3A_208], %parallel_loop3A_200 : memref<20608xi32, #tpu.memory_space<vmem>>[vector<16xi32>], vector<16xi32>,
        %parallel_loop3A_209 = arith.index_cast %parallel_loop3A_76 : i32 to index
        %parallel_loop3A_210 = arith.constant 48 : index
        %parallel_loop3A_211 = tpu.vector_load %arg6[%parallel_loop3A_209, %parallel_loop3A_210] {strides = array<i32>} : memref<40x512xi32, #tpu.memory_space<vmem>>, vector<16xi32>,
        %parallel_loop3A_212 = arith.constant 4 : i32
        %parallel_loop3A_213 = arith.muli %parallel_loop3A_76, %parallel_loop3A_212 : i32
        %parallel_loop3A_214 = arith.constant 7728 : i32
        %parallel_loop3A_215 = arith.addi %parallel_loop3A_214, %parallel_loop3A_213 : i32
        %parallel_loop3A_216 = arith.constant 0 : i32
        %parallel_loop3A_217 = arith.addi %parallel_loop3A_215, %parallel_loop3A_216 : i32
        %parallel_loop3A_218 = vector.broadcast %parallel_loop3A_217 : i32 to vector<16xi32>
        %parallel_loop3A_219 = arith.addi %mul3A_5, %parallel_loop3A_218 : vector<16xi32>
        tpu.vector_store_idx %arg7[%parallel_loop3A_219], %parallel_loop3A_211 : memref<20608xi32, #tpu.memory_space<vmem>>[vector<16xi32>], vector<16xi32>,
        %parallel_loop3A_220 = arith.index_cast %parallel_loop3A_76 : i32 to index
        %parallel_loop3A_221 = arith.constant 176 : index
        %parallel_loop3A_222 = tpu.vector_load %arg6[%parallel_loop3A_220, %parallel_loop3A_221] {strides = array<i32>} : memref<40x512xi32, #tpu.memory_space<vmem>>, vector<16xi32>,
        %parallel_loop3A_223 = arith.constant 4 : i32
        %parallel_loop3A_224 = arith.muli %parallel_loop3A_76, %parallel_loop3A_223 : i32
        %parallel_loop3A_225 = arith.constant 7728 : i32
        %parallel_loop3A_226 = arith.addi %parallel_loop3A_225, %parallel_loop3A_224 : i32
        %parallel_loop3A_227 = arith.constant 1 : i32
        %parallel_loop3A_228 = arith.addi %parallel_loop3A_226, %parallel_loop3A_227 : i32
        %parallel_loop3A_229 = vector.broadcast %parallel_loop3A_228 : i32 to vector<16xi32>
        %parallel_loop3A_230 = arith.addi %mul3A_5, %parallel_loop3A_229 : vector<16xi32>
        tpu.vector_store_idx %arg7[%parallel_loop3A_230], %parallel_loop3A_222 : memref<20608xi32, #tpu.memory_space<vmem>>[vector<16xi32>], vector<16xi32>,
        %parallel_loop3A_231 = arith.index_cast %parallel_loop3A_76 : i32 to index
        %parallel_loop3A_232 = arith.constant 304 : index
        %parallel_loop3A_233 = tpu.vector_load %arg6[%parallel_loop3A_231, %parallel_loop3A_232] {strides = array<i32>} : memref<40x512xi32, #tpu.memory_space<vmem>>, vector<16xi32>,
        %parallel_loop3A_234 = arith.constant 4 : i32
        %parallel_loop3A_235 = arith.muli %parallel_loop3A_76, %parallel_loop3A_234 : i32
        %parallel_loop3A_236 = arith.constant 7728 : i32
        %parallel_loop3A_237 = arith.addi %parallel_loop3A_236, %parallel_loop3A_235 : i32
        %parallel_loop3A_238 = arith.constant 2 : i32
        %parallel_loop3A_239 = arith.addi %parallel_loop3A_237, %parallel_loop3A_238 : i32
        %parallel_loop3A_240 = vector.broadcast %parallel_loop3A_239 : i32 to vector<16xi32>
        %parallel_loop3A_241 = arith.addi %mul3A_5, %parallel_loop3A_240 : vector<16xi32>
        tpu.vector_store_idx %arg7[%parallel_loop3A_241], %parallel_loop3A_233 : memref<20608xi32, #tpu.memory_space<vmem>>[vector<16xi32>], vector<16xi32>,
        %parallel_loop3A_242 = arith.index_cast %parallel_loop3A_76 : i32 to index
        %parallel_loop3A_243 = arith.constant 432 : index
        %parallel_loop3A_244 = tpu.vector_load %arg6[%parallel_loop3A_242, %parallel_loop3A_243] {strides = array<i32>} : memref<40x512xi32, #tpu.memory_space<vmem>>, vector<16xi32>,
        %parallel_loop3A_245 = arith.constant 4 : i32
        %parallel_loop3A_246 = arith.muli %parallel_loop3A_76, %parallel_loop3A_245 : i32
        %parallel_loop3A_247 = arith.constant 7728 : i32
        %parallel_loop3A_248 = arith.addi %parallel_loop3A_247, %parallel_loop3A_246 : i32
        %parallel_loop3A_249 = arith.constant 3 : i32
        %parallel_loop3A_250 = arith.addi %parallel_loop3A_248, %parallel_loop3A_249 : i32
        %parallel_loop3A_251 = vector.broadcast %parallel_loop3A_250 : i32 to vector<16xi32>
        %parallel_loop3A_252 = arith.addi %mul3A_5, %parallel_loop3A_251 : vector<16xi32>
        tpu.vector_store_idx %arg7[%parallel_loop3A_252], %parallel_loop3A_244 : memref<20608xi32, #tpu.memory_space<vmem>>[vector<16xi32>], vector<16xi32>,
        %parallel_loop3A_253 = arith.index_cast %parallel_loop3A_76 : i32 to index
        %parallel_loop3A_254 = arith.constant 64 : index
        %parallel_loop3A_255 = tpu.vector_load %arg6[%parallel_loop3A_253, %parallel_loop3A_254] {strides = array<i32>} : memref<40x512xi32, #tpu.memory_space<vmem>>, vector<16xi32>,
        %parallel_loop3A_256 = arith.constant 4 : i32
        %parallel_loop3A_257 = arith.muli %parallel_loop3A_76, %parallel_loop3A_256 : i32
        %parallel_loop3A_258 = arith.constant 10304 : i32
        %parallel_loop3A_259 = arith.addi %parallel_loop3A_258, %parallel_loop3A_257 : i32
        %parallel_loop3A_260 = arith.constant 0 : i32
        %parallel_loop3A_261 = arith.addi %parallel_loop3A_259, %parallel_loop3A_260 : i32
        %parallel_loop3A_262 = vector.broadcast %parallel_loop3A_261 : i32 to vector<16xi32>
        %parallel_loop3A_263 = arith.addi %mul3A_5, %parallel_loop3A_262 : vector<16xi32>
        tpu.vector_store_idx %arg7[%parallel_loop3A_263], %parallel_loop3A_255 : memref<20608xi32, #tpu.memory_space<vmem>>[vector<16xi32>], vector<16xi32>,
        %parallel_loop3A_264 = arith.index_cast %parallel_loop3A_76 : i32 to index
        %parallel_loop3A_265 = arith.constant 192 : index
        %parallel_loop3A_266 = tpu.vector_load %arg6[%parallel_loop3A_264, %parallel_loop3A_265] {strides = array<i32>} : memref<40x512xi32, #tpu.memory_space<vmem>>, vector<16xi32>,
        %parallel_loop3A_267 = arith.constant 4 : i32
        %parallel_loop3A_268 = arith.muli %parallel_loop3A_76, %parallel_loop3A_267 : i32
        %parallel_loop3A_269 = arith.constant 10304 : i32
        %parallel_loop3A_270 = arith.addi %parallel_loop3A_269, %parallel_loop3A_268 : i32
        %parallel_loop3A_271 = arith.constant 1 : i32
        %parallel_loop3A_272 = arith.addi %parallel_loop3A_270, %parallel_loop3A_271 : i32
        %parallel_loop3A_273 = vector.broadcast %parallel_loop3A_272 : i32 to vector<16xi32>
        %parallel_loop3A_274 = arith.addi %mul3A_5, %parallel_loop3A_273 : vector<16xi32>
        tpu.vector_store_idx %arg7[%parallel_loop3A_274], %parallel_loop3A_266 : memref<20608xi32, #tpu.memory_space<vmem>>[vector<16xi32>], vector<16xi32>,
        %parallel_loop3A_275 = arith.index_cast %parallel_loop3A_76 : i32 to index
        %parallel_loop3A_276 = arith.constant 320 : index
        %parallel_loop3A_277 = tpu.vector_load %arg6[%parallel_loop3A_275, %parallel_loop3A_276] {strides = array<i32>} : memref<40x512xi32, #tpu.memory_space<vmem>>, vector<16xi32>,
        %parallel_loop3A_278 = arith.constant 4 : i32
        %parallel_loop3A_279 = arith.muli %parallel_loop3A_76, %parallel_loop3A_278 : i32
        %parallel_loop3A_280 = arith.constant 10304 : i32
        %parallel_loop3A_281 = arith.addi %parallel_loop3A_280, %parallel_loop3A_279 : i32
        %parallel_loop3A_282 = arith.constant 2 : i32
        %parallel_loop3A_283 = arith.addi %parallel_loop3A_281, %parallel_loop3A_282 : i32
        %parallel_loop3A_284 = vector.broadcast %parallel_loop3A_283 : i32 to vector<16xi32>
        %parallel_loop3A_285 = arith.addi %mul3A_5, %parallel_loop3A_284 : vector<16xi32>
        tpu.vector_store_idx %arg7[%parallel_loop3A_285], %parallel_loop3A_277 : memref<20608xi32, #tpu.memory_space<vmem>>[vector<16xi32>], vector<16xi32>,
        %parallel_loop3A_286 = arith.index_cast %parallel_loop3A_76 : i32 to index
        %parallel_loop3A_287 = arith.constant 448 : index
        %parallel_loop3A_288 = tpu.vector_load %arg6[%parallel_loop3A_286, %parallel_loop3A_287] {strides = array<i32>} : memref<40x512xi32, #tpu.memory_space<vmem>>, vector<16xi32>,
        %parallel_loop3A_289 = arith.constant 4 : i32
        %parallel_loop3A_290 = arith.muli %parallel_loop3A_76, %parallel_loop3A_289 : i32
        %parallel_loop3A_291 = arith.constant 10304 : i32
        %parallel_loop3A_292 = arith.addi %parallel_loop3A_291, %parallel_loop3A_290 : i32
        %parallel_loop3A_293 = arith.constant 3 : i32
        %parallel_loop3A_294 = arith.addi %parallel_loop3A_292, %parallel_loop3A_293 : i32
        %parallel_loop3A_295 = vector.broadcast %parallel_loop3A_294 : i32 to vector<16xi32>
        %parallel_loop3A_296 = arith.addi %mul3A_5, %parallel_loop3A_295 : vector<16xi32>
        tpu.vector_store_idx %arg7[%parallel_loop3A_296], %parallel_loop3A_288 : memref<20608xi32, #tpu.memory_space<vmem>>[vector<16xi32>], vector<16xi32>,
        %parallel_loop3A_297 = arith.index_cast %parallel_loop3A_76 : i32 to index
        %parallel_loop3A_298 = arith.constant 80 : index
        %parallel_loop3A_299 = tpu.vector_load %arg6[%parallel_loop3A_297, %parallel_loop3A_298] {strides = array<i32>} : memref<40x512xi32, #tpu.memory_space<vmem>>, vector<16xi32>,
        %parallel_loop3A_300 = arith.constant 4 : i32
        %parallel_loop3A_301 = arith.muli %parallel_loop3A_76, %parallel_loop3A_300 : i32
        %parallel_loop3A_302 = arith.constant 12880 : i32
        %parallel_loop3A_303 = arith.addi %parallel_loop3A_302, %parallel_loop3A_301 : i32
        %parallel_loop3A_304 = arith.constant 0 : i32
        %parallel_loop3A_305 = arith.addi %parallel_loop3A_303, %parallel_loop3A_304 : i32
        %parallel_loop3A_306 = vector.broadcast %parallel_loop3A_305 : i32 to vector<16xi32>
        %parallel_loop3A_307 = arith.addi %mul3A_5, %parallel_loop3A_306 : vector<16xi32>
        tpu.vector_store_idx %arg7[%parallel_loop3A_307], %parallel_loop3A_299 : memref<20608xi32, #tpu.memory_space<vmem>>[vector<16xi32>], vector<16xi32>,
        %parallel_loop3A_308 = arith.index_cast %parallel_loop3A_76 : i32 to index
        %parallel_loop3A_309 = arith.constant 208 : index
        %parallel_loop3A_310 = tpu.vector_load %arg6[%parallel_loop3A_308, %parallel_loop3A_309] {strides = array<i32>} : memref<40x512xi32, #tpu.memory_space<vmem>>, vector<16xi32>,
        %parallel_loop3A_311 = arith.constant 4 : i32
        %parallel_loop3A_312 = arith.muli %parallel_loop3A_76, %parallel_loop3A_311 : i32
        %parallel_loop3A_313 = arith.constant 12880 : i32
        %parallel_loop3A_314 = arith.addi %parallel_loop3A_313, %parallel_loop3A_312 : i32
        %parallel_loop3A_315 = arith.constant 1 : i32
        %parallel_loop3A_316 = arith.addi %parallel_loop3A_314, %parallel_loop3A_315 : i32
        %parallel_loop3A_317 = vector.broadcast %parallel_loop3A_316 : i32 to vector<16xi32>
        %parallel_loop3A_318 = arith.addi %mul3A_5, %parallel_loop3A_317 : vector<16xi32>
        tpu.vector_store_idx %arg7[%parallel_loop3A_318], %parallel_loop3A_310 : memref<20608xi32, #tpu.memory_space<vmem>>[vector<16xi32>], vector<16xi32>,
        %parallel_loop3A_319 = arith.index_cast %parallel_loop3A_76 : i32 to index
        %parallel_loop3A_320 = arith.constant 336 : index
        %parallel_loop3A_321 = tpu.vector_load %arg6[%parallel_loop3A_319, %parallel_loop3A_320] {strides = array<i32>} : memref<40x512xi32, #tpu.memory_space<vmem>>, vector<16xi32>,
        %parallel_loop3A_322 = arith.constant 4 : i32
        %parallel_loop3A_323 = arith.muli %parallel_loop3A_76, %parallel_loop3A_322 : i32
        %parallel_loop3A_324 = arith.constant 12880 : i32
        %parallel_loop3A_325 = arith.addi %parallel_loop3A_324, %parallel_loop3A_323 : i32
        %parallel_loop3A_326 = arith.constant 2 : i32
        %parallel_loop3A_327 = arith.addi %parallel_loop3A_325, %parallel_loop3A_326 : i32
        %parallel_loop3A_328 = vector.broadcast %parallel_loop3A_327 : i32 to vector<16xi32>
        %parallel_loop3A_329 = arith.addi %mul3A_5, %parallel_loop3A_328 : vector<16xi32>
        tpu.vector_store_idx %arg7[%parallel_loop3A_329], %parallel_loop3A_321 : memref<20608xi32, #tpu.memory_space<vmem>>[vector<16xi32>], vector<16xi32>,
        %parallel_loop3A_330 = arith.index_cast %parallel_loop3A_76 : i32 to index
        %parallel_loop3A_331 = arith.constant 464 : index
        %parallel_loop3A_332 = tpu.vector_load %arg6[%parallel_loop3A_330, %parallel_loop3A_331] {strides = array<i32>} : memref<40x512xi32, #tpu.memory_space<vmem>>, vector<16xi32>,
        %parallel_loop3A_333 = arith.constant 4 : i32
        %parallel_loop3A_334 = arith.muli %parallel_loop3A_76, %parallel_loop3A_333 : i32
        %parallel_loop3A_335 = arith.constant 12880 : i32
        %parallel_loop3A_336 = arith.addi %parallel_loop3A_335, %parallel_loop3A_334 : i32
        %parallel_loop3A_337 = arith.constant 3 : i32
        %parallel_loop3A_338 = arith.addi %parallel_loop3A_336, %parallel_loop3A_337 : i32
        %parallel_loop3A_339 = vector.broadcast %parallel_loop3A_338 : i32 to vector<16xi32>
        %parallel_loop3A_340 = arith.addi %mul3A_5, %parallel_loop3A_339 : vector<16xi32>
        tpu.vector_store_idx %arg7[%parallel_loop3A_340], %parallel_loop3A_332 : memref<20608xi32, #tpu.memory_space<vmem>>[vector<16xi32>], vector<16xi32>,
        %parallel_loop3A_341 = arith.index_cast %parallel_loop3A_76 : i32 to index
        %parallel_loop3A_342 = arith.constant 96 : index
        %parallel_loop3A_343 = tpu.vector_load %arg6[%parallel_loop3A_341, %parallel_loop3A_342] {strides = array<i32>} : memref<40x512xi32, #tpu.memory_space<vmem>>, vector<16xi32>,
        %parallel_loop3A_344 = arith.constant 4 : i32
        %parallel_loop3A_345 = arith.muli %parallel_loop3A_76, %parallel_loop3A_344 : i32
        %parallel_loop3A_346 = arith.constant 15456 : i32
        %parallel_loop3A_347 = arith.addi %parallel_loop3A_346, %parallel_loop3A_345 : i32
        %parallel_loop3A_348 = arith.constant 0 : i32
        %parallel_loop3A_349 = arith.addi %parallel_loop3A_347, %parallel_loop3A_348 : i32
        %parallel_loop3A_350 = vector.broadcast %parallel_loop3A_349 : i32 to vector<16xi32>
        %parallel_loop3A_351 = arith.addi %mul3A_5, %parallel_loop3A_350 : vector<16xi32>
        tpu.vector_store_idx %arg7[%parallel_loop3A_351], %parallel_loop3A_343 : memref<20608xi32, #tpu.memory_space<vmem>>[vector<16xi32>], vector<16xi32>,
        %parallel_loop3A_352 = arith.index_cast %parallel_loop3A_76 : i32 to index
        %parallel_loop3A_353 = arith.constant 224 : index
        %parallel_loop3A_354 = tpu.vector_load %arg6[%parallel_loop3A_352, %parallel_loop3A_353] {strides = array<i32>} : memref<40x512xi32, #tpu.memory_space<vmem>>, vector<16xi32>,
        %parallel_loop3A_355 = arith.constant 4 : i32
        %parallel_loop3A_356 = arith.muli %parallel_loop3A_76, %parallel_loop3A_355 : i32
        %parallel_loop3A_357 = arith.constant 15456 : i32
        %parallel_loop3A_358 = arith.addi %parallel_loop3A_357, %parallel_loop3A_356 : i32
        %parallel_loop3A_359 = arith.constant 1 : i32
        %parallel_loop3A_360 = arith.addi %parallel_loop3A_358, %parallel_loop3A_359 : i32
        %parallel_loop3A_361 = vector.broadcast %parallel_loop3A_360 : i32 to vector<16xi32>
        %parallel_loop3A_362 = arith.addi %mul3A_5, %parallel_loop3A_361 : vector<16xi32>
        tpu.vector_store_idx %arg7[%parallel_loop3A_362], %parallel_loop3A_354 : memref<20608xi32, #tpu.memory_space<vmem>>[vector<16xi32>], vector<16xi32>,
        %parallel_loop3A_363 = arith.index_cast %parallel_loop3A_76 : i32 to index
        %parallel_loop3A_364 = arith.constant 352 : index
        %parallel_loop3A_365 = tpu.vector_load %arg6[%parallel_loop3A_363, %parallel_loop3A_364] {strides = array<i32>} : memref<40x512xi32, #tpu.memory_space<vmem>>, vector<16xi32>,
        %parallel_loop3A_366 = arith.constant 4 : i32
        %parallel_loop3A_367 = arith.muli %parallel_loop3A_76, %parallel_loop3A_366 : i32
        %parallel_loop3A_368 = arith.constant 15456 : i32
        %parallel_loop3A_369 = arith.addi %parallel_loop3A_368, %parallel_loop3A_367 : i32
        %parallel_loop3A_370 = arith.constant 2 : i32
        %parallel_loop3A_371 = arith.addi %parallel_loop3A_369, %parallel_loop3A_370 : i32
        %parallel_loop3A_372 = vector.broadcast %parallel_loop3A_371 : i32 to vector<16xi32>
        %parallel_loop3A_373 = arith.addi %mul3A_5, %parallel_loop3A_372 : vector<16xi32>
        tpu.vector_store_idx %arg7[%parallel_loop3A_373], %parallel_loop3A_365 : memref<20608xi32, #tpu.memory_space<vmem>>[vector<16xi32>], vector<16xi32>,
        %parallel_loop3A_374 = arith.index_cast %parallel_loop3A_76 : i32 to index
        %parallel_loop3A_375 = arith.constant 480 : index
        %parallel_loop3A_376 = tpu.vector_load %arg6[%parallel_loop3A_374, %parallel_loop3A_375] {strides = array<i32>} : memref<40x512xi32, #tpu.memory_space<vmem>>, vector<16xi32>,
        %parallel_loop3A_377 = arith.constant 4 : i32
        %parallel_loop3A_378 = arith.muli %parallel_loop3A_76, %parallel_loop3A_377 : i32
        %parallel_loop3A_379 = arith.constant 15456 : i32
        %parallel_loop3A_380 = arith.addi %parallel_loop3A_379, %parallel_loop3A_378 : i32
        %parallel_loop3A_381 = arith.constant 3 : i32
        %parallel_loop3A_382 = arith.addi %parallel_loop3A_380, %parallel_loop3A_381 : i32
        %parallel_loop3A_383 = vector.broadcast %parallel_loop3A_382 : i32 to vector<16xi32>
        %parallel_loop3A_384 = arith.addi %mul3A_5, %parallel_loop3A_383 : vector<16xi32>
        tpu.vector_store_idx %arg7[%parallel_loop3A_384], %parallel_loop3A_376 : memref<20608xi32, #tpu.memory_space<vmem>>[vector<16xi32>], vector<16xi32>,
        %parallel_loop3A_385 = arith.index_cast %parallel_loop3A_76 : i32 to index
        %parallel_loop3A_386 = arith.constant 112 : index
        %parallel_loop3A_387 = tpu.vector_load %arg6[%parallel_loop3A_385, %parallel_loop3A_386] {strides = array<i32>} : memref<40x512xi32, #tpu.memory_space<vmem>>, vector<16xi32>,
        %parallel_loop3A_388 = arith.constant 4 : i32
        %parallel_loop3A_389 = arith.muli %parallel_loop3A_76, %parallel_loop3A_388 : i32
        %parallel_loop3A_390 = arith.constant 18032 : i32
        %parallel_loop3A_391 = arith.addi %parallel_loop3A_390, %parallel_loop3A_389 : i32
        %parallel_loop3A_392 = arith.constant 0 : i32
        %parallel_loop3A_393 = arith.addi %parallel_loop3A_391, %parallel_loop3A_392 : i32
        %parallel_loop3A_394 = vector.broadcast %parallel_loop3A_393 : i32 to vector<16xi32>
        %parallel_loop3A_395 = arith.addi %mul3A_5, %parallel_loop3A_394 : vector<16xi32>
        tpu.vector_store_idx %arg7[%parallel_loop3A_395], %parallel_loop3A_387 : memref<20608xi32, #tpu.memory_space<vmem>>[vector<16xi32>], vector<16xi32>,
        %parallel_loop3A_396 = arith.index_cast %parallel_loop3A_76 : i32 to index
        %parallel_loop3A_397 = arith.constant 240 : index
        %parallel_loop3A_398 = tpu.vector_load %arg6[%parallel_loop3A_396, %parallel_loop3A_397] {strides = array<i32>} : memref<40x512xi32, #tpu.memory_space<vmem>>, vector<16xi32>,
        %parallel_loop3A_399 = arith.constant 4 : i32
        %parallel_loop3A_400 = arith.muli %parallel_loop3A_76, %parallel_loop3A_399 : i32
        %parallel_loop3A_401 = arith.constant 18032 : i32
        %parallel_loop3A_402 = arith.addi %parallel_loop3A_401, %parallel_loop3A_400 : i32
        %parallel_loop3A_403 = arith.constant 1 : i32
        %parallel_loop3A_404 = arith.addi %parallel_loop3A_402, %parallel_loop3A_403 : i32
        %parallel_loop3A_405 = vector.broadcast %parallel_loop3A_404 : i32 to vector<16xi32>
        %parallel_loop3A_406 = arith.addi %mul3A_5, %parallel_loop3A_405 : vector<16xi32>
        tpu.vector_store_idx %arg7[%parallel_loop3A_406], %parallel_loop3A_398 : memref<20608xi32, #tpu.memory_space<vmem>>[vector<16xi32>], vector<16xi32>,
        %parallel_loop3A_407 = arith.index_cast %parallel_loop3A_76 : i32 to index
        %parallel_loop3A_408 = arith.constant 368 : index
        %parallel_loop3A_409 = tpu.vector_load %arg6[%parallel_loop3A_407, %parallel_loop3A_408] {strides = array<i32>} : memref<40x512xi32, #tpu.memory_space<vmem>>, vector<16xi32>,
        %parallel_loop3A_410 = arith.constant 4 : i32
        %parallel_loop3A_411 = arith.muli %parallel_loop3A_76, %parallel_loop3A_410 : i32
        %parallel_loop3A_412 = arith.constant 18032 : i32
        %parallel_loop3A_413 = arith.addi %parallel_loop3A_412, %parallel_loop3A_411 : i32
        %parallel_loop3A_414 = arith.constant 2 : i32
        %parallel_loop3A_415 = arith.addi %parallel_loop3A_413, %parallel_loop3A_414 : i32
        %parallel_loop3A_416 = vector.broadcast %parallel_loop3A_415 : i32 to vector<16xi32>
        %parallel_loop3A_417 = arith.addi %mul3A_5, %parallel_loop3A_416 : vector<16xi32>
        tpu.vector_store_idx %arg7[%parallel_loop3A_417], %parallel_loop3A_409 : memref<20608xi32, #tpu.memory_space<vmem>>[vector<16xi32>], vector<16xi32>,
        %parallel_loop3A_418 = arith.index_cast %parallel_loop3A_76 : i32 to index
        %parallel_loop3A_419 = arith.constant 496 : index
        %parallel_loop3A_420 = tpu.vector_load %arg6[%parallel_loop3A_418, %parallel_loop3A_419] {strides = array<i32>} : memref<40x512xi32, #tpu.memory_space<vmem>>, vector<16xi32>,
        %parallel_loop3A_421 = arith.constant 4 : i32
        %parallel_loop3A_422 = arith.muli %parallel_loop3A_76, %parallel_loop3A_421 : i32
        %parallel_loop3A_423 = arith.constant 18032 : i32
        %parallel_loop3A_424 = arith.addi %parallel_loop3A_423, %parallel_loop3A_422 : i32
        %parallel_loop3A_425 = arith.constant 3 : i32
        %parallel_loop3A_426 = arith.addi %parallel_loop3A_424, %parallel_loop3A_425 : i32
        %parallel_loop3A_427 = vector.broadcast %parallel_loop3A_426 : i32 to vector<16xi32>
        %parallel_loop3A_428 = arith.addi %mul3A_5, %parallel_loop3A_427 : vector<16xi32>
        tpu.vector_store_idx %arg7[%parallel_loop3A_428], %parallel_loop3A_420 : memref<20608xi32, #tpu.memory_space<vmem>>[vector<16xi32>], vector<16xi32>,
      } {sc.loop_unroll_factor = 2 : i64, sc.parallel_access}
      %scan3A_30 = arith.constant 0 : i32
      %scan3A_31 = arith.constant 0 : i32
      %scan3A_32 = arith.constant 32 : i32
      %scan3A_33 = arith.addi %scan3A_31, %scan3A_32 : i32
      %scan3A_34 = arith.constant 1 : i32
      %scan3A_35 = scf.for %scan3A_76 = %scan3A_31 to %scan3A_33 step %scan3A_34 iter_args(%scan3A_77 = %scan3A_30) -> (i32)  : i32 {
        %rem3A = arith.constant 2 : i32
        %rem3A_78 = arith.remsi %scan3A_76, %rem3A : i32
        %ge3A = arith.constant 2 : i32
        %ge3A_79 = arith.cmpi sge, %scan3A_76, %ge3A : i32
        %convert_element_type3A = arith.extui %ge3A_79 : i1 to i32
        %cond3A = arith.constant 0 : i32
        %cond3A_80 = arith.cmpi ne, %convert_element_type3A, %cond3A : i32
        scf.if %cond3A_80 {
          %dma_wait3A_165 = arith.constant 0 : i32
          %dma_wait3A_166 = arith.constant 0 : i32
          %dma_wait3A_167 = arith.constant 0 : i32
          %dma_wait3A_168 = arith.constant 0 : i32
          %dma_wait3A_169 = tpu.memref_slice %arg8[%dma_wait3A_165, %dma_wait3A_166, %dma_wait3A_167, %dma_wait3A_168] : memref<2x4x40x128xf32, #tpu.memory_space<vmem>> -> memref<1x4x40x128xf32, #tpu.memory_space<vmem>>
          %dma_wait3A_170 = tpu.memref_squeeze %dma_wait3A_169 : memref<1x4x40x128xf32, #tpu.memory_space<vmem>> -> memref<4x40x128xf32, #tpu.memory_space<vmem>>
          %dma_wait3A_171 = arith.constant 0 : i32
          %dma_wait3A_172 = arith.constant 0 : i32
          %dma_wait3A_173 = arith.constant 0 : i32
          %dma_wait3A_174 = tpu.memref_slice %arg4[%dma_wait3A_171, %dma_wait3A_172, %dma_wait3A_173] : memref<4096x200x128xf32, #tpu.memory_space<hbm>> -> memref<4x40x128xf32, #tpu.memory_space<hbm>>
          %dma_wait3A_175 = arith.constant 0 : i32
          %dma_wait3A_176 = arith.constant 0 : i32
          %dma_wait3A_177 = arith.constant 0 : i32
          %dma_wait3A_178 = tpu.memref_slice %arg4[%dma_wait3A_175, %dma_wait3A_176, %dma_wait3A_177] : memref<4096x200x128xf32, #tpu.memory_space<hbm>> -> memref<4x40x128xf32, #tpu.memory_space<hbm>>
          %dma_wait3A_179 = arith.constant 0 : i32
          %dma_wait3A_180 = arith.constant 0 : i32
          %dma_wait3A_181 = arith.constant 0 : i32
          %dma_wait3A_182 = tpu.memref_slice %arg8[%dma_wait3A_165, %dma_wait3A_179, %dma_wait3A_180, %dma_wait3A_181] : memref<2x4x40x128xf32, #tpu.memory_space<vmem>> -> memref<1x4x40x128xf32, #tpu.memory_space<vmem>>
          %dma_wait3A_183 = tpu.memref_squeeze %dma_wait3A_182 : memref<1x4x40x128xf32, #tpu.memory_space<vmem>> -> memref<4x40x128xf32, #tpu.memory_space<vmem>>
          tpu.wait_dma2 semaphore(%arg11 : memref<!tpu.dma_semaphore, #tpu.memory_space<semaphore_mem>>) src(%dma_wait3A_183 : memref<4x40x128xf32, #tpu.memory_space<vmem>>) dst(%dma_wait3A_178 : memref<4x40x128xf32, #tpu.memory_space<hbm>>)
        } else {
        }
        %parallel_loop3A_81 = arith.constant 0 : i32
        %parallel_loop3A_82 = arith.constant 40 : i32
        %parallel_loop3A_83 = arith.constant 1 : i32
        scf.for %parallel_loop3A_165 = %parallel_loop3A_81 to %parallel_loop3A_82 step %parallel_loop3A_83  : i32 {
          %parallel_loop3A_166 = arith.constant 4 : i32
          %parallel_loop3A_167 = arith.constant 0 : i32
          %parallel_loop3A_168 = arith.cmpi eq, %parallel_loop3A_166, %parallel_loop3A_167 : i32
          %parallel_loop3A_169 = arith.constant 1 : i32
          %parallel_loop3A_170 = arith.select %parallel_loop3A_168, %parallel_loop3A_169, %parallel_loop3A_166 : i32
          %parallel_loop3A_171 = arith.remsi %parallel_loop3A_165, %parallel_loop3A_170 : i32
          %parallel_loop3A_172 = arith.constant 0 : i32
          %parallel_loop3A_173 = arith.cmpi ne, %parallel_loop3A_171, %parallel_loop3A_172 : i32
          %parallel_loop3A_174 = arith.constant 0 : i32
          %parallel_loop3A_175 = arith.cmpi slt, %parallel_loop3A_171, %parallel_loop3A_174 : i32
          %parallel_loop3A_176 = arith.constant 0 : i32
          %parallel_loop3A_177 = arith.cmpi slt, %parallel_loop3A_170, %parallel_loop3A_176 : i32
          %parallel_loop3A_178 = arith.xori %parallel_loop3A_175, %parallel_loop3A_177 : i1
          %parallel_loop3A_179 = arith.andi %parallel_loop3A_178, %parallel_loop3A_173 : i1
          %parallel_loop3A_180 = arith.addi %parallel_loop3A_171, %parallel_loop3A_170 : i32
          %parallel_loop3A_181 = arith.select %parallel_loop3A_179, %parallel_loop3A_180, %parallel_loop3A_171 : i32
          %parallel_loop3A_182 = arith.constant 4 : i32
          %parallel_loop3A_183 = arith.divsi %parallel_loop3A_165, %parallel_loop3A_182 : i32
          %parallel_loop3A_184 = arith.constant 0 : i32
          %parallel_loop3A_185 = arith.cmpi sgt, %parallel_loop3A_165, %parallel_loop3A_184 : i32
          %parallel_loop3A_186 = arith.extui %parallel_loop3A_185 : i1 to i32
          %parallel_loop3A_187 = arith.constant 0 : i32
          %parallel_loop3A_188 = arith.cmpi slt, %parallel_loop3A_165, %parallel_loop3A_187 : i32
          %parallel_loop3A_189 = arith.extui %parallel_loop3A_188 : i1 to i32
          %parallel_loop3A_190 = arith.subi %parallel_loop3A_186, %parallel_loop3A_189 : i32
          %parallel_loop3A_191 = arith.constant 0 : i32
          %parallel_loop3A_192 = arith.cmpi sgt, %parallel_loop3A_182, %parallel_loop3A_191 : i32
          %parallel_loop3A_193 = arith.extui %parallel_loop3A_192 : i1 to i32
          %parallel_loop3A_194 = arith.constant 0 : i32
          %parallel_loop3A_195 = arith.cmpi slt, %parallel_loop3A_182, %parallel_loop3A_194 : i32
          %parallel_loop3A_196 = arith.extui %parallel_loop3A_195 : i1 to i32
          %parallel_loop3A_197 = arith.subi %parallel_loop3A_193, %parallel_loop3A_196 : i32
          %parallel_loop3A_198 = arith.cmpi ne, %parallel_loop3A_190, %parallel_loop3A_197 : i32
          %parallel_loop3A_199 = arith.remsi %parallel_loop3A_165, %parallel_loop3A_182 : i32
          %parallel_loop3A_200 = arith.constant 0 : i32
          %parallel_loop3A_201 = arith.cmpi ne, %parallel_loop3A_199, %parallel_loop3A_200 : i32
          %parallel_loop3A_202 = arith.andi %parallel_loop3A_198, %parallel_loop3A_201 : i1
          %parallel_loop3A_203 = arith.constant 1 : i32
          %parallel_loop3A_204 = arith.subi %parallel_loop3A_183, %parallel_loop3A_203 : i32
          %parallel_loop3A_205 = arith.select %parallel_loop3A_202, %parallel_loop3A_204, %parallel_loop3A_183 : i32
          %parallel_loop3A_206 = arith.constant 4 : i32
          %parallel_loop3A_207 = arith.muli %scan3A_76, %parallel_loop3A_206 : i32
          %parallel_loop3A_208 = arith.addi %parallel_loop3A_207, %parallel_loop3A_181 : i32
          %parallel_loop3A_209 = arith.constant 161 : i32
          %parallel_loop3A_210 = arith.muli %parallel_loop3A_208, %parallel_loop3A_209 : i32
          %parallel_loop3A_211 = arith.constant 16 : i32
          %parallel_loop3A_212 = arith.muli %parallel_loop3A_205, %parallel_loop3A_211 : i32
          %parallel_loop3A_213 = arith.addi %parallel_loop3A_210, %parallel_loop3A_212 : i32
          %parallel_loop3A_214 = vector.broadcast %parallel_loop3A_213 : i32 to vector<16xi32>
          %parallel_loop3A_215 = arith.addi %iota3A, %parallel_loop3A_214 : vector<16xi32>
          %parallel_loop3A_216 = tpu.vector_load_idx %arg7[%parallel_loop3A_215] : memref<20608xi32, #tpu.memory_space<vmem>>[vector<16xi32>], vector<16xi32>,
          %parallel_loop3A_217 = arith.constant 4 : i32
          %parallel_loop3A_218 = arith.muli %parallel_loop3A_205, %parallel_loop3A_217 : i32
          %parallel_loop3A_219 = arith.constant 0 : i32
          %parallel_loop3A_220 = arith.addi %parallel_loop3A_218, %parallel_loop3A_219 : i32
          %parallel_loop3A_221 = vector.extract_strided_slice %parallel_loop3A_216 {offsets = [0], sizes = [1], strides = [1]} : vector<16xi32> to vector<1xi32>
          %parallel_loop3A_222 = vector.extract %parallel_loop3A_221[0] : i32 from vector<1xi32>
          %parallel_loop3A_223 = arith.constant 0 : i32
          %parallel_loop3A_224 = arith.addi %parallel_loop3A_222, %parallel_loop3A_223 : i32
          %parallel_loop3A_225 = arith.index_cast %parallel_loop3A_224 : i32 to index
          %parallel_loop3A_226 = tpu.vector_load %arg5[%parallel_loop3A_225] {strides = array<i32>} : memref<33280xf32, #tpu.memory_space<vmem>>, vector<16xf32>,
          %parallel_loop3A_227 = vector.extract_strided_slice %parallel_loop3A_216 {offsets = [1], sizes = [1], strides = [1]} : vector<16xi32> to vector<1xi32>
          %parallel_loop3A_228 = vector.extract %parallel_loop3A_227[0] : i32 from vector<1xi32>
          %parallel_loop3A_229 = arith.constant 0 : i32
          %parallel_loop3A_230 = arith.addi %parallel_loop3A_228, %parallel_loop3A_229 : i32
          %parallel_loop3A_231 = arith.index_cast %parallel_loop3A_230 : i32 to index
          %parallel_loop3A_232 = tpu.vector_load %arg5[%parallel_loop3A_231] {strides = array<i32>} : memref<33280xf32, #tpu.memory_space<vmem>>, vector<16xf32>,
          %parallel_loop3A_233 = vector.extract_strided_slice %parallel_loop3A_216 {offsets = [2], sizes = [1], strides = [1]} : vector<16xi32> to vector<1xi32>
          %parallel_loop3A_234 = vector.extract %parallel_loop3A_233[0] : i32 from vector<1xi32>
          %parallel_loop3A_235 = arith.constant 0 : i32
          %parallel_loop3A_236 = arith.addi %parallel_loop3A_234, %parallel_loop3A_235 : i32
          %parallel_loop3A_237 = arith.index_cast %parallel_loop3A_236 : i32 to index
          %parallel_loop3A_238 = tpu.vector_load %arg5[%parallel_loop3A_237] {strides = array<i32>} : memref<33280xf32, #tpu.memory_space<vmem>>, vector<16xf32>,
          %parallel_loop3A_239 = vector.extract_strided_slice %parallel_loop3A_216 {offsets = [3], sizes = [1], strides = [1]} : vector<16xi32> to vector<1xi32>
          %parallel_loop3A_240 = vector.extract %parallel_loop3A_239[0] : i32 from vector<1xi32>
          %parallel_loop3A_241 = arith.constant 0 : i32
          %parallel_loop3A_242 = arith.addi %parallel_loop3A_240, %parallel_loop3A_241 : i32
          %parallel_loop3A_243 = arith.index_cast %parallel_loop3A_242 : i32 to index
          %parallel_loop3A_244 = tpu.vector_load %arg5[%parallel_loop3A_243] {strides = array<i32>} : memref<33280xf32, #tpu.memory_space<vmem>>, vector<16xf32>,
          %parallel_loop3A_245 = arith.addf %parallel_loop3A_226, %parallel_loop3A_232 : vector<16xf32>
          %parallel_loop3A_246 = arith.addf %parallel_loop3A_238, %parallel_loop3A_244 : vector<16xf32>
          %parallel_loop3A_247 = arith.addf %parallel_loop3A_245, %parallel_loop3A_246 : vector<16xf32>
          %parallel_loop3A_248 = arith.index_cast %rem3A_78 : i32 to index
          %parallel_loop3A_249 = arith.index_cast %parallel_loop3A_181 : i32 to index
          %parallel_loop3A_250 = arith.index_cast %parallel_loop3A_220 : i32 to index
          %parallel_loop3A_251 = arith.constant 0 : index
          %parallel_loop3A_252 = tpu.vector_load %arg8[%parallel_loop3A_248, %parallel_loop3A_249, %parallel_loop3A_250, %parallel_loop3A_251] {strides = array<i32>} : memref<2x4x40x128xf32, #tpu.memory_space<vmem>>, vector<16xf32>,
          tpu.vector_store %arg8[%parallel_loop3A_248, %parallel_loop3A_249, %parallel_loop3A_250, %parallel_loop3A_251], %parallel_loop3A_247 {strides = array<i32>} : memref<2x4x40x128xf32, #tpu.memory_space<vmem>>, vector<16xf32>,
          %parallel_loop3A_253 = vector.extract_strided_slice %parallel_loop3A_216 {offsets = [0], sizes = [1], strides = [1]} : vector<16xi32> to vector<1xi32>
          %parallel_loop3A_254 = vector.extract %parallel_loop3A_253[0] : i32 from vector<1xi32>
          %parallel_loop3A_255 = arith.constant 16 : i32
          %parallel_loop3A_256 = arith.addi %parallel_loop3A_254, %parallel_loop3A_255 : i32
          %parallel_loop3A_257 = arith.index_cast %parallel_loop3A_256 : i32 to index
          %parallel_loop3A_258 = tpu.vector_load %arg5[%parallel_loop3A_257] {strides = array<i32>} : memref<33280xf32, #tpu.memory_space<vmem>>, vector<16xf32>,
          %parallel_loop3A_259 = vector.extract_strided_slice %parallel_loop3A_216 {offsets = [1], sizes = [1], strides = [1]} : vector<16xi32> to vector<1xi32>
          %parallel_loop3A_260 = vector.extract %parallel_loop3A_259[0] : i32 from vector<1xi32>
          %parallel_loop3A_261 = arith.constant 16 : i32
          %parallel_loop3A_262 = arith.addi %parallel_loop3A_260, %parallel_loop3A_261 : i32
          %parallel_loop3A_263 = arith.index_cast %parallel_loop3A_262 : i32 to index
          %parallel_loop3A_264 = tpu.vector_load %arg5[%parallel_loop3A_263] {strides = array<i32>} : memref<33280xf32, #tpu.memory_space<vmem>>, vector<16xf32>,
          %parallel_loop3A_265 = vector.extract_strided_slice %parallel_loop3A_216 {offsets = [2], sizes = [1], strides = [1]} : vector<16xi32> to vector<1xi32>
          %parallel_loop3A_266 = vector.extract %parallel_loop3A_265[0] : i32 from vector<1xi32>
          %parallel_loop3A_267 = arith.constant 16 : i32
          %parallel_loop3A_268 = arith.addi %parallel_loop3A_266, %parallel_loop3A_267 : i32
          %parallel_loop3A_269 = arith.index_cast %parallel_loop3A_268 : i32 to index
          %parallel_loop3A_270 = tpu.vector_load %arg5[%parallel_loop3A_269] {strides = array<i32>} : memref<33280xf32, #tpu.memory_space<vmem>>, vector<16xf32>,
          %parallel_loop3A_271 = vector.extract_strided_slice %parallel_loop3A_216 {offsets = [3], sizes = [1], strides = [1]} : vector<16xi32> to vector<1xi32>
          %parallel_loop3A_272 = vector.extract %parallel_loop3A_271[0] : i32 from vector<1xi32>
          %parallel_loop3A_273 = arith.constant 16 : i32
          %parallel_loop3A_274 = arith.addi %parallel_loop3A_272, %parallel_loop3A_273 : i32
          %parallel_loop3A_275 = arith.index_cast %parallel_loop3A_274 : i32 to index
          %parallel_loop3A_276 = tpu.vector_load %arg5[%parallel_loop3A_275] {strides = array<i32>} : memref<33280xf32, #tpu.memory_space<vmem>>, vector<16xf32>,
          %parallel_loop3A_277 = arith.addf %parallel_loop3A_258, %parallel_loop3A_264 : vector<16xf32>
          %parallel_loop3A_278 = arith.addf %parallel_loop3A_270, %parallel_loop3A_276 : vector<16xf32>
          %parallel_loop3A_279 = arith.addf %parallel_loop3A_277, %parallel_loop3A_278 : vector<16xf32>
          %parallel_loop3A_280 = arith.index_cast %rem3A_78 : i32 to index
          %parallel_loop3A_281 = arith.index_cast %parallel_loop3A_181 : i32 to index
          %parallel_loop3A_282 = arith.index_cast %parallel_loop3A_220 : i32 to index
          %parallel_loop3A_283 = arith.constant 16 : index
          %parallel_loop3A_284 = tpu.vector_load %arg8[%parallel_loop3A_280, %parallel_loop3A_281, %parallel_loop3A_282, %parallel_loop3A_283] {strides = array<i32>} : memref<2x4x40x128xf32, #tpu.memory_space<vmem>>, vector<16xf32>,
          tpu.vector_store %arg8[%parallel_loop3A_280, %parallel_loop3A_281, %parallel_loop3A_282, %parallel_loop3A_283], %parallel_loop3A_279 {strides = array<i32>} : memref<2x4x40x128xf32, #tpu.memory_space<vmem>>, vector<16xf32>,
          %parallel_loop3A_285 = vector.extract_strided_slice %parallel_loop3A_216 {offsets = [0], sizes = [1], strides = [1]} : vector<16xi32> to vector<1xi32>
          %parallel_loop3A_286 = vector.extract %parallel_loop3A_285[0] : i32 from vector<1xi32>
          %parallel_loop3A_287 = arith.constant 32 : i32
          %parallel_loop3A_288 = arith.addi %parallel_loop3A_286, %parallel_loop3A_287 : i32
          %parallel_loop3A_289 = arith.index_cast %parallel_loop3A_288 : i32 to index
          %parallel_loop3A_290 = tpu.vector_load %arg5[%parallel_loop3A_289] {strides = array<i32>} : memref<33280xf32, #tpu.memory_space<vmem>>, vector<16xf32>,
          %parallel_loop3A_291 = vector.extract_strided_slice %parallel_loop3A_216 {offsets = [1], sizes = [1], strides = [1]} : vector<16xi32> to vector<1xi32>
          %parallel_loop3A_292 = vector.extract %parallel_loop3A_291[0] : i32 from vector<1xi32>
          %parallel_loop3A_293 = arith.constant 32 : i32
          %parallel_loop3A_294 = arith.addi %parallel_loop3A_292, %parallel_loop3A_293 : i32
          %parallel_loop3A_295 = arith.index_cast %parallel_loop3A_294 : i32 to index
          %parallel_loop3A_296 = tpu.vector_load %arg5[%parallel_loop3A_295] {strides = array<i32>} : memref<33280xf32, #tpu.memory_space<vmem>>, vector<16xf32>,
          %parallel_loop3A_297 = vector.extract_strided_slice %parallel_loop3A_216 {offsets = [2], sizes = [1], strides = [1]} : vector<16xi32> to vector<1xi32>
          %parallel_loop3A_298 = vector.extract %parallel_loop3A_297[0] : i32 from vector<1xi32>
          %parallel_loop3A_299 = arith.constant 32 : i32
          %parallel_loop3A_300 = arith.addi %parallel_loop3A_298, %parallel_loop3A_299 : i32
          %parallel_loop3A_301 = arith.index_cast %parallel_loop3A_300 : i32 to index
          %parallel_loop3A_302 = tpu.vector_load %arg5[%parallel_loop3A_301] {strides = array<i32>} : memref<33280xf32, #tpu.memory_space<vmem>>, vector<16xf32>,
          %parallel_loop3A_303 = vector.extract_strided_slice %parallel_loop3A_216 {offsets = [3], sizes = [1], strides = [1]} : vector<16xi32> to vector<1xi32>
          %parallel_loop3A_304 = vector.extract %parallel_loop3A_303[0] : i32 from vector<1xi32>
          %parallel_loop3A_305 = arith.constant 32 : i32
          %parallel_loop3A_306 = arith.addi %parallel_loop3A_304, %parallel_loop3A_305 : i32
          %parallel_loop3A_307 = arith.index_cast %parallel_loop3A_306 : i32 to index
          %parallel_loop3A_308 = tpu.vector_load %arg5[%parallel_loop3A_307] {strides = array<i32>} : memref<33280xf32, #tpu.memory_space<vmem>>, vector<16xf32>,
          %parallel_loop3A_309 = arith.addf %parallel_loop3A_290, %parallel_loop3A_296 : vector<16xf32>
          %parallel_loop3A_310 = arith.addf %parallel_loop3A_302, %parallel_loop3A_308 : vector<16xf32>
          %parallel_loop3A_311 = arith.addf %parallel_loop3A_309, %parallel_loop3A_310 : vector<16xf32>
          %parallel_loop3A_312 = arith.index_cast %rem3A_78 : i32 to index
          %parallel_loop3A_313 = arith.index_cast %parallel_loop3A_181 : i32 to index
          %parallel_loop3A_314 = arith.index_cast %parallel_loop3A_220 : i32 to index
          %parallel_loop3A_315 = arith.constant 32 : index
          %parallel_loop3A_316 = tpu.vector_load %arg8[%parallel_loop3A_312, %parallel_loop3A_313, %parallel_loop3A_314, %parallel_loop3A_315] {strides = array<i32>} : memref<2x4x40x128xf32, #tpu.memory_space<vmem>>, vector<16xf32>,
          tpu.vector_store %arg8[%parallel_loop3A_312, %parallel_loop3A_313, %parallel_loop3A_314, %parallel_loop3A_315], %parallel_loop3A_311 {strides = array<i32>} : memref<2x4x40x128xf32, #tpu.memory_space<vmem>>, vector<16xf32>,
          %parallel_loop3A_317 = vector.extract_strided_slice %parallel_loop3A_216 {offsets = [0], sizes = [1], strides = [1]} : vector<16xi32> to vector<1xi32>
          %parallel_loop3A_318 = vector.extract %parallel_loop3A_317[0] : i32 from vector<1xi32>
          %parallel_loop3A_319 = arith.constant 48 : i32
          %parallel_loop3A_320 = arith.addi %parallel_loop3A_318, %parallel_loop3A_319 : i32
          %parallel_loop3A_321 = arith.index_cast %parallel_loop3A_320 : i32 to index
          %parallel_loop3A_322 = tpu.vector_load %arg5[%parallel_loop3A_321] {strides = array<i32>} : memref<33280xf32, #tpu.memory_space<vmem>>, vector<16xf32>,
          %parallel_loop3A_323 = vector.extract_strided_slice %parallel_loop3A_216 {offsets = [1], sizes = [1], strides = [1]} : vector<16xi32> to vector<1xi32>
          %parallel_loop3A_324 = vector.extract %parallel_loop3A_323[0] : i32 from vector<1xi32>
          %parallel_loop3A_325 = arith.constant 48 : i32
          %parallel_loop3A_326 = arith.addi %parallel_loop3A_324, %parallel_loop3A_325 : i32
          %parallel_loop3A_327 = arith.index_cast %parallel_loop3A_326 : i32 to index
          %parallel_loop3A_328 = tpu.vector_load %arg5[%parallel_loop3A_327] {strides = array<i32>} : memref<33280xf32, #tpu.memory_space<vmem>>, vector<16xf32>,
          %parallel_loop3A_329 = vector.extract_strided_slice %parallel_loop3A_216 {offsets = [2], sizes = [1], strides = [1]} : vector<16xi32> to vector<1xi32>
          %parallel_loop3A_330 = vector.extract %parallel_loop3A_329[0] : i32 from vector<1xi32>
          %parallel_loop3A_331 = arith.constant 48 : i32
          %parallel_loop3A_332 = arith.addi %parallel_loop3A_330, %parallel_loop3A_331 : i32
          %parallel_loop3A_333 = arith.index_cast %parallel_loop3A_332 : i32 to index
          %parallel_loop3A_334 = tpu.vector_load %arg5[%parallel_loop3A_333] {strides = array<i32>} : memref<33280xf32, #tpu.memory_space<vmem>>, vector<16xf32>,
          %parallel_loop3A_335 = vector.extract_strided_slice %parallel_loop3A_216 {offsets = [3], sizes = [1], strides = [1]} : vector<16xi32> to vector<1xi32>
          %parallel_loop3A_336 = vector.extract %parallel_loop3A_335[0] : i32 from vector<1xi32>
          %parallel_loop3A_337 = arith.constant 48 : i32
          %parallel_loop3A_338 = arith.addi %parallel_loop3A_336, %parallel_loop3A_337 : i32
          %parallel_loop3A_339 = arith.index_cast %parallel_loop3A_338 : i32 to index
          %parallel_loop3A_340 = tpu.vector_load %arg5[%parallel_loop3A_339] {strides = array<i32>} : memref<33280xf32, #tpu.memory_space<vmem>>, vector<16xf32>,
          %parallel_loop3A_341 = arith.addf %parallel_loop3A_322, %parallel_loop3A_328 : vector<16xf32>
          %parallel_loop3A_342 = arith.addf %parallel_loop3A_334, %parallel_loop3A_340 : vector<16xf32>
          %parallel_loop3A_343 = arith.addf %parallel_loop3A_341, %parallel_loop3A_342 : vector<16xf32>
          %parallel_loop3A_344 = arith.index_cast %rem3A_78 : i32 to index
          %parallel_loop3A_345 = arith.index_cast %parallel_loop3A_181 : i32 to index
          %parallel_loop3A_346 = arith.index_cast %parallel_loop3A_220 : i32 to index
          %parallel_loop3A_347 = arith.constant 48 : index
          %parallel_loop3A_348 = tpu.vector_load %arg8[%parallel_loop3A_344, %parallel_loop3A_345, %parallel_loop3A_346, %parallel_loop3A_347] {strides = array<i32>} : memref<2x4x40x128xf32, #tpu.memory_space<vmem>>, vector<16xf32>,
          tpu.vector_store %arg8[%parallel_loop3A_344, %parallel_loop3A_345, %parallel_loop3A_346, %parallel_loop3A_347], %parallel_loop3A_343 {strides = array<i32>} : memref<2x4x40x128xf32, #tpu.memory_space<vmem>>, vector<16xf32>,
          %parallel_loop3A_349 = vector.extract_strided_slice %parallel_loop3A_216 {offsets = [0], sizes = [1], strides = [1]} : vector<16xi32> to vector<1xi32>
          %parallel_loop3A_350 = vector.extract %parallel_loop3A_349[0] : i32 from vector<1xi32>
          %parallel_loop3A_351 = arith.constant 64 : i32
          %parallel_loop3A_352 = arith.addi %parallel_loop3A_350, %parallel_loop3A_351 : i32
          %parallel_loop3A_353 = arith.index_cast %parallel_loop3A_352 : i32 to index
          %parallel_loop3A_354 = tpu.vector_load %arg5[%parallel_loop3A_353] {strides = array<i32>} : memref<33280xf32, #tpu.memory_space<vmem>>, vector<16xf32>,
          %parallel_loop3A_355 = vector.extract_strided_slice %parallel_loop3A_216 {offsets = [1], sizes = [1], strides = [1]} : vector<16xi32> to vector<1xi32>
          %parallel_loop3A_356 = vector.extract %parallel_loop3A_355[0] : i32 from vector<1xi32>
          %parallel_loop3A_357 = arith.constant 64 : i32
          %parallel_loop3A_358 = arith.addi %parallel_loop3A_356, %parallel_loop3A_357 : i32
          %parallel_loop3A_359 = arith.index_cast %parallel_loop3A_358 : i32 to index
          %parallel_loop3A_360 = tpu.vector_load %arg5[%parallel_loop3A_359] {strides = array<i32>} : memref<33280xf32, #tpu.memory_space<vmem>>, vector<16xf32>,
          %parallel_loop3A_361 = vector.extract_strided_slice %parallel_loop3A_216 {offsets = [2], sizes = [1], strides = [1]} : vector<16xi32> to vector<1xi32>
          %parallel_loop3A_362 = vector.extract %parallel_loop3A_361[0] : i32 from vector<1xi32>
          %parallel_loop3A_363 = arith.constant 64 : i32
          %parallel_loop3A_364 = arith.addi %parallel_loop3A_362, %parallel_loop3A_363 : i32
          %parallel_loop3A_365 = arith.index_cast %parallel_loop3A_364 : i32 to index
          %parallel_loop3A_366 = tpu.vector_load %arg5[%parallel_loop3A_365] {strides = array<i32>} : memref<33280xf32, #tpu.memory_space<vmem>>, vector<16xf32>,
          %parallel_loop3A_367 = vector.extract_strided_slice %parallel_loop3A_216 {offsets = [3], sizes = [1], strides = [1]} : vector<16xi32> to vector<1xi32>
          %parallel_loop3A_368 = vector.extract %parallel_loop3A_367[0] : i32 from vector<1xi32>
          %parallel_loop3A_369 = arith.constant 64 : i32
          %parallel_loop3A_370 = arith.addi %parallel_loop3A_368, %parallel_loop3A_369 : i32
          %parallel_loop3A_371 = arith.index_cast %parallel_loop3A_370 : i32 to index
          %parallel_loop3A_372 = tpu.vector_load %arg5[%parallel_loop3A_371] {strides = array<i32>} : memref<33280xf32, #tpu.memory_space<vmem>>, vector<16xf32>,
          %parallel_loop3A_373 = arith.addf %parallel_loop3A_354, %parallel_loop3A_360 : vector<16xf32>
          %parallel_loop3A_374 = arith.addf %parallel_loop3A_366, %parallel_loop3A_372 : vector<16xf32>
          %parallel_loop3A_375 = arith.addf %parallel_loop3A_373, %parallel_loop3A_374 : vector<16xf32>
          %parallel_loop3A_376 = arith.index_cast %rem3A_78 : i32 to index
          %parallel_loop3A_377 = arith.index_cast %parallel_loop3A_181 : i32 to index
          %parallel_loop3A_378 = arith.index_cast %parallel_loop3A_220 : i32 to index
          %parallel_loop3A_379 = arith.constant 64 : index
          %parallel_loop3A_380 = tpu.vector_load %arg8[%parallel_loop3A_376, %parallel_loop3A_377, %parallel_loop3A_378, %parallel_loop3A_379] {strides = array<i32>} : memref<2x4x40x128xf32, #tpu.memory_space<vmem>>, vector<16xf32>,
          tpu.vector_store %arg8[%parallel_loop3A_376, %parallel_loop3A_377, %parallel_loop3A_378, %parallel_loop3A_379], %parallel_loop3A_375 {strides = array<i32>} : memref<2x4x40x128xf32, #tpu.memory_space<vmem>>, vector<16xf32>,
          %parallel_loop3A_381 = vector.extract_strided_slice %parallel_loop3A_216 {offsets = [0], sizes = [1], strides = [1]} : vector<16xi32> to vector<1xi32>
          %parallel_loop3A_382 = vector.extract %parallel_loop3A_381[0] : i32 from vector<1xi32>
          %parallel_loop3A_383 = arith.constant 80 : i32
          %parallel_loop3A_384 = arith.addi %parallel_loop3A_382, %parallel_loop3A_383 : i32
          %parallel_loop3A_385 = arith.index_cast %parallel_loop3A_384 : i32 to index
          %parallel_loop3A_386 = tpu.vector_load %arg5[%parallel_loop3A_385] {strides = array<i32>} : memref<33280xf32, #tpu.memory_space<vmem>>, vector<16xf32>,
          %parallel_loop3A_387 = vector.extract_strided_slice %parallel_loop3A_216 {offsets = [1], sizes = [1], strides = [1]} : vector<16xi32> to vector<1xi32>
          %parallel_loop3A_388 = vector.extract %parallel_loop3A_387[0] : i32 from vector<1xi32>
          %parallel_loop3A_389 = arith.constant 80 : i32
          %parallel_loop3A_390 = arith.addi %parallel_loop3A_388, %parallel_loop3A_389 : i32
          %parallel_loop3A_391 = arith.index_cast %parallel_loop3A_390 : i32 to index
          %parallel_loop3A_392 = tpu.vector_load %arg5[%parallel_loop3A_391] {strides = array<i32>} : memref<33280xf32, #tpu.memory_space<vmem>>, vector<16xf32>,
          %parallel_loop3A_393 = vector.extract_strided_slice %parallel_loop3A_216 {offsets = [2], sizes = [1], strides = [1]} : vector<16xi32> to vector<1xi32>
          %parallel_loop3A_394 = vector.extract %parallel_loop3A_393[0] : i32 from vector<1xi32>
          %parallel_loop3A_395 = arith.constant 80 : i32
          %parallel_loop3A_396 = arith.addi %parallel_loop3A_394, %parallel_loop3A_395 : i32
          %parallel_loop3A_397 = arith.index_cast %parallel_loop3A_396 : i32 to index
          %parallel_loop3A_398 = tpu.vector_load %arg5[%parallel_loop3A_397] {strides = array<i32>} : memref<33280xf32, #tpu.memory_space<vmem>>, vector<16xf32>,
          %parallel_loop3A_399 = vector.extract_strided_slice %parallel_loop3A_216 {offsets = [3], sizes = [1], strides = [1]} : vector<16xi32> to vector<1xi32>
          %parallel_loop3A_400 = vector.extract %parallel_loop3A_399[0] : i32 from vector<1xi32>
          %parallel_loop3A_401 = arith.constant 80 : i32
          %parallel_loop3A_402 = arith.addi %parallel_loop3A_400, %parallel_loop3A_401 : i32
          %parallel_loop3A_403 = arith.index_cast %parallel_loop3A_402 : i32 to index
          %parallel_loop3A_404 = tpu.vector_load %arg5[%parallel_loop3A_403] {strides = array<i32>} : memref<33280xf32, #tpu.memory_space<vmem>>, vector<16xf32>,
          %parallel_loop3A_405 = arith.addf %parallel_loop3A_386, %parallel_loop3A_392 : vector<16xf32>
          %parallel_loop3A_406 = arith.addf %parallel_loop3A_398, %parallel_loop3A_404 : vector<16xf32>
          %parallel_loop3A_407 = arith.addf %parallel_loop3A_405, %parallel_loop3A_406 : vector<16xf32>
          %parallel_loop3A_408 = arith.index_cast %rem3A_78 : i32 to index
          %parallel_loop3A_409 = arith.index_cast %parallel_loop3A_181 : i32 to index
          %parallel_loop3A_410 = arith.index_cast %parallel_loop3A_220 : i32 to index
          %parallel_loop3A_411 = arith.constant 80 : index
          %parallel_loop3A_412 = tpu.vector_load %arg8[%parallel_loop3A_408, %parallel_loop3A_409, %parallel_loop3A_410, %parallel_loop3A_411] {strides = array<i32>} : memref<2x4x40x128xf32, #tpu.memory_space<vmem>>, vector<16xf32>,
          tpu.vector_store %arg8[%parallel_loop3A_408, %parallel_loop3A_409, %parallel_loop3A_410, %parallel_loop3A_411], %parallel_loop3A_407 {strides = array<i32>} : memref<2x4x40x128xf32, #tpu.memory_space<vmem>>, vector<16xf32>,
          %parallel_loop3A_413 = vector.extract_strided_slice %parallel_loop3A_216 {offsets = [0], sizes = [1], strides = [1]} : vector<16xi32> to vector<1xi32>
          %parallel_loop3A_414 = vector.extract %parallel_loop3A_413[0] : i32 from vector<1xi32>
          %parallel_loop3A_415 = arith.constant 96 : i32
          %parallel_loop3A_416 = arith.addi %parallel_loop3A_414, %parallel_loop3A_415 : i32
          %parallel_loop3A_417 = arith.index_cast %parallel_loop3A_416 : i32 to index
          %parallel_loop3A_418 = tpu.vector_load %arg5[%parallel_loop3A_417] {strides = array<i32>} : memref<33280xf32, #tpu.memory_space<vmem>>, vector<16xf32>,
          %parallel_loop3A_419 = vector.extract_strided_slice %parallel_loop3A_216 {offsets = [1], sizes = [1], strides = [1]} : vector<16xi32> to vector<1xi32>
          %parallel_loop3A_420 = vector.extract %parallel_loop3A_419[0] : i32 from vector<1xi32>
          %parallel_loop3A_421 = arith.constant 96 : i32
          %parallel_loop3A_422 = arith.addi %parallel_loop3A_420, %parallel_loop3A_421 : i32
          %parallel_loop3A_423 = arith.index_cast %parallel_loop3A_422 : i32 to index
          %parallel_loop3A_424 = tpu.vector_load %arg5[%parallel_loop3A_423] {strides = array<i32>} : memref<33280xf32, #tpu.memory_space<vmem>>, vector<16xf32>,
          %parallel_loop3A_425 = vector.extract_strided_slice %parallel_loop3A_216 {offsets = [2], sizes = [1], strides = [1]} : vector<16xi32> to vector<1xi32>
          %parallel_loop3A_426 = vector.extract %parallel_loop3A_425[0] : i32 from vector<1xi32>
          %parallel_loop3A_427 = arith.constant 96 : i32
          %parallel_loop3A_428 = arith.addi %parallel_loop3A_426, %parallel_loop3A_427 : i32
          %parallel_loop3A_429 = arith.index_cast %parallel_loop3A_428 : i32 to index
          %parallel_loop3A_430 = tpu.vector_load %arg5[%parallel_loop3A_429] {strides = array<i32>} : memref<33280xf32, #tpu.memory_space<vmem>>, vector<16xf32>,
          %parallel_loop3A_431 = vector.extract_strided_slice %parallel_loop3A_216 {offsets = [3], sizes = [1], strides = [1]} : vector<16xi32> to vector<1xi32>
          %parallel_loop3A_432 = vector.extract %parallel_loop3A_431[0] : i32 from vector<1xi32>
          %parallel_loop3A_433 = arith.constant 96 : i32
          %parallel_loop3A_434 = arith.addi %parallel_loop3A_432, %parallel_loop3A_433 : i32
          %parallel_loop3A_435 = arith.index_cast %parallel_loop3A_434 : i32 to index
          %parallel_loop3A_436 = tpu.vector_load %arg5[%parallel_loop3A_435] {strides = array<i32>} : memref<33280xf32, #tpu.memory_space<vmem>>, vector<16xf32>,
          %parallel_loop3A_437 = arith.addf %parallel_loop3A_418, %parallel_loop3A_424 : vector<16xf32>
          %parallel_loop3A_438 = arith.addf %parallel_loop3A_430, %parallel_loop3A_436 : vector<16xf32>
          %parallel_loop3A_439 = arith.addf %parallel_loop3A_437, %parallel_loop3A_438 : vector<16xf32>
          %parallel_loop3A_440 = arith.index_cast %rem3A_78 : i32 to index
          %parallel_loop3A_441 = arith.index_cast %parallel_loop3A_181 : i32 to index
          %parallel_loop3A_442 = arith.index_cast %parallel_loop3A_220 : i32 to index
          %parallel_loop3A_443 = arith.constant 96 : index
          %parallel_loop3A_444 = tpu.vector_load %arg8[%parallel_loop3A_440, %parallel_loop3A_441, %parallel_loop3A_442, %parallel_loop3A_443] {strides = array<i32>} : memref<2x4x40x128xf32, #tpu.memory_space<vmem>>, vector<16xf32>,
          tpu.vector_store %arg8[%parallel_loop3A_440, %parallel_loop3A_441, %parallel_loop3A_442, %parallel_loop3A_443], %parallel_loop3A_439 {strides = array<i32>} : memref<2x4x40x128xf32, #tpu.memory_space<vmem>>, vector<16xf32>,
          %parallel_loop3A_445 = vector.extract_strided_slice %parallel_loop3A_216 {offsets = [0], sizes = [1], strides = [1]} : vector<16xi32> to vector<1xi32>
          %parallel_loop3A_446 = vector.extract %parallel_loop3A_445[0] : i32 from vector<1xi32>
          %parallel_loop3A_447 = arith.constant 112 : i32
          %parallel_loop3A_448 = arith.addi %parallel_loop3A_446, %parallel_loop3A_447 : i32
          %parallel_loop3A_449 = arith.index_cast %parallel_loop3A_448 : i32 to index
          %parallel_loop3A_450 = tpu.vector_load %arg5[%parallel_loop3A_449] {strides = array<i32>} : memref<33280xf32, #tpu.memory_space<vmem>>, vector<16xf32>,
          %parallel_loop3A_451 = vector.extract_strided_slice %parallel_loop3A_216 {offsets = [1], sizes = [1], strides = [1]} : vector<16xi32> to vector<1xi32>
          %parallel_loop3A_452 = vector.extract %parallel_loop3A_451[0] : i32 from vector<1xi32>
          %parallel_loop3A_453 = arith.constant 112 : i32
          %parallel_loop3A_454 = arith.addi %parallel_loop3A_452, %parallel_loop3A_453 : i32
          %parallel_loop3A_455 = arith.index_cast %parallel_loop3A_454 : i32 to index
          %parallel_loop3A_456 = tpu.vector_load %arg5[%parallel_loop3A_455] {strides = array<i32>} : memref<33280xf32, #tpu.memory_space<vmem>>, vector<16xf32>,
          %parallel_loop3A_457 = vector.extract_strided_slice %parallel_loop3A_216 {offsets = [2], sizes = [1], strides = [1]} : vector<16xi32> to vector<1xi32>
          %parallel_loop3A_458 = vector.extract %parallel_loop3A_457[0] : i32 from vector<1xi32>
          %parallel_loop3A_459 = arith.constant 112 : i32
          %parallel_loop3A_460 = arith.addi %parallel_loop3A_458, %parallel_loop3A_459 : i32
          %parallel_loop3A_461 = arith.index_cast %parallel_loop3A_460 : i32 to index
          %parallel_loop3A_462 = tpu.vector_load %arg5[%parallel_loop3A_461] {strides = array<i32>} : memref<33280xf32, #tpu.memory_space<vmem>>, vector<16xf32>,
          %parallel_loop3A_463 = vector.extract_strided_slice %parallel_loop3A_216 {offsets = [3], sizes = [1], strides = [1]} : vector<16xi32> to vector<1xi32>
          %parallel_loop3A_464 = vector.extract %parallel_loop3A_463[0] : i32 from vector<1xi32>
          %parallel_loop3A_465 = arith.constant 112 : i32
          %parallel_loop3A_466 = arith.addi %parallel_loop3A_464, %parallel_loop3A_465 : i32
          %parallel_loop3A_467 = arith.index_cast %parallel_loop3A_466 : i32 to index
          %parallel_loop3A_468 = tpu.vector_load %arg5[%parallel_loop3A_467] {strides = array<i32>} : memref<33280xf32, #tpu.memory_space<vmem>>, vector<16xf32>,
          %parallel_loop3A_469 = arith.addf %parallel_loop3A_450, %parallel_loop3A_456 : vector<16xf32>
          %parallel_loop3A_470 = arith.addf %parallel_loop3A_462, %parallel_loop3A_468 : vector<16xf32>
          %parallel_loop3A_471 = arith.addf %parallel_loop3A_469, %parallel_loop3A_470 : vector<16xf32>
          %parallel_loop3A_472 = arith.index_cast %rem3A_78 : i32 to index
          %parallel_loop3A_473 = arith.index_cast %parallel_loop3A_181 : i32 to index
          %parallel_loop3A_474 = arith.index_cast %parallel_loop3A_220 : i32 to index
          %parallel_loop3A_475 = arith.constant 112 : index
          %parallel_loop3A_476 = tpu.vector_load %arg8[%parallel_loop3A_472, %parallel_loop3A_473, %parallel_loop3A_474, %parallel_loop3A_475] {strides = array<i32>} : memref<2x4x40x128xf32, #tpu.memory_space<vmem>>, vector<16xf32>,
          tpu.vector_store %arg8[%parallel_loop3A_472, %parallel_loop3A_473, %parallel_loop3A_474, %parallel_loop3A_475], %parallel_loop3A_471 {strides = array<i32>} : memref<2x4x40x128xf32, #tpu.memory_space<vmem>>, vector<16xf32>,
          %parallel_loop3A_477 = arith.constant 4 : i32
          %parallel_loop3A_478 = arith.muli %parallel_loop3A_205, %parallel_loop3A_477 : i32
          %parallel_loop3A_479 = arith.constant 1 : i32
          %parallel_loop3A_480 = arith.addi %parallel_loop3A_478, %parallel_loop3A_479 : i32
          %parallel_loop3A_481 = vector.extract_strided_slice %parallel_loop3A_216 {offsets = [4], sizes = [1], strides = [1]} : vector<16xi32> to vector<1xi32>
          %parallel_loop3A_482 = vector.extract %parallel_loop3A_481[0] : i32 from vector<1xi32>
          %parallel_loop3A_483 = arith.constant 0 : i32
          %parallel_loop3A_484 = arith.addi %parallel_loop3A_482, %parallel_loop3A_483 : i32
          %parallel_loop3A_485 = arith.index_cast %parallel_loop3A_484 : i32 to index
          %parallel_loop3A_486 = tpu.vector_load %arg5[%parallel_loop3A_485] {strides = array<i32>} : memref<33280xf32, #tpu.memory_space<vmem>>, vector<16xf32>,
          %parallel_loop3A_487 = vector.extract_strided_slice %parallel_loop3A_216 {offsets = [5], sizes = [1], strides = [1]} : vector<16xi32> to vector<1xi32>
          %parallel_loop3A_488 = vector.extract %parallel_loop3A_487[0] : i32 from vector<1xi32>
          %parallel_loop3A_489 = arith.constant 0 : i32
          %parallel_loop3A_490 = arith.addi %parallel_loop3A_488, %parallel_loop3A_489 : i32
          %parallel_loop3A_491 = arith.index_cast %parallel_loop3A_490 : i32 to index
          %parallel_loop3A_492 = tpu.vector_load %arg5[%parallel_loop3A_491] {strides = array<i32>} : memref<33280xf32, #tpu.memory_space<vmem>>, vector<16xf32>,
          %parallel_loop3A_493 = vector.extract_strided_slice %parallel_loop3A_216 {offsets = [6], sizes = [1], strides = [1]} : vector<16xi32> to vector<1xi32>
          %parallel_loop3A_494 = vector.extract %parallel_loop3A_493[0] : i32 from vector<1xi32>
          %parallel_loop3A_495 = arith.constant 0 : i32
          %parallel_loop3A_496 = arith.addi %parallel_loop3A_494, %parallel_loop3A_495 : i32
          %parallel_loop3A_497 = arith.index_cast %parallel_loop3A_496 : i32 to index
          %parallel_loop3A_498 = tpu.vector_load %arg5[%parallel_loop3A_497] {strides = array<i32>} : memref<33280xf32, #tpu.memory_space<vmem>>, vector<16xf32>,
          %parallel_loop3A_499 = vector.extract_strided_slice %parallel_loop3A_216 {offsets = [7], sizes = [1], strides = [1]} : vector<16xi32> to vector<1xi32>
          %parallel_loop3A_500 = vector.extract %parallel_loop3A_499[0] : i32 from vector<1xi32>
          %parallel_loop3A_501 = arith.constant 0 : i32
          %parallel_loop3A_502 = arith.addi %parallel_loop3A_500, %parallel_loop3A_501 : i32
          %parallel_loop3A_503 = arith.index_cast %parallel_loop3A_502 : i32 to index
          %parallel_loop3A_504 = tpu.vector_load %arg5[%parallel_loop3A_503] {strides = array<i32>} : memref<33280xf32, #tpu.memory_space<vmem>>, vector<16xf32>,
          %parallel_loop3A_505 = arith.addf %parallel_loop3A_486, %parallel_loop3A_492 : vector<16xf32>
          %parallel_loop3A_506 = arith.addf %parallel_loop3A_498, %parallel_loop3A_504 : vector<16xf32>
          %parallel_loop3A_507 = arith.addf %parallel_loop3A_505, %parallel_loop3A_506 : vector<16xf32>
          %parallel_loop3A_508 = arith.index_cast %rem3A_78 : i32 to index
          %parallel_loop3A_509 = arith.index_cast %parallel_loop3A_181 : i32 to index
          %parallel_loop3A_510 = arith.index_cast %parallel_loop3A_480 : i32 to index
          %parallel_loop3A_511 = arith.constant 0 : index
          %parallel_loop3A_512 = tpu.vector_load %arg8[%parallel_loop3A_508, %parallel_loop3A_509, %parallel_loop3A_510, %parallel_loop3A_511] {strides = array<i32>} : memref<2x4x40x128xf32, #tpu.memory_space<vmem>>, vector<16xf32>,
          tpu.vector_store %arg8[%parallel_loop3A_508, %parallel_loop3A_509, %parallel_loop3A_510, %parallel_loop3A_511], %parallel_loop3A_507 {strides = array<i32>} : memref<2x4x40x128xf32, #tpu.memory_space<vmem>>, vector<16xf32>,
          %parallel_loop3A_513 = vector.extract_strided_slice %parallel_loop3A_216 {offsets = [4], sizes = [1], strides = [1]} : vector<16xi32> to vector<1xi32>
          %parallel_loop3A_514 = vector.extract %parallel_loop3A_513[0] : i32 from vector<1xi32>
          %parallel_loop3A_515 = arith.constant 16 : i32
          %parallel_loop3A_516 = arith.addi %parallel_loop3A_514, %parallel_loop3A_515 : i32
          %parallel_loop3A_517 = arith.index_cast %parallel_loop3A_516 : i32 to index
          %parallel_loop3A_518 = tpu.vector_load %arg5[%parallel_loop3A_517] {strides = array<i32>} : memref<33280xf32, #tpu.memory_space<vmem>>, vector<16xf32>,
          %parallel_loop3A_519 = vector.extract_strided_slice %parallel_loop3A_216 {offsets = [5], sizes = [1], strides = [1]} : vector<16xi32> to vector<1xi32>
          %parallel_loop3A_520 = vector.extract %parallel_loop3A_519[0] : i32 from vector<1xi32>
          %parallel_loop3A_521 = arith.constant 16 : i32
          %parallel_loop3A_522 = arith.addi %parallel_loop3A_520, %parallel_loop3A_521 : i32
          %parallel_loop3A_523 = arith.index_cast %parallel_loop3A_522 : i32 to index
          %parallel_loop3A_524 = tpu.vector_load %arg5[%parallel_loop3A_523] {strides = array<i32>} : memref<33280xf32, #tpu.memory_space<vmem>>, vector<16xf32>,
          %parallel_loop3A_525 = vector.extract_strided_slice %parallel_loop3A_216 {offsets = [6], sizes = [1], strides = [1]} : vector<16xi32> to vector<1xi32>
          %parallel_loop3A_526 = vector.extract %parallel_loop3A_525[0] : i32 from vector<1xi32>
          %parallel_loop3A_527 = arith.constant 16 : i32
          %parallel_loop3A_528 = arith.addi %parallel_loop3A_526, %parallel_loop3A_527 : i32
          %parallel_loop3A_529 = arith.index_cast %parallel_loop3A_528 : i32 to index
          %parallel_loop3A_530 = tpu.vector_load %arg5[%parallel_loop3A_529] {strides = array<i32>} : memref<33280xf32, #tpu.memory_space<vmem>>, vector<16xf32>,
          %parallel_loop3A_531 = vector.extract_strided_slice %parallel_loop3A_216 {offsets = [7], sizes = [1], strides = [1]} : vector<16xi32> to vector<1xi32>
          %parallel_loop3A_532 = vector.extract %parallel_loop3A_531[0] : i32 from vector<1xi32>
          %parallel_loop3A_533 = arith.constant 16 : i32
          %parallel_loop3A_534 = arith.addi %parallel_loop3A_532, %parallel_loop3A_533 : i32
          %parallel_loop3A_535 = arith.index_cast %parallel_loop3A_534 : i32 to index
          %parallel_loop3A_536 = tpu.vector_load %arg5[%parallel_loop3A_535] {strides = array<i32>} : memref<33280xf32, #tpu.memory_space<vmem>>, vector<16xf32>,
          %parallel_loop3A_537 = arith.addf %parallel_loop3A_518, %parallel_loop3A_524 : vector<16xf32>
          %parallel_loop3A_538 = arith.addf %parallel_loop3A_530, %parallel_loop3A_536 : vector<16xf32>
          %parallel_loop3A_539 = arith.addf %parallel_loop3A_537, %parallel_loop3A_538 : vector<16xf32>
          %parallel_loop3A_540 = arith.index_cast %rem3A_78 : i32 to index
          %parallel_loop3A_541 = arith.index_cast %parallel_loop3A_181 : i32 to index
          %parallel_loop3A_542 = arith.index_cast %parallel_loop3A_480 : i32 to index
          %parallel_loop3A_543 = arith.constant 16 : index
          %parallel_loop3A_544 = tpu.vector_load %arg8[%parallel_loop3A_540, %parallel_loop3A_541, %parallel_loop3A_542, %parallel_loop3A_543] {strides = array<i32>} : memref<2x4x40x128xf32, #tpu.memory_space<vmem>>, vector<16xf32>,
          tpu.vector_store %arg8[%parallel_loop3A_540, %parallel_loop3A_541, %parallel_loop3A_542, %parallel_loop3A_543], %parallel_loop3A_539 {strides = array<i32>} : memref<2x4x40x128xf32, #tpu.memory_space<vmem>>, vector<16xf32>,
          %parallel_loop3A_545 = vector.extract_strided_slice %parallel_loop3A_216 {offsets = [4], sizes = [1], strides = [1]} : vector<16xi32> to vector<1xi32>
          %parallel_loop3A_546 = vector.extract %parallel_loop3A_545[0] : i32 from vector<1xi32>
          %parallel_loop3A_547 = arith.constant 32 : i32
          %parallel_loop3A_548 = arith.addi %parallel_loop3A_546, %parallel_loop3A_547 : i32
          %parallel_loop3A_549 = arith.index_cast %parallel_loop3A_548 : i32 to index
          %parallel_loop3A_550 = tpu.vector_load %arg5[%parallel_loop3A_549] {strides = array<i32>} : memref<33280xf32, #tpu.memory_space<vmem>>, vector<16xf32>,
          %parallel_loop3A_551 = vector.extract_strided_slice %parallel_loop3A_216 {offsets = [5], sizes = [1], strides = [1]} : vector<16xi32> to vector<1xi32>
          %parallel_loop3A_552 = vector.extract %parallel_loop3A_551[0] : i32 from vector<1xi32>
          %parallel_loop3A_553 = arith.constant 32 : i32
          %parallel_loop3A_554 = arith.addi %parallel_loop3A_552, %parallel_loop3A_553 : i32
          %parallel_loop3A_555 = arith.index_cast %parallel_loop3A_554 : i32 to index
          %parallel_loop3A_556 = tpu.vector_load %arg5[%parallel_loop3A_555] {strides = array<i32>} : memref<33280xf32, #tpu.memory_space<vmem>>, vector<16xf32>,
          %parallel_loop3A_557 = vector.extract_strided_slice %parallel_loop3A_216 {offsets = [6], sizes = [1], strides = [1]} : vector<16xi32> to vector<1xi32>
          %parallel_loop3A_558 = vector.extract %parallel_loop3A_557[0] : i32 from vector<1xi32>
          %parallel_loop3A_559 = arith.constant 32 : i32
          %parallel_loop3A_560 = arith.addi %parallel_loop3A_558, %parallel_loop3A_559 : i32
          %parallel_loop3A_561 = arith.index_cast %parallel_loop3A_560 : i32 to index
          %parallel_loop3A_562 = tpu.vector_load %arg5[%parallel_loop3A_561] {strides = array<i32>} : memref<33280xf32, #tpu.memory_space<vmem>>, vector<16xf32>,
          %parallel_loop3A_563 = vector.extract_strided_slice %parallel_loop3A_216 {offsets = [7], sizes = [1], strides = [1]} : vector<16xi32> to vector<1xi32>
          %parallel_loop3A_564 = vector.extract %parallel_loop3A_563[0] : i32 from vector<1xi32>
          %parallel_loop3A_565 = arith.constant 32 : i32
          %parallel_loop3A_566 = arith.addi %parallel_loop3A_564, %parallel_loop3A_565 : i32
          %parallel_loop3A_567 = arith.index_cast %parallel_loop3A_566 : i32 to index
          %parallel_loop3A_568 = tpu.vector_load %arg5[%parallel_loop3A_567] {strides = array<i32>} : memref<33280xf32, #tpu.memory_space<vmem>>, vector<16xf32>,
          %parallel_loop3A_569 = arith.addf %parallel_loop3A_550, %parallel_loop3A_556 : vector<16xf32>
          %parallel_loop3A_570 = arith.addf %parallel_loop3A_562, %parallel_loop3A_568 : vector<16xf32>
          %parallel_loop3A_571 = arith.addf %parallel_loop3A_569, %parallel_loop3A_570 : vector<16xf32>
          %parallel_loop3A_572 = arith.index_cast %rem3A_78 : i32 to index
          %parallel_loop3A_573 = arith.index_cast %parallel_loop3A_181 : i32 to index
          %parallel_loop3A_574 = arith.index_cast %parallel_loop3A_480 : i32 to index
          %parallel_loop3A_575 = arith.constant 32 : index
          %parallel_loop3A_576 = tpu.vector_load %arg8[%parallel_loop3A_572, %parallel_loop3A_573, %parallel_loop3A_574, %parallel_loop3A_575] {strides = array<i32>} : memref<2x4x40x128xf32, #tpu.memory_space<vmem>>, vector<16xf32>,
          tpu.vector_store %arg8[%parallel_loop3A_572, %parallel_loop3A_573, %parallel_loop3A_574, %parallel_loop3A_575], %parallel_loop3A_571 {strides = array<i32>} : memref<2x4x40x128xf32, #tpu.memory_space<vmem>>, vector<16xf32>,
          %parallel_loop3A_577 = vector.extract_strided_slice %parallel_loop3A_216 {offsets = [4], sizes = [1], strides = [1]} : vector<16xi32> to vector<1xi32>
          %parallel_loop3A_578 = vector.extract %parallel_loop3A_577[0] : i32 from vector<1xi32>
          %parallel_loop3A_579 = arith.constant 48 : i32
          %parallel_loop3A_580 = arith.addi %parallel_loop3A_578, %parallel_loop3A_579 : i32
          %parallel_loop3A_581 = arith.index_cast %parallel_loop3A_580 : i32 to index
          %parallel_loop3A_582 = tpu.vector_load %arg5[%parallel_loop3A_581] {strides = array<i32>} : memref<33280xf32, #tpu.memory_space<vmem>>, vector<16xf32>,
          %parallel_loop3A_583 = vector.extract_strided_slice %parallel_loop3A_216 {offsets = [5], sizes = [1], strides = [1]} : vector<16xi32> to vector<1xi32>
          %parallel_loop3A_584 = vector.extract %parallel_loop3A_583[0] : i32 from vector<1xi32>
          %parallel_loop3A_585 = arith.constant 48 : i32
          %parallel_loop3A_586 = arith.addi %parallel_loop3A_584, %parallel_loop3A_585 : i32
          %parallel_loop3A_587 = arith.index_cast %parallel_loop3A_586 : i32 to index
          %parallel_loop3A_588 = tpu.vector_load %arg5[%parallel_loop3A_587] {strides = array<i32>} : memref<33280xf32, #tpu.memory_space<vmem>>, vector<16xf32>,
          %parallel_loop3A_589 = vector.extract_strided_slice %parallel_loop3A_216 {offsets = [6], sizes = [1], strides = [1]} : vector<16xi32> to vector<1xi32>
          %parallel_loop3A_590 = vector.extract %parallel_loop3A_589[0] : i32 from vector<1xi32>
          %parallel_loop3A_591 = arith.constant 48 : i32
          %parallel_loop3A_592 = arith.addi %parallel_loop3A_590, %parallel_loop3A_591 : i32
          %parallel_loop3A_593 = arith.index_cast %parallel_loop3A_592 : i32 to index
          %parallel_loop3A_594 = tpu.vector_load %arg5[%parallel_loop3A_593] {strides = array<i32>} : memref<33280xf32, #tpu.memory_space<vmem>>, vector<16xf32>,
          %parallel_loop3A_595 = vector.extract_strided_slice %parallel_loop3A_216 {offsets = [7], sizes = [1], strides = [1]} : vector<16xi32> to vector<1xi32>
          %parallel_loop3A_596 = vector.extract %parallel_loop3A_595[0] : i32 from vector<1xi32>
          %parallel_loop3A_597 = arith.constant 48 : i32
          %parallel_loop3A_598 = arith.addi %parallel_loop3A_596, %parallel_loop3A_597 : i32
          %parallel_loop3A_599 = arith.index_cast %parallel_loop3A_598 : i32 to index
          %parallel_loop3A_600 = tpu.vector_load %arg5[%parallel_loop3A_599] {strides = array<i32>} : memref<33280xf32, #tpu.memory_space<vmem>>, vector<16xf32>,
          %parallel_loop3A_601 = arith.addf %parallel_loop3A_582, %parallel_loop3A_588 : vector<16xf32>
          %parallel_loop3A_602 = arith.addf %parallel_loop3A_594, %parallel_loop3A_600 : vector<16xf32>
          %parallel_loop3A_603 = arith.addf %parallel_loop3A_601, %parallel_loop3A_602 : vector<16xf32>
          %parallel_loop3A_604 = arith.index_cast %rem3A_78 : i32 to index
          %parallel_loop3A_605 = arith.index_cast %parallel_loop3A_181 : i32 to index
          %parallel_loop3A_606 = arith.index_cast %parallel_loop3A_480 : i32 to index
          %parallel_loop3A_607 = arith.constant 48 : index
          %parallel_loop3A_608 = tpu.vector_load %arg8[%parallel_loop3A_604, %parallel_loop3A_605, %parallel_loop3A_606, %parallel_loop3A_607] {strides = array<i32>} : memref<2x4x40x128xf32, #tpu.memory_space<vmem>>, vector<16xf32>,
          tpu.vector_store %arg8[%parallel_loop3A_604, %parallel_loop3A_605, %parallel_loop3A_606, %parallel_loop3A_607], %parallel_loop3A_603 {strides = array<i32>} : memref<2x4x40x128xf32, #tpu.memory_space<vmem>>, vector<16xf32>,
          %parallel_loop3A_609 = vector.extract_strided_slice %parallel_loop3A_216 {offsets = [4], sizes = [1], strides = [1]} : vector<16xi32> to vector<1xi32>
          %parallel_loop3A_610 = vector.extract %parallel_loop3A_609[0] : i32 from vector<1xi32>
          %parallel_loop3A_611 = arith.constant 64 : i32
          %parallel_loop3A_612 = arith.addi %parallel_loop3A_610, %parallel_loop3A_611 : i32
          %parallel_loop3A_613 = arith.index_cast %parallel_loop3A_612 : i32 to index
          %parallel_loop3A_614 = tpu.vector_load %arg5[%parallel_loop3A_613] {strides = array<i32>} : memref<33280xf32, #tpu.memory_space<vmem>>, vector<16xf32>,
          %parallel_loop3A_615 = vector.extract_strided_slice %parallel_loop3A_216 {offsets = [5], sizes = [1], strides = [1]} : vector<16xi32> to vector<1xi32>
          %parallel_loop3A_616 = vector.extract %parallel_loop3A_615[0] : i32 from vector<1xi32>
          %parallel_loop3A_617 = arith.constant 64 : i32
          %parallel_loop3A_618 = arith.addi %parallel_loop3A_616, %parallel_loop3A_617 : i32
          %parallel_loop3A_619 = arith.index_cast %parallel_loop3A_618 : i32 to index
          %parallel_loop3A_620 = tpu.vector_load %arg5[%parallel_loop3A_619] {strides = array<i32>} : memref<33280xf32, #tpu.memory_space<vmem>>, vector<16xf32>,
          %parallel_loop3A_621 = vector.extract_strided_slice %parallel_loop3A_216 {offsets = [6], sizes = [1], strides = [1]} : vector<16xi32> to vector<1xi32>
          %parallel_loop3A_622 = vector.extract %parallel_loop3A_621[0] : i32 from vector<1xi32>
          %parallel_loop3A_623 = arith.constant 64 : i32
          %parallel_loop3A_624 = arith.addi %parallel_loop3A_622, %parallel_loop3A_623 : i32
          %parallel_loop3A_625 = arith.index_cast %parallel_loop3A_624 : i32 to index
          %parallel_loop3A_626 = tpu.vector_load %arg5[%parallel_loop3A_625] {strides = array<i32>} : memref<33280xf32, #tpu.memory_space<vmem>>, vector<16xf32>,
          %parallel_loop3A_627 = vector.extract_strided_slice %parallel_loop3A_216 {offsets = [7], sizes = [1], strides = [1]} : vector<16xi32> to vector<1xi32>
          %parallel_loop3A_628 = vector.extract %parallel_loop3A_627[0] : i32 from vector<1xi32>
          %parallel_loop3A_629 = arith.constant 64 : i32
          %parallel_loop3A_630 = arith.addi %parallel_loop3A_628, %parallel_loop3A_629 : i32
          %parallel_loop3A_631 = arith.index_cast %parallel_loop3A_630 : i32 to index
          %parallel_loop3A_632 = tpu.vector_load %arg5[%parallel_loop3A_631] {strides = array<i32>} : memref<33280xf32, #tpu.memory_space<vmem>>, vector<16xf32>,
          %parallel_loop3A_633 = arith.addf %parallel_loop3A_614, %parallel_loop3A_620 : vector<16xf32>
          %parallel_loop3A_634 = arith.addf %parallel_loop3A_626, %parallel_loop3A_632 : vector<16xf32>
          %parallel_loop3A_635 = arith.addf %parallel_loop3A_633, %parallel_loop3A_634 : vector<16xf32>
          %parallel_loop3A_636 = arith.index_cast %rem3A_78 : i32 to index
          %parallel_loop3A_637 = arith.index_cast %parallel_loop3A_181 : i32 to index
          %parallel_loop3A_638 = arith.index_cast %parallel_loop3A_480 : i32 to index
          %parallel_loop3A_639 = arith.constant 64 : index
          %parallel_loop3A_640 = tpu.vector_load %arg8[%parallel_loop3A_636, %parallel_loop3A_637, %parallel_loop3A_638, %parallel_loop3A_639] {strides = array<i32>} : memref<2x4x40x128xf32, #tpu.memory_space<vmem>>, vector<16xf32>,
          tpu.vector_store %arg8[%parallel_loop3A_636, %parallel_loop3A_637, %parallel_loop3A_638, %parallel_loop3A_639], %parallel_loop3A_635 {strides = array<i32>} : memref<2x4x40x128xf32, #tpu.memory_space<vmem>>, vector<16xf32>,
          %parallel_loop3A_641 = vector.extract_strided_slice %parallel_loop3A_216 {offsets = [4], sizes = [1], strides = [1]} : vector<16xi32> to vector<1xi32>
          %parallel_loop3A_642 = vector.extract %parallel_loop3A_641[0] : i32 from vector<1xi32>
          %parallel_loop3A_643 = arith.constant 80 : i32
          %parallel_loop3A_644 = arith.addi %parallel_loop3A_642, %parallel_loop3A_643 : i32
          %parallel_loop3A_645 = arith.index_cast %parallel_loop3A_644 : i32 to index
          %parallel_loop3A_646 = tpu.vector_load %arg5[%parallel_loop3A_645] {strides = array<i32>} : memref<33280xf32, #tpu.memory_space<vmem>>, vector<16xf32>,
          %parallel_loop3A_647 = vector.extract_strided_slice %parallel_loop3A_216 {offsets = [5], sizes = [1], strides = [1]} : vector<16xi32> to vector<1xi32>
          %parallel_loop3A_648 = vector.extract %parallel_loop3A_647[0] : i32 from vector<1xi32>
          %parallel_loop3A_649 = arith.constant 80 : i32
          %parallel_loop3A_650 = arith.addi %parallel_loop3A_648, %parallel_loop3A_649 : i32
          %parallel_loop3A_651 = arith.index_cast %parallel_loop3A_650 : i32 to index
          %parallel_loop3A_652 = tpu.vector_load %arg5[%parallel_loop3A_651] {strides = array<i32>} : memref<33280xf32, #tpu.memory_space<vmem>>, vector<16xf32>,
          %parallel_loop3A_653 = vector.extract_strided_slice %parallel_loop3A_216 {offsets = [6], sizes = [1], strides = [1]} : vector<16xi32> to vector<1xi32>
          %parallel_loop3A_654 = vector.extract %parallel_loop3A_653[0] : i32 from vector<1xi32>
          %parallel_loop3A_655 = arith.constant 80 : i32
          %parallel_loop3A_656 = arith.addi %parallel_loop3A_654, %parallel_loop3A_655 : i32
          %parallel_loop3A_657 = arith.index_cast %parallel_loop3A_656 : i32 to index
          %parallel_loop3A_658 = tpu.vector_load %arg5[%parallel_loop3A_657] {strides = array<i32>} : memref<33280xf32, #tpu.memory_space<vmem>>, vector<16xf32>,
          %parallel_loop3A_659 = vector.extract_strided_slice %parallel_loop3A_216 {offsets = [7], sizes = [1], strides = [1]} : vector<16xi32> to vector<1xi32>
          %parallel_loop3A_660 = vector.extract %parallel_loop3A_659[0] : i32 from vector<1xi32>
          %parallel_loop3A_661 = arith.constant 80 : i32
          %parallel_loop3A_662 = arith.addi %parallel_loop3A_660, %parallel_loop3A_661 : i32
          %parallel_loop3A_663 = arith.index_cast %parallel_loop3A_662 : i32 to index
          %parallel_loop3A_664 = tpu.vector_load %arg5[%parallel_loop3A_663] {strides = array<i32>} : memref<33280xf32, #tpu.memory_space<vmem>>, vector<16xf32>,
          %parallel_loop3A_665 = arith.addf %parallel_loop3A_646, %parallel_loop3A_652 : vector<16xf32>
          %parallel_loop3A_666 = arith.addf %parallel_loop3A_658, %parallel_loop3A_664 : vector<16xf32>
          %parallel_loop3A_667 = arith.addf %parallel_loop3A_665, %parallel_loop3A_666 : vector<16xf32>
          %parallel_loop3A_668 = arith.index_cast %rem3A_78 : i32 to index
          %parallel_loop3A_669 = arith.index_cast %parallel_loop3A_181 : i32 to index
          %parallel_loop3A_670 = arith.index_cast %parallel_loop3A_480 : i32 to index
          %parallel_loop3A_671 = arith.constant 80 : index
          %parallel_loop3A_672 = tpu.vector_load %arg8[%parallel_loop3A_668, %parallel_loop3A_669, %parallel_loop3A_670, %parallel_loop3A_671] {strides = array<i32>} : memref<2x4x40x128xf32, #tpu.memory_space<vmem>>, vector<16xf32>,
          tpu.vector_store %arg8[%parallel_loop3A_668, %parallel_loop3A_669, %parallel_loop3A_670, %parallel_loop3A_671], %parallel_loop3A_667 {strides = array<i32>} : memref<2x4x40x128xf32, #tpu.memory_space<vmem>>, vector<16xf32>,
          %parallel_loop3A_673 = vector.extract_strided_slice %parallel_loop3A_216 {offsets = [4], sizes = [1], strides = [1]} : vector<16xi32> to vector<1xi32>
          %parallel_loop3A_674 = vector.extract %parallel_loop3A_673[0] : i32 from vector<1xi32>
          %parallel_loop3A_675 = arith.constant 96 : i32
          %parallel_loop3A_676 = arith.addi %parallel_loop3A_674, %parallel_loop3A_675 : i32
          %parallel_loop3A_677 = arith.index_cast %parallel_loop3A_676 : i32 to index
          %parallel_loop3A_678 = tpu.vector_load %arg5[%parallel_loop3A_677] {strides = array<i32>} : memref<33280xf32, #tpu.memory_space<vmem>>, vector<16xf32>,
          %parallel_loop3A_679 = vector.extract_strided_slice %parallel_loop3A_216 {offsets = [5], sizes = [1], strides = [1]} : vector<16xi32> to vector<1xi32>
          %parallel_loop3A_680 = vector.extract %parallel_loop3A_679[0] : i32 from vector<1xi32>
          %parallel_loop3A_681 = arith.constant 96 : i32
          %parallel_loop3A_682 = arith.addi %parallel_loop3A_680, %parallel_loop3A_681 : i32
          %parallel_loop3A_683 = arith.index_cast %parallel_loop3A_682 : i32 to index
          %parallel_loop3A_684 = tpu.vector_load %arg5[%parallel_loop3A_683] {strides = array<i32>} : memref<33280xf32, #tpu.memory_space<vmem>>, vector<16xf32>,
          %parallel_loop3A_685 = vector.extract_strided_slice %parallel_loop3A_216 {offsets = [6], sizes = [1], strides = [1]} : vector<16xi32> to vector<1xi32>
          %parallel_loop3A_686 = vector.extract %parallel_loop3A_685[0] : i32 from vector<1xi32>
          %parallel_loop3A_687 = arith.constant 96 : i32
          %parallel_loop3A_688 = arith.addi %parallel_loop3A_686, %parallel_loop3A_687 : i32
          %parallel_loop3A_689 = arith.index_cast %parallel_loop3A_688 : i32 to index
          %parallel_loop3A_690 = tpu.vector_load %arg5[%parallel_loop3A_689] {strides = array<i32>} : memref<33280xf32, #tpu.memory_space<vmem>>, vector<16xf32>,
          %parallel_loop3A_691 = vector.extract_strided_slice %parallel_loop3A_216 {offsets = [7], sizes = [1], strides = [1]} : vector<16xi32> to vector<1xi32>
          %parallel_loop3A_692 = vector.extract %parallel_loop3A_691[0] : i32 from vector<1xi32>
          %parallel_loop3A_693 = arith.constant 96 : i32
          %parallel_loop3A_694 = arith.addi %parallel_loop3A_692, %parallel_loop3A_693 : i32
          %parallel_loop3A_695 = arith.index_cast %parallel_loop3A_694 : i32 to index
          %parallel_loop3A_696 = tpu.vector_load %arg5[%parallel_loop3A_695] {strides = array<i32>} : memref<33280xf32, #tpu.memory_space<vmem>>, vector<16xf32>,
          %parallel_loop3A_697 = arith.addf %parallel_loop3A_678, %parallel_loop3A_684 : vector<16xf32>
          %parallel_loop3A_698 = arith.addf %parallel_loop3A_690, %parallel_loop3A_696 : vector<16xf32>
          %parallel_loop3A_699 = arith.addf %parallel_loop3A_697, %parallel_loop3A_698 : vector<16xf32>
          %parallel_loop3A_700 = arith.index_cast %rem3A_78 : i32 to index
          %parallel_loop3A_701 = arith.index_cast %parallel_loop3A_181 : i32 to index
          %parallel_loop3A_702 = arith.index_cast %parallel_loop3A_480 : i32 to index
          %parallel_loop3A_703 = arith.constant 96 : index
          %parallel_loop3A_704 = tpu.vector_load %arg8[%parallel_loop3A_700, %parallel_loop3A_701, %parallel_loop3A_702, %parallel_loop3A_703] {strides = array<i32>} : memref<2x4x40x128xf32, #tpu.memory_space<vmem>>, vector<16xf32>,
          tpu.vector_store %arg8[%parallel_loop3A_700, %parallel_loop3A_701, %parallel_loop3A_702, %parallel_loop3A_703], %parallel_loop3A_699 {strides = array<i32>} : memref<2x4x40x128xf32, #tpu.memory_space<vmem>>, vector<16xf32>,
          %parallel_loop3A_705 = vector.extract_strided_slice %parallel_loop3A_216 {offsets = [4], sizes = [1], strides = [1]} : vector<16xi32> to vector<1xi32>
          %parallel_loop3A_706 = vector.extract %parallel_loop3A_705[0] : i32 from vector<1xi32>
          %parallel_loop3A_707 = arith.constant 112 : i32
          %parallel_loop3A_708 = arith.addi %parallel_loop3A_706, %parallel_loop3A_707 : i32
          %parallel_loop3A_709 = arith.index_cast %parallel_loop3A_708 : i32 to index
          %parallel_loop3A_710 = tpu.vector_load %arg5[%parallel_loop3A_709] {strides = array<i32>} : memref<33280xf32, #tpu.memory_space<vmem>>, vector<16xf32>,
          %parallel_loop3A_711 = vector.extract_strided_slice %parallel_loop3A_216 {offsets = [5], sizes = [1], strides = [1]} : vector<16xi32> to vector<1xi32>
          %parallel_loop3A_712 = vector.extract %parallel_loop3A_711[0] : i32 from vector<1xi32>
          %parallel_loop3A_713 = arith.constant 112 : i32
          %parallel_loop3A_714 = arith.addi %parallel_loop3A_712, %parallel_loop3A_713 : i32
          %parallel_loop3A_715 = arith.index_cast %parallel_loop3A_714 : i32 to index
          %parallel_loop3A_716 = tpu.vector_load %arg5[%parallel_loop3A_715] {strides = array<i32>} : memref<33280xf32, #tpu.memory_space<vmem>>, vector<16xf32>,
          %parallel_loop3A_717 = vector.extract_strided_slice %parallel_loop3A_216 {offsets = [6], sizes = [1], strides = [1]} : vector<16xi32> to vector<1xi32>
          %parallel_loop3A_718 = vector.extract %parallel_loop3A_717[0] : i32 from vector<1xi32>
          %parallel_loop3A_719 = arith.constant 112 : i32
          %parallel_loop3A_720 = arith.addi %parallel_loop3A_718, %parallel_loop3A_719 : i32
          %parallel_loop3A_721 = arith.index_cast %parallel_loop3A_720 : i32 to index
          %parallel_loop3A_722 = tpu.vector_load %arg5[%parallel_loop3A_721] {strides = array<i32>} : memref<33280xf32, #tpu.memory_space<vmem>>, vector<16xf32>,
          %parallel_loop3A_723 = vector.extract_strided_slice %parallel_loop3A_216 {offsets = [7], sizes = [1], strides = [1]} : vector<16xi32> to vector<1xi32>
          %parallel_loop3A_724 = vector.extract %parallel_loop3A_723[0] : i32 from vector<1xi32>
          %parallel_loop3A_725 = arith.constant 112 : i32
          %parallel_loop3A_726 = arith.addi %parallel_loop3A_724, %parallel_loop3A_725 : i32
          %parallel_loop3A_727 = arith.index_cast %parallel_loop3A_726 : i32 to index
          %parallel_loop3A_728 = tpu.vector_load %arg5[%parallel_loop3A_727] {strides = array<i32>} : memref<33280xf32, #tpu.memory_space<vmem>>, vector<16xf32>,
          %parallel_loop3A_729 = arith.addf %parallel_loop3A_710, %parallel_loop3A_716 : vector<16xf32>
          %parallel_loop3A_730 = arith.addf %parallel_loop3A_722, %parallel_loop3A_728 : vector<16xf32>
          %parallel_loop3A_731 = arith.addf %parallel_loop3A_729, %parallel_loop3A_730 : vector<16xf32>
          %parallel_loop3A_732 = arith.index_cast %rem3A_78 : i32 to index
          %parallel_loop3A_733 = arith.index_cast %parallel_loop3A_181 : i32 to index
          %parallel_loop3A_734 = arith.index_cast %parallel_loop3A_480 : i32 to index
          %parallel_loop3A_735 = arith.constant 112 : index
          %parallel_loop3A_736 = tpu.vector_load %arg8[%parallel_loop3A_732, %parallel_loop3A_733, %parallel_loop3A_734, %parallel_loop3A_735] {strides = array<i32>} : memref<2x4x40x128xf32, #tpu.memory_space<vmem>>, vector<16xf32>,
          tpu.vector_store %arg8[%parallel_loop3A_732, %parallel_loop3A_733, %parallel_loop3A_734, %parallel_loop3A_735], %parallel_loop3A_731 {strides = array<i32>} : memref<2x4x40x128xf32, #tpu.memory_space<vmem>>, vector<16xf32>,
          %parallel_loop3A_737 = arith.constant 4 : i32
          %parallel_loop3A_738 = arith.muli %parallel_loop3A_205, %parallel_loop3A_737 : i32
          %parallel_loop3A_739 = arith.constant 2 : i32
          %parallel_loop3A_740 = arith.addi %parallel_loop3A_738, %parallel_loop3A_739 : i32
          %parallel_loop3A_741 = vector.extract_strided_slice %parallel_loop3A_216 {offsets = [8], sizes = [1], strides = [1]} : vector<16xi32> to vector<1xi32>
          %parallel_loop3A_742 = vector.extract %parallel_loop3A_741[0] : i32 from vector<1xi32>
          %parallel_loop3A_743 = arith.constant 0 : i32
          %parallel_loop3A_744 = arith.addi %parallel_loop3A_742, %parallel_loop3A_743 : i32
          %parallel_loop3A_745 = arith.index_cast %parallel_loop3A_744 : i32 to index
          %parallel_loop3A_746 = tpu.vector_load %arg5[%parallel_loop3A_745] {strides = array<i32>} : memref<33280xf32, #tpu.memory_space<vmem>>, vector<16xf32>,
          %parallel_loop3A_747 = vector.extract_strided_slice %parallel_loop3A_216 {offsets = [9], sizes = [1], strides = [1]} : vector<16xi32> to vector<1xi32>
          %parallel_loop3A_748 = vector.extract %parallel_loop3A_747[0] : i32 from vector<1xi32>
          %parallel_loop3A_749 = arith.constant 0 : i32
          %parallel_loop3A_750 = arith.addi %parallel_loop3A_748, %parallel_loop3A_749 : i32
          %parallel_loop3A_751 = arith.index_cast %parallel_loop3A_750 : i32 to index
          %parallel_loop3A_752 = tpu.vector_load %arg5[%parallel_loop3A_751] {strides = array<i32>} : memref<33280xf32, #tpu.memory_space<vmem>>, vector<16xf32>,
          %parallel_loop3A_753 = vector.extract_strided_slice %parallel_loop3A_216 {offsets = [10], sizes = [1], strides = [1]} : vector<16xi32> to vector<1xi32>
          %parallel_loop3A_754 = vector.extract %parallel_loop3A_753[0] : i32 from vector<1xi32>
          %parallel_loop3A_755 = arith.constant 0 : i32
          %parallel_loop3A_756 = arith.addi %parallel_loop3A_754, %parallel_loop3A_755 : i32
          %parallel_loop3A_757 = arith.index_cast %parallel_loop3A_756 : i32 to index
          %parallel_loop3A_758 = tpu.vector_load %arg5[%parallel_loop3A_757] {strides = array<i32>} : memref<33280xf32, #tpu.memory_space<vmem>>, vector<16xf32>,
          %parallel_loop3A_759 = vector.extract_strided_slice %parallel_loop3A_216 {offsets = [11], sizes = [1], strides = [1]} : vector<16xi32> to vector<1xi32>
          %parallel_loop3A_760 = vector.extract %parallel_loop3A_759[0] : i32 from vector<1xi32>
          %parallel_loop3A_761 = arith.constant 0 : i32
          %parallel_loop3A_762 = arith.addi %parallel_loop3A_760, %parallel_loop3A_761 : i32
          %parallel_loop3A_763 = arith.index_cast %parallel_loop3A_762 : i32 to index
          %parallel_loop3A_764 = tpu.vector_load %arg5[%parallel_loop3A_763] {strides = array<i32>} : memref<33280xf32, #tpu.memory_space<vmem>>, vector<16xf32>,
          %parallel_loop3A_765 = arith.addf %parallel_loop3A_746, %parallel_loop3A_752 : vector<16xf32>
          %parallel_loop3A_766 = arith.addf %parallel_loop3A_758, %parallel_loop3A_764 : vector<16xf32>
          %parallel_loop3A_767 = arith.addf %parallel_loop3A_765, %parallel_loop3A_766 : vector<16xf32>
          %parallel_loop3A_768 = arith.index_cast %rem3A_78 : i32 to index
          %parallel_loop3A_769 = arith.index_cast %parallel_loop3A_181 : i32 to index
          %parallel_loop3A_770 = arith.index_cast %parallel_loop3A_740 : i32 to index
          %parallel_loop3A_771 = arith.constant 0 : index
          %parallel_loop3A_772 = tpu.vector_load %arg8[%parallel_loop3A_768, %parallel_loop3A_769, %parallel_loop3A_770, %parallel_loop3A_771] {strides = array<i32>} : memref<2x4x40x128xf32, #tpu.memory_space<vmem>>, vector<16xf32>,
          tpu.vector_store %arg8[%parallel_loop3A_768, %parallel_loop3A_769, %parallel_loop3A_770, %parallel_loop3A_771], %parallel_loop3A_767 {strides = array<i32>} : memref<2x4x40x128xf32, #tpu.memory_space<vmem>>, vector<16xf32>,
          %parallel_loop3A_773 = vector.extract_strided_slice %parallel_loop3A_216 {offsets = [8], sizes = [1], strides = [1]} : vector<16xi32> to vector<1xi32>
          %parallel_loop3A_774 = vector.extract %parallel_loop3A_773[0] : i32 from vector<1xi32>
          %parallel_loop3A_775 = arith.constant 16 : i32
          %parallel_loop3A_776 = arith.addi %parallel_loop3A_774, %parallel_loop3A_775 : i32
          %parallel_loop3A_777 = arith.index_cast %parallel_loop3A_776 : i32 to index
          %parallel_loop3A_778 = tpu.vector_load %arg5[%parallel_loop3A_777] {strides = array<i32>} : memref<33280xf32, #tpu.memory_space<vmem>>, vector<16xf32>,
          %parallel_loop3A_779 = vector.extract_strided_slice %parallel_loop3A_216 {offsets = [9], sizes = [1], strides = [1]} : vector<16xi32> to vector<1xi32>
          %parallel_loop3A_780 = vector.extract %parallel_loop3A_779[0] : i32 from vector<1xi32>
          %parallel_loop3A_781 = arith.constant 16 : i32
          %parallel_loop3A_782 = arith.addi %parallel_loop3A_780, %parallel_loop3A_781 : i32
          %parallel_loop3A_783 = arith.index_cast %parallel_loop3A_782 : i32 to index
          %parallel_loop3A_784 = tpu.vector_load %arg5[%parallel_loop3A_783] {strides = array<i32>} : memref<33280xf32, #tpu.memory_space<vmem>>, vector<16xf32>,
          %parallel_loop3A_785 = vector.extract_strided_slice %parallel_loop3A_216 {offsets = [10], sizes = [1], strides = [1]} : vector<16xi32> to vector<1xi32>
          %parallel_loop3A_786 = vector.extract %parallel_loop3A_785[0] : i32 from vector<1xi32>
          %parallel_loop3A_787 = arith.constant 16 : i32
          %parallel_loop3A_788 = arith.addi %parallel_loop3A_786, %parallel_loop3A_787 : i32
          %parallel_loop3A_789 = arith.index_cast %parallel_loop3A_788 : i32 to index
          %parallel_loop3A_790 = tpu.vector_load %arg5[%parallel_loop3A_789] {strides = array<i32>} : memref<33280xf32, #tpu.memory_space<vmem>>, vector<16xf32>,
          %parallel_loop3A_791 = vector.extract_strided_slice %parallel_loop3A_216 {offsets = [11], sizes = [1], strides = [1]} : vector<16xi32> to vector<1xi32>
          %parallel_loop3A_792 = vector.extract %parallel_loop3A_791[0] : i32 from vector<1xi32>
          %parallel_loop3A_793 = arith.constant 16 : i32
          %parallel_loop3A_794 = arith.addi %parallel_loop3A_792, %parallel_loop3A_793 : i32
          %parallel_loop3A_795 = arith.index_cast %parallel_loop3A_794 : i32 to index
          %parallel_loop3A_796 = tpu.vector_load %arg5[%parallel_loop3A_795] {strides = array<i32>} : memref<33280xf32, #tpu.memory_space<vmem>>, vector<16xf32>,
          %parallel_loop3A_797 = arith.addf %parallel_loop3A_778, %parallel_loop3A_784 : vector<16xf32>
          %parallel_loop3A_798 = arith.addf %parallel_loop3A_790, %parallel_loop3A_796 : vector<16xf32>
          %parallel_loop3A_799 = arith.addf %parallel_loop3A_797, %parallel_loop3A_798 : vector<16xf32>
          %parallel_loop3A_800 = arith.index_cast %rem3A_78 : i32 to index
          %parallel_loop3A_801 = arith.index_cast %parallel_loop3A_181 : i32 to index
          %parallel_loop3A_802 = arith.index_cast %parallel_loop3A_740 : i32 to index
          %parallel_loop3A_803 = arith.constant 16 : index
          %parallel_loop3A_804 = tpu.vector_load %arg8[%parallel_loop3A_800, %parallel_loop3A_801, %parallel_loop3A_802, %parallel_loop3A_803] {strides = array<i32>} : memref<2x4x40x128xf32, #tpu.memory_space<vmem>>, vector<16xf32>,
          tpu.vector_store %arg8[%parallel_loop3A_800, %parallel_loop3A_801, %parallel_loop3A_802, %parallel_loop3A_803], %parallel_loop3A_799 {strides = array<i32>} : memref<2x4x40x128xf32, #tpu.memory_space<vmem>>, vector<16xf32>,
          %parallel_loop3A_805 = vector.extract_strided_slice %parallel_loop3A_216 {offsets = [8], sizes = [1], strides = [1]} : vector<16xi32> to vector<1xi32>
          %parallel_loop3A_806 = vector.extract %parallel_loop3A_805[0] : i32 from vector<1xi32>
          %parallel_loop3A_807 = arith.constant 32 : i32
          %parallel_loop3A_808 = arith.addi %parallel_loop3A_806, %parallel_loop3A_807 : i32
          %parallel_loop3A_809 = arith.index_cast %parallel_loop3A_808 : i32 to index
          %parallel_loop3A_810 = tpu.vector_load %arg5[%parallel_loop3A_809] {strides = array<i32>} : memref<33280xf32, #tpu.memory_space<vmem>>, vector<16xf32>,
          %parallel_loop3A_811 = vector.extract_strided_slice %parallel_loop3A_216 {offsets = [9], sizes = [1], strides = [1]} : vector<16xi32> to vector<1xi32>
          %parallel_loop3A_812 = vector.extract %parallel_loop3A_811[0] : i32 from vector<1xi32>
          %parallel_loop3A_813 = arith.constant 32 : i32
          %parallel_loop3A_814 = arith.addi %parallel_loop3A_812, %parallel_loop3A_813 : i32
          %parallel_loop3A_815 = arith.index_cast %parallel_loop3A_814 : i32 to index
          %parallel_loop3A_816 = tpu.vector_load %arg5[%parallel_loop3A_815] {strides = array<i32>} : memref<33280xf32, #tpu.memory_space<vmem>>, vector<16xf32>,
          %parallel_loop3A_817 = vector.extract_strided_slice %parallel_loop3A_216 {offsets = [10], sizes = [1], strides = [1]} : vector<16xi32> to vector<1xi32>
          %parallel_loop3A_818 = vector.extract %parallel_loop3A_817[0] : i32 from vector<1xi32>
          %parallel_loop3A_819 = arith.constant 32 : i32
          %parallel_loop3A_820 = arith.addi %parallel_loop3A_818, %parallel_loop3A_819 : i32
          %parallel_loop3A_821 = arith.index_cast %parallel_loop3A_820 : i32 to index
          %parallel_loop3A_822 = tpu.vector_load %arg5[%parallel_loop3A_821] {strides = array<i32>} : memref<33280xf32, #tpu.memory_space<vmem>>, vector<16xf32>,
          %parallel_loop3A_823 = vector.extract_strided_slice %parallel_loop3A_216 {offsets = [11], sizes = [1], strides = [1]} : vector<16xi32> to vector<1xi32>
          %parallel_loop3A_824 = vector.extract %parallel_loop3A_823[0] : i32 from vector<1xi32>
          %parallel_loop3A_825 = arith.constant 32 : i32
          %parallel_loop3A_826 = arith.addi %parallel_loop3A_824, %parallel_loop3A_825 : i32
          %parallel_loop3A_827 = arith.index_cast %parallel_loop3A_826 : i32 to index
          %parallel_loop3A_828 = tpu.vector_load %arg5[%parallel_loop3A_827] {strides = array<i32>} : memref<33280xf32, #tpu.memory_space<vmem>>, vector<16xf32>,
          %parallel_loop3A_829 = arith.addf %parallel_loop3A_810, %parallel_loop3A_816 : vector<16xf32>
          %parallel_loop3A_830 = arith.addf %parallel_loop3A_822, %parallel_loop3A_828 : vector<16xf32>
          %parallel_loop3A_831 = arith.addf %parallel_loop3A_829, %parallel_loop3A_830 : vector<16xf32>
          %parallel_loop3A_832 = arith.index_cast %rem3A_78 : i32 to index
          %parallel_loop3A_833 = arith.index_cast %parallel_loop3A_181 : i32 to index
          %parallel_loop3A_834 = arith.index_cast %parallel_loop3A_740 : i32 to index
          %parallel_loop3A_835 = arith.constant 32 : index
          %parallel_loop3A_836 = tpu.vector_load %arg8[%parallel_loop3A_832, %parallel_loop3A_833, %parallel_loop3A_834, %parallel_loop3A_835] {strides = array<i32>} : memref<2x4x40x128xf32, #tpu.memory_space<vmem>>, vector<16xf32>,
          tpu.vector_store %arg8[%parallel_loop3A_832, %parallel_loop3A_833, %parallel_loop3A_834, %parallel_loop3A_835], %parallel_loop3A_831 {strides = array<i32>} : memref<2x4x40x128xf32, #tpu.memory_space<vmem>>, vector<16xf32>,
          %parallel_loop3A_837 = vector.extract_strided_slice %parallel_loop3A_216 {offsets = [8], sizes = [1], strides = [1]} : vector<16xi32> to vector<1xi32>
          %parallel_loop3A_838 = vector.extract %parallel_loop3A_837[0] : i32 from vector<1xi32>
          %parallel_loop3A_839 = arith.constant 48 : i32
          %parallel_loop3A_840 = arith.addi %parallel_loop3A_838, %parallel_loop3A_839 : i32
          %parallel_loop3A_841 = arith.index_cast %parallel_loop3A_840 : i32 to index
          %parallel_loop3A_842 = tpu.vector_load %arg5[%parallel_loop3A_841] {strides = array<i32>} : memref<33280xf32, #tpu.memory_space<vmem>>, vector<16xf32>,
          %parallel_loop3A_843 = vector.extract_strided_slice %parallel_loop3A_216 {offsets = [9], sizes = [1], strides = [1]} : vector<16xi32> to vector<1xi32>
          %parallel_loop3A_844 = vector.extract %parallel_loop3A_843[0] : i32 from vector<1xi32>
          %parallel_loop3A_845 = arith.constant 48 : i32
          %parallel_loop3A_846 = arith.addi %parallel_loop3A_844, %parallel_loop3A_845 : i32
          %parallel_loop3A_847 = arith.index_cast %parallel_loop3A_846 : i32 to index
          %parallel_loop3A_848 = tpu.vector_load %arg5[%parallel_loop3A_847] {strides = array<i32>} : memref<33280xf32, #tpu.memory_space<vmem>>, vector<16xf32>,
          %parallel_loop3A_849 = vector.extract_strided_slice %parallel_loop3A_216 {offsets = [10], sizes = [1], strides = [1]} : vector<16xi32> to vector<1xi32>
          %parallel_loop3A_850 = vector.extract %parallel_loop3A_849[0] : i32 from vector<1xi32>
          %parallel_loop3A_851 = arith.constant 48 : i32
          %parallel_loop3A_852 = arith.addi %parallel_loop3A_850, %parallel_loop3A_851 : i32
          %parallel_loop3A_853 = arith.index_cast %parallel_loop3A_852 : i32 to index
          %parallel_loop3A_854 = tpu.vector_load %arg5[%parallel_loop3A_853] {strides = array<i32>} : memref<33280xf32, #tpu.memory_space<vmem>>, vector<16xf32>,
          %parallel_loop3A_855 = vector.extract_strided_slice %parallel_loop3A_216 {offsets = [11], sizes = [1], strides = [1]} : vector<16xi32> to vector<1xi32>
          %parallel_loop3A_856 = vector.extract %parallel_loop3A_855[0] : i32 from vector<1xi32>
          %parallel_loop3A_857 = arith.constant 48 : i32
          %parallel_loop3A_858 = arith.addi %parallel_loop3A_856, %parallel_loop3A_857 : i32
          %parallel_loop3A_859 = arith.index_cast %parallel_loop3A_858 : i32 to index
          %parallel_loop3A_860 = tpu.vector_load %arg5[%parallel_loop3A_859] {strides = array<i32>} : memref<33280xf32, #tpu.memory_space<vmem>>, vector<16xf32>,
          %parallel_loop3A_861 = arith.addf %parallel_loop3A_842, %parallel_loop3A_848 : vector<16xf32>
          %parallel_loop3A_862 = arith.addf %parallel_loop3A_854, %parallel_loop3A_860 : vector<16xf32>
          %parallel_loop3A_863 = arith.addf %parallel_loop3A_861, %parallel_loop3A_862 : vector<16xf32>
          %parallel_loop3A_864 = arith.index_cast %rem3A_78 : i32 to index
          %parallel_loop3A_865 = arith.index_cast %parallel_loop3A_181 : i32 to index
          %parallel_loop3A_866 = arith.index_cast %parallel_loop3A_740 : i32 to index
          %parallel_loop3A_867 = arith.constant 48 : index
          %parallel_loop3A_868 = tpu.vector_load %arg8[%parallel_loop3A_864, %parallel_loop3A_865, %parallel_loop3A_866, %parallel_loop3A_867] {strides = array<i32>} : memref<2x4x40x128xf32, #tpu.memory_space<vmem>>, vector<16xf32>,
          tpu.vector_store %arg8[%parallel_loop3A_864, %parallel_loop3A_865, %parallel_loop3A_866, %parallel_loop3A_867], %parallel_loop3A_863 {strides = array<i32>} : memref<2x4x40x128xf32, #tpu.memory_space<vmem>>, vector<16xf32>,
          %parallel_loop3A_869 = vector.extract_strided_slice %parallel_loop3A_216 {offsets = [8], sizes = [1], strides = [1]} : vector<16xi32> to vector<1xi32>
          %parallel_loop3A_870 = vector.extract %parallel_loop3A_869[0] : i32 from vector<1xi32>
          %parallel_loop3A_871 = arith.constant 64 : i32
          %parallel_loop3A_872 = arith.addi %parallel_loop3A_870, %parallel_loop3A_871 : i32
          %parallel_loop3A_873 = arith.index_cast %parallel_loop3A_872 : i32 to index
          %parallel_loop3A_874 = tpu.vector_load %arg5[%parallel_loop3A_873] {strides = array<i32>} : memref<33280xf32, #tpu.memory_space<vmem>>, vector<16xf32>,
          %parallel_loop3A_875 = vector.extract_strided_slice %parallel_loop3A_216 {offsets = [9], sizes = [1], strides = [1]} : vector<16xi32> to vector<1xi32>
          %parallel_loop3A_876 = vector.extract %parallel_loop3A_875[0] : i32 from vector<1xi32>
          %parallel_loop3A_877 = arith.constant 64 : i32
          %parallel_loop3A_878 = arith.addi %parallel_loop3A_876, %parallel_loop3A_877 : i32
          %parallel_loop3A_879 = arith.index_cast %parallel_loop3A_878 : i32 to index
          %parallel_loop3A_880 = tpu.vector_load %arg5[%parallel_loop3A_879] {strides = array<i32>} : memref<33280xf32, #tpu.memory_space<vmem>>, vector<16xf32>,
          %parallel_loop3A_881 = vector.extract_strided_slice %parallel_loop3A_216 {offsets = [10], sizes = [1], strides = [1]} : vector<16xi32> to vector<1xi32>
          %parallel_loop3A_882 = vector.extract %parallel_loop3A_881[0] : i32 from vector<1xi32>
          %parallel_loop3A_883 = arith.constant 64 : i32
          %parallel_loop3A_884 = arith.addi %parallel_loop3A_882, %parallel_loop3A_883 : i32
          %parallel_loop3A_885 = arith.index_cast %parallel_loop3A_884 : i32 to index
          %parallel_loop3A_886 = tpu.vector_load %arg5[%parallel_loop3A_885] {strides = array<i32>} : memref<33280xf32, #tpu.memory_space<vmem>>, vector<16xf32>,
          %parallel_loop3A_887 = vector.extract_strided_slice %parallel_loop3A_216 {offsets = [11], sizes = [1], strides = [1]} : vector<16xi32> to vector<1xi32>
          %parallel_loop3A_888 = vector.extract %parallel_loop3A_887[0] : i32 from vector<1xi32>
          %parallel_loop3A_889 = arith.constant 64 : i32
          %parallel_loop3A_890 = arith.addi %parallel_loop3A_888, %parallel_loop3A_889 : i32
          %parallel_loop3A_891 = arith.index_cast %parallel_loop3A_890 : i32 to index
          %parallel_loop3A_892 = tpu.vector_load %arg5[%parallel_loop3A_891] {strides = array<i32>} : memref<33280xf32, #tpu.memory_space<vmem>>, vector<16xf32>,
          %parallel_loop3A_893 = arith.addf %parallel_loop3A_874, %parallel_loop3A_880 : vector<16xf32>
          %parallel_loop3A_894 = arith.addf %parallel_loop3A_886, %parallel_loop3A_892 : vector<16xf32>
          %parallel_loop3A_895 = arith.addf %parallel_loop3A_893, %parallel_loop3A_894 : vector<16xf32>
          %parallel_loop3A_896 = arith.index_cast %rem3A_78 : i32 to index
          %parallel_loop3A_897 = arith.index_cast %parallel_loop3A_181 : i32 to index
          %parallel_loop3A_898 = arith.index_cast %parallel_loop3A_740 : i32 to index
          %parallel_loop3A_899 = arith.constant 64 : index
          %parallel_loop3A_900 = tpu.vector_load %arg8[%parallel_loop3A_896, %parallel_loop3A_897, %parallel_loop3A_898, %parallel_loop3A_899] {strides = array<i32>} : memref<2x4x40x128xf32, #tpu.memory_space<vmem>>, vector<16xf32>,
          tpu.vector_store %arg8[%parallel_loop3A_896, %parallel_loop3A_897, %parallel_loop3A_898, %parallel_loop3A_899], %parallel_loop3A_895 {strides = array<i32>} : memref<2x4x40x128xf32, #tpu.memory_space<vmem>>, vector<16xf32>,
          %parallel_loop3A_901 = vector.extract_strided_slice %parallel_loop3A_216 {offsets = [8], sizes = [1], strides = [1]} : vector<16xi32> to vector<1xi32>
          %parallel_loop3A_902 = vector.extract %parallel_loop3A_901[0] : i32 from vector<1xi32>
          %parallel_loop3A_903 = arith.constant 80 : i32
          %parallel_loop3A_904 = arith.addi %parallel_loop3A_902, %parallel_loop3A_903 : i32
          %parallel_loop3A_905 = arith.index_cast %parallel_loop3A_904 : i32 to index
          %parallel_loop3A_906 = tpu.vector_load %arg5[%parallel_loop3A_905] {strides = array<i32>} : memref<33280xf32, #tpu.memory_space<vmem>>, vector<16xf32>,
          %parallel_loop3A_907 = vector.extract_strided_slice %parallel_loop3A_216 {offsets = [9], sizes = [1], strides = [1]} : vector<16xi32> to vector<1xi32>
          %parallel_loop3A_908 = vector.extract %parallel_loop3A_907[0] : i32 from vector<1xi32>
          %parallel_loop3A_909 = arith.constant 80 : i32
          %parallel_loop3A_910 = arith.addi %parallel_loop3A_908, %parallel_loop3A_909 : i32
          %parallel_loop3A_911 = arith.index_cast %parallel_loop3A_910 : i32 to index
          %parallel_loop3A_912 = tpu.vector_load %arg5[%parallel_loop3A_911] {strides = array<i32>} : memref<33280xf32, #tpu.memory_space<vmem>>, vector<16xf32>,
          %parallel_loop3A_913 = vector.extract_strided_slice %parallel_loop3A_216 {offsets = [10], sizes = [1], strides = [1]} : vector<16xi32> to vector<1xi32>
          %parallel_loop3A_914 = vector.extract %parallel_loop3A_913[0] : i32 from vector<1xi32>
          %parallel_loop3A_915 = arith.constant 80 : i32
          %parallel_loop3A_916 = arith.addi %parallel_loop3A_914, %parallel_loop3A_915 : i32
          %parallel_loop3A_917 = arith.index_cast %parallel_loop3A_916 : i32 to index
          %parallel_loop3A_918 = tpu.vector_load %arg5[%parallel_loop3A_917] {strides = array<i32>} : memref<33280xf32, #tpu.memory_space<vmem>>, vector<16xf32>,
          %parallel_loop3A_919 = vector.extract_strided_slice %parallel_loop3A_216 {offsets = [11], sizes = [1], strides = [1]} : vector<16xi32> to vector<1xi32>
          %parallel_loop3A_920 = vector.extract %parallel_loop3A_919[0] : i32 from vector<1xi32>
          %parallel_loop3A_921 = arith.constant 80 : i32
          %parallel_loop3A_922 = arith.addi %parallel_loop3A_920, %parallel_loop3A_921 : i32
          %parallel_loop3A_923 = arith.index_cast %parallel_loop3A_922 : i32 to index
          %parallel_loop3A_924 = tpu.vector_load %arg5[%parallel_loop3A_923] {strides = array<i32>} : memref<33280xf32, #tpu.memory_space<vmem>>, vector<16xf32>,
          %parallel_loop3A_925 = arith.addf %parallel_loop3A_906, %parallel_loop3A_912 : vector<16xf32>
          %parallel_loop3A_926 = arith.addf %parallel_loop3A_918, %parallel_loop3A_924 : vector<16xf32>
          %parallel_loop3A_927 = arith.addf %parallel_loop3A_925, %parallel_loop3A_926 : vector<16xf32>
          %parallel_loop3A_928 = arith.index_cast %rem3A_78 : i32 to index
          %parallel_loop3A_929 = arith.index_cast %parallel_loop3A_181 : i32 to index
          %parallel_loop3A_930 = arith.index_cast %parallel_loop3A_740 : i32 to index
          %parallel_loop3A_931 = arith.constant 80 : index
          %parallel_loop3A_932 = tpu.vector_load %arg8[%parallel_loop3A_928, %parallel_loop3A_929, %parallel_loop3A_930, %parallel_loop3A_931] {strides = array<i32>} : memref<2x4x40x128xf32, #tpu.memory_space<vmem>>, vector<16xf32>,
          tpu.vector_store %arg8[%parallel_loop3A_928, %parallel_loop3A_929, %parallel_loop3A_930, %parallel_loop3A_931], %parallel_loop3A_927 {strides = array<i32>} : memref<2x4x40x128xf32, #tpu.memory_space<vmem>>, vector<16xf32>,
          %parallel_loop3A_933 = vector.extract_strided_slice %parallel_loop3A_216 {offsets = [8], sizes = [1], strides = [1]} : vector<16xi32> to vector<1xi32>
          %parallel_loop3A_934 = vector.extract %parallel_loop3A_933[0] : i32 from vector<1xi32>
          %parallel_loop3A_935 = arith.constant 96 : i32
          %parallel_loop3A_936 = arith.addi %parallel_loop3A_934, %parallel_loop3A_935 : i32
          %parallel_loop3A_937 = arith.index_cast %parallel_loop3A_936 : i32 to index
          %parallel_loop3A_938 = tpu.vector_load %arg5[%parallel_loop3A_937] {strides = array<i32>} : memref<33280xf32, #tpu.memory_space<vmem>>, vector<16xf32>,
          %parallel_loop3A_939 = vector.extract_strided_slice %parallel_loop3A_216 {offsets = [9], sizes = [1], strides = [1]} : vector<16xi32> to vector<1xi32>
          %parallel_loop3A_940 = vector.extract %parallel_loop3A_939[0] : i32 from vector<1xi32>
          %parallel_loop3A_941 = arith.constant 96 : i32
          %parallel_loop3A_942 = arith.addi %parallel_loop3A_940, %parallel_loop3A_941 : i32
          %parallel_loop3A_943 = arith.index_cast %parallel_loop3A_942 : i32 to index
          %parallel_loop3A_944 = tpu.vector_load %arg5[%parallel_loop3A_943] {strides = array<i32>} : memref<33280xf32, #tpu.memory_space<vmem>>, vector<16xf32>,
          %parallel_loop3A_945 = vector.extract_strided_slice %parallel_loop3A_216 {offsets = [10], sizes = [1], strides = [1]} : vector<16xi32> to vector<1xi32>
          %parallel_loop3A_946 = vector.extract %parallel_loop3A_945[0] : i32 from vector<1xi32>
          %parallel_loop3A_947 = arith.constant 96 : i32
          %parallel_loop3A_948 = arith.addi %parallel_loop3A_946, %parallel_loop3A_947 : i32
          %parallel_loop3A_949 = arith.index_cast %parallel_loop3A_948 : i32 to index
          %parallel_loop3A_950 = tpu.vector_load %arg5[%parallel_loop3A_949] {strides = array<i32>} : memref<33280xf32, #tpu.memory_space<vmem>>, vector<16xf32>,
          %parallel_loop3A_951 = vector.extract_strided_slice %parallel_loop3A_216 {offsets = [11], sizes = [1], strides = [1]} : vector<16xi32> to vector<1xi32>
          %parallel_loop3A_952 = vector.extract %parallel_loop3A_951[0] : i32 from vector<1xi32>
          %parallel_loop3A_953 = arith.constant 96 : i32
          %parallel_loop3A_954 = arith.addi %parallel_loop3A_952, %parallel_loop3A_953 : i32
          %parallel_loop3A_955 = arith.index_cast %parallel_loop3A_954 : i32 to index
          %parallel_loop3A_956 = tpu.vector_load %arg5[%parallel_loop3A_955] {strides = array<i32>} : memref<33280xf32, #tpu.memory_space<vmem>>, vector<16xf32>,
          %parallel_loop3A_957 = arith.addf %parallel_loop3A_938, %parallel_loop3A_944 : vector<16xf32>
          %parallel_loop3A_958 = arith.addf %parallel_loop3A_950, %parallel_loop3A_956 : vector<16xf32>
          %parallel_loop3A_959 = arith.addf %parallel_loop3A_957, %parallel_loop3A_958 : vector<16xf32>
          %parallel_loop3A_960 = arith.index_cast %rem3A_78 : i32 to index
          %parallel_loop3A_961 = arith.index_cast %parallel_loop3A_181 : i32 to index
          %parallel_loop3A_962 = arith.index_cast %parallel_loop3A_740 : i32 to index
          %parallel_loop3A_963 = arith.constant 96 : index
          %parallel_loop3A_964 = tpu.vector_load %arg8[%parallel_loop3A_960, %parallel_loop3A_961, %parallel_loop3A_962, %parallel_loop3A_963] {strides = array<i32>} : memref<2x4x40x128xf32, #tpu.memory_space<vmem>>, vector<16xf32>,
          tpu.vector_store %arg8[%parallel_loop3A_960, %parallel_loop3A_961, %parallel_loop3A_962, %parallel_loop3A_963], %parallel_loop3A_959 {strides = array<i32>} : memref<2x4x40x128xf32, #tpu.memory_space<vmem>>, vector<16xf32>,
          %parallel_loop3A_965 = vector.extract_strided_slice %parallel_loop3A_216 {offsets = [8], sizes = [1], strides = [1]} : vector<16xi32> to vector<1xi32>
          %parallel_loop3A_966 = vector.extract %parallel_loop3A_965[0] : i32 from vector<1xi32>
          %parallel_loop3A_967 = arith.constant 112 : i32
          %parallel_loop3A_968 = arith.addi %parallel_loop3A_966, %parallel_loop3A_967 : i32
          %parallel_loop3A_969 = arith.index_cast %parallel_loop3A_968 : i32 to index
          %parallel_loop3A_970 = tpu.vector_load %arg5[%parallel_loop3A_969] {strides = array<i32>} : memref<33280xf32, #tpu.memory_space<vmem>>, vector<16xf32>,
          %parallel_loop3A_971 = vector.extract_strided_slice %parallel_loop3A_216 {offsets = [9], sizes = [1], strides = [1]} : vector<16xi32> to vector<1xi32>
          %parallel_loop3A_972 = vector.extract %parallel_loop3A_971[0] : i32 from vector<1xi32>
          %parallel_loop3A_973 = arith.constant 112 : i32
          %parallel_loop3A_974 = arith.addi %parallel_loop3A_972, %parallel_loop3A_973 : i32
          %parallel_loop3A_975 = arith.index_cast %parallel_loop3A_974 : i32 to index
          %parallel_loop3A_976 = tpu.vector_load %arg5[%parallel_loop3A_975] {strides = array<i32>} : memref<33280xf32, #tpu.memory_space<vmem>>, vector<16xf32>,
          %parallel_loop3A_977 = vector.extract_strided_slice %parallel_loop3A_216 {offsets = [10], sizes = [1], strides = [1]} : vector<16xi32> to vector<1xi32>
          %parallel_loop3A_978 = vector.extract %parallel_loop3A_977[0] : i32 from vector<1xi32>
          %parallel_loop3A_979 = arith.constant 112 : i32
          %parallel_loop3A_980 = arith.addi %parallel_loop3A_978, %parallel_loop3A_979 : i32
          %parallel_loop3A_981 = arith.index_cast %parallel_loop3A_980 : i32 to index
          %parallel_loop3A_982 = tpu.vector_load %arg5[%parallel_loop3A_981] {strides = array<i32>} : memref<33280xf32, #tpu.memory_space<vmem>>, vector<16xf32>,
          %parallel_loop3A_983 = vector.extract_strided_slice %parallel_loop3A_216 {offsets = [11], sizes = [1], strides = [1]} : vector<16xi32> to vector<1xi32>
          %parallel_loop3A_984 = vector.extract %parallel_loop3A_983[0] : i32 from vector<1xi32>
          %parallel_loop3A_985 = arith.constant 112 : i32
          %parallel_loop3A_986 = arith.addi %parallel_loop3A_984, %parallel_loop3A_985 : i32
          %parallel_loop3A_987 = arith.index_cast %parallel_loop3A_986 : i32 to index
          %parallel_loop3A_988 = tpu.vector_load %arg5[%parallel_loop3A_987] {strides = array<i32>} : memref<33280xf32, #tpu.memory_space<vmem>>, vector<16xf32>,
          %parallel_loop3A_989 = arith.addf %parallel_loop3A_970, %parallel_loop3A_976 : vector<16xf32>
          %parallel_loop3A_990 = arith.addf %parallel_loop3A_982, %parallel_loop3A_988 : vector<16xf32>
          %parallel_loop3A_991 = arith.addf %parallel_loop3A_989, %parallel_loop3A_990 : vector<16xf32>
          %parallel_loop3A_992 = arith.index_cast %rem3A_78 : i32 to index
          %parallel_loop3A_993 = arith.index_cast %parallel_loop3A_181 : i32 to index
          %parallel_loop3A_994 = arith.index_cast %parallel_loop3A_740 : i32 to index
          %parallel_loop3A_995 = arith.constant 112 : index
          %parallel_loop3A_996 = tpu.vector_load %arg8[%parallel_loop3A_992, %parallel_loop3A_993, %parallel_loop3A_994, %parallel_loop3A_995] {strides = array<i32>} : memref<2x4x40x128xf32, #tpu.memory_space<vmem>>, vector<16xf32>,
          tpu.vector_store %arg8[%parallel_loop3A_992, %parallel_loop3A_993, %parallel_loop3A_994, %parallel_loop3A_995], %parallel_loop3A_991 {strides = array<i32>} : memref<2x4x40x128xf32, #tpu.memory_space<vmem>>, vector<16xf32>,
          %parallel_loop3A_997 = arith.constant 4 : i32
          %parallel_loop3A_998 = arith.muli %parallel_loop3A_205, %parallel_loop3A_997 : i32
          %parallel_loop3A_999 = arith.constant 3 : i32
          %parallel_loop3A_1000 = arith.addi %parallel_loop3A_998, %parallel_loop3A_999 : i32
          %parallel_loop3A_1001 = vector.extract_strided_slice %parallel_loop3A_216 {offsets = [12], sizes = [1], strides = [1]} : vector<16xi32> to vector<1xi32>
          %parallel_loop3A_1002 = vector.extract %parallel_loop3A_1001[0] : i32 from vector<1xi32>
          %parallel_loop3A_1003 = arith.constant 0 : i32
          %parallel_loop3A_1004 = arith.addi %parallel_loop3A_1002, %parallel_loop3A_1003 : i32
          %parallel_loop3A_1005 = arith.index_cast %parallel_loop3A_1004 : i32 to index
          %parallel_loop3A_1006 = tpu.vector_load %arg5[%parallel_loop3A_1005] {strides = array<i32>} : memref<33280xf32, #tpu.memory_space<vmem>>, vector<16xf32>,
          %parallel_loop3A_1007 = vector.extract_strided_slice %parallel_loop3A_216 {offsets = [13], sizes = [1], strides = [1]} : vector<16xi32> to vector<1xi32>
          %parallel_loop3A_1008 = vector.extract %parallel_loop3A_1007[0] : i32 from vector<1xi32>
          %parallel_loop3A_1009 = arith.constant 0 : i32
          %parallel_loop3A_1010 = arith.addi %parallel_loop3A_1008, %parallel_loop3A_1009 : i32
          %parallel_loop3A_1011 = arith.index_cast %parallel_loop3A_1010 : i32 to index
          %parallel_loop3A_1012 = tpu.vector_load %arg5[%parallel_loop3A_1011] {strides = array<i32>} : memref<33280xf32, #tpu.memory_space<vmem>>, vector<16xf32>,
          %parallel_loop3A_1013 = vector.extract_strided_slice %parallel_loop3A_216 {offsets = [14], sizes = [1], strides = [1]} : vector<16xi32> to vector<1xi32>
          %parallel_loop3A_1014 = vector.extract %parallel_loop3A_1013[0] : i32 from vector<1xi32>
          %parallel_loop3A_1015 = arith.constant 0 : i32
          %parallel_loop3A_1016 = arith.addi %parallel_loop3A_1014, %parallel_loop3A_1015 : i32
          %parallel_loop3A_1017 = arith.index_cast %parallel_loop3A_1016 : i32 to index
          %parallel_loop3A_1018 = tpu.vector_load %arg5[%parallel_loop3A_1017] {strides = array<i32>} : memref<33280xf32, #tpu.memory_space<vmem>>, vector<16xf32>,
          %parallel_loop3A_1019 = vector.extract_strided_slice %parallel_loop3A_216 {offsets = [15], sizes = [1], strides = [1]} : vector<16xi32> to vector<1xi32>
          %parallel_loop3A_1020 = vector.extract %parallel_loop3A_1019[0] : i32 from vector<1xi32>
          %parallel_loop3A_1021 = arith.constant 0 : i32
          %parallel_loop3A_1022 = arith.addi %parallel_loop3A_1020, %parallel_loop3A_1021 : i32
          %parallel_loop3A_1023 = arith.index_cast %parallel_loop3A_1022 : i32 to index
          %parallel_loop3A_1024 = tpu.vector_load %arg5[%parallel_loop3A_1023] {strides = array<i32>} : memref<33280xf32, #tpu.memory_space<vmem>>, vector<16xf32>,
          %parallel_loop3A_1025 = arith.addf %parallel_loop3A_1006, %parallel_loop3A_1012 : vector<16xf32>
          %parallel_loop3A_1026 = arith.addf %parallel_loop3A_1018, %parallel_loop3A_1024 : vector<16xf32>
          %parallel_loop3A_1027 = arith.addf %parallel_loop3A_1025, %parallel_loop3A_1026 : vector<16xf32>
          %parallel_loop3A_1028 = arith.index_cast %rem3A_78 : i32 to index
          %parallel_loop3A_1029 = arith.index_cast %parallel_loop3A_181 : i32 to index
          %parallel_loop3A_1030 = arith.index_cast %parallel_loop3A_1000 : i32 to index
          %parallel_loop3A_1031 = arith.constant 0 : index
          %parallel_loop3A_1032 = tpu.vector_load %arg8[%parallel_loop3A_1028, %parallel_loop3A_1029, %parallel_loop3A_1030, %parallel_loop3A_1031] {strides = array<i32>} : memref<2x4x40x128xf32, #tpu.memory_space<vmem>>, vector<16xf32>,
          tpu.vector_store %arg8[%parallel_loop3A_1028, %parallel_loop3A_1029, %parallel_loop3A_1030, %parallel_loop3A_1031], %parallel_loop3A_1027 {strides = array<i32>} : memref<2x4x40x128xf32, #tpu.memory_space<vmem>>, vector<16xf32>,
          %parallel_loop3A_1033 = vector.extract_strided_slice %parallel_loop3A_216 {offsets = [12], sizes = [1], strides = [1]} : vector<16xi32> to vector<1xi32>
          %parallel_loop3A_1034 = vector.extract %parallel_loop3A_1033[0] : i32 from vector<1xi32>
          %parallel_loop3A_1035 = arith.constant 16 : i32
          %parallel_loop3A_1036 = arith.addi %parallel_loop3A_1034, %parallel_loop3A_1035 : i32
          %parallel_loop3A_1037 = arith.index_cast %parallel_loop3A_1036 : i32 to index
          %parallel_loop3A_1038 = tpu.vector_load %arg5[%parallel_loop3A_1037] {strides = array<i32>} : memref<33280xf32, #tpu.memory_space<vmem>>, vector<16xf32>,
          %parallel_loop3A_1039 = vector.extract_strided_slice %parallel_loop3A_216 {offsets = [13], sizes = [1], strides = [1]} : vector<16xi32> to vector<1xi32>
          %parallel_loop3A_1040 = vector.extract %parallel_loop3A_1039[0] : i32 from vector<1xi32>
          %parallel_loop3A_1041 = arith.constant 16 : i32
          %parallel_loop3A_1042 = arith.addi %parallel_loop3A_1040, %parallel_loop3A_1041 : i32
          %parallel_loop3A_1043 = arith.index_cast %parallel_loop3A_1042 : i32 to index
          %parallel_loop3A_1044 = tpu.vector_load %arg5[%parallel_loop3A_1043] {strides = array<i32>} : memref<33280xf32, #tpu.memory_space<vmem>>, vector<16xf32>,
          %parallel_loop3A_1045 = vector.extract_strided_slice %parallel_loop3A_216 {offsets = [14], sizes = [1], strides = [1]} : vector<16xi32> to vector<1xi32>
          %parallel_loop3A_1046 = vector.extract %parallel_loop3A_1045[0] : i32 from vector<1xi32>
          %parallel_loop3A_1047 = arith.constant 16 : i32
          %parallel_loop3A_1048 = arith.addi %parallel_loop3A_1046, %parallel_loop3A_1047 : i32
          %parallel_loop3A_1049 = arith.index_cast %parallel_loop3A_1048 : i32 to index
          %parallel_loop3A_1050 = tpu.vector_load %arg5[%parallel_loop3A_1049] {strides = array<i32>} : memref<33280xf32, #tpu.memory_space<vmem>>, vector<16xf32>,
          %parallel_loop3A_1051 = vector.extract_strided_slice %parallel_loop3A_216 {offsets = [15], sizes = [1], strides = [1]} : vector<16xi32> to vector<1xi32>
          %parallel_loop3A_1052 = vector.extract %parallel_loop3A_1051[0] : i32 from vector<1xi32>
          %parallel_loop3A_1053 = arith.constant 16 : i32
          %parallel_loop3A_1054 = arith.addi %parallel_loop3A_1052, %parallel_loop3A_1053 : i32
          %parallel_loop3A_1055 = arith.index_cast %parallel_loop3A_1054 : i32 to index
          %parallel_loop3A_1056 = tpu.vector_load %arg5[%parallel_loop3A_1055] {strides = array<i32>} : memref<33280xf32, #tpu.memory_space<vmem>>, vector<16xf32>,
          %parallel_loop3A_1057 = arith.addf %parallel_loop3A_1038, %parallel_loop3A_1044 : vector<16xf32>
          %parallel_loop3A_1058 = arith.addf %parallel_loop3A_1050, %parallel_loop3A_1056 : vector<16xf32>
          %parallel_loop3A_1059 = arith.addf %parallel_loop3A_1057, %parallel_loop3A_1058 : vector<16xf32>
          %parallel_loop3A_1060 = arith.index_cast %rem3A_78 : i32 to index
          %parallel_loop3A_1061 = arith.index_cast %parallel_loop3A_181 : i32 to index
          %parallel_loop3A_1062 = arith.index_cast %parallel_loop3A_1000 : i32 to index
          %parallel_loop3A_1063 = arith.constant 16 : index
          %parallel_loop3A_1064 = tpu.vector_load %arg8[%parallel_loop3A_1060, %parallel_loop3A_1061, %parallel_loop3A_1062, %parallel_loop3A_1063] {strides = array<i32>} : memref<2x4x40x128xf32, #tpu.memory_space<vmem>>, vector<16xf32>,
          tpu.vector_store %arg8[%parallel_loop3A_1060, %parallel_loop3A_1061, %parallel_loop3A_1062, %parallel_loop3A_1063], %parallel_loop3A_1059 {strides = array<i32>} : memref<2x4x40x128xf32, #tpu.memory_space<vmem>>, vector<16xf32>,
          %parallel_loop3A_1065 = vector.extract_strided_slice %parallel_loop3A_216 {offsets = [12], sizes = [1], strides = [1]} : vector<16xi32> to vector<1xi32>
          %parallel_loop3A_1066 = vector.extract %parallel_loop3A_1065[0] : i32 from vector<1xi32>
          %parallel_loop3A_1067 = arith.constant 32 : i32
          %parallel_loop3A_1068 = arith.addi %parallel_loop3A_1066, %parallel_loop3A_1067 : i32
          %parallel_loop3A_1069 = arith.index_cast %parallel_loop3A_1068 : i32 to index
          %parallel_loop3A_1070 = tpu.vector_load %arg5[%parallel_loop3A_1069] {strides = array<i32>} : memref<33280xf32, #tpu.memory_space<vmem>>, vector<16xf32>,
          %parallel_loop3A_1071 = vector.extract_strided_slice %parallel_loop3A_216 {offsets = [13], sizes = [1], strides = [1]} : vector<16xi32> to vector<1xi32>
          %parallel_loop3A_1072 = vector.extract %parallel_loop3A_1071[0] : i32 from vector<1xi32>
          %parallel_loop3A_1073 = arith.constant 32 : i32
          %parallel_loop3A_1074 = arith.addi %parallel_loop3A_1072, %parallel_loop3A_1073 : i32
          %parallel_loop3A_1075 = arith.index_cast %parallel_loop3A_1074 : i32 to index
          %parallel_loop3A_1076 = tpu.vector_load %arg5[%parallel_loop3A_1075] {strides = array<i32>} : memref<33280xf32, #tpu.memory_space<vmem>>, vector<16xf32>,
          %parallel_loop3A_1077 = vector.extract_strided_slice %parallel_loop3A_216 {offsets = [14], sizes = [1], strides = [1]} : vector<16xi32> to vector<1xi32>
          %parallel_loop3A_1078 = vector.extract %parallel_loop3A_1077[0] : i32 from vector<1xi32>
          %parallel_loop3A_1079 = arith.constant 32 : i32
          %parallel_loop3A_1080 = arith.addi %parallel_loop3A_1078, %parallel_loop3A_1079 : i32
          %parallel_loop3A_1081 = arith.index_cast %parallel_loop3A_1080 : i32 to index
          %parallel_loop3A_1082 = tpu.vector_load %arg5[%parallel_loop3A_1081] {strides = array<i32>} : memref<33280xf32, #tpu.memory_space<vmem>>, vector<16xf32>,
          %parallel_loop3A_1083 = vector.extract_strided_slice %parallel_loop3A_216 {offsets = [15], sizes = [1], strides = [1]} : vector<16xi32> to vector<1xi32>
          %parallel_loop3A_1084 = vector.extract %parallel_loop3A_1083[0] : i32 from vector<1xi32>
          %parallel_loop3A_1085 = arith.constant 32 : i32
          %parallel_loop3A_1086 = arith.addi %parallel_loop3A_1084, %parallel_loop3A_1085 : i32
          %parallel_loop3A_1087 = arith.index_cast %parallel_loop3A_1086 : i32 to index
          %parallel_loop3A_1088 = tpu.vector_load %arg5[%parallel_loop3A_1087] {strides = array<i32>} : memref<33280xf32, #tpu.memory_space<vmem>>, vector<16xf32>,
          %parallel_loop3A_1089 = arith.addf %parallel_loop3A_1070, %parallel_loop3A_1076 : vector<16xf32>
          %parallel_loop3A_1090 = arith.addf %parallel_loop3A_1082, %parallel_loop3A_1088 : vector<16xf32>
          %parallel_loop3A_1091 = arith.addf %parallel_loop3A_1089, %parallel_loop3A_1090 : vector<16xf32>
          %parallel_loop3A_1092 = arith.index_cast %rem3A_78 : i32 to index
          %parallel_loop3A_1093 = arith.index_cast %parallel_loop3A_181 : i32 to index
          %parallel_loop3A_1094 = arith.index_cast %parallel_loop3A_1000 : i32 to index
          %parallel_loop3A_1095 = arith.constant 32 : index
          %parallel_loop3A_1096 = tpu.vector_load %arg8[%parallel_loop3A_1092, %parallel_loop3A_1093, %parallel_loop3A_1094, %parallel_loop3A_1095] {strides = array<i32>} : memref<2x4x40x128xf32, #tpu.memory_space<vmem>>, vector<16xf32>,
          tpu.vector_store %arg8[%parallel_loop3A_1092, %parallel_loop3A_1093, %parallel_loop3A_1094, %parallel_loop3A_1095], %parallel_loop3A_1091 {strides = array<i32>} : memref<2x4x40x128xf32, #tpu.memory_space<vmem>>, vector<16xf32>,
          %parallel_loop3A_1097 = vector.extract_strided_slice %parallel_loop3A_216 {offsets = [12], sizes = [1], strides = [1]} : vector<16xi32> to vector<1xi32>
          %parallel_loop3A_1098 = vector.extract %parallel_loop3A_1097[0] : i32 from vector<1xi32>
          %parallel_loop3A_1099 = arith.constant 48 : i32
          %parallel_loop3A_1100 = arith.addi %parallel_loop3A_1098, %parallel_loop3A_1099 : i32
          %parallel_loop3A_1101 = arith.index_cast %parallel_loop3A_1100 : i32 to index
          %parallel_loop3A_1102 = tpu.vector_load %arg5[%parallel_loop3A_1101] {strides = array<i32>} : memref<33280xf32, #tpu.memory_space<vmem>>, vector<16xf32>,
          %parallel_loop3A_1103 = vector.extract_strided_slice %parallel_loop3A_216 {offsets = [13], sizes = [1], strides = [1]} : vector<16xi32> to vector<1xi32>
          %parallel_loop3A_1104 = vector.extract %parallel_loop3A_1103[0] : i32 from vector<1xi32>
          %parallel_loop3A_1105 = arith.constant 48 : i32
          %parallel_loop3A_1106 = arith.addi %parallel_loop3A_1104, %parallel_loop3A_1105 : i32
          %parallel_loop3A_1107 = arith.index_cast %parallel_loop3A_1106 : i32 to index
          %parallel_loop3A_1108 = tpu.vector_load %arg5[%parallel_loop3A_1107] {strides = array<i32>} : memref<33280xf32, #tpu.memory_space<vmem>>, vector<16xf32>,
          %parallel_loop3A_1109 = vector.extract_strided_slice %parallel_loop3A_216 {offsets = [14], sizes = [1], strides = [1]} : vector<16xi32> to vector<1xi32>
          %parallel_loop3A_1110 = vector.extract %parallel_loop3A_1109[0] : i32 from vector<1xi32>
          %parallel_loop3A_1111 = arith.constant 48 : i32
          %parallel_loop3A_1112 = arith.addi %parallel_loop3A_1110, %parallel_loop3A_1111 : i32
          %parallel_loop3A_1113 = arith.index_cast %parallel_loop3A_1112 : i32 to index
          %parallel_loop3A_1114 = tpu.vector_load %arg5[%parallel_loop3A_1113] {strides = array<i32>} : memref<33280xf32, #tpu.memory_space<vmem>>, vector<16xf32>,
          %parallel_loop3A_1115 = vector.extract_strided_slice %parallel_loop3A_216 {offsets = [15], sizes = [1], strides = [1]} : vector<16xi32> to vector<1xi32>
          %parallel_loop3A_1116 = vector.extract %parallel_loop3A_1115[0] : i32 from vector<1xi32>
          %parallel_loop3A_1117 = arith.constant 48 : i32
          %parallel_loop3A_1118 = arith.addi %parallel_loop3A_1116, %parallel_loop3A_1117 : i32
          %parallel_loop3A_1119 = arith.index_cast %parallel_loop3A_1118 : i32 to index
          %parallel_loop3A_1120 = tpu.vector_load %arg5[%parallel_loop3A_1119] {strides = array<i32>} : memref<33280xf32, #tpu.memory_space<vmem>>, vector<16xf32>,
          %parallel_loop3A_1121 = arith.addf %parallel_loop3A_1102, %parallel_loop3A_1108 : vector<16xf32>
          %parallel_loop3A_1122 = arith.addf %parallel_loop3A_1114, %parallel_loop3A_1120 : vector<16xf32>
          %parallel_loop3A_1123 = arith.addf %parallel_loop3A_1121, %parallel_loop3A_1122 : vector<16xf32>
          %parallel_loop3A_1124 = arith.index_cast %rem3A_78 : i32 to index
          %parallel_loop3A_1125 = arith.index_cast %parallel_loop3A_181 : i32 to index
          %parallel_loop3A_1126 = arith.index_cast %parallel_loop3A_1000 : i32 to index
          %parallel_loop3A_1127 = arith.constant 48 : index
          %parallel_loop3A_1128 = tpu.vector_load %arg8[%parallel_loop3A_1124, %parallel_loop3A_1125, %parallel_loop3A_1126, %parallel_loop3A_1127] {strides = array<i32>} : memref<2x4x40x128xf32, #tpu.memory_space<vmem>>, vector<16xf32>,
          tpu.vector_store %arg8[%parallel_loop3A_1124, %parallel_loop3A_1125, %parallel_loop3A_1126, %parallel_loop3A_1127], %parallel_loop3A_1123 {strides = array<i32>} : memref<2x4x40x128xf32, #tpu.memory_space<vmem>>, vector<16xf32>,
          %parallel_loop3A_1129 = vector.extract_strided_slice %parallel_loop3A_216 {offsets = [12], sizes = [1], strides = [1]} : vector<16xi32> to vector<1xi32>
          %parallel_loop3A_1130 = vector.extract %parallel_loop3A_1129[0] : i32 from vector<1xi32>
          %parallel_loop3A_1131 = arith.constant 64 : i32
          %parallel_loop3A_1132 = arith.addi %parallel_loop3A_1130, %parallel_loop3A_1131 : i32
          %parallel_loop3A_1133 = arith.index_cast %parallel_loop3A_1132 : i32 to index
          %parallel_loop3A_1134 = tpu.vector_load %arg5[%parallel_loop3A_1133] {strides = array<i32>} : memref<33280xf32, #tpu.memory_space<vmem>>, vector<16xf32>,
          %parallel_loop3A_1135 = vector.extract_strided_slice %parallel_loop3A_216 {offsets = [13], sizes = [1], strides = [1]} : vector<16xi32> to vector<1xi32>
          %parallel_loop3A_1136 = vector.extract %parallel_loop3A_1135[0] : i32 from vector<1xi32>
          %parallel_loop3A_1137 = arith.constant 64 : i32
          %parallel_loop3A_1138 = arith.addi %parallel_loop3A_1136, %parallel_loop3A_1137 : i32
          %parallel_loop3A_1139 = arith.index_cast %parallel_loop3A_1138 : i32 to index
          %parallel_loop3A_1140 = tpu.vector_load %arg5[%parallel_loop3A_1139] {strides = array<i32>} : memref<33280xf32, #tpu.memory_space<vmem>>, vector<16xf32>,
          %parallel_loop3A_1141 = vector.extract_strided_slice %parallel_loop3A_216 {offsets = [14], sizes = [1], strides = [1]} : vector<16xi32> to vector<1xi32>
          %parallel_loop3A_1142 = vector.extract %parallel_loop3A_1141[0] : i32 from vector<1xi32>
          %parallel_loop3A_1143 = arith.constant 64 : i32
          %parallel_loop3A_1144 = arith.addi %parallel_loop3A_1142, %parallel_loop3A_1143 : i32
          %parallel_loop3A_1145 = arith.index_cast %parallel_loop3A_1144 : i32 to index
          %parallel_loop3A_1146 = tpu.vector_load %arg5[%parallel_loop3A_1145] {strides = array<i32>} : memref<33280xf32, #tpu.memory_space<vmem>>, vector<16xf32>,
          %parallel_loop3A_1147 = vector.extract_strided_slice %parallel_loop3A_216 {offsets = [15], sizes = [1], strides = [1]} : vector<16xi32> to vector<1xi32>
          %parallel_loop3A_1148 = vector.extract %parallel_loop3A_1147[0] : i32 from vector<1xi32>
          %parallel_loop3A_1149 = arith.constant 64 : i32
          %parallel_loop3A_1150 = arith.addi %parallel_loop3A_1148, %parallel_loop3A_1149 : i32
          %parallel_loop3A_1151 = arith.index_cast %parallel_loop3A_1150 : i32 to index
          %parallel_loop3A_1152 = tpu.vector_load %arg5[%parallel_loop3A_1151] {strides = array<i32>} : memref<33280xf32, #tpu.memory_space<vmem>>, vector<16xf32>,
          %parallel_loop3A_1153 = arith.addf %parallel_loop3A_1134, %parallel_loop3A_1140 : vector<16xf32>
          %parallel_loop3A_1154 = arith.addf %parallel_loop3A_1146, %parallel_loop3A_1152 : vector<16xf32>
          %parallel_loop3A_1155 = arith.addf %parallel_loop3A_1153, %parallel_loop3A_1154 : vector<16xf32>
          %parallel_loop3A_1156 = arith.index_cast %rem3A_78 : i32 to index
          %parallel_loop3A_1157 = arith.index_cast %parallel_loop3A_181 : i32 to index
          %parallel_loop3A_1158 = arith.index_cast %parallel_loop3A_1000 : i32 to index
          %parallel_loop3A_1159 = arith.constant 64 : index
          %parallel_loop3A_1160 = tpu.vector_load %arg8[%parallel_loop3A_1156, %parallel_loop3A_1157, %parallel_loop3A_1158, %parallel_loop3A_1159] {strides = array<i32>} : memref<2x4x40x128xf32, #tpu.memory_space<vmem>>, vector<16xf32>,
          tpu.vector_store %arg8[%parallel_loop3A_1156, %parallel_loop3A_1157, %parallel_loop3A_1158, %parallel_loop3A_1159], %parallel_loop3A_1155 {strides = array<i32>} : memref<2x4x40x128xf32, #tpu.memory_space<vmem>>, vector<16xf32>,
          %parallel_loop3A_1161 = vector.extract_strided_slice %parallel_loop3A_216 {offsets = [12], sizes = [1], strides = [1]} : vector<16xi32> to vector<1xi32>
          %parallel_loop3A_1162 = vector.extract %parallel_loop3A_1161[0] : i32 from vector<1xi32>
          %parallel_loop3A_1163 = arith.constant 80 : i32
          %parallel_loop3A_1164 = arith.addi %parallel_loop3A_1162, %parallel_loop3A_1163 : i32
          %parallel_loop3A_1165 = arith.index_cast %parallel_loop3A_1164 : i32 to index
          %parallel_loop3A_1166 = tpu.vector_load %arg5[%parallel_loop3A_1165] {strides = array<i32>} : memref<33280xf32, #tpu.memory_space<vmem>>, vector<16xf32>,
          %parallel_loop3A_1167 = vector.extract_strided_slice %parallel_loop3A_216 {offsets = [13], sizes = [1], strides = [1]} : vector<16xi32> to vector<1xi32>
          %parallel_loop3A_1168 = vector.extract %parallel_loop3A_1167[0] : i32 from vector<1xi32>
          %parallel_loop3A_1169 = arith.constant 80 : i32
          %parallel_loop3A_1170 = arith.addi %parallel_loop3A_1168, %parallel_loop3A_1169 : i32
          %parallel_loop3A_1171 = arith.index_cast %parallel_loop3A_1170 : i32 to index
          %parallel_loop3A_1172 = tpu.vector_load %arg5[%parallel_loop3A_1171] {strides = array<i32>} : memref<33280xf32, #tpu.memory_space<vmem>>, vector<16xf32>,
          %parallel_loop3A_1173 = vector.extract_strided_slice %parallel_loop3A_216 {offsets = [14], sizes = [1], strides = [1]} : vector<16xi32> to vector<1xi32>
          %parallel_loop3A_1174 = vector.extract %parallel_loop3A_1173[0] : i32 from vector<1xi32>
          %parallel_loop3A_1175 = arith.constant 80 : i32
          %parallel_loop3A_1176 = arith.addi %parallel_loop3A_1174, %parallel_loop3A_1175 : i32
          %parallel_loop3A_1177 = arith.index_cast %parallel_loop3A_1176 : i32 to index
          %parallel_loop3A_1178 = tpu.vector_load %arg5[%parallel_loop3A_1177] {strides = array<i32>} : memref<33280xf32, #tpu.memory_space<vmem>>, vector<16xf32>,
          %parallel_loop3A_1179 = vector.extract_strided_slice %parallel_loop3A_216 {offsets = [15], sizes = [1], strides = [1]} : vector<16xi32> to vector<1xi32>
          %parallel_loop3A_1180 = vector.extract %parallel_loop3A_1179[0] : i32 from vector<1xi32>
          %parallel_loop3A_1181 = arith.constant 80 : i32
          %parallel_loop3A_1182 = arith.addi %parallel_loop3A_1180, %parallel_loop3A_1181 : i32
          %parallel_loop3A_1183 = arith.index_cast %parallel_loop3A_1182 : i32 to index
          %parallel_loop3A_1184 = tpu.vector_load %arg5[%parallel_loop3A_1183] {strides = array<i32>} : memref<33280xf32, #tpu.memory_space<vmem>>, vector<16xf32>,
          %parallel_loop3A_1185 = arith.addf %parallel_loop3A_1166, %parallel_loop3A_1172 : vector<16xf32>
          %parallel_loop3A_1186 = arith.addf %parallel_loop3A_1178, %parallel_loop3A_1184 : vector<16xf32>
          %parallel_loop3A_1187 = arith.addf %parallel_loop3A_1185, %parallel_loop3A_1186 : vector<16xf32>
          %parallel_loop3A_1188 = arith.index_cast %rem3A_78 : i32 to index
          %parallel_loop3A_1189 = arith.index_cast %parallel_loop3A_181 : i32 to index
          %parallel_loop3A_1190 = arith.index_cast %parallel_loop3A_1000 : i32 to index
          %parallel_loop3A_1191 = arith.constant 80 : index
          %parallel_loop3A_1192 = tpu.vector_load %arg8[%parallel_loop3A_1188, %parallel_loop3A_1189, %parallel_loop3A_1190, %parallel_loop3A_1191] {strides = array<i32>} : memref<2x4x40x128xf32, #tpu.memory_space<vmem>>, vector<16xf32>,
          tpu.vector_store %arg8[%parallel_loop3A_1188, %parallel_loop3A_1189, %parallel_loop3A_1190, %parallel_loop3A_1191], %parallel_loop3A_1187 {strides = array<i32>} : memref<2x4x40x128xf32, #tpu.memory_space<vmem>>, vector<16xf32>,
          %parallel_loop3A_1193 = vector.extract_strided_slice %parallel_loop3A_216 {offsets = [12], sizes = [1], strides = [1]} : vector<16xi32> to vector<1xi32>
          %parallel_loop3A_1194 = vector.extract %parallel_loop3A_1193[0] : i32 from vector<1xi32>
          %parallel_loop3A_1195 = arith.constant 96 : i32
          %parallel_loop3A_1196 = arith.addi %parallel_loop3A_1194, %parallel_loop3A_1195 : i32
          %parallel_loop3A_1197 = arith.index_cast %parallel_loop3A_1196 : i32 to index
          %parallel_loop3A_1198 = tpu.vector_load %arg5[%parallel_loop3A_1197] {strides = array<i32>} : memref<33280xf32, #tpu.memory_space<vmem>>, vector<16xf32>,
          %parallel_loop3A_1199 = vector.extract_strided_slice %parallel_loop3A_216 {offsets = [13], sizes = [1], strides = [1]} : vector<16xi32> to vector<1xi32>
          %parallel_loop3A_1200 = vector.extract %parallel_loop3A_1199[0] : i32 from vector<1xi32>
          %parallel_loop3A_1201 = arith.constant 96 : i32
          %parallel_loop3A_1202 = arith.addi %parallel_loop3A_1200, %parallel_loop3A_1201 : i32
          %parallel_loop3A_1203 = arith.index_cast %parallel_loop3A_1202 : i32 to index
          %parallel_loop3A_1204 = tpu.vector_load %arg5[%parallel_loop3A_1203] {strides = array<i32>} : memref<33280xf32, #tpu.memory_space<vmem>>, vector<16xf32>,
          %parallel_loop3A_1205 = vector.extract_strided_slice %parallel_loop3A_216 {offsets = [14], sizes = [1], strides = [1]} : vector<16xi32> to vector<1xi32>
          %parallel_loop3A_1206 = vector.extract %parallel_loop3A_1205[0] : i32 from vector<1xi32>
          %parallel_loop3A_1207 = arith.constant 96 : i32
          %parallel_loop3A_1208 = arith.addi %parallel_loop3A_1206, %parallel_loop3A_1207 : i32
          %parallel_loop3A_1209 = arith.index_cast %parallel_loop3A_1208 : i32 to index
          %parallel_loop3A_1210 = tpu.vector_load %arg5[%parallel_loop3A_1209] {strides = array<i32>} : memref<33280xf32, #tpu.memory_space<vmem>>, vector<16xf32>,
          %parallel_loop3A_1211 = vector.extract_strided_slice %parallel_loop3A_216 {offsets = [15], sizes = [1], strides = [1]} : vector<16xi32> to vector<1xi32>
          %parallel_loop3A_1212 = vector.extract %parallel_loop3A_1211[0] : i32 from vector<1xi32>
          %parallel_loop3A_1213 = arith.constant 96 : i32
          %parallel_loop3A_1214 = arith.addi %parallel_loop3A_1212, %parallel_loop3A_1213 : i32
          %parallel_loop3A_1215 = arith.index_cast %parallel_loop3A_1214 : i32 to index
          %parallel_loop3A_1216 = tpu.vector_load %arg5[%parallel_loop3A_1215] {strides = array<i32>} : memref<33280xf32, #tpu.memory_space<vmem>>, vector<16xf32>,
          %parallel_loop3A_1217 = arith.addf %parallel_loop3A_1198, %parallel_loop3A_1204 : vector<16xf32>
          %parallel_loop3A_1218 = arith.addf %parallel_loop3A_1210, %parallel_loop3A_1216 : vector<16xf32>
          %parallel_loop3A_1219 = arith.addf %parallel_loop3A_1217, %parallel_loop3A_1218 : vector<16xf32>
          %parallel_loop3A_1220 = arith.index_cast %rem3A_78 : i32 to index
          %parallel_loop3A_1221 = arith.index_cast %parallel_loop3A_181 : i32 to index
          %parallel_loop3A_1222 = arith.index_cast %parallel_loop3A_1000 : i32 to index
          %parallel_loop3A_1223 = arith.constant 96 : index
          %parallel_loop3A_1224 = tpu.vector_load %arg8[%parallel_loop3A_1220, %parallel_loop3A_1221, %parallel_loop3A_1222, %parallel_loop3A_1223] {strides = array<i32>} : memref<2x4x40x128xf32, #tpu.memory_space<vmem>>, vector<16xf32>,
          tpu.vector_store %arg8[%parallel_loop3A_1220, %parallel_loop3A_1221, %parallel_loop3A_1222, %parallel_loop3A_1223], %parallel_loop3A_1219 {strides = array<i32>} : memref<2x4x40x128xf32, #tpu.memory_space<vmem>>, vector<16xf32>,
          %parallel_loop3A_1225 = vector.extract_strided_slice %parallel_loop3A_216 {offsets = [12], sizes = [1], strides = [1]} : vector<16xi32> to vector<1xi32>
          %parallel_loop3A_1226 = vector.extract %parallel_loop3A_1225[0] : i32 from vector<1xi32>
          %parallel_loop3A_1227 = arith.constant 112 : i32
          %parallel_loop3A_1228 = arith.addi %parallel_loop3A_1226, %parallel_loop3A_1227 : i32
          %parallel_loop3A_1229 = arith.index_cast %parallel_loop3A_1228 : i32 to index
          %parallel_loop3A_1230 = tpu.vector_load %arg5[%parallel_loop3A_1229] {strides = array<i32>} : memref<33280xf32, #tpu.memory_space<vmem>>, vector<16xf32>,
          %parallel_loop3A_1231 = vector.extract_strided_slice %parallel_loop3A_216 {offsets = [13], sizes = [1], strides = [1]} : vector<16xi32> to vector<1xi32>
          %parallel_loop3A_1232 = vector.extract %parallel_loop3A_1231[0] : i32 from vector<1xi32>
          %parallel_loop3A_1233 = arith.constant 112 : i32
          %parallel_loop3A_1234 = arith.addi %parallel_loop3A_1232, %parallel_loop3A_1233 : i32
          %parallel_loop3A_1235 = arith.index_cast %parallel_loop3A_1234 : i32 to index
          %parallel_loop3A_1236 = tpu.vector_load %arg5[%parallel_loop3A_1235] {strides = array<i32>} : memref<33280xf32, #tpu.memory_space<vmem>>, vector<16xf32>,
          %parallel_loop3A_1237 = vector.extract_strided_slice %parallel_loop3A_216 {offsets = [14], sizes = [1], strides = [1]} : vector<16xi32> to vector<1xi32>
          %parallel_loop3A_1238 = vector.extract %parallel_loop3A_1237[0] : i32 from vector<1xi32>
          %parallel_loop3A_1239 = arith.constant 112 : i32
          %parallel_loop3A_1240 = arith.addi %parallel_loop3A_1238, %parallel_loop3A_1239 : i32
          %parallel_loop3A_1241 = arith.index_cast %parallel_loop3A_1240 : i32 to index
          %parallel_loop3A_1242 = tpu.vector_load %arg5[%parallel_loop3A_1241] {strides = array<i32>} : memref<33280xf32, #tpu.memory_space<vmem>>, vector<16xf32>,
          %parallel_loop3A_1243 = vector.extract_strided_slice %parallel_loop3A_216 {offsets = [15], sizes = [1], strides = [1]} : vector<16xi32> to vector<1xi32>
          %parallel_loop3A_1244 = vector.extract %parallel_loop3A_1243[0] : i32 from vector<1xi32>
          %parallel_loop3A_1245 = arith.constant 112 : i32
          %parallel_loop3A_1246 = arith.addi %parallel_loop3A_1244, %parallel_loop3A_1245 : i32
          %parallel_loop3A_1247 = arith.index_cast %parallel_loop3A_1246 : i32 to index
          %parallel_loop3A_1248 = tpu.vector_load %arg5[%parallel_loop3A_1247] {strides = array<i32>} : memref<33280xf32, #tpu.memory_space<vmem>>, vector<16xf32>,
          %parallel_loop3A_1249 = arith.addf %parallel_loop3A_1230, %parallel_loop3A_1236 : vector<16xf32>
          %parallel_loop3A_1250 = arith.addf %parallel_loop3A_1242, %parallel_loop3A_1248 : vector<16xf32>
          %parallel_loop3A_1251 = arith.addf %parallel_loop3A_1249, %parallel_loop3A_1250 : vector<16xf32>
          %parallel_loop3A_1252 = arith.index_cast %rem3A_78 : i32 to index
          %parallel_loop3A_1253 = arith.index_cast %parallel_loop3A_181 : i32 to index
          %parallel_loop3A_1254 = arith.index_cast %parallel_loop3A_1000 : i32 to index
          %parallel_loop3A_1255 = arith.constant 112 : index
          %parallel_loop3A_1256 = tpu.vector_load %arg8[%parallel_loop3A_1252, %parallel_loop3A_1253, %parallel_loop3A_1254, %parallel_loop3A_1255] {strides = array<i32>} : memref<2x4x40x128xf32, #tpu.memory_space<vmem>>, vector<16xf32>,
          tpu.vector_store %arg8[%parallel_loop3A_1252, %parallel_loop3A_1253, %parallel_loop3A_1254, %parallel_loop3A_1255], %parallel_loop3A_1251 {strides = array<i32>} : memref<2x4x40x128xf32, #tpu.memory_space<vmem>>, vector<16xf32>,
        } {sc.loop_unroll_factor = 2 : i64, sc.parallel_access}
        %mul3A_84 = arith.constant 4 : i32
        %mul3A_85 = arith.muli %scan3A_76, %mul3A_84 : i32
        %add3A_86 = arith.addi %mul3A_2, %mul3A_85 : i32
        %add3A_87 = arith.constant 0 : i32
        %add3A_88 = arith.addi %add3A_86, %add3A_87 : i32
        %dma_start3A_89 = arith.constant 0 : i32
        %dma_start3A_90 = arith.constant 0 : i32
        %dma_start3A_91 = arith.constant 0 : i32
        %dma_start3A_92 = tpu.memref_slice %arg8[%rem3A_78, %dma_start3A_89, %dma_start3A_90, %dma_start3A_91] : memref<2x4x40x128xf32, #tpu.memory_space<vmem>> -> memref<1x1x40x128xf32, #tpu.memory_space<vmem>>
        %dma_start3A_93 = tpu.memref_squeeze %dma_start3A_92 : memref<1x1x40x128xf32, #tpu.memory_space<vmem>> -> memref<40x128xf32, #tpu.memory_space<vmem>>
        %dma_start3A_94 = arith.constant 0 : i32
        %dma_start3A_95 = tpu.memref_slice %arg4[%add3A_88, %mul3A_15, %dma_start3A_94] : memref<4096x200x128xf32, #tpu.memory_space<hbm>> -> memref<1x40x128xf32, #tpu.memory_space<hbm>>
        %dma_start3A_96 = tpu.memref_squeeze %dma_start3A_95 : memref<1x40x128xf32, #tpu.memory_space<hbm>> -> memref<40x128xf32, #tpu.memory_space<hbm>>
        %dma_start3A_97 = arith.constant 0 : i32
        %dma_start3A_98 = tpu.memref_slice %arg4[%add3A_88, %mul3A_15, %dma_start3A_97] : memref<4096x200x128xf32, #tpu.memory_space<hbm>> -> memref<1x40x128xf32, #tpu.memory_space<hbm>>
        %dma_start3A_99 = tpu.memref_squeeze %dma_start3A_98 : memref<1x40x128xf32, #tpu.memory_space<hbm>> -> memref<40x128xf32, #tpu.memory_space<hbm>>
        %dma_start3A_100 = arith.constant 0 : i32
        %dma_start3A_101 = arith.constant 0 : i32
        %dma_start3A_102 = tpu.memref_slice %arg8[%rem3A_78, %dma_start3A_89, %dma_start3A_100, %dma_start3A_101] : memref<2x4x40x128xf32, #tpu.memory_space<vmem>> -> memref<1x1x40x128xf32, #tpu.memory_space<vmem>>
        %dma_start3A_103 = tpu.memref_squeeze %dma_start3A_102 : memref<1x1x40x128xf32, #tpu.memory_space<vmem>> -> memref<40x128xf32, #tpu.memory_space<vmem>>
        tpu.enqueue_dma source(%dma_start3A_103 : memref<40x128xf32, #tpu.memory_space<vmem>>) target(%dma_start3A_99 : memref<40x128xf32, #tpu.memory_space<hbm>>) target_semaphore(%arg11 : memref<!tpu.dma_semaphore, #tpu.memory_space<semaphore_mem>>)
        %mul3A_104 = arith.constant 4 : i32
        %mul3A_105 = arith.muli %scan3A_76, %mul3A_104 : i32
        %add3A_106 = arith.addi %mul3A_2, %mul3A_105 : i32
        %add3A_107 = arith.constant 1 : i32
        %add3A_108 = arith.addi %add3A_106, %add3A_107 : i32
        %dma_start3A_109 = arith.constant 1 : i32
        %dma_start3A_110 = arith.constant 0 : i32
        %dma_start3A_111 = arith.constant 0 : i32
        %dma_start3A_112 = tpu.memref_slice %arg8[%rem3A_78, %dma_start3A_109, %dma_start3A_110, %dma_start3A_111] : memref<2x4x40x128xf32, #tpu.memory_space<vmem>> -> memref<1x1x40x128xf32, #tpu.memory_space<vmem>>
        %dma_start3A_113 = tpu.memref_squeeze %dma_start3A_112 : memref<1x1x40x128xf32, #tpu.memory_space<vmem>> -> memref<40x128xf32, #tpu.memory_space<vmem>>
        %dma_start3A_114 = arith.constant 0 : i32
        %dma_start3A_115 = tpu.memref_slice %arg4[%add3A_108, %mul3A_15, %dma_start3A_114] : memref<4096x200x128xf32, #tpu.memory_space<hbm>> -> memref<1x40x128xf32, #tpu.memory_space<hbm>>
        %dma_start3A_116 = tpu.memref_squeeze %dma_start3A_115 : memref<1x40x128xf32, #tpu.memory_space<hbm>> -> memref<40x128xf32, #tpu.memory_space<hbm>>
        %dma_start3A_117 = arith.constant 0 : i32
        %dma_start3A_118 = tpu.memref_slice %arg4[%add3A_108, %mul3A_15, %dma_start3A_117] : memref<4096x200x128xf32, #tpu.memory_space<hbm>> -> memref<1x40x128xf32, #tpu.memory_space<hbm>>
        %dma_start3A_119 = tpu.memref_squeeze %dma_start3A_118 : memref<1x40x128xf32, #tpu.memory_space<hbm>> -> memref<40x128xf32, #tpu.memory_space<hbm>>
        %dma_start3A_120 = arith.constant 0 : i32
        %dma_start3A_121 = arith.constant 0 : i32
        %dma_start3A_122 = tpu.memref_slice %arg8[%rem3A_78, %dma_start3A_109, %dma_start3A_120, %dma_start3A_121] : memref<2x4x40x128xf32, #tpu.memory_space<vmem>> -> memref<1x1x40x128xf32, #tpu.memory_space<vmem>>
        %dma_start3A_123 = tpu.memref_squeeze %dma_start3A_122 : memref<1x1x40x128xf32, #tpu.memory_space<vmem>> -> memref<40x128xf32, #tpu.memory_space<vmem>>
        tpu.enqueue_dma source(%dma_start3A_123 : memref<40x128xf32, #tpu.memory_space<vmem>>) target(%dma_start3A_119 : memref<40x128xf32, #tpu.memory_space<hbm>>) target_semaphore(%arg11 : memref<!tpu.dma_semaphore, #tpu.memory_space<semaphore_mem>>)
        %mul3A_124 = arith.constant 4 : i32
        %mul3A_125 = arith.muli %scan3A_76, %mul3A_124 : i32
        %add3A_126 = arith.addi %mul3A_2, %mul3A_125 : i32
        %add3A_127 = arith.constant 2 : i32
        %add3A_128 = arith.addi %add3A_126, %add3A_127 : i32
        %dma_start3A_129 = arith.constant 2 : i32
        %dma_start3A_130 = arith.constant 0 : i32
        %dma_start3A_131 = arith.constant 0 : i32
        %dma_start3A_132 = tpu.memref_slice %arg8[%rem3A_78, %dma_start3A_129, %dma_start3A_130, %dma_start3A_131] : memref<2x4x40x128xf32, #tpu.memory_space<vmem>> -> memref<1x1x40x128xf32, #tpu.memory_space<vmem>>
        %dma_start3A_133 = tpu.memref_squeeze %dma_start3A_132 : memref<1x1x40x128xf32, #tpu.memory_space<vmem>> -> memref<40x128xf32, #tpu.memory_space<vmem>>
        %dma_start3A_134 = arith.constant 0 : i32
        %dma_start3A_135 = tpu.memref_slice %arg4[%add3A_128, %mul3A_15, %dma_start3A_134] : memref<4096x200x128xf32, #tpu.memory_space<hbm>> -> memref<1x40x128xf32, #tpu.memory_space<hbm>>
        %dma_start3A_136 = tpu.memref_squeeze %dma_start3A_135 : memref<1x40x128xf32, #tpu.memory_space<hbm>> -> memref<40x128xf32, #tpu.memory_space<hbm>>
        %dma_start3A_137 = arith.constant 0 : i32
        %dma_start3A_138 = tpu.memref_slice %arg4[%add3A_128, %mul3A_15, %dma_start3A_137] : memref<4096x200x128xf32, #tpu.memory_space<hbm>> -> memref<1x40x128xf32, #tpu.memory_space<hbm>>
        %dma_start3A_139 = tpu.memref_squeeze %dma_start3A_138 : memref<1x40x128xf32, #tpu.memory_space<hbm>> -> memref<40x128xf32, #tpu.memory_space<hbm>>
        %dma_start3A_140 = arith.constant 0 : i32
        %dma_start3A_141 = arith.constant 0 : i32
        %dma_start3A_142 = tpu.memref_slice %arg8[%rem3A_78, %dma_start3A_129, %dma_start3A_140, %dma_start3A_141] : memref<2x4x40x128xf32, #tpu.memory_space<vmem>> -> memref<1x1x40x128xf32, #tpu.memory_space<vmem>>
        %dma_start3A_143 = tpu.memref_squeeze %dma_start3A_142 : memref<1x1x40x128xf32, #tpu.memory_space<vmem>> -> memref<40x128xf32, #tpu.memory_space<vmem>>
        tpu.enqueue_dma source(%dma_start3A_143 : memref<40x128xf32, #tpu.memory_space<vmem>>) target(%dma_start3A_139 : memref<40x128xf32, #tpu.memory_space<hbm>>) target_semaphore(%arg11 : memref<!tpu.dma_semaphore, #tpu.memory_space<semaphore_mem>>)
        %mul3A_144 = arith.constant 4 : i32
        %mul3A_145 = arith.muli %scan3A_76, %mul3A_144 : i32
        %add3A_146 = arith.addi %mul3A_2, %mul3A_145 : i32
        %add3A_147 = arith.constant 3 : i32
        %add3A_148 = arith.addi %add3A_146, %add3A_147 : i32
        %dma_start3A_149 = arith.constant 3 : i32
        %dma_start3A_150 = arith.constant 0 : i32
        %dma_start3A_151 = arith.constant 0 : i32
        %dma_start3A_152 = tpu.memref_slice %arg8[%rem3A_78, %dma_start3A_149, %dma_start3A_150, %dma_start3A_151] : memref<2x4x40x128xf32, #tpu.memory_space<vmem>> -> memref<1x1x40x128xf32, #tpu.memory_space<vmem>>
        %dma_start3A_153 = tpu.memref_squeeze %dma_start3A_152 : memref<1x1x40x128xf32, #tpu.memory_space<vmem>> -> memref<40x128xf32, #tpu.memory_space<vmem>>
        %dma_start3A_154 = arith.constant 0 : i32
        %dma_start3A_155 = tpu.memref_slice %arg4[%add3A_148, %mul3A_15, %dma_start3A_154] : memref<4096x200x128xf32, #tpu.memory_space<hbm>> -> memref<1x40x128xf32, #tpu.memory_space<hbm>>
        %dma_start3A_156 = tpu.memref_squeeze %dma_start3A_155 : memref<1x40x128xf32, #tpu.memory_space<hbm>> -> memref<40x128xf32, #tpu.memory_space<hbm>>
        %dma_start3A_157 = arith.constant 0 : i32
        %dma_start3A_158 = tpu.memref_slice %arg4[%add3A_148, %mul3A_15, %dma_start3A_157] : memref<4096x200x128xf32, #tpu.memory_space<hbm>> -> memref<1x40x128xf32, #tpu.memory_space<hbm>>
        %dma_start3A_159 = tpu.memref_squeeze %dma_start3A_158 : memref<1x40x128xf32, #tpu.memory_space<hbm>> -> memref<40x128xf32, #tpu.memory_space<hbm>>
        %dma_start3A_160 = arith.constant 0 : i32
        %dma_start3A_161 = arith.constant 0 : i32
        %dma_start3A_162 = tpu.memref_slice %arg8[%rem3A_78, %dma_start3A_149, %dma_start3A_160, %dma_start3A_161] : memref<2x4x40x128xf32, #tpu.memory_space<vmem>> -> memref<1x1x40x128xf32, #tpu.memory_space<vmem>>
        %dma_start3A_163 = tpu.memref_squeeze %dma_start3A_162 : memref<1x1x40x128xf32, #tpu.memory_space<vmem>> -> memref<40x128xf32, #tpu.memory_space<vmem>>
        tpu.enqueue_dma source(%dma_start3A_163 : memref<40x128xf32, #tpu.memory_space<vmem>>) target(%dma_start3A_159 : memref<40x128xf32, #tpu.memory_space<hbm>>) target_semaphore(%arg11 : memref<!tpu.dma_semaphore, #tpu.memory_space<semaphore_mem>>)
        %scan3A_164 = arith.constant 0 : i32
        scf.yield %scan3A_164 : i32
      }
      %scan3A_36 = arith.constant 32 : i32
      %dma_wait3A_37 = arith.constant 0 : i32
      %dma_wait3A_38 = arith.constant 0 : i32
      %dma_wait3A_39 = arith.constant 0 : i32
      %dma_wait3A_40 = arith.constant 0 : i32
      %dma_wait3A_41 = tpu.memref_slice %arg8[%dma_wait3A_37, %dma_wait3A_38, %dma_wait3A_39, %dma_wait3A_40] : memref<2x4x40x128xf32, #tpu.memory_space<vmem>> -> memref<1x4x40x128xf32, #tpu.memory_space<vmem>>
      %dma_wait3A_42 = tpu.memref_squeeze %dma_wait3A_41 : memref<1x4x40x128xf32, #tpu.memory_space<vmem>> -> memref<4x40x128xf32, #tpu.memory_space<vmem>>
      %dma_wait3A_43 = arith.constant 0 : i32
      %dma_wait3A_44 = arith.constant 0 : i32
      %dma_wait3A_45 = arith.constant 0 : i32
      %dma_wait3A_46 = tpu.memref_slice %arg4[%dma_wait3A_43, %dma_wait3A_44, %dma_wait3A_45] : memref<4096x200x128xf32, #tpu.memory_space<hbm>> -> memref<4x40x128xf32, #tpu.memory_space<hbm>>
      %dma_wait3A_47 = arith.constant 0 : i32
      %dma_wait3A_48 = arith.constant 0 : i32
      %dma_wait3A_49 = arith.constant 0 : i32
      %dma_wait3A_50 = tpu.memref_slice %arg4[%dma_wait3A_47, %dma_wait3A_48, %dma_wait3A_49] : memref<4096x200x128xf32, #tpu.memory_space<hbm>> -> memref<4x40x128xf32, #tpu.memory_space<hbm>>
      %dma_wait3A_51 = arith.constant 0 : i32
      %dma_wait3A_52 = arith.constant 0 : i32
      %dma_wait3A_53 = arith.constant 0 : i32
      %dma_wait3A_54 = tpu.memref_slice %arg8[%dma_wait3A_37, %dma_wait3A_51, %dma_wait3A_52, %dma_wait3A_53] : memref<2x4x40x128xf32, #tpu.memory_space<vmem>> -> memref<1x4x40x128xf32, #tpu.memory_space<vmem>>
      %dma_wait3A_55 = tpu.memref_squeeze %dma_wait3A_54 : memref<1x4x40x128xf32, #tpu.memory_space<vmem>> -> memref<4x40x128xf32, #tpu.memory_space<vmem>>
      tpu.wait_dma2 semaphore(%arg11 : memref<!tpu.dma_semaphore, #tpu.memory_space<semaphore_mem>>) src(%dma_wait3A_55 : memref<4x40x128xf32, #tpu.memory_space<vmem>>) dst(%dma_wait3A_50 : memref<4x40x128xf32, #tpu.memory_space<hbm>>)
      %dma_wait3A_56 = arith.constant 0 : i32
      %dma_wait3A_57 = arith.constant 0 : i32
      %dma_wait3A_58 = arith.constant 0 : i32
      %dma_wait3A_59 = arith.constant 0 : i32
      %dma_wait3A_60 = tpu.memref_slice %arg8[%dma_wait3A_56, %dma_wait3A_57, %dma_wait3A_58, %dma_wait3A_59] : memref<2x4x40x128xf32, #tpu.memory_space<vmem>> -> memref<1x4x40x128xf32, #tpu.memory_space<vmem>>
      %dma_wait3A_61 = tpu.memref_squeeze %dma_wait3A_60 : memref<1x4x40x128xf32, #tpu.memory_space<vmem>> -> memref<4x40x128xf32, #tpu.memory_space<vmem>>
      %dma_wait3A_62 = arith.constant 0 : i32
      %dma_wait3A_63 = arith.constant 0 : i32
      %dma_wait3A_64 = arith.constant 0 : i32
      %dma_wait3A_65 = tpu.memref_slice %arg4[%dma_wait3A_62, %dma_wait3A_63, %dma_wait3A_64] : memref<4096x200x128xf32, #tpu.memory_space<hbm>> -> memref<4x40x128xf32, #tpu.memory_space<hbm>>
      %dma_wait3A_66 = arith.constant 0 : i32
      %dma_wait3A_67 = arith.constant 0 : i32
      %dma_wait3A_68 = arith.constant 0 : i32
      %dma_wait3A_69 = tpu.memref_slice %arg4[%dma_wait3A_66, %dma_wait3A_67, %dma_wait3A_68] : memref<4096x200x128xf32, #tpu.memory_space<hbm>> -> memref<4x40x128xf32, #tpu.memory_space<hbm>>
      %dma_wait3A_70 = arith.constant 0 : i32
      %dma_wait3A_71 = arith.constant 0 : i32
      %dma_wait3A_72 = arith.constant 0 : i32
      %dma_wait3A_73 = tpu.memref_slice %arg8[%dma_wait3A_56, %dma_wait3A_70, %dma_wait3A_71, %dma_wait3A_72] : memref<2x4x40x128xf32, #tpu.memory_space<vmem>> -> memref<1x4x40x128xf32, #tpu.memory_space<vmem>>
      %dma_wait3A_74 = tpu.memref_squeeze %dma_wait3A_73 : memref<1x4x40x128xf32, #tpu.memory_space<vmem>> -> memref<4x40x128xf32, #tpu.memory_space<vmem>>
      tpu.wait_dma2 semaphore(%arg11 : memref<!tpu.dma_semaphore, #tpu.memory_space<semaphore_mem>>) src(%dma_wait3A_74 : memref<4x40x128xf32, #tpu.memory_space<vmem>>) dst(%dma_wait3A_69 : memref<4x40x128xf32, #tpu.memory_space<hbm>>)
      %scan3A_75 = arith.constant 0 : i32
      scf.yield %scan3A_75 : i32
    }
    %scan3A_11 = arith.constant 5 : i32
    return
  }
}

</mosaic_0001>

<sc_bundles>
// kernel: _run.3.cloned.1.call-start
scs
__scs_entry_jumppad:
0x0: {  	(pc) =	sbr.rel $0x88, $3  }
0x1: {  	(tag) =	ssettag $0x0;
	lr =	simm.s32 $0x1  }
0x2: {  	[smem:$0x3F9F] =	sst lr;
	_ =	strace $0xD0000000  }
0x3: {  	_ = 	snop  }
0x4: {  	_ = 	snop  }
0x5: {  	_ = 	snop  }
0x6: {  	_ = 	snop  }
0x7: {  	_ = 	snop  }
__scs_overlays_trampoline_lowered:
0x8: {  	[smem:$0x3FAE] =	sst s0  }
0x9: {  	[smem:$0x3FAF] =	sst s1  }
0xa: {  	[smem:$0x3FB0] =	sst s2  }
0xb: {  	[smem:$0x3FB1] =	sst s3  }
0xc: {  	[smem:$0x3FB2] =	sst s4  }
0xd: {  	[smem:$0x3FB3] =	sst s5  }
0xe: {  	[smem:$0x3FB4] =	sst s6  }
0xf: {  	[smem:$0x3FB5] =	sst s7  }
0x10: {  	[smem:$0x3FB6] =	sst s8  }
0x11: {  	[smem:$0x3FB7] =	sst s9;
	s0 =	simm.s32 @!p0 $0x0  }
0x12: {  	s1 =	sld [smem:$0x3F9D];
	s0 =	simm.s32 @p0 $0x1  }
0x13: {  	[smem:$0x3FB8] =	sst s0;
	s0 =	simm.s32 @!p1 $0x0  }
0x14: {  	s2 =	sld [smem:$0x3F9C];
	s0 =	simm.s32 @p1 $0x1  }
0x15: {  	[smem:$0x3FB9] =	sst s0;
	s0 =	simm.s32 @!p2 $0x0  }
0x16: {  	s3 =	sld [smem:$0x3FDB];
	s0 =	simm.s32 @p2 $0x1  }
0x17: {  	s4 =	simm.s32 $0x1BF5;
	[smem:$0x3FBB] =	sst s0  }
0x18: {  	s0 =	sld [smem:$0x3F9E];
	_ =	swait.ge [sflag:s4], $0x0  }
0x19: {  	s7 =	sld [smem:$0x3F9F]  }
0x1a: {  	s8 =	sadd.s32 $0xFFFFE003, lr  }
0x1b: {  	s9 =	sadd.s32 $0xFFFFFEF7, lr;
	s5 =	simm.s32 $0xFFFFFFFF;
	p2 =	slt.u32 s8, $0xFFFFF086  }
0x1c: {  	p1 =	slt.u32 s9, $0xF7A;
	s5 =	simm.s32 @!p2 $0x0  }
0x1d: {  	s5 =	simm.s32 @p1 $0x1;
	p0 =	seq.s32 s7, s2  }
0x1e: {  	s7 =	smul.u32 @!p0 $0xF7A, s2;
	p2 =	seq.s32 @!p0 s5, $0x0  }
0x1f: {  	s9 =	smul.u32 $0xF7A, s1;
	s8 =	simm.s32 @!p0 $0x1BF5;
	p2 =	por !p2, p0  }
0x20: {  	[sflag:s8] =	ssyncset.s32 @!p0 $0xFFFFF086;
	s6 =	sadd.s32 @!p0 s3, s7;
	s7 =	simm.s32 @!p0 $0x108  }
0x21: {  	s3 =	sadd.s32 s3, s9;
	s6 =	sadd.s32 @!p0 $0x88, s6;
	s7 =	simm.s32 @p2 $0x1082  }
0x22: {  	[simem:s7], [sflag:s8] =	dma.local @!p0 [hbm:s6], $0xF7A  }
0x23: {  	s9 =	sor.u32 $0xD0000000, s2;
	s6 =	simm.s32 $0x108;
	_ =	swait.ge @!p0 [sflag:s8], $0x0  }
0x24: {  	s3 =	sadd.s32 $0x88, s3;
	s6 =	simm.s32 @!p1 $0x1082;
	[sflag:s4] =	ssyncset.s32 $0xFFFFF086  }
0x25: {  	[simem:s6], [sflag:s4] =	dma.local [hbm:s3], $0xF7A  }
0x26: {  	[smem:$0x3F9F] =	sst s1;
	(tag) =	ssettag s2;
	_ =	strace s9  }
0x27: {  	s1 =	sld [smem:$0x3FAF]  }
0x28: {  	s2 =	sld [smem:$0x3FB0]  }
0x29: {  	s4 =	sld [smem:$0x3FB2]  }
0x2a: {  	p0 =	seq.s32 s5, $0x0;
	s5 =	sld [smem:$0x3FB3]  }
0x2b: {  	s6 =	sld [smem:$0x3FB4]  }
0x2c: {  	s7 =	sld [smem:$0x3FB5]  }
0x2d: {  	s3 =	simm.s32 $0x108;
	s8 =	sld [smem:$0x3FB6]  }
0x2e: {  	s3 =	simm.s32 @!p0 $0x1082;
	s9 =	sld [smem:$0x3FB7]  }
0x2f: {  	lr =	sadd.s32 s0, s3;
	s0 =	sld [smem:$0x3FAE]  }
0x30: {  	s3 =	sld [smem:$0x3FB1]  }
0x31: {  	[smem:$0x3FBA] =	sst s10  }
0x32: {  	s10 =	sld [smem:$0x3FB8];
	_ =	sdelay $0x3  }
0x33: {  	p0 =	seq.s32 s10, $0x1;
	s10 =	sld [smem:$0x3FBA];
	_ =	sdelay $0x3  }
0x34: {  	[smem:$0x3FBA] =	sst s10  }
0x35: {  	s10 =	sld [smem:$0x3FB9];
	_ =	sdelay $0x3  }
0x36: {  	p1 =	seq.s32 s10, $0x1;
	s10 =	sld [smem:$0x3FBA];
	_ =	sdelay $0x3  }
0x37: {  	[smem:$0x3FBA] =	sst s10  }
0x38: {  	s10 =	sld [smem:$0x3FBB]  }
0x39: {  	_ = 	snop;
	(pc) =	sbr.ind lr, $3  }
0x3a: {  	_ = 	snop  }
0x3b: {  	_ = 	snop  }
0x3c: {  	p2 =	seq.s32 s10, $0x1;
	s10 =	sld [smem:$0x3FBA]  }
0x3d: {  	_ =	shalt  }
0x3e: {  	_ =	shalt  }
0x3f: {  	_ =	shalt  }
0x40: {  	_ =	shalt  }
0x41: {  	_ =	shalt  }
0x42: {  	_ =	shalt  }
0x43: {  	_ =	shalt  }
0x44: {  	_ =	shalt  }
0x45: {  	_ =	shalt  }
0x46: {  	_ =	shalt  }
0x47: {  	_ =	shalt  }
0x48: {  	_ =	shalt  }
0x49: {  	_ =	shalt  }
0x4a: {  	_ =	shalt  }
0x4b: {  	_ =	shalt  }
0x4c: {  	_ =	shalt  }
0x4d: {  	_ =	shalt  }
0x4e: {  	_ =	shalt  }
0x4f: {  	_ =	shalt  }
0x50: {  	_ =	shalt  }
0x51: {  	_ =	shalt  }
0x52: {  	_ =	shalt  }
0x53: {  	_ =	shalt  }
0x54: {  	_ =	shalt  }
0x55: {  	_ =	shalt  }
0x56: {  	_ =	shalt  }
0x57: {  	_ =	shalt  }
0x58: {  	_ =	shalt  }
0x59: {  	_ =	shalt  }
0x5a: {  	_ =	shalt  }
0x5b: {  	_ =	shalt  }
0x5c: {  	_ =	shalt  }
0x5d: {  	_ =	shalt  }
0x5e: {  	_ =	shalt  }
0x5f: {  	_ =	shalt  }
0x60: {  	_ =	shalt  }
0x61: {  	_ =	shalt  }
0x62: {  	_ =	shalt  }
0x63: {  	_ =	shalt  }
0x64: {  	_ =	shalt  }
0x65: {  	_ =	shalt  }
0x66: {  	_ =	shalt  }
0x67: {  	_ =	shalt  }
0x68: {  	_ =	shalt  }
0x69: {  	_ =	shalt  }
0x6a: {  	_ =	shalt  }
0x6b: {  	_ =	shalt  }
0x6c: {  	_ =	shalt  }
0x6d: {  	_ =	shalt  }
0x6e: {  	_ =	shalt  }
0x6f: {  	_ =	shalt  }
0x70: {  	_ =	shalt  }
0x71: {  	_ =	shalt  }
0x72: {  	_ =	shalt  }
0x73: {  	_ =	shalt  }
0x74: {  	_ =	shalt  }
0x75: {  	_ =	shalt  }
0x76: {  	_ =	shalt  }
0x77: {  	_ =	shalt  }
0x78: {  	_ =	shalt  }
0x79: {  	_ =	shalt  }
0x7a: {  	_ =	shalt  }
0x7b: {  	_ =	shalt  }
0x7c: {  	_ =	shalt  }
0x7d: {  	_ =	shalt  }
0x7e: {  	_ =	shalt  }
0x7f: {  	_ =	shalt  }
0x80: {  	_ =	shalt  }
0x81: {  	_ =	shalt  }
0x82: {  	_ =	shalt  }
0x83: {  	_ =	shalt  }
0x84: {  	_ =	shalt  }
0x85: {  	_ =	shalt  }
0x86: {  	_ =	shalt  }
0x87: {  	_ =	shalt  }
.Lfunc_end0:
.L_simem_size_0:
called_computation_lowered:
.L_overlay_start_0:
0x88: {  	s2 =	sld [smem:$0x3FD9]  }
0x89: {  	s3 =	sld [smem:$0x3FFE];
	_ =	sdelay $0x1  }
0x8a: {  	s1 =	srdreg.scid  }
0x8b: {  	s0 =	sand.u32 $0x1, s1  }
0x8c: {  	s18 =	sshll.u32 s0, $0xA;
	s2 =	sadd.s32 s3, s2  }
0x8d: {  	s2 =	sadd.s32 s2, s18  }
0x8e: {  	[smem:$0x3FC6] =	sst s2  }
0x8f: {  	_ = 	snop  }
0x90: {  	s2 =	sld [smem:$0x3FC9]  }
0x91: {  	s19 =	sld [smem:$0x3FC8]  }
0x92: {  	s4 =	sld [smem:$0x3FD0];
	(tm) =	ssettm $0x1  }
0x93: {  	s5 =	sld [smem:$0x3FFB];
	_ =	sdelay $0x3  }
0x94: {  	_ =	strace s5  }
0x95: {  	s5 =	sld [smem:$0x3FFC];
	_ =	sdelay $0x3  }
0x96: {  	_ =	strace s5  }
0x97: {  	s5 =	sld [smem:$0x3FFD];
	_ =	sdelay $0x3  }
0x98: {  	_ =	strace s5  }
0x99: {  	_ =	strace $0x8FFFFFFF  }
0x9a: {  	s20 =	sld [smem:$0x3FDB];
	_ =	sdelay $0x1  }
0x9b: {  	s6 =	simm.s32 $_scs_section_size  }
0x9c: {  	s7 =	simm.s32 $_size__tile_overlayer_lowered;
	s8 =	simm.s32 $_tile_overlayer_lowered  }
0x9d: {  	s23 =	simm.s32 $0x1BFF;
	s22 =	sshll.u32 s8, $0x1;
	s5 =	sadd.s32 s6, s20  }
0x9e: {  	s9 =	simm.s32 $0x0;
	s21 =	sshll.u32 s7, $0x1;
	s7 =	sadd.s32 s22, s5  }
0x9f: {  	[timem:s9], [sflag:s23] =	dma.local [hbm:s7], s21  }
0xa0: {  	_ =	swait.ge [sflag:s23], s21  }
0xa1: {  	s6 =	ssub.s32 $0x0, s21;
	[sflag:s23] =	ssyncset.done $0x0  }
0xa2: {  	[sflag:s23] =	ssyncadd.s32 s6;
	_ =	sdelay $0x1  }
0xa3: {  	s24 =	simm.s32 $0x1B8B  }
0xa4: {  	_ =	swait.ge [sflag:s24], $0x1  }
0xa5: {  	[sflag:s24] =	ssyncset.done $0x0  }
0xa6: {  	s25 =	simm.s32 $0x1B8E;
	[sflag:s24] =	ssyncadd.s32 $0xFFFFFFFF  }
0xa7: {  	s26 =	simm.s32 $execute0_lowered;
	[smem:$0x3FD2] =	sst s25  }
0xa8: {  	s6 =	sshll.u32 s26, $0x1;
	_ =	strace $0x80000046;
	[dreg:$0x1] =	wrdreg $0xFFFFFFFF  }
0xa9: {  	s28 =	simm.s32 $_size_execute0_lowered;
	s5 =	sadd.s32 s5, s6;
	[dreg:$0x0] =	wrdreg $0x0  }
0xaa: {  	s6 =	sshll.u32 s28, $0x1;
	[dreg:$0x2] =	wrdreg s5  }
0xab: {  	[dreg:$0x3] =	wrdreg s6  }
0xac: {  	[dreg:$0x4] =	wrdreg $0xC0  }
0xad: {  	_ =	task [dreg:s9], $0x5FFFF  }
0xae: {  	[dreg:$0x1] =	wrdreg $0xFFFFFFFF  }
0xaf: {  	[dreg:$0x0] =	wrdreg $0x60  }
0xb0: {  	[dreg:$0x2] =	wrdreg s2  }
0xb1: {  	[dreg:$0x3] =	wrdreg s19  }
0xb2: {  	[dreg:$0x4] =	wrdreg s4  }
0xb3: {  	[dreg:$0x5] =	wrdreg $0x9  }
0xb4: {  	_ =	task.clear_ibuf [dreg:s9], $0x6FFFF;
	_ =	strace $0x90000046  }
0xb5: {  	s29 =	simm.s32 $0x9;
	_ =	strace $0x80000048  }
0xb6: {  	_ =	swait.ge [sflag:s29], $0x1  }
0xb7: {  	[sflag:s29] =	ssyncadd.s32 $0xFFFFFFFF  }
0xb8: {  	_ =	strace $0x90000048  }
0xb9: {  	_ =	sfence  }
0xba: {  	s30 =	sld [smem:$0x0];
	_ =	sdelay $0x2  }
0xbb: {  	s31 =	sshll.u32 s1, $0xD;
	s1 =	sshrl.u32 s1, $0x2  }
0xbc: {  	s3 =	sand.u32 $0x4000, s31;
	s1 =	sadd.s32 s1, s30  }
0xbd: {  	s0 =	sor.u32 s3, s0;
	s1 =	sshll.u32 s1, $0x11  }
0xbe: {  	s0 =	sor.u32 s1, s0  }
0xbf: {  	s0 =	sadd.s32 $0x8F2B, s0  }
0xc0: {  	[sflag:s0] =	ssyncadd.remote.s32 $0x1  }
0xc1: {  	_ =	sfence.sel $0xFFFF  }
0xc2: {  	[dreg:$0x0] =	wrdreg $0xFFFFFFFF;
	(pc) =	sbr.abs _section_cstart, $3  }
0xc3: {  	[dreg:$0x1] =	wrdreg $0xFFFFFFFF  }
0xc4: {  	_ =	task.clear_ibuf [dreg:s9], $0x2FFFF;
	_ =	strace $0x9FFFFFFF  }
0xc5: {  	(tm) =	ssettm $0x7FFFFFFF  }
tec
execute0_lowered:
.L_overlay_start_1:
0x0: {  	(tag) =	ssettag $0x1  }
0x1: {  	s0 =	srdreg.scid  }
0x2: {  	s3 =	stileid.u32;
	s4 =	simm.s32 $0x0;
	s0 =	sand.u32 $0x1, s0  }
0x3: {  	s31 =	simm.s32 $0xD200;
	s1 =	sshll.u32 s3, $0x8;
	s2 =	sshll.u32 s0, $0x7  }
0x4: {  	s29 =	sshll.u32 s3, $0xA;
	s0 =	ssub.s32 $0x2, s0;
	s5 =	sor.u32 s2, s1  }
0x5: {  	[smem:$0x7FF] =	sst s4;
	s30 =	sshrl.u32 s0, $0x1;
	s1 =	sor.u32 s5, s29  }
0x6: {  	v0 =	vlaneseq.u32;
	[smem:$0x7FB] =	sst s5;
	s0 =	ssub.s32 s0, s30;
	s1 =	sand.u32 $0x3380, s1  }
0x7: {  	v1 =	vmul.u32 $0xA1, v0;
	_ =	strace $0x80000047;
	s0 =	smax.u32 s0, $0x1;
	[smem:$0x7FC] =	sst s1  }
0x8: {  	s3 =	simm.s32 $0x0;
	[smem:$0x7FD] =	sst s0;
	s1 =	simm.s32 $0x0  }
.LBB2_1:
0x9: {  	[smem:$0x7FA] =	sst s1  }
0xa: {  	s0 =	rddreg [dreg:$0x1];
	s30 =	simm.s32 $0x1  }
0xb: {  	[tilespmem:s3], [sflag:$0x1] =	stream.linear.gather [hbm4b:s0+s3], $0x8200, $0x38;
	[tilespmem:$0x1C280] =	vst v63  }
0xc: {  	_ =	swait.ge [sflag:s30], $0x8200  }
0xd: {  	[sflag:s30] =	ssyncset.done $0x0  }
0xe: {  	s1 =	simm.s32 $0x0;
	[sflag:s30] =	ssyncadd.s32 $0xFFFF7E00  }
.LBB2_2:
0xf: {  	s9 =	sld [smem:$0x7FC]  }
0x10: {  	s0 =	smul.u32 $0xA0000, s1;
	_ =	sdelay $0x1  }
0x11: {  	[smem:$0x7F9] =	sst s1;
	s0 =	sor.u32 s9, s0  }
0x12: {  	s10 =	rddreg [dreg:$0x0];
	s1 =	simm.s32 $0x80;
	s0 =	sshrl.u32 s0, $0x3  }
0x13: {  	s3 =	simm.s32 $0x4000;
	s2 =	simm.s32 $0x8200;
	s0 =	sadd.s32 s10, s0  }
0x14: {  	[tilespmem:s2], [sflag:$0x2] =	stream.strided.gather [hbm4b:s0+s1], $0x400, s3, s1, $0x38;
	[tilespmem:$0x1C280] =	vst v63  }
0x15: {  	s4 =	simm.s32 $0x8600;
	s11 =	sadd.s32 $0x80, s0  }
0x16: {  	[tilespmem:s4], [sflag:$0x2] =	stream.strided.gather [hbm4b:s11+s1], $0x400, s3, s1, $0x38;
	[tilespmem:$0x1C280] =	vst v63  }
0x17: {  	s13 =	simm.s32 $0x8A00;
	s12 =	sadd.s32 $0x100, s0  }
0x18: {  	[tilespmem:s13], [sflag:$0x2] =	stream.strided.gather [hbm4b:s12+s1], $0x400, s3, s1, $0x38;
	[tilespmem:$0x1C280] =	vst v63  }
0x19: {  	s15 =	simm.s32 $0x8E00;
	s14 =	sadd.s32 $0x180, s0  }
0x1a: {  	[tilespmem:s15], [sflag:$0x2] =	stream.strided.gather [hbm4b:s14+s1], $0x400, s3, s1, $0x38;
	[tilespmem:$0x1C280] =	vst v63  }
0x1b: {  	s17 =	simm.s32 $0x9200;
	s16 =	sadd.s32 $0x4000, s0  }
0x1c: {  	[tilespmem:s17], [sflag:$0x2] =	stream.strided.gather [hbm4b:s16+s1], $0x400, s3, s1, $0x38;
	[tilespmem:$0x1C280] =	vst v63  }
0x1d: {  	s19 =	simm.s32 $0x9600;
	s18 =	sadd.s32 $0x4080, s0  }
0x1e: {  	[tilespmem:s19], [sflag:$0x2] =	stream.strided.gather [hbm4b:s18+s1], $0x400, s3, s1, $0x38;
	[tilespmem:$0x1C280] =	vst v63  }
0x1f: {  	s21 =	simm.s32 $0x9A00;
	s20 =	sadd.s32 $0x4100, s0  }
0x20: {  	[tilespmem:s21], [sflag:$0x2] =	stream.strided.gather [hbm4b:s20+s1], $0x400, s3, s1, $0x38;
	[tilespmem:$0x1C280] =	vst v63  }
0x21: {  	s23 =	simm.s32 $0x9E00;
	s22 =	sadd.s32 $0x4180, s0  }
0x22: {  	[tilespmem:s23], [sflag:$0x2] =	stream.strided.gather [hbm4b:s22+s1], $0x400, s3, s1, $0x38;
	[tilespmem:$0x1C280] =	vst v63  }
0x23: {  	s25 =	simm.s32 $0xA200;
	s24 =	sadd.s32 $0x8000, s0  }
0x24: {  	[tilespmem:s25], [sflag:$0x2] =	stream.strided.gather [hbm4b:s24+s1], $0x400, s3, s1, $0x38;
	[tilespmem:$0x1C280] =	vst v63  }
0x25: {  	s28 =	simm.s32 $0xA600;
	s26 =	sadd.s32 $0x8080, s0  }
0x26: {  	[tilespmem:s28], [sflag:$0x2] =	stream.strided.gather [hbm4b:s26+s1], $0x400, s3, s1, $0x38;
	[tilespmem:$0x1C280] =	vst v63  }
0x27: {  	s30 =	simm.s32 $0xAA00;
	s29 =	sadd.s32 $0x8100, s0  }
0x28: {  	[tilespmem:s30], [sflag:$0x2] =	stream.strided.gather [hbm4b:s29+s1], $0x400, s3, s1, $0x38;
	[tilespmem:$0x1C280] =	vst v63  }
0x29: {  	s5 =	simm.s32 $0xAE00;
	s4 =	sadd.s32 $0x8180, s0  }
0x2a: {  	[tilespmem:s5], [sflag:$0x2] =	stream.strided.gather [hbm4b:s4+s1], $0x400, s3, s1, $0x38;
	[tilespmem:$0x1C280] =	vst v63  }
0x2b: {  	s7 =	simm.s32 $0xB200;
	s6 =	sadd.s32 $0xC000, s0  }
0x2c: {  	[tilespmem:s7], [sflag:$0x2] =	stream.strided.gather [hbm4b:s6+s1], $0x400, s3, s1, $0x38;
	[tilespmem:$0x1C280] =	vst v63  }
0x2d: {  	s9 =	simm.s32 $0xB600;
	s8 =	sadd.s32 $0xC080, s0  }
0x2e: {  	[tilespmem:s9], [sflag:$0x2] =	stream.strided.gather [hbm4b:s8+s1], $0x400, s3, s1, $0x38;
	[tilespmem:$0x1C280] =	vst v63  }
0x2f: {  	s10 =	sadd.s32 $0xC100, s0;
	s11 =	simm.s32 $0xBA00  }
0x30: {  	[tilespmem:s11], [sflag:$0x2] =	stream.strided.gather [hbm4b:s10+s1], $0x400, s3, s1, $0x38;
	[tilespmem:$0x1C280] =	vst v63  }
0x31: {  	s12 =	sadd.s32 $0xC180, s0;
	s13 =	simm.s32 $0xBE00  }
0x32: {  	[tilespmem:s13], [sflag:$0x2] =	stream.strided.gather [hbm4b:s12+s1], $0x400, s3, s1, $0x38;
	[tilespmem:$0x1C280] =	vst v63  }
0x33: {  	s0 =	sadd.s32 $0x10000, s0;
	s14 =	simm.s32 $0xC200  }
0x34: {  	[tilespmem:s14], [sflag:$0x2] =	stream.strided.gather [hbm4b:s0+s1], $0x400, s3, s1, $0x38;
	[tilespmem:$0x1C280] =	vst v63  }
0x35: {  	s15 =	sadd.s32 $0x80, s0;
	s16 =	simm.s32 $0xC600  }
0x36: {  	[tilespmem:s16], [sflag:$0x2] =	stream.strided.gather [hbm4b:s15+s1], $0x400, s3, s1, $0x38;
	[tilespmem:$0x1C280] =	vst v63  }
0x37: {  	s17 =	sadd.s32 $0x100, s0;
	s18 =	simm.s32 $0xCA00  }
0x38: {  	[tilespmem:s18], [sflag:$0x2] =	stream.strided.gather [hbm4b:s17+s1], $0x400, s3, s1, $0x38;
	[tilespmem:$0x1C280] =	vst v63  }
0x39: {  	s19 =	simm.s32 $0xCE00;
	s0 =	sadd.s32 $0x180, s0  }
0x3a: {  	[tilespmem:s19], [sflag:$0x2] =	stream.strided.gather [hbm4b:s0+s1], $0x400, s3, s1, $0x38;
	[tilespmem:$0x1C280] =	vst v63  }
0x3b: {  	s20 =	simm.s32 $0x2;
	s3 =	simm.s32 $0x0  }
0x3c: {  	s22 =	simm.s32 $0x0;
	_ =	swait.ge [sflag:s20], $0x5000;
	s21 =	sand.u32 $0x7000, s3  }
0x3d: {  	s2 =	sand.u32 $0x300, s22;
	[sflag:s20] =	ssyncset.done $0x0;
	s23 =	sor.u32 $0x8200, s21  }
0x3e: {  	s24 =	simm.s32 $0x0;
	[sflag:s20] =	ssyncadd.s32 $0xFFFFB000;
	s7 =	sadd.s32 s2, s23  }
0x3f: {  	v2 =	vadd.s32 s24, v1;
	v3 =	vld [tilespmem:s7+$0x0];
	_ =	sdelay $0x4  }
0x40: {  	s25 =	simm.s32 $0x1;
	[tilespmem:v2+s31+$0x0] =	vst.idx.msk $0xffff, v3  }
0x41: {  	v2 =	vadd.s32 s25, v1;
	v3 =	vld [tilespmem:s7+$0x400];
	_ =	sdelay $0x4  }
0x42: {  	s26 =	simm.s32 $0x2;
	[tilespmem:v2+s31+$0x0] =	vst.idx.msk $0xffff, v3  }
0x43: {  	v2 =	vadd.s32 s26, v1;
	v3 =	vld [tilespmem:s7+$0x800];
	_ =	sdelay $0x1  }
0x44: {  	s28 =	sand.u32 $0x3, s3  }
0x45: {  	s0 =	sshll.u32 s28, $0x8  }
0x46: {  	s2 =	sadd.s32 $0x0, s0  }
0x47: {  	s5 =	simm.s32 $0x3;
	s0 =	sor.u32 $0xC00, s2;
	[tilespmem:v2+s31+$0x0] =	vst.idx.msk $0xffff, v3  }
0x48: {  	v2 =	vadd.s32 s5, v1;
	v3 =	vld [tilespmem:s0+$0x8200];
	_ =	sdelay $0x4  }
0x49: {  	s29 =	simm.s32 $0xA10;
	[tilespmem:v2+s31+$0x0] =	vst.idx.msk $0xffff, v3  }
0x4a: {  	v2 =	vadd.s32 s29, v1;
	v3 =	vld [tilespmem:s7+$0x10];
	_ =	sdelay $0x4  }
0x4b: {  	s30 =	simm.s32 $0xA11;
	[tilespmem:v2+s31+$0x0] =	vst.idx.msk $0xffff, v3  }
0x4c: {  	v3 =	vadd.s32 s30, v1;
	v2 =	vld [tilespmem:s7+$0x410];
	_ =	sdelay $0x4  }
0x4d: {  	s5 =	simm.s32 $0xA12;
	[tilespmem:v3+s31+$0x0] =	vst.idx.msk $0xffff, v2  }
0x4e: {  	v3 =	vadd.s32 s5, v1;
	v2 =	vld [tilespmem:s7+$0x810];
	_ =	sdelay $0x4  }
0x4f: {  	s8 =	simm.s32 $0xA13;
	s6 =	sor.u32 $0xC10, s2;
	[tilespmem:v3+s31+$0x0] =	vst.idx.msk $0xffff, v2  }
0x50: {  	v3 =	vadd.s32 s8, v1;
	v2 =	vld [tilespmem:s6+$0x8200];
	_ =	sdelay $0x4  }
0x51: {  	s9 =	simm.s32 $0x1420;
	[tilespmem:v3+s31+$0x0] =	vst.idx.msk $0xffff, v2  }
0x52: {  	v3 =	vadd.s32 s9, v1;
	v2 =	vld [tilespmem:s7+$0x20];
	_ =	sdelay $0x4  }
0x53: {  	s10 =	simm.s32 $0x1421;
	s12 =	simm.s32 $0x400;
	[tilespmem:v3+s31+$0x0] =	vst.idx.msk $0xffff, v2  }
0x54: {  	s0 =	sand.u32 $0x7000, s12;
	s6 =	simm.s32 $0x100;
	v3 =	vadd.s32 s10, v1;
	v2 =	vld [tilespmem:s7+$0x420]  }
0x55: {  	s0 =	sor.u32 $0x8200, s0;
	s14 =	sand.u32 $0x300, s6  }
0x56: {  	s15 =	simm.s32 $0x8;
	s12 =	sadd.s32 s14, s0  }
0x57: {  	v4 =	vadd.s32 s15, v1;
	v5 =	vld [tilespmem:s12+$0x0];
	_ =	sdelay $0x1  }
0x58: {  	s13 =	simm.s32 $0x1422;
	[tilespmem:v3+s31+$0x0] =	vst.idx.msk $0xffff, v2  }
0x59: {  	v3 =	vadd.s32 s13, v1;
	v2 =	vld [tilespmem:s7+$0x820];
	_ =	sdelay $0x1  }
0x5a: {  	s1 =	sand.u32 $0x380, s1;
	s19 =	simm.s32 $0x9;
	[tilespmem:v4+s31+$0x0] =	vst.idx.msk $0xffff, v5  }
0x5b: {  	s16 =	simm.s32 $0x4;
	v4 =	vadd.s32 s19, v1;
	v5 =	vld [tilespmem:s12+$0x400];
	s13 =	sadd.s32 s1, s23  }
0x5c: {  	v6 =	vadd.s32 s16, v1;
	v7 =	vld [tilespmem:s13+$0x0]  }
0x5d: {  	s18 =	simm.s32 $0x1423;
	s17 =	sor.u32 $0xC20, s2;
	[tilespmem:v3+s31+$0x0] =	vst.idx.msk $0xffff, v2  }
0x5e: {  	v3 =	vadd.s32 s18, v1;
	v2 =	vld [tilespmem:s17+$0x8200];
	_ =	sdelay $0x1  }
0x5f: {  	s22 =	simm.s32 $0xA;
	[tilespmem:v4+s31+$0x0] =	vst.idx.msk $0xffff, v5  }
0x60: {  	s20 =	simm.s32 $0x5;
	v4 =	vadd.s32 s22, v1;
	v5 =	vld [tilespmem:s12+$0x800];
	[tilespmem:v6+s31+$0x0] =	vst.idx.msk $0xffff, v7  }
0x61: {  	s24 =	simm.s32 $0x1;
	v6 =	vadd.s32 s20, v1;
	v7 =	vld [tilespmem:s13+$0x400]  }
0x62: {  	s21 =	simm.s32 $0x1E30;
	s1 =	sand.u32 $0x3, s24;
	[tilespmem:v3+s31+$0x0] =	vst.idx.msk $0xffff, v2  }
0x63: {  	s1 =	sshll.u32 s1, $0x8;
	v3 =	vadd.s32 s21, v1;
	v2 =	vld [tilespmem:s7+$0x30]  }
0x64: {  	s15 =	sadd.s32 $0x400, s1  }
0x65: {  	s26 =	simm.s32 $0xB;
	s1 =	sor.u32 $0xC00, s15;
	[tilespmem:v4+s31+$0x0] =	vst.idx.msk $0xffff, v5  }
0x66: {  	s23 =	simm.s32 $0x6;
	v4 =	vadd.s32 s26, v1;
	v5 =	vld [tilespmem:s1+$0x8200];
	[tilespmem:v6+s31+$0x0] =	vst.idx.msk $0xffff, v7  }
0x67: {  	v6 =	vadd.s32 s23, v1;
	v7 =	vld [tilespmem:s13+$0x800]  }
0x68: {  	s25 =	simm.s32 $0x1E31;
	[tilespmem:v3+s31+$0x0] =	vst.idx.msk $0xffff, v2  }
0x69: {  	s3 =	sand.u32 $0x7, s3;
	v3 =	vadd.s32 s25, v1;
	v2 =	vld [tilespmem:s7+$0x430]  }
0x6a: {  	s3 =	sshll.u32 s3, $0x7  }
0x6b: {  	s16 =	sadd.s32 $0x80, s3;
	s3 =	simm.s32 $0xA18;
	[tilespmem:v4+s31+$0x0] =	vst.idx.msk $0xffff, v5  }
0x6c: {  	s28 =	sor.u32 $0xC00, s16;
	s29 =	simm.s32 $0x7;
	v4 =	vadd.s32 s3, v1;
	v5 =	vld [tilespmem:s12+$0x10];
	[tilespmem:v6+s31+$0x0] =	vst.idx.msk $0xffff, v7  }
0x6d: {  	v6 =	vadd.s32 s29, v1;
	v7 =	vld [tilespmem:s28+$0x8200]  }
0x6e: {  	s30 =	simm.s32 $0x1E32;
	[tilespmem:v3+s31+$0x0] =	vst.idx.msk $0xffff, v2  }
0x6f: {  	v3 =	vadd.s32 s30, v1;
	v2 =	vld [tilespmem:s7+$0x830];
	_ =	sdelay $0x1  }
0x70: {  	s8 =	simm.s32 $0xA19;
	[tilespmem:v4+s31+$0x0] =	vst.idx.msk $0xffff, v5  }
0x71: {  	s4 =	simm.s32 $0xA14;
	v5 =	vadd.s32 s8, v1;
	v4 =	vld [tilespmem:s12+$0x410];
	[tilespmem:v6+s31+$0x0] =	vst.idx.msk $0xffff, v7  }
0x72: {  	v6 =	vadd.s32 s4, v1;
	v7 =	vld [tilespmem:s13+$0x10]  }
0x73: {  	s5 =	sor.u32 $0xC30, s2;
	s6 =	simm.s32 $0x1E33;
	[tilespmem:v3+s31+$0x0] =	vst.idx.msk $0xffff, v2  }
0x74: {  	v3 =	vadd.s32 s6, v1;
	v2 =	vld [tilespmem:s5+$0x8200];
	_ =	sdelay $0x1  }
0x75: {  	s14 =	simm.s32 $0xA1A;
	[tilespmem:v5+s31+$0x0] =	vst.idx.msk $0xffff, v4  }
0x76: {  	s9 =	simm.s32 $0xA15;
	v5 =	vadd.s32 s14, v1;
	v4 =	vld [tilespmem:s12+$0x810];
	[tilespmem:v6+s31+$0x0] =	vst.idx.msk $0xffff, v7  }
0x77: {  	v7 =	vadd.s32 s9, v1;
	v6 =	vld [tilespmem:s13+$0x410]  }
0x78: {  	s10 =	simm.s32 $0x2840;
	[tilespmem:v3+s31+$0x0] =	vst.idx.msk $0xffff, v2  }
0x79: {  	v3 =	vadd.s32 s10, v1;
	v2 =	vld [tilespmem:s7+$0x40];
	_ =	sdelay $0x1  }
0x7a: {  	s19 =	sor.u32 $0xC10, s15;
	s20 =	simm.s32 $0xA1B;
	[tilespmem:v5+s31+$0x0] =	vst.idx.msk $0xffff, v4  }
0x7b: {  	s17 =	simm.s32 $0xA16;
	v5 =	vadd.s32 s20, v1;
	v4 =	vld [tilespmem:s19+$0x8200];
	[tilespmem:v7+s31+$0x0] =	vst.idx.msk $0xffff, v6  }
0x7c: {  	v7 =	vadd.s32 s17, v1;
	v6 =	vld [tilespmem:s13+$0x810]  }
0x7d: {  	s18 =	simm.s32 $0x2841;
	[tilespmem:v3+s31+$0x0] =	vst.idx.msk $0xffff, v2  }
0x7e: {  	v3 =	vadd.s32 s18, v1;
	v2 =	vld [tilespmem:s7+$0x440];
	_ =	sdelay $0x1  }
0x7f: {  	s24 =	simm.s32 $0x1428;
	[tilespmem:v5+s31+$0x0] =	vst.idx.msk $0xffff, v4  }
0x80: {  	s22 =	simm.s32 $0xA17;
	s21 =	sor.u32 $0xC10, s16;
	v5 =	vadd.s32 s24, v1;
	v4 =	vld [tilespmem:s12+$0x20];
	[tilespmem:v7+s31+$0x0] =	vst.idx.msk $0xffff, v6  }
0x81: {  	v7 =	vadd.s32 s22, v1;
	v6 =	vld [tilespmem:s21+$0x8200]  }
0x82: {  	s23 =	simm.s32 $0x2842;
	[tilespmem:v3+s31+$0x0] =	vst.idx.msk $0xffff, v2  }
0x83: {  	v3 =	vadd.s32 s23, v1;
	v2 =	vld [tilespmem:s7+$0x840];
	_ =	sdelay $0x1  }
0x84: {  	s29 =	simm.s32 $0x1429;
	[tilespmem:v5+s31+$0x0] =	vst.idx.msk $0xffff, v4  }
0x85: {  	s25 =	simm.s32 $0x1424;
	v5 =	vadd.s32 s29, v1;
	v4 =	vld [tilespmem:s12+$0x420];
	[tilespmem:v7+s31+$0x0] =	vst.idx.msk $0xffff, v6  }
0x86: {  	v7 =	vadd.s32 s25, v1;
	v6 =	vld [tilespmem:s13+$0x20]  }
0x87: {  	s26 =	sor.u32 $0xC40, s2;
	s28 =	simm.s32 $0x2843;
	[tilespmem:v3+s31+$0x0] =	vst.idx.msk $0xffff, v2  }
0x88: {  	v3 =	vadd.s32 s28, v1;
	v2 =	vld [tilespmem:s26+$0x8200];
	_ =	sdelay $0x1  }
0x89: {  	s5 =	simm.s32 $0x142A;
	[tilespmem:v5+s31+$0x0] =	vst.idx.msk $0xffff, v4  }
0x8a: {  	s30 =	simm.s32 $0x1425;
	v5 =	vadd.s32 s5, v1;
	v4 =	vld [tilespmem:s12+$0x820];
	[tilespmem:v7+s31+$0x0] =	vst.idx.msk $0xffff, v6  }
0x8b: {  	v7 =	vadd.s32 s30, v1;
	v6 =	vld [tilespmem:s13+$0x420]  }
0x8c: {  	s4 =	simm.s32 $0x3250;
	[tilespmem:v3+s31+$0x0] =	vst.idx.msk $0xffff, v2  }
0x8d: {  	v3 =	vadd.s32 s4, v1;
	v2 =	vld [tilespmem:s7+$0x50]  }
0x8e: {  	s8 =	simm.s32 $0x800  }
0x8f: {  	s9 =	simm.s32 $0x180;
	s22 =	simm.s32 $0x142B;
	s21 =	sor.u32 $0xC20, s15;
	[tilespmem:v5+s31+$0x0] =	vst.idx.msk $0xffff, v4  }
0x90: {  	s19 =	simm.s32 $0xC;
	s6 =	simm.s32 $0x1426;
	s17 =	sand.u32 $0x380, s9;
	v5 =	vadd.s32 s22, v1;
	v4 =	vld [tilespmem:s21+$0x8200];
	[tilespmem:v7+s31+$0x0] =	vst.idx.msk $0xffff, v6  }
0x91: {  	s10 =	simm.s32 $0x200;
	s0 =	sadd.s32 s17, s0;
	s4 =	sand.u32 $0x7000, s8;
	v7 =	vadd.s32 s6, v1;
	v6 =	vld [tilespmem:s13+$0x820]  }
0x92: {  	s14 =	simm.s32 $0x3251;
	v10 =	vadd.s32 s19, v1;
	v11 =	vld [tilespmem:s0+$0x0];
	s5 =	sand.u32 $0x300, s10;
	s4 =	sor.u32 $0x8200, s4;
	[tilespmem:v3+s31+$0x0] =	vst.idx.msk $0xffff, v2  }
0x93: {  	s18 =	simm.s32 $0x10;
	s1 =	sadd.s32 s5, s4;
	v3 =	vadd.s32 s14, v1;
	v2 =	vld [tilespmem:s7+$0x450]  }
0x94: {  	v8 =	vadd.s32 s18, v1;
	v9 =	vld [tilespmem:s1+$0x0]  }
0x95: {  	s28 =	simm.s32 $0x1E38;
	[tilespmem:v5+s31+$0x0] =	vst.idx.msk $0xffff, v4  }
0x96: {  	s9 =	sor.u32 $0xC20, s16;
	v5 =	vadd.s32 s28, v1;
	v4 =	vld [tilespmem:s12+$0x30];
	s8 =	simm.s32 $0x1427;
	[tilespmem:v7+s31+$0x0] =	vst.idx.msk $0xffff, v6  }
0x97: {  	[tilespmem:v10+s31+$0x0] =	vst.idx.msk $0xffff, v11;
	s26 =	simm.s32 $0xD;
	v6 =	vadd.s32 s8, v1;
	v7 =	vld [tilespmem:s9+$0x8200]  }
0x98: {  	s20 =	simm.s32 $0x280;
	s24 =	simm.s32 $0x3252;
	v11 =	vld [tilespmem:s0+$0x400];
	v10 =	vadd.s32 s26, v1;
	[tilespmem:v3+s31+$0x0] =	vst.idx.msk $0xffff, v2  }
0x99: {  	s3 =	sand.u32 $0x380, s20;
	s25 =	simm.s32 $0x11;
	[tilespmem:v8+s31+$0x0] =	vst.idx.msk $0xffff, v9;
	v3 =	vadd.s32 s24, v1;
	v2 =	vld [tilespmem:s7+$0x850]  }
0x9a: {  	s23 =	simm.s32 $0x14;
	s3 =	sadd.s32 s3, s4;
	v8 =	vadd.s32 s25, v1;
	v9 =	vld [tilespmem:s1+$0x400]  }
0x9b: {  	s18 =	simm.s32 $0x1E39;
	v12 =	vadd.s32 s23, v1;
	v13 =	vld [tilespmem:s3+$0x0];
	[tilespmem:v5+s31+$0x0] =	vst.idx.msk $0xffff, v4  }
0x9c: {  	s29 =	simm.s32 $0x1E34;
	v5 =	vadd.s32 s18, v1;
	v4 =	vld [tilespmem:s12+$0x430];
	[tilespmem:v6+s31+$0x0] =	vst.idx.msk $0xffff, v7  }
0x9d: {  	s10 =	simm.s32 $0xE;
	[tilespmem:v10+s31+$0x0] =	vst.idx.msk $0xffff, v11;
	v6 =	vadd.s32 s29, v1;
	v7 =	vld [tilespmem:s13+$0x30]  }
0x9e: {  	s6 =	sor.u32 $0xC50, s2;
	v10 =	vadd.s32 s10, v1;
	v11 =	vld [tilespmem:s0+$0x800];
	s8 =	simm.s32 $0x3253;
	[tilespmem:v3+s31+$0x0] =	vst.idx.msk $0xffff, v2  }
0x9f: {  	s14 =	simm.s32 $0x2;
	s9 =	simm.s32 $0x12;
	[tilespmem:v8+s31+$0x0] =	vst.idx.msk $0xffff, v9;
	v3 =	vadd.s32 s8, v1;
	v2 =	vld [tilespmem:s6+$0x8200]  }
0xa0: {  	s17 =	simm.s32 $0x2;
	s30 =	simm.s32 $0x15;
	s5 =	sand.u32 $0x7, s14;
	[tilespmem:v12+s31+$0x0] =	vst.idx.msk $0xffff, v13;
	v8 =	vadd.s32 s9, v1;
	v9 =	vld [tilespmem:s1+$0x800]  }
0xa1: {  	v44 =	vadd.s32 s30, v1;
	s26 =	simm.s32 $0x1E3A;
	s4 =	sand.u32 $0x3, s17;
	s5 =	sshll.u32 s5, $0x7;
	v13 =	vld [tilespmem:s3+$0x400];
	[tilespmem:v5+s31+$0x0] =	vst.idx.msk $0xffff, v4  }
0xa2: {  	s19 =	simm.s32 $0x1E35;
	s21 =	sshll.u32 s4, $0x8;
	s4 =	sadd.s32 $0x480, s5;
	v5 =	vadd.s32 s26, v1;
	v4 =	vld [tilespmem:s12+$0x830];
	[tilespmem:v6+s31+$0x0] =	vst.idx.msk $0xffff, v7  }
0xa3: {  	s14 =	simm.s32 $0xF;
	[tilespmem:v10+s31+$0x0] =	vst.idx.msk $0xffff, v11;
	s24 =	sor.u32 $0xC00, s4;
	v6 =	vadd.s32 s19, v1;
	v7 =	vld [tilespmem:s13+$0x430]  }
0xa4: {  	s22 =	simm.s32 $0x3C60;
	v10 =	vadd.s32 s14, v1;
	s5 =	sadd.s32 $0x800, s21;
	v11 =	vld [tilespmem:s24+$0x8200];
	[tilespmem:v3+s31+$0x0] =	vst.idx.msk $0xffff, v2  }
0xa5: {  	s10 =	simm.s32 $0x13;
	s9 =	sor.u32 $0xC00, s5;
	[tilespmem:v8+s31+$0x0] =	vst.idx.msk $0xffff, v9;
	v3 =	vadd.s32 s22, v1;
	v2 =	vld [tilespmem:s7+$0x60]  }
0xa6: {  	s20 =	simm.s32 $0x16;
	[tilespmem:v44+s31+$0x0] =	vst.idx.msk $0xffff, v13;
	v8 =	vadd.s32 s10, v1;
	v9 =	vld [tilespmem:s9+$0x8200]  }
0xa7: {  	v45 =	vadd.s32 s20, v1;
	s17 =	sor.u32 $0xC30, s15;
	s18 =	simm.s32 $0x1E3B;
	v13 =	vld [tilespmem:s3+$0x800];
	[tilespmem:v5+s31+$0x0] =	vst.idx.msk $0xffff, v4  }
0xa8: {  	s23 =	simm.s32 $0x4;
	s28 =	simm.s32 $0x1E36;
	v5 =	vadd.s32 s18, v1;
	v4 =	vld [tilespmem:s17+$0x8200];
	[tilespmem:v6+s31+$0x0] =	vst.idx.msk $0xffff, v7  }
0xa9: {  	s14 =	simm.s32 $0xA1C;
	s8 =	sand.u32 $0x7, s23;
	[tilespmem:v10+s31+$0x0] =	vst.idx.msk $0xffff, v11;
	v6 =	vadd.s32 s28, v1;
	v7 =	vld [tilespmem:s13+$0x830]  }
0xaa: {  	v10 =	vadd.s32 s14, v1;
	s25 =	sshll.u32 s8, $0x7;
	v11 =	vld [tilespmem:s0+$0x10];
	s9 =	simm.s32 $0x3C61;
	[tilespmem:v3+s31+$0x0] =	vst.idx.msk $0xffff, v2  }
0xab: {  	s6 =	sadd.s32 $0x880, s25;
	s10 =	simm.s32 $0xA20;
	[tilespmem:v8+s31+$0x0] =	vst.idx.msk $0xffff, v9;
	v3 =	vadd.s32 s9, v1;
	v2 =	vld [tilespmem:s7+$0x460]  }
0xac: {  	s30 =	simm.s32 $0x17;
	[tilespmem:v45+s31+$0x0] =	vst.idx.msk $0xffff, v13;
	s29 =	sor.u32 $0xC00, s6;
	v8 =	vadd.s32 s10, v1;
	v9 =	vld [tilespmem:s1+$0x10]  }
0xad: {  	v46 =	vadd.s32 s30, v1;
	s25 =	simm.s32 $0x2848;
	[tilespmem:v5+s31+$0x0] =	vst.idx.msk $0xffff, v4;
	v13 =	vld [tilespmem:s29+$0x8200]  }
0xae: {  	s20 =	sor.u32 $0xC30, s16;
	s19 =	simm.s32 $0x1E37;
	v5 =	vadd.s32 s25, v1;
	v4 =	vld [tilespmem:s12+$0x40];
	[tilespmem:v6+s31+$0x0] =	vst.idx.msk $0xffff, v7  }
0xaf: {  	s24 =	simm.s32 $0xA1D;
	[tilespmem:v10+s31+$0x0] =	vst.idx.msk $0xffff, v11;
	v6 =	vadd.s32 s19, v1;
	v7 =	vld [tilespmem:s20+$0x8200]  }
0xb0: {  	s22 =	simm.s32 $0x3C62;
	v11 =	vadd.s32 s24, v1;
	v10 =	vld [tilespmem:s0+$0x410];
	[tilespmem:v3+s31+$0x0] =	vst.idx.msk $0xffff, v2  }
0xb1: {  	s23 =	simm.s32 $0xA21;
	[tilespmem:v8+s31+$0x0] =	vst.idx.msk $0xffff, v9;
	v3 =	vadd.s32 s22, v1;
	v2 =	vld [tilespmem:s7+$0x860]  }
0xb2: {  	s21 =	simm.s32 $0xA24;
	[tilespmem:v46+s31+$0x0] =	vst.idx.msk $0xffff, v13;
	v9 =	vadd.s32 s23, v1;
	v8 =	vld [tilespmem:s1+$0x410]  }
0xb3: {  	v47 =	vadd.s32 s21, v1;
	s17 =	simm.s32 $0x2849;
	[tilespmem:v5+s31+$0x0] =	vst.idx.msk $0xffff, v4;
	v13 =	vld [tilespmem:s3+$0x10]  }
0xb4: {  	s26 =	simm.s32 $0x2844;
	v5 =	vadd.s32 s17, v1;
	v4 =	vld [tilespmem:s12+$0x440];
	[tilespmem:v6+s31+$0x0] =	vst.idx.msk $0xffff, v7  }
0xb5: {  	s14 =	simm.s32 $0xA1E;
	[tilespmem:v11+s31+$0x0] =	vst.idx.msk $0xffff, v10;
	v6 =	vadd.s32 s26, v1;
	v7 =	vld [tilespmem:s13+$0x40]  }
0xb6: {  	s30 =	simm.s32 $0x3C63;
	s29 =	sor.u32 $0xC60, s2;
	v11 =	vadd.s32 s14, v1;
	v10 =	vld [tilespmem:s0+$0x810];
	[tilespmem:v3+s31+$0x0] =	vst.idx.msk $0xffff, v2  }
0xb7: {  	s10 =	simm.s32 $0xA22;
	[tilespmem:v9+s31+$0x0] =	vst.idx.msk $0xffff, v8;
	v3 =	vadd.s32 s30, v1;
	v2 =	vld [tilespmem:s29+$0x8200]  }
0xb8: {  	s28 =	simm.s32 $0xA25;
	[tilespmem:v47+s31+$0x0] =	vst.idx.msk $0xffff, v13;
	v9 =	vadd.s32 s10, v1;
	v8 =	vld [tilespmem:s1+$0x810]  }
0xb9: {  	s25 =	simm.s32 $0x284A;
	v48 =	vadd.s32 s28, v1;
	[tilespmem:v5+s31+$0x0] =	vst.idx.msk $0xffff, v4;
	v12 =	vld [tilespmem:s3+$0x410]  }
0xba: {  	s18 =	simm.s32 $0x2845;
	v5 =	vadd.s32 s25, v1;
	v4 =	vld [tilespmem:s12+$0x840];
	[tilespmem:v6+s31+$0x0] =	vst.idx.msk $0xffff, v7  }
0xbb: {  	s24 =	simm.s32 $0xA1F;
	s23 =	sor.u32 $0xC10, s4;
	[tilespmem:v11+s31+$0x0] =	vst.idx.msk $0xffff, v10;
	v6 =	vadd.s32 s18, v1;
	v7 =	vld [tilespmem:s13+$0x440]  }
0xbc: {  	s20 =	simm.s32 $0x4670;
	v11 =	vadd.s32 s24, v1;
	v10 =	vld [tilespmem:s23+$0x8200];
	[tilespmem:v3+s31+$0x0] =	vst.idx.msk $0xffff, v2  }
0xbd: {  	s21 =	sor.u32 $0xC10, s5;
	s22 =	simm.s32 $0xA23;
	[tilespmem:v9+s31+$0x0] =	vst.idx.msk $0xffff, v8;
	v3 =	vadd.s32 s20, v1;
	v2 =	vld [tilespmem:s7+$0x70]  }
0xbe: {  	s19 =	simm.s32 $0xA26;
	[tilespmem:v48+s31+$0x0] =	vst.idx.msk $0xffff, v12;
	v9 =	vadd.s32 s22, v1;
	v8 =	vld [tilespmem:s21+$0x8200]  }
0xbf: {  	s17 =	simm.s32 $0x284B;
	s14 =	sor.u32 $0xC40, s15;
	v49 =	vadd.s32 s19, v1;
	[tilespmem:v5+s31+$0x0] =	vst.idx.msk $0xffff, v4;
	v12 =	vld [tilespmem:s3+$0x810]  }
0xc0: {  	s26 =	simm.s32 $0x2846;
	v5 =	vadd.s32 s17, v1;
	v4 =	vld [tilespmem:s14+$0x8200];
	[tilespmem:v6+s31+$0x0] =	vst.idx.msk $0xffff, v7  }
0xc1: {  	s10 =	simm.s32 $0x142C;
	[tilespmem:v11+s31+$0x0] =	vst.idx.msk $0xffff, v10;
	v6 =	vadd.s32 s26, v1;
	v7 =	vld [tilespmem:s13+$0x840]  }
0xc2: {  	s30 =	simm.s32 $0x4671;
	v11 =	vadd.s32 s10, v1;
	v10 =	vld [tilespmem:s0+$0x20];
	[tilespmem:v3+s31+$0x0] =	vst.idx.msk $0xffff, v2  }
0xc3: {  	s9 =	simm.s32 $0x1430;
	[tilespmem:v9+s31+$0x0] =	vst.idx.msk $0xffff, v8;
	v3 =	vadd.s32 s30, v1;
	v2 =	vld [tilespmem:s7+$0x470]  }
0xc4: {  	s28 =	sor.u32 $0xC10, s6;
	s29 =	simm.s32 $0xA27;
	[tilespmem:v49+s31+$0x0] =	vst.idx.msk $0xffff, v12;
	v9 =	vadd.s32 s9, v1;
	v8 =	vld [tilespmem:s1+$0x20]  }
0xc5: {  	s24 =	simm.s32 $0x3258;
	v50 =	vadd.s32 s29, v1;
	[tilespmem:v5+s31+$0x0] =	vst.idx.msk $0xffff, v4;
	v12 =	vld [tilespmem:s28+$0x8200]  }
0xc6: {  	s19 =	sor.u32 $0xC40, s16;
	s18 =	simm.s32 $0x2847;
	v5 =	vadd.s32 s24, v1;
	v4 =	vld [tilespmem:s12+$0x50];
	[tilespmem:v6+s31+$0x0] =	vst.idx.msk $0xffff, v7  }
0xc7: {  	s23 =	simm.s32 $0x142D;
	[tilespmem:v11+s31+$0x0] =	vst.idx.msk $0xffff, v10;
	v6 =	vadd.s32 s18, v1;
	v7 =	vld [tilespmem:s19+$0x8200]  }
0xc8: {  	s21 =	simm.s32 $0x4672;
	v11 =	vadd.s32 s23, v1;
	v10 =	vld [tilespmem:s0+$0x420];
	[tilespmem:v3+s31+$0x0] =	vst.idx.msk $0xffff, v2  }
0xc9: {  	s22 =	simm.s32 $0x1431;
	[tilespmem:v9+s31+$0x0] =	vst.idx.msk $0xffff, v8;
	v3 =	vadd.s32 s21, v1;
	v2 =	vld [tilespmem:s7+$0x870]  }
0xca: {  	[tilespmem:v50+s31+$0x0] =	vst.idx.msk $0xffff, v12;
	v9 =	vadd.s32 s22, v1;
	v8 =	vld [tilespmem:s1+$0x420]  }
0xcb: {  	s20 =	simm.s32 $0x1434;
	[tilespmem:v5+s31+$0x0] =	vst.idx.msk $0xffff, v4  }
0xcc: {  	s25 =	simm.s32 $0x3254;
	v51 =	vadd.s32 s20, v1;
	v12 =	vld [tilespmem:s3+$0x20];
	[tilespmem:v6+s31+$0x0] =	vst.idx.msk $0xffff, v7  }
0xcd: {  	s17 =	simm.s32 $0x142E;
	[tilespmem:v11+s31+$0x0] =	vst.idx.msk $0xffff, v10;
	v6 =	vadd.s32 s25, v1;
	v7 =	vld [tilespmem:s13+$0x50]  }
0xce: {  	s2 =	sor.u32 $0xC70, s2;
	s28 =	simm.s32 $0x4673;
	v5 =	vadd.s32 s17, v1;
	v4 =	vld [tilespmem:s0+$0x820];
	[tilespmem:v3+s31+$0x0] =	vst.idx.msk $0xffff, v2  }
0xcf: {  	s29 =	simm.s32 $0x1432;
	[tilespmem:v9+s31+$0x0] =	vst.idx.msk $0xffff, v8;
	v3 =	vadd.s32 s28, v1;
	v2 =	vld [tilespmem:s2+$0x8200]  }
0xd0: {  	s26 =	simm.s32 $0x1435;
	s18 =	simm.s32 $0xC00;
	s19 =	simm.s32 $0x3259;
	v9 =	vadd.s32 s29, v1;
	v8 =	vld [tilespmem:s1+$0x820]  }
0xd1: {  	s20 =	simm.s32 $0x300;
	s30 =	simm.s32 $0x3255;
	v10 =	vld [tilespmem:s12+$0x450];
	s9 =	sand.u32 $0x7000, s18;
	v11 =	vadd.s32 s19, v1;
	[tilespmem:v51+s31+$0x0] =	vst.idx.msk $0xffff, v12  }
0xd2: {  	v52 =	vadd.s32 s26, v1;
	s22 =	sand.u32 $0x300, s20;
	s9 =	sor.u32 $0x8200, s9;
	v12 =	vld [tilespmem:s3+$0x420];
	s21 =	simm.s32 $0x380;
	[tilespmem:v6+s31+$0x0] =	vst.idx.msk $0xffff, v7  }
0xd3: {  	s23 =	simm.s32 $0x18;
	[tilespmem:v5+s31+$0x0] =	vst.idx.msk $0xffff, v4;
	s7 =	sadd.s32 s22, s9;
	s24 =	sand.u32 $0x380, s21;
	v6 =	vadd.s32 s30, v1;
	v7 =	vld [tilespmem:s13+$0x450]  }
0xd4: {  	v53 =	vadd.s32 s23, v1;
	s25 =	simm.s32 $0x1C;
	s8 =	sadd.s32 s24, s9;
	[tilespmem:v3+s31+$0x0] =	vst.idx.msk $0xffff, v2;
	v2 =	vld [tilespmem:s7+$0x0]  }
0xd5: {  	s26 =	sor.u32 $0xC20, s5;
	v54 =	vld [tilespmem:s8+$0x0];
	s28 =	simm.s32 $0x1433;
	[tilespmem:v9+s31+$0x0] =	vst.idx.msk $0xffff, v8;
	v3 =	vadd.s32 s25, v1  }
0xd6: {  	[tilespmem:v11+s31+$0x0] =	vst.idx.msk $0xffff, v10;
	s29 =	simm.s32 $0x142F;
	s30 =	sor.u32 $0xC20, s4;
	v9 =	vadd.s32 s28, v1;
	v8 =	vld [tilespmem:s26+$0x8200]  }
0xd7: {  	s17 =	simm.s32 $0x325A;
	[tilespmem:v52+s31+$0x0] =	vst.idx.msk $0xffff, v12;
	v4 =	vadd.s32 s29, v1;
	v5 =	vld [tilespmem:s30+$0x8200]  }
0xd8: {  	s18 =	simm.s32 $0x3256;
	v11 =	vadd.s32 s17, v1;
	v10 =	vld [tilespmem:s12+$0x850];
	[tilespmem:v6+s31+$0x0] =	vst.idx.msk $0xffff, v7  }
0xd9: {  	s19 =	simm.s32 $0x19;
	v6 =	vadd.s32 s18, v1;
	[tilespmem:v53+s31+$0x0] =	vst.idx.msk $0xffff, v2;
	v2 =	vld [tilespmem:s13+$0x850]  }
0xda: {  	s20 =	simm.s32 $0x1D;
	v7 =	vadd.s32 s19, v1;
	[tilespmem:v3+s31+$0x0] =	vst.idx.msk $0xffff, v54;
	v12 =	vld [tilespmem:s7+$0x400]  }
0xdb: {  	s21 =	simm.s32 $0x1E40;
	[tilespmem:v9+s31+$0x0] =	vst.idx.msk $0xffff, v8;
	v3 =	vadd.s32 s20, v1;
	v13 =	vld [tilespmem:s8+$0x400]  }
0xdc: {  	s22 =	simm.s32 $0x1E3C;
	[tilespmem:v4+s31+$0x0] =	vst.idx.msk $0xffff, v5;
	v9 =	vadd.s32 s21, v1;
	v8 =	vld [tilespmem:s1+$0x30]  }
0xdd: {  	s23 =	sor.u32 $0xC50, s15;
	s24 =	simm.s32 $0x325B;
	[tilespmem:v11+s31+$0x0] =	vst.idx.msk $0xffff, v10;
	v4 =	vadd.s32 s22, v1;
	v5 =	vld [tilespmem:s0+$0x30]  }
0xde: {  	v11 =	vadd.s32 s24, v1;
	v10 =	vld [tilespmem:s23+$0x8200];
	s26 =	sor.u32 $0xC50, s16;
	s25 =	simm.s32 $0x3257;
	[tilespmem:v6+s31+$0x0] =	vst.idx.msk $0xffff, v2  }
0xdf: {  	s28 =	simm.s32 $0x1A;
	v2 =	vadd.s32 s25, v1;
	[tilespmem:v7+s31+$0x0] =	vst.idx.msk $0xffff, v12;
	v6 =	vld [tilespmem:s26+$0x8200]  }
0xe0: {  	s29 =	simm.s32 $0x1E;
	v7 =	vadd.s32 s28, v1;
	[tilespmem:v3+s31+$0x0] =	vst.idx.msk $0xffff, v13;
	v12 =	vld [tilespmem:s7+$0x800]  }
0xe1: {  	s10 =	simm.s32 $0x1E41;
	s30 =	simm.s32 $0x3;
	[tilespmem:v9+s31+$0x0] =	vst.idx.msk $0xffff, v8;
	v3 =	vadd.s32 s29, v1;
	v13 =	vld [tilespmem:s8+$0x800]  }
0xe2: {  	s14 =	simm.s32 $0x6;
	s17 =	simm.s32 $0x1E3D;
	s9 =	sand.u32 $0x3, s30;
	[tilespmem:v4+s31+$0x0] =	vst.idx.msk $0xffff, v5;
	v9 =	vadd.s32 s10, v1;
	v8 =	vld [tilespmem:s1+$0x430]  }
0xe3: {  	s9 =	sshll.u32 s9, $0x8;
	s18 =	sand.u32 $0x7, s14;
	s19 =	simm.s32 $0x3C68;
	[tilespmem:v11+s31+$0x0] =	vst.idx.msk $0xffff, v10;
	v4 =	vadd.s32 s17, v1;
	v5 =	vld [tilespmem:s0+$0x430]  }
0xe4: {  	s2 =	sshll.u32 s18, $0x7;
	v11 =	vadd.s32 s19, v1;
	v10 =	vld [tilespmem:s12+$0x60];
	s17 =	simm.s32 $0x3C64;
	s10 =	sadd.s32 $0xC00, s9;
	[tilespmem:v2+s31+$0x0] =	vst.idx.msk $0xffff, v6  }
0xe5: {  	s21 =	simm.s32 $0x1B;
	s9 =	sadd.s32 $0xC80, s2;
	s20 =	sor.u32 $0xC00, s10;
	v2 =	vadd.s32 s17, v1;
	[tilespmem:v7+s31+$0x0] =	vst.idx.msk $0xffff, v12;
	v6 =	vld [tilespmem:s13+$0x60]  }
0xe6: {  	s23 =	simm.s32 $0x1F;
	s22 =	sor.u32 $0xC00, s9;
	v7 =	vadd.s32 s21, v1;
	[tilespmem:v3+s31+$0x0] =	vst.idx.msk $0xffff, v13;
	v12 =	vld [tilespmem:s20+$0x8200]  }
0xe7: {  	s24 =	simm.s32 $0x1E42;
	[tilespmem:v9+s31+$0x0] =	vst.idx.msk $0xffff, v8;
	v3 =	vadd.s32 s23, v1;
	v13 =	vld [tilespmem:s22+$0x8200]  }
0xe8: {  	s25 =	simm.s32 $0x1E3E;
	[tilespmem:v4+s31+$0x0] =	vst.idx.msk $0xffff, v5;
	v9 =	vadd.s32 s24, v1;
	v8 =	vld [tilespmem:s1+$0x830]  }
0xe9: {  	[tilespmem:v11+s31+$0x0] =	vst.idx.msk $0xffff, v10;
	s26 =	simm.s32 $0x3C69;
	v4 =	vadd.s32 s25, v1;
	v5 =	vld [tilespmem:s0+$0x830]  }
0xea: {  	v10 =	vld [tilespmem:s12+$0x460];
	s28 =	simm.s32 $0x3C65;
	v11 =	vadd.s32 s26, v1;
	[tilespmem:v2+s31+$0x0] =	vst.idx.msk $0xffff, v6  }
0xeb: {  	s29 =	simm.s32 $0xA28;
	v2 =	vadd.s32 s28, v1;
	[tilespmem:v7+s31+$0x0] =	vst.idx.msk $0xffff, v12;
	v6 =	vld [tilespmem:s13+$0x460]  }
0xec: {  	s30 =	simm.s32 $0xA2C;
	v7 =	vadd.s32 s29, v1;
	[tilespmem:v3+s31+$0x0] =	vst.idx.msk $0xffff, v13;
	v12 =	vld [tilespmem:s7+$0x10]  }
0xed: {  	s14 =	sor.u32 $0xC30, s5;
	s17 =	simm.s32 $0x1E43;
	[tilespmem:v9+s31+$0x0] =	vst.idx.msk $0xffff, v8;
	v3 =	vadd.s32 s30, v1;
	v13 =	vld [tilespmem:s8+$0x10]  }
0xee: {  	s19 =	simm.s32 $0x1E3F;
	s18 =	sor.u32 $0xC30, s4;
	[tilespmem:v4+s31+$0x0] =	vst.idx.msk $0xffff, v5;
	v9 =	vadd.s32 s17, v1;
	v8 =	vld [tilespmem:s14+$0x8200]  }
0xef: {  	[tilespmem:v11+s31+$0x0] =	vst.idx.msk $0xffff, v10;
	v4 =	vadd.s32 s19, v1;
	s20 =	simm.s32 $0x3C6A;
	v5 =	vld [tilespmem:s18+$0x8200]  }
0xf0: {  	s21 =	simm.s32 $0x3C66;
	v10 =	vld [tilespmem:s12+$0x860];
	v11 =	vadd.s32 s20, v1;
	[tilespmem:v2+s31+$0x0] =	vst.idx.msk $0xffff, v6  }
0xf1: {  	s22 =	simm.s32 $0xA29;
	v2 =	vadd.s32 s21, v1;
	[tilespmem:v7+s31+$0x0] =	vst.idx.msk $0xffff, v12;
	v6 =	vld [tilespmem:s13+$0x860]  }
0xf2: {  	s23 =	simm.s32 $0xA2D;
	v55 =	vadd.s32 s22, v1;
	[tilespmem:v3+s31+$0x0] =	vst.idx.msk $0xffff, v13;
	v7 =	vld [tilespmem:s7+$0x410]  }
0xf3: {  	s24 =	simm.s32 $0x2850;
	v56 =	vadd.s32 s23, v1;
	[tilespmem:v9+s31+$0x0] =	vst.idx.msk $0xffff, v8;
	v3 =	vld [tilespmem:s8+$0x410]  }
0xf4: {  	s25 =	simm.s32 $0x284C;
	[tilespmem:v4+s31+$0x0] =	vst.idx.msk $0xffff, v5;
	v9 =	vadd.s32 s24, v1;
	v8 =	vld [tilespmem:s1+$0x40]  }
0xf5: {  	s26 =	sor.u32 $0xC60, s15;
	s28 =	simm.s32 $0x3C6B;
	v4 =	vadd.s32 s25, v1;
	[tilespmem:v11+s31+$0x0] =	vst.idx.msk $0xffff, v10;
	v5 =	vld [tilespmem:s0+$0x40]  }
0xf6: {  	s29 =	simm.s32 $0x3C67;
	s30 =	sor.u32 $0xC60, s16;
	v11 =	vadd.s32 s28, v1;
	v10 =	vld [tilespmem:s26+$0x8200];
	[tilespmem:v2+s31+$0x0] =	vst.idx.msk $0xffff, v6  }
0xf7: {  	s17 =	simm.s32 $0xA2A;
	v2 =	vadd.s32 s29, v1;
	[tilespmem:v55+s31+$0x0] =	vst.idx.msk $0xffff, v7;
	v6 =	vld [tilespmem:s30+$0x8200]  }
0xf8: {  	s19 =	simm.s32 $0xA2E;
	v57 =	vadd.s32 s17, v1;
	[tilespmem:v56+s31+$0x0] =	vst.idx.msk $0xffff, v3;
	v7 =	vld [tilespmem:s7+$0x810]  }
0xf9: {  	v58 =	vadd.s32 s19, v1;
	s20 =	simm.s32 $0x2851;
	[tilespmem:v9+s31+$0x0] =	vst.idx.msk $0xffff, v8;
	v3 =	vld [tilespmem:s8+$0x810]  }
0xfa: {  	s21 =	simm.s32 $0x284D;
	[tilespmem:v4+s31+$0x0] =	vst.idx.msk $0xffff, v5;
	v9 =	vadd.s32 s20, v1;
	v8 =	vld [tilespmem:s1+$0x440]  }
0xfb: {  	s22 =	simm.s32 $0x4678;
	v4 =	vadd.s32 s21, v1;
	[tilespmem:v11+s31+$0x0] =	vst.idx.msk $0xffff, v10;
	v5 =	vld [tilespmem:s0+$0x440]  }
0xfc: {  	s23 =	simm.s32 $0x4674;
	v11 =	vadd.s32 s22, v1;
	v10 =	vld [tilespmem:s12+$0x70];
	[tilespmem:v2+s31+$0x0] =	vst.idx.msk $0xffff, v6  }
0xfd: {  	s25 =	simm.s32 $0xA2B;
	s24 =	sor.u32 $0xC10, s10;
	v2 =	vadd.s32 s23, v1;
	[tilespmem:v57+s31+$0x0] =	vst.idx.msk $0xffff, v7;
	v6 =	vld [tilespmem:s13+$0x70]  }
0xfe: {  	s28 =	simm.s32 $0xA2F;
	v59 =	vadd.s32 s25, v1;
	s26 =	sor.u32 $0xC10, s9;
	[tilespmem:v58+s31+$0x0] =	vst.idx.msk $0xffff, v3;
	v7 =	vld [tilespmem:s24+$0x8200]  }
0xff: {  	v60 =	vadd.s32 s28, v1;
	s29 =	simm.s32 $0x2852;
	[tilespmem:v9+s31+$0x0] =	vst.idx.msk $0xffff, v8;
	v3 =	vld [tilespmem:s26+$0x8200]  }
0x100: {  	s30 =	simm.s32 $0x284E;
	[tilespmem:v4+s31+$0x0] =	vst.idx.msk $0xffff, v5;
	v9 =	vadd.s32 s29, v1;
	v8 =	vld [tilespmem:s1+$0x840]  }
0x101: {  	s14 =	simm.s32 $0x4679;
	v4 =	vadd.s32 s30, v1;
	[tilespmem:v11+s31+$0x0] =	vst.idx.msk $0xffff, v10;
	v5 =	vld [tilespmem:s0+$0x840]  }
0x102: {  	s17 =	simm.s32 $0x4675;
	v11 =	vadd.s32 s14, v1;
	v10 =	vld [tilespmem:s12+$0x470];
	[tilespmem:v2+s31+$0x0] =	vst.idx.msk $0xffff, v6  }
0x103: {  	s18 =	simm.s32 $0x1438;
	v2 =	vadd.s32 s17, v1;
	[tilespmem:v59+s31+$0x0] =	vst.idx.msk $0xffff, v7;
	v6 =	vld [tilespmem:s13+$0x470]  }
0x104: {  	s19 =	simm.s32 $0x143C;
	v61 =	vadd.s32 s18, v1;
	[tilespmem:v60+s31+$0x0] =	vst.idx.msk $0xffff, v3;
	v7 =	vld [tilespmem:s7+$0x20]  }
0x105: {  	v62 =	vadd.s32 s19, v1;
	s21 =	simm.s32 $0x2853;
	s20 =	sor.u32 $0xC40, s5;
	[tilespmem:v9+s31+$0x0] =	vst.idx.msk $0xffff, v8;
	v3 =	vld [tilespmem:s8+$0x20]  }
0x106: {  	s22 =	simm.s32 $0x284F;
	s23 =	sor.u32 $0xC40, s4;
	[tilespmem:v4+s31+$0x0] =	vst.idx.msk $0xffff, v5;
	v9 =	vadd.s32 s21, v1;
	v8 =	vld [tilespmem:s20+$0x8200]  }
0x107: {  	v4 =	vadd.s32 s22, v1;
	[tilespmem:v11+s31+$0x0] =	vst.idx.msk $0xffff, v10;
	s24 =	simm.s32 $0x467A;
	v5 =	vld [tilespmem:s23+$0x8200]  }
0x108: {  	s11 =	simm.s32 $0x4677;
	s25 =	simm.s32 $0x4676;
	v14 =	vld [tilespmem:s12+$0x870];
	v15 =	vadd.s32 s24, v1;
	[tilespmem:v2+s31+$0x0] =	vst.idx.msk $0xffff, v6  }
0x109: {  	s2 =	simm.s32 $0x6;
	s19 =	sor.u32 $0xC70, s15;
	s26 =	simm.s32 $0x1439;
	v2 =	vadd.s32 s25, v1;
	[tilespmem:v61+s31+$0x0] =	vst.idx.msk $0xffff, v7;
	v63 =	vld [tilespmem:s13+$0x870]  }
0x10a: {  	s15 =	simm.s32 $0x1080;
	s18 =	simm.s32 $0x4;
	s28 =	simm.s32 $0x143D;
	v17 =	vadd.s32 s26, v1;
	[tilespmem:v62+s31+$0x0] =	vst.idx.msk $0xffff, v3;
	v16 =	vld [tilespmem:s7+$0x420]  }
0x10b: {  	s14 =	simm.s32 $0x467F;
	s30 =	simm.s32 $0x325C;
	s29 =	simm.s32 $0x3260;
	v11 =	vadd.s32 s28, v1;
	[tilespmem:v9+s31+$0x0] =	vst.idx.msk $0xffff, v8;
	v10 =	vld [tilespmem:s8+$0x420]  }
0x10c: {  	s22 =	simm.s32 $0x467B;
	s12 =	simm.s32 $0x4687;
	s24 =	sor.u32 $0xC70, s16;
	[tilespmem:v4+s31+$0x0] =	vst.idx.msk $0xffff, v5;
	v9 =	vadd.s32 s29, v1;
	v6 =	vld [tilespmem:s1+$0x50]  }
0x10d: {  	s23 =	simm.s32 $0x3261;
	s16 =	simm.s32 $0x4697;
	s21 =	simm.s32 $0x1436;
	[tilespmem:v15+s31+$0x0] =	vst.idx.msk $0xffff, v14;
	v8 =	vld [tilespmem:s0+$0x50];
	v7 =	vadd.s32 s30, v1  }
0x10e: {  	s20 =	simm.s32 $0x325D;
	s17 =	simm.s32 $0x1000;
	v5 =	vadd.s32 s22, v1;
	s22 =	simm.s32 $0x143A;
	v4 =	vld [tilespmem:s19+$0x8200];
	[tilespmem:v2+s31+$0x0] =	vst.idx.msk $0xffff, v63  }
0x10f: {  	s19 =	simm.s32 $0x8;
	s13 =	simm.s32 $0x468F;
	v2 =	vadd.s32 s11, v1;
	s11 =	simm.s32 $0x480;
	[tilespmem:v17+s31+$0x0] =	vst.idx.msk $0xffff, v16;
	v3 =	vld [tilespmem:s24+$0x8200]  }
.LBB2_3:
0x110: {  	s25 =	sand.u32 $0x3, s18;
	s24 =	sand.u32 $0x7000, s17;
	s26 =	sadd.s32 $0xFFFFFF80, s11;
	v12 =	vld [tilespmem:s7+$0x820];
	v13 =	vadd.s32 s22, v1;
	[tilespmem:v11+s31+$0x0] =	vst.idx.msk $0xffff, v10  }
0x111: {  	s22 =	sand.u32 $0x7, s19;
	s26 =	sand.u32 $0x300, s26;
	s24 =	sor.u32 $0x8200, s24;
	[tilespmem:v9+s31+$0x0] =	vst.idx.msk $0xffff, v6;
	v6 =	vld [tilespmem:s3+$0x820];
	v9 =	vadd.s32 s21, v1  }
0x112: {  	s28 =	sand.u32 $0x380, s11;
	v11 =	vadd.s32 s23, v1;
	s21 =	sadd.s32 s26, s24;
	s26 =	sadd.s32 $0xFFFFB989, s16;
	v10 =	vld [tilespmem:s1+$0x450];
	[tilespmem:v7+s31+$0x0] =	vst.idx.msk $0xffff, v8;
	v7 =	vadd.s32 s20, v1  }
0x113: {  	s23 =	sadd.s32 $0xFFFFB98D, s16;
	s22 =	sshll.u32 s22, $0x7;
	s20 =	sadd.s32 s28, s24;
	v8 =	vadd.s32 s26, v1;
	[tilespmem:v5+s31+$0x0] =	vst.idx.msk $0xffff, v4;
	v4 =	vld [tilespmem:s0+$0x450]  }
0x114: {  	s2 =	sadd.s32 $0x2, s2;
	v14 =	vadd.s32 s23, v1;
	s23 =	sadd.s32 $0xFFFFCDB0, s12;
	s22 =	sadd.s32 s22, s15;
	v5 =	vld [tilespmem:s21+$0x0];
	[tilespmem:v2+s31+$0x0] =	vst.idx.msk $0xffff, v3  }
0x115: {  	s24 =	sor.u32 $0xC20, s10;
	s28 =	sor.u32 $0xC20, s6;
	s26 =	sadd.s32 $0xFFFFCDAC, s13;
	v2 =	vld [tilespmem:s20+$0x0];
	[tilespmem:v13+s31+$0x0] =	vst.idx.msk $0xffff, v12  }
0x116: {  	p0 =	slt.u32 s2, $0x26;
	v12 =	vadd.s32 s26, v1;
	v3 =	vld [tilespmem:s24+$0x8200];
	[tilespmem:v9+s31+$0x0] =	vst.idx.msk $0xffff, v6;
	v6 =	vadd.s32 s23, v1;
	s23 =	smov.u32 s4;
	s4 =	smov.u32 s6  }
0x117: {  	s26 =	sadd.s32 $0xFFFFEBDF, s14;
	s24 =	sadd.s32 $0xFFFFEBDB, s12;
	s6 =	smov.u32 s9;
	[tilespmem:v11+s31+$0x0] =	vst.idx.msk $0xffff, v10;
	v9 =	vld [tilespmem:s28+$0x8200]  }
0x118: {  	s9 =	smov.u32 s22;
	s28 =	sadd.s32 $0xFFFFB98A, s16;
	v11 =	vadd.s32 s24, v1;
	s24 =	smov.u32 s5;
	v10 =	vld [tilespmem:s1+$0x850];
	[tilespmem:v7+s31+$0x0] =	vst.idx.msk $0xffff, v4;
	v4 =	vadd.s32 s26, v1  }
0x119: {  	s22 =	smov.u32 s14;
	s5 =	smov.u32 s10;
	s26 =	sadd.s32 $0xFFFFB98E, s16;
	[tilespmem:v8+s31+$0x0] =	vst.idx.msk $0xffff, v5;
	v5 =	vadd.s32 s28, v1;
	v7 =	vld [tilespmem:s0+$0x850]  }
0x11a: {  	s14 =	smov.u32 s12;
	s12 =	smov.u32 s13;
	s13 =	smov.u32 s16;
	v8 =	vld [tilespmem:s21+$0x400];
	[tilespmem:v14+s31+$0x0] =	vst.idx.msk $0xffff, v2;
	v2 =	vadd.s32 s26, v1  }
0x11b: {  	s10 =	sadd.s32 $0xFFFFD7B9, s12;
	s26 =	sadd.s32 $0xFFFFD7BD, s14;
	v13 =	vld [tilespmem:s20+$0x400];
	[tilespmem:v12+s31+$0x0] =	vst.idx.msk $0xffff, v3  }
0x11c: {  	v12 =	vadd.s32 s10, v1;
	s10 =	sadd.s32 $0xFFFFEBE0, s22;
	v3 =	vld [tilespmem:s7+$0x30];
	[tilespmem:v6+s31+$0x0] =	vst.idx.msk $0xffff, v9;
	v6 =	vadd.s32 s26, v1  }
0x11d: {  	s29 =	sor.u32 $0xC50, s23;
	s28 =	sadd.s32 $0xFFFFEBDC, s14;
	s26 =	sor.u32 $0xC50, s24;
	[tilespmem:v11+s31+$0x0] =	vst.idx.msk $0xffff, v10;
	v9 =	vld [tilespmem:s3+$0x30]  }
0x11e: {  	s30 =	sadd.s32 $0xFFFFB98B, s16;
	v11 =	vadd.s32 s28, v1;
	v10 =	vld [tilespmem:s26+$0x8200];
	[tilespmem:v4+s31+$0x0] =	vst.idx.msk $0xffff, v7;
	v4 =	vadd.s32 s10, v1  }
0x11f: {  	s10 =	sadd.s32 $0xFFFFB98F, s16;
	[tilespmem:v5+s31+$0x0] =	vst.idx.msk $0xffff, v8;
	v5 =	vadd.s32 s30, v1;
	v7 =	vld [tilespmem:s29+$0x8200]  }
0x120: {  	v8 =	vld [tilespmem:s21+$0x800];
	[tilespmem:v2+s31+$0x0] =	vst.idx.msk $0xffff, v13;
	v2 =	vadd.s32 s10, v1  }
0x121: {  	s26 =	sadd.s32 $0xFFFFD7BE, s14;
	s10 =	sadd.s32 $0xFFFFD7BA, s12;
	v13 =	vld [tilespmem:s20+$0x800];
	[tilespmem:v12+s31+$0x0] =	vst.idx.msk $0xffff, v3  }
0x122: {  	s25 =	sshll.u32 s25, $0x8;
	v12 =	vadd.s32 s10, v1;
	v3 =	vld [tilespmem:s7+$0x430];
	[tilespmem:v6+s31+$0x0] =	vst.idx.msk $0xffff, v9;
	v6 =	vadd.s32 s26, v1  }
0x123: {  	s10 =	sadd.s32 s25, s17;
	s25 =	sadd.s32 $0xFFFFF5E9, s14;
	s26 =	sadd.s32 $0xFFFFF5ED, s22;
	[tilespmem:v11+s31+$0x0] =	vst.idx.msk $0xffff, v10;
	v9 =	vld [tilespmem:s3+$0x430]  }
0x124: {  	s29 =	sadd.s32 $0xFFFFB98C, s16;
	s28 =	sor.u32 $0xC00, s10;
	v11 =	vadd.s32 s25, v1;
	v10 =	vld [tilespmem:s1+$0x60];
	[tilespmem:v4+s31+$0x0] =	vst.idx.msk $0xffff, v7;
	v4 =	vadd.s32 s26, v1  }
0x125: {  	s25 =	sor.u32 $0xC00, s9;
	s26 =	sadd.s32 $0xFFFFB990, s16;
	[tilespmem:v5+s31+$0x0] =	vst.idx.msk $0xffff, v8;
	v5 =	vadd.s32 s29, v1;
	v7 =	vld [tilespmem:s0+$0x60]  }
0x126: {  	v8 =	vld [tilespmem:s28+$0x8200];
	[tilespmem:v2+s31+$0x0] =	vst.idx.msk $0xffff, v13;
	v2 =	vadd.s32 s26, v1  }
0x127: {  	s26 =	sadd.s32 $0xFFFFD7BF, s14;
	v13 =	vld [tilespmem:s25+$0x8200];
	[tilespmem:v12+s31+$0x0] =	vst.idx.msk $0xffff, v3;
	s25 =	sadd.s32 $0xFFFFD7BB, s12  }
0x128: {  	v3 =	vld [tilespmem:s7+$0x830];
	v12 =	vadd.s32 s25, v1;
	[tilespmem:v6+s31+$0x0] =	vst.idx.msk $0xffff, v9;
	v6 =	vadd.s32 s26, v1  }
0x129: {  	s25 =	sadd.s32 $0xFFFFF5EA, s14;
	s26 =	sadd.s32 $0xFFFFF5EE, s22;
	[tilespmem:v11+s31+$0x0] =	vst.idx.msk $0xffff, v10;
	v9 =	vld [tilespmem:s3+$0x830]  }
0x12a: {  	s28 =	sadd.s32 $0xFFFFC399, s16;
	v11 =	vadd.s32 s25, v1;
	v10 =	vld [tilespmem:s1+$0x460];
	[tilespmem:v4+s31+$0x0] =	vst.idx.msk $0xffff, v7;
	v4 =	vadd.s32 s26, v1  }
0x12b: {  	s25 =	sadd.s32 $0xFFFFC39D, s16;
	[tilespmem:v5+s31+$0x0] =	vst.idx.msk $0xffff, v8;
	v5 =	vadd.s32 s28, v1;
	v7 =	vld [tilespmem:s0+$0x460]  }
0x12c: {  	v8 =	vld [tilespmem:s21+$0x10];
	[tilespmem:v2+s31+$0x0] =	vst.idx.msk $0xffff, v13;
	v2 =	vadd.s32 s25, v1;
	s25 =	sadd.s32 $0xFFFFD7C0, s14  }
0x12d: {  	s29 =	sor.u32 $0xC30, s4;
	s26 =	sor.u32 $0xC30, s5;
	s28 =	sadd.s32 $0xFFFFD7BC, s12;
	v13 =	vld [tilespmem:s20+$0x10];
	[tilespmem:v12+s31+$0x0] =	vst.idx.msk $0xffff, v3  }
0x12e: {  	v12 =	vadd.s32 s28, v1;
	v3 =	vld [tilespmem:s26+$0x8200];
	[tilespmem:v6+s31+$0x0] =	vst.idx.msk $0xffff, v9;
	v6 =	vadd.s32 s25, v1  }
0x12f: {  	s25 =	sadd.s32 $0xFFFFF5EB, s14;
	s26 =	sadd.s32 $0xFFFFF5EF, s22;
	[tilespmem:v11+s31+$0x0] =	vst.idx.msk $0xffff, v10;
	v9 =	vld [tilespmem:s29+$0x8200]  }
0x130: {  	v11 =	vadd.s32 s25, v1;
	v10 =	vld [tilespmem:s1+$0x860];
	[tilespmem:v4+s31+$0x0] =	vst.idx.msk $0xffff, v7;
	v4 =	vadd.s32 s26, v1  }
0x131: {  	s25 =	sadd.s32 $0xFFFFC39A, s16;
	[tilespmem:v5+s31+$0x0] =	vst.idx.msk $0xffff, v8;
	v5 =	vld [tilespmem:s0+$0x860]  }
0x132: {  	v8 =	vadd.s32 s25, v1;
	s25 =	sadd.s32 $0xFFFFC39E, s16;
	v7 =	vld [tilespmem:s21+$0x410];
	[tilespmem:v2+s31+$0x0] =	vst.idx.msk $0xffff, v13  }
0x133: {  	s26 =	sadd.s32 $0xFFFFE1CD, s14;
	v13 =	vadd.s32 s25, v1;
	s25 =	sadd.s32 $0xFFFFE1C9, s12;
	v2 =	vld [tilespmem:s20+$0x410];
	[tilespmem:v12+s31+$0x0] =	vst.idx.msk $0xffff, v3  }
0x134: {  	v12 =	vadd.s32 s25, v1;
	s25 =	sadd.s32 $0xFFFFF5F0, s22;
	v3 =	vld [tilespmem:s7+$0x40];
	[tilespmem:v6+s31+$0x0] =	vst.idx.msk $0xffff, v9;
	v6 =	vadd.s32 s26, v1  }
0x135: {  	s28 =	sadd.s32 $0xFFFFF5EC, s14;
	s29 =	sor.u32 $0xC60, s23;
	s26 =	sor.u32 $0xC60, s24;
	[tilespmem:v11+s31+$0x0] =	vst.idx.msk $0xffff, v10;
	v9 =	vld [tilespmem:s3+$0x40]  }
0x136: {  	v11 =	vadd.s32 s28, v1;
	v10 =	vld [tilespmem:s26+$0x8200];
	[tilespmem:v4+s31+$0x0] =	vst.idx.msk $0xffff, v5;
	v4 =	vadd.s32 s25, v1  }
0x137: {  	s25 =	sadd.s32 $0xFFFFC39B, s16;
	[tilespmem:v8+s31+$0x0] =	vst.idx.msk $0xffff, v7;
	v5 =	vld [tilespmem:s29+$0x8200]  }
0x138: {  	v8 =	vadd.s32 s25, v1;
	s25 =	sadd.s32 $0xFFFFC39F, s16;
	v7 =	vld [tilespmem:s21+$0x810];
	[tilespmem:v13+s31+$0x0] =	vst.idx.msk $0xffff, v2  }
0x139: {  	s26 =	sadd.s32 $0xFFFFE1CE, s14;
	v13 =	vadd.s32 s25, v1;
	s25 =	sadd.s32 $0xFFFFE1CA, s12;
	v2 =	vld [tilespmem:s20+$0x810];
	[tilespmem:v12+s31+$0x0] =	vst.idx.msk $0xffff, v3  }
0x13a: {  	v12 =	vadd.s32 s25, v1;
	v3 =	vld [tilespmem:s7+$0x440];
	[tilespmem:v6+s31+$0x0] =	vst.idx.msk $0xffff, v9;
	v6 =	vadd.s32 s26, v1  }
0x13b: {  	s25 =	sadd.s32 $0xFFFFFFF9, s14;
	s26 =	sadd.s32 $0xFFFFFFFD, s22;
	[tilespmem:v11+s31+$0x0] =	vst.idx.msk $0xffff, v10;
	v9 =	vld [tilespmem:s3+$0x440]  }
0x13c: {  	s28 =	sor.u32 $0xC10, s10;
	v11 =	vadd.s32 s25, v1;
	v10 =	vld [tilespmem:s1+$0x70];
	[tilespmem:v4+s31+$0x0] =	vst.idx.msk $0xffff, v5;
	v4 =	vadd.s32 s26, v1  }
0x13d: {  	s25 =	sadd.s32 $0xFFFFC39C, s16;
	[tilespmem:v8+s31+$0x0] =	vst.idx.msk $0xffff, v7;
	v5 =	vld [tilespmem:s0+$0x70]  }
0x13e: {  	s26 =	sadd.s32 $0xFFFFC3A0, s16;
	v8 =	vadd.s32 s25, v1;
	s25 =	sor.u32 $0xC10, s9;
	v7 =	vld [tilespmem:s28+$0x8200];
	[tilespmem:v13+s31+$0x0] =	vst.idx.msk $0xffff, v2  }
0x13f: {  	v13 =	vadd.s32 s26, v1;
	s26 =	sadd.s32 $0xFFFFE1CF, s14;
	v2 =	vld [tilespmem:s25+$0x8200];
	[tilespmem:v12+s31+$0x0] =	vst.idx.msk $0xffff, v3;
	s25 =	sadd.s32 $0xFFFFE1CB, s12  }
0x140: {  	v3 =	vld [tilespmem:s7+$0x840];
	v12 =	vadd.s32 s25, v1;
	[tilespmem:v6+s31+$0x0] =	vst.idx.msk $0xffff, v9;
	v6 =	vadd.s32 s26, v1  }
0x141: {  	s25 =	sadd.s32 $0xFFFFFFFA, s14;
	s26 =	sadd.s32 $0xFFFFFFFE, s22;
	[tilespmem:v11+s31+$0x0] =	vst.idx.msk $0xffff, v10;
	v9 =	vld [tilespmem:s3+$0x840]  }
0x142: {  	v11 =	vadd.s32 s25, v1;
	v10 =	vld [tilespmem:s1+$0x470];
	[tilespmem:v4+s31+$0x0] =	vst.idx.msk $0xffff, v5;
	v4 =	vadd.s32 s26, v1  }
0x143: {  	s25 =	sadd.s32 $0xFFFFCDA9, s16;
	[tilespmem:v8+s31+$0x0] =	vst.idx.msk $0xffff, v7;
	v5 =	vld [tilespmem:s0+$0x470]  }
0x144: {  	s26 =	sadd.s32 $0xFFFFE1D0, s14;
	v8 =	vadd.s32 s25, v1;
	s25 =	sadd.s32 $0xFFFFCDAD, s16;
	v7 =	vld [tilespmem:s21+$0x20];
	[tilespmem:v13+s31+$0x0] =	vst.idx.msk $0xffff, v2  }
0x145: {  	s29 =	sor.u32 $0xC40, s4;
	s28 =	sadd.s32 $0xFFFFE1CC, s12;
	v13 =	vadd.s32 s25, v1;
	s25 =	sor.u32 $0xC40, s5;
	v2 =	vld [tilespmem:s20+$0x20];
	[tilespmem:v12+s31+$0x0] =	vst.idx.msk $0xffff, v3  }
0x146: {  	v14 =	vadd.s32 s26, v1;
	v12 =	vadd.s32 s28, v1;
	v3 =	vld [tilespmem:s25+$0x8200];
	[tilespmem:v6+s31+$0x0] =	vst.idx.msk $0xffff, v9  }
0x147: {  	s26 =	sadd.s32 $0xFFFFFFFF, s22;
	s25 =	sadd.s32 $0xFFFFFFFB, s14;
	[tilespmem:v11+s31+$0x0] =	vst.idx.msk $0xffff, v10;
	v15 =	vld [tilespmem:s29+$0x8200]  }
0x148: {  	v18 =	vadd.s32 s26, v1;
	v17 =	vadd.s32 s25, v1;
	v16 =	vld [tilespmem:s1+$0x870];
	[tilespmem:v4+s31+$0x0] =	vst.idx.msk $0xffff, v5;
	s1 =	smov.u32 s7;
	s7 =	smov.u32 s21  }
0x149: {  	s21 =	sadd.s32 $0xFFFFCDAA, s16;
	[tilespmem:v8+s31+$0x0] =	vst.idx.msk $0xffff, v7;
	v19 =	vld [tilespmem:s0+$0x870];
	s0 =	smov.u32 s3;
	s3 =	smov.u32 s8  }
0x14a: {  	s25 =	sor.u32 $0xC70, s23;
	v21 =	vadd.s32 s21, v1;
	s21 =	sadd.s32 $0xFFFFCDAE, s16;
	s8 =	smov.u32 s20;
	v20 =	vld [tilespmem:s7+$0x420];
	[tilespmem:v13+s31+$0x0] =	vst.idx.msk $0xffff, v2  }
.Ltmp0:
0x14b: {  	s20 =	sadd.s32 $0xFFFFEBD9, s12;
	v11 =	vadd.s32 s21, v1;
	s21 =	sadd.s32 $0xFFFFEBDD, s14;
	v10 =	vld [tilespmem:s8+$0x420];
	[tilespmem:v12+s31+$0x0] =	vst.idx.msk $0xffff, v3;
	(pc) =	sbr.rel @p0 .LBB2_3-.Ltmp0, $4  }
0x14c: {  	s24 =	sor.u32 $0xC70, s24;
	s26 =	sadd.s32 $0xFFFFFFFC, s14;
	v9 =	vadd.s32 s20, v1;
	s20 =	sadd.s32 $0xFFFFEBDE, s14;
	v7 =	vadd.s32 s21, v1;
	v6 =	vld [tilespmem:s1+$0x50];
	[tilespmem:v14+s31+$0x0] =	vst.idx.msk $0xffff, v15  }
0x14d: {  	s15 =	sadd.s32 $0x400, s15;
	s23 =	sadd.s32 $0xFFFFEBDA, s12;
	s21 =	sadd.s32 $0xFFFFCDAF, s12;
	[tilespmem:v17+s31+$0x0] =	vst.idx.msk $0xffff, v16;
	v8 =	vld [tilespmem:s0+$0x50]  }
0x14e: {  	s18 =	sadd.s32 $0x1, s18;
	s17 =	sadd.s32 $0x400, s17;
	v5 =	vadd.s32 s26, v1;
	s16 =	sadd.s32 $0x8, s16;
	v2 =	vadd.s32 s22, v1;
	v4 =	vld [tilespmem:s24+$0x8200];
	[tilespmem:v18+s31+$0x0] =	vst.idx.msk $0xffff, v19  }
0x14f: {  	s11 =	sadd.s32 $0x100, s11;
	s19 =	sadd.s32 $0x2, s19;
	s22 =	sadd.s32 $0xFFFFCDAB, s13;
	[tilespmem:v21+s31+$0x0] =	vst.idx.msk $0xffff, v20;
	v3 =	vld [tilespmem:s25+$0x8200]  }
0x150: {  	_ =	sdelay $0x2  }
0x151: {  	v12 =	vld [tilespmem:s7+$0x820];
	v13 =	vadd.s32 s22, v1  }
0x152: {  	[tilespmem:v11+s31+$0x0] =	vst.idx.msk $0xffff, v10;
	v20 =	vld [tilespmem:s3+$0x820];
	v21 =	vadd.s32 s21, v1;
	s2 =	sadd.s32 $0xFFFFCDAF, s13  }
0x153: {  	v14 =	vld [tilespmem:s8+$0x820];
	v15 =	vadd.s32 s2, v1;
	_ =	sdelay $0x2  }
0x154: {  	s28 =	sor.u32 $0xC20, s10;
	s11 =	sadd.s32 $0xFFFFCDAC, s13;
	[tilespmem:v13+s31+$0x0] =	vst.idx.msk $0xffff, v12  }
0x155: {  	s29 =	sadd.s32 $0xFFFFCDB0, s12;
	s30 =	sor.u32 $0xC20, s6;
	v22 =	vadd.s32 s11, v1;
	[tilespmem:v21+s31+$0x0] =	vst.idx.msk $0xffff, v20;
	v12 =	vld [tilespmem:s28+$0x8200]  }
0x156: {  	s15 =	sadd.s32 $0xFFFFCDB0, s13;
	s16 =	sor.u32 $0xC20, s9;
	v23 =	vadd.s32 s29, v1;
	v11 =	vld [tilespmem:s30+$0x8200];
	[tilespmem:v15+s31+$0x0] =	vst.idx.msk $0xffff, v14  }
0x157: {  	v24 =	vadd.s32 s15, v1;
	v15 =	vld [tilespmem:s16+$0x8200];
	_ =	sdelay $0x2  }
0x158: {  	s17 =	sadd.s32 $0xFFFFD7B9, s13;
	[tilespmem:v22+s31+$0x0] =	vst.idx.msk $0xffff, v12  }
0x159: {  	s18 =	sadd.s32 $0xFFFFD7BD, s12;
	v25 =	vadd.s32 s17, v1;
	[tilespmem:v23+s31+$0x0] =	vst.idx.msk $0xffff, v11;
	v12 =	vld [tilespmem:s7+$0x30]  }
0x15a: {  	s19 =	sadd.s32 $0xFFFFD7BD, s13;
	v26 =	vadd.s32 s18, v1;
	v11 =	vld [tilespmem:s3+$0x30];
	[tilespmem:v24+s31+$0x0] =	vst.idx.msk $0xffff, v15  }
0x15b: {  	v27 =	vadd.s32 s19, v1;
	v15 =	vld [tilespmem:s8+$0x30];
	_ =	sdelay $0x2  }
0x15c: {  	s21 =	sadd.s32 $0xFFFFD7BA, s13;
	[tilespmem:v25+s31+$0x0] =	vst.idx.msk $0xffff, v12  }
0x15d: {  	s22 =	sadd.s32 $0xFFFFD7BE, s12;
	v28 =	vadd.s32 s21, v1;
	[tilespmem:v26+s31+$0x0] =	vst.idx.msk $0xffff, v11;
	v12 =	vld [tilespmem:s7+$0x430]  }
0x15e: {  	s24 =	sadd.s32 $0xFFFFD7BE, s13;
	v29 =	vadd.s32 s22, v1;
	v11 =	vld [tilespmem:s3+$0x430];
	[tilespmem:v27+s31+$0x0] =	vst.idx.msk $0xffff, v15  }
0x15f: {  	v30 =	vadd.s32 s24, v1;
	v15 =	vld [tilespmem:s8+$0x430];
	_ =	sdelay $0x2  }
0x160: {  	s25 =	sadd.s32 $0xFFFFD7BB, s13;
	[tilespmem:v28+s31+$0x0] =	vst.idx.msk $0xffff, v12  }
0x161: {  	s26 =	sadd.s32 $0xFFFFD7BF, s12;
	v31 =	vadd.s32 s25, v1;
	[tilespmem:v29+s31+$0x0] =	vst.idx.msk $0xffff, v11;
	v12 =	vld [tilespmem:s7+$0x830]  }
0x162: {  	v32 =	vadd.s32 s26, v1;
	s28 =	sadd.s32 $0xFFFFD7BF, s13;
	v11 =	vld [tilespmem:s3+$0x830];
	[tilespmem:v30+s31+$0x0] =	vst.idx.msk $0xffff, v15  }
0x163: {  	v33 =	vadd.s32 s28, v1;
	v15 =	vld [tilespmem:s8+$0x830];
	_ =	sdelay $0x2  }
0x164: {  	s29 =	sor.u32 $0xC30, s10;
	s30 =	sadd.s32 $0xFFFFD7BC, s13;
	[tilespmem:v31+s31+$0x0] =	vst.idx.msk $0xffff, v12  }
0x165: {  	s15 =	sadd.s32 $0xFFFFD7C0, s12;
	v34 =	vadd.s32 s30, v1;
	s16 =	sor.u32 $0xC30, s6;
	[tilespmem:v32+s31+$0x0] =	vst.idx.msk $0xffff, v11;
	v12 =	vld [tilespmem:s29+$0x8200]  }
0x166: {  	s17 =	sadd.s32 $0xFFFFD7C0, s13;
	s18 =	sor.u32 $0xC30, s9;
	v35 =	vadd.s32 s15, v1;
	v11 =	vld [tilespmem:s16+$0x8200];
	[tilespmem:v33+s31+$0x0] =	vst.idx.msk $0xffff, v15  }
0x167: {  	v36 =	vadd.s32 s17, v1;
	v15 =	vld [tilespmem:s18+$0x8200];
	_ =	sdelay $0x2  }
0x168: {  	s19 =	sadd.s32 $0xFFFFE1C9, s13;
	[tilespmem:v34+s31+$0x0] =	vst.idx.msk $0xffff, v12  }
0x169: {  	s21 =	sadd.s32 $0xFFFFE1CD, s12;
	v37 =	vadd.s32 s19, v1;
	[tilespmem:v35+s31+$0x0] =	vst.idx.msk $0xffff, v11;
	v12 =	vld [tilespmem:s7+$0x40]  }
0x16a: {  	s22 =	sadd.s32 $0xFFFFE1CD, s13;
	v38 =	vadd.s32 s21, v1;
	v11 =	vld [tilespmem:s3+$0x40];
	[tilespmem:v36+s31+$0x0] =	vst.idx.msk $0xffff, v15  }
0x16b: {  	v39 =	vadd.s32 s22, v1;
	v15 =	vld [tilespmem:s8+$0x40];
	_ =	sdelay $0x2  }
0x16c: {  	s24 =	sadd.s32 $0xFFFFE1CA, s13;
	[tilespmem:v37+s31+$0x0] =	vst.idx.msk $0xffff, v12  }
0x16d: {  	s25 =	sadd.s32 $0xFFFFE1CE, s12;
	v40 =	vadd.s32 s24, v1;
	[tilespmem:v38+s31+$0x0] =	vst.idx.msk $0xffff, v11;
	v12 =	vld [tilespmem:s7+$0x440]  }
0x16e: {  	s26 =	sadd.s32 $0xFFFFE1CE, s13;
	v41 =	vadd.s32 s25, v1;
	v11 =	vld [tilespmem:s3+$0x440];
	[tilespmem:v39+s31+$0x0] =	vst.idx.msk $0xffff, v15  }
0x16f: {  	v42 =	vadd.s32 s26, v1;
	v15 =	vld [tilespmem:s8+$0x440];
	_ =	sdelay $0x2  }
0x170: {  	s28 =	sadd.s32 $0xFFFFE1CB, s13;
	[tilespmem:v40+s31+$0x0] =	vst.idx.msk $0xffff, v12  }
0x171: {  	v43 =	vadd.s32 s28, v1;
	s29 =	sadd.s32 $0xFFFFE1CF, s12;
	[tilespmem:v41+s31+$0x0] =	vst.idx.msk $0xffff, v11;
	v12 =	vld [tilespmem:s7+$0x840]  }
0x172: {  	s30 =	sadd.s32 $0xFFFFE1CF, s13;
	v44 =	vadd.s32 s29, v1;
	v11 =	vld [tilespmem:s3+$0x840];
	[tilespmem:v42+s31+$0x0] =	vst.idx.msk $0xffff, v15  }
0x173: {  	v45 =	vadd.s32 s30, v1;
	v15 =	vld [tilespmem:s8+$0x840];
	_ =	sdelay $0x2  }
0x174: {  	s11 =	sor.u32 $0xC40, s10;
	s15 =	sadd.s32 $0xFFFFE1CC, s13;
	[tilespmem:v43+s31+$0x0] =	vst.idx.msk $0xffff, v12  }
0x175: {  	s17 =	sor.u32 $0xC40, s6;
	v46 =	vadd.s32 s15, v1;
	s16 =	sadd.s32 $0xFFFFE1D0, s12;
	[tilespmem:v44+s31+$0x0] =	vst.idx.msk $0xffff, v11;
	v12 =	vld [tilespmem:s11+$0x8200]  }
0x176: {  	s19 =	sor.u32 $0xC40, s9;
	v47 =	vadd.s32 s16, v1;
	s18 =	sadd.s32 $0xFFFFE1D0, s13;
	v11 =	vld [tilespmem:s17+$0x8200];
	[tilespmem:v45+s31+$0x0] =	vst.idx.msk $0xffff, v15  }
0x177: {  	v48 =	vadd.s32 s18, v1;
	v15 =	vld [tilespmem:s19+$0x8200];
	_ =	sdelay $0x2  }
0x178: {  	s21 =	sadd.s32 $0xFFFFEBD9, s13;
	[tilespmem:v46+s31+$0x0] =	vst.idx.msk $0xffff, v12  }
0x179: {  	s22 =	sadd.s32 $0xFFFFEBDD, s12;
	v49 =	vadd.s32 s21, v1;
	[tilespmem:v47+s31+$0x0] =	vst.idx.msk $0xffff, v11;
	v12 =	vld [tilespmem:s7+$0x50]  }
0x17a: {  	s24 =	sadd.s32 $0xFFFFEBDD, s13;
	v50 =	vadd.s32 s22, v1;
	v11 =	vld [tilespmem:s3+$0x50];
	[tilespmem:v48+s31+$0x0] =	vst.idx.msk $0xffff, v15  }
0x17b: {  	v51 =	vadd.s32 s24, v1;
	v15 =	vld [tilespmem:s8+$0x50]  }
0x17c: {  	[tilespmem:v7+s31+$0x0] =	vst.idx.msk $0xffff, v8  }
0x17d: {  	v53 =	vadd.s32 s20, v1;
	[tilespmem:v9+s31+$0x0] =	vst.idx.msk $0xffff, v6;
	v8 =	vld [tilespmem:s0+$0x450]  }
0x17e: {  	v52 =	vadd.s32 s23, v1;
	v6 =	vld [tilespmem:s1+$0x450];
	s25 =	sadd.s32 $0xFFFFEBDA, s13;
	[tilespmem:v49+s31+$0x0] =	vst.idx.msk $0xffff, v12  }
0x17f: {  	s26 =	sadd.s32 $0xFFFFEBDE, s12;
	v54 =	vadd.s32 s25, v1;
	[tilespmem:v50+s31+$0x0] =	vst.idx.msk $0xffff, v11;
	v12 =	vld [tilespmem:s7+$0x450]  }
0x180: {  	v55 =	vadd.s32 s26, v1;
	s28 =	sadd.s32 $0xFFFFEBDE, s13;
	v11 =	vld [tilespmem:s3+$0x450];
	[tilespmem:v51+s31+$0x0] =	vst.idx.msk $0xffff, v15  }
0x181: {  	v56 =	vadd.s32 s28, v1;
	v15 =	vld [tilespmem:s8+$0x450]  }
0x182: {  	s30 =	sadd.s32 $0xFFFFEBDF, s14;
	[tilespmem:v53+s31+$0x0] =	vst.idx.msk $0xffff, v8  }
0x183: {  	[tilespmem:v52+s31+$0x0] =	vst.idx.msk $0xffff, v6;
	v58 =	vadd.s32 s30, v1;
	v8 =	vld [tilespmem:s0+$0x850];
	s29 =	sadd.s32 $0xFFFFEBDB, s12  }
0x184: {  	s15 =	sadd.s32 $0xFFFFEBDB, s13;
	v6 =	vld [tilespmem:s1+$0x850];
	v57 =	vadd.s32 s29, v1;
	[tilespmem:v54+s31+$0x0] =	vst.idx.msk $0xffff, v12  }
0x185: {  	v59 =	vadd.s32 s15, v1;
	s16 =	sadd.s32 $0xFFFFEBDF, s12;
	[tilespmem:v55+s31+$0x0] =	vst.idx.msk $0xffff, v11;
	v12 =	vld [tilespmem:s7+$0x850]  }
0x186: {  	v60 =	vadd.s32 s16, v1;
	s17 =	sadd.s32 $0xFFFFEBDF, s13;
	v11 =	vld [tilespmem:s3+$0x850];
	[tilespmem:v56+s31+$0x0] =	vst.idx.msk $0xffff, v15  }
0x187: {  	v61 =	vadd.s32 s17, v1;
	v15 =	vld [tilespmem:s8+$0x850]  }
0x188: {  	s15 =	sadd.s32 $0xFFFFEBE0, s14;
	[tilespmem:v58+s31+$0x0] =	vst.idx.msk $0xffff, v8;
	s16 =	sor.u32 $0xC50, s4  }
0x189: {  	v63 =	vadd.s32 s15, v1;
	s18 =	sor.u32 $0xC50, s5;
	v8 =	vld [tilespmem:s16+$0x8200];
	[tilespmem:v57+s31+$0x0] =	vst.idx.msk $0xffff, v6;
	s19 =	sadd.s32 $0xFFFFEBDC, s12  }
0x18a: {  	s20 =	sor.u32 $0xC50, s10;
	s21 =	sadd.s32 $0xFFFFEBDC, s13;
	v6 =	vld [tilespmem:s18+$0x8200];
	v62 =	vadd.s32 s19, v1;
	[tilespmem:v59+s31+$0x0] =	vst.idx.msk $0xffff, v12  }
0x18b: {  	s23 =	sor.u32 $0xC50, s6;
	s22 =	sadd.s32 $0xFFFFEBE0, s12;
	v18 =	vadd.s32 s21, v1;
	[tilespmem:v60+s31+$0x0] =	vst.idx.msk $0xffff, v11;
	v12 =	vld [tilespmem:s20+$0x8200]  }
0x18c: {  	s24 =	sadd.s32 $0xFFFFEBE0, s13;
	s25 =	sor.u32 $0xC50, s9;
	v19 =	vadd.s32 s22, v1;
	v11 =	vld [tilespmem:s23+$0x8200];
	[tilespmem:v61+s31+$0x0] =	vst.idx.msk $0xffff, v15  }
0x18d: {  	v20 =	vadd.s32 s24, v1;
	v15 =	vld [tilespmem:s25+$0x8200]  }
0x18e: {  	s28 =	sadd.s32 $0xFFFFF5ED, s14;
	[tilespmem:v63+s31+$0x0] =	vst.idx.msk $0xffff, v8  }
0x18f: {  	s26 =	sadd.s32 $0xFFFFF5E9, s12;
	v22 =	vadd.s32 s28, v1;
	v8 =	vld [tilespmem:s0+$0x60];
	[tilespmem:v62+s31+$0x0] =	vst.idx.msk $0xffff, v6  }
0x190: {  	v21 =	vadd.s32 s26, v1;
	s29 =	sadd.s32 $0xFFFFF5E9, s13;
	v6 =	vld [tilespmem:s1+$0x60];
	[tilespmem:v18+s31+$0x0] =	vst.idx.msk $0xffff, v12  }
0x191: {  	s30 =	sadd.s32 $0xFFFFF5ED, s12;
	v23 =	vadd.s32 s29, v1;
	[tilespmem:v19+s31+$0x0] =	vst.idx.msk $0xffff, v11;
	v12 =	vld [tilespmem:s7+$0x60]  }
0x192: {  	s15 =	sadd.s32 $0xFFFFF5ED, s13;
	v24 =	vadd.s32 s30, v1;
	v11 =	vld [tilespmem:s3+$0x60];
	[tilespmem:v20+s31+$0x0] =	vst.idx.msk $0xffff, v15  }
0x193: {  	v25 =	vadd.s32 s15, v1;
	v15 =	vld [tilespmem:s8+$0x60]  }
0x194: {  	[tilespmem:v22+s31+$0x0] =	vst.idx.msk $0xffff, v8;
	s17 =	sadd.s32 $0xFFFFF5EE, s14  }
0x195: {  	s16 =	sadd.s32 $0xFFFFF5EA, s12;
	v8 =	vld [tilespmem:s0+$0x460];
	v27 =	vadd.s32 s17, v1;
	[tilespmem:v21+s31+$0x0] =	vst.idx.msk $0xffff, v6  }
0x196: {  	v26 =	vadd.s32 s16, v1;
	s18 =	sadd.s32 $0xFFFFF5EA, s13;
	v6 =	vld [tilespmem:s1+$0x460];
	[tilespmem:v23+s31+$0x0] =	vst.idx.msk $0xffff, v12  }
0x197: {  	v28 =	vadd.s32 s18, v1;
	s19 =	sadd.s32 $0xFFFFF5EE, s12;
	[tilespmem:v24+s31+$0x0] =	vst.idx.msk $0xffff, v11;
	v12 =	vld [tilespmem:s7+$0x460]  }
0x198: {  	v29 =	vadd.s32 s19, v1;
	s20 =	sadd.s32 $0xFFFFF5EE, s13;
	v11 =	vld [tilespmem:s3+$0x460];
	[tilespmem:v25+s31+$0x0] =	vst.idx.msk $0xffff, v15  }
0x199: {  	v30 =	vadd.s32 s20, v1;
	v15 =	vld [tilespmem:s8+$0x460]  }
0x19a: {  	s22 =	sadd.s32 $0xFFFFF5EF, s14;
	[tilespmem:v27+s31+$0x0] =	vst.idx.msk $0xffff, v8  }
0x19b: {  	s21 =	sadd.s32 $0xFFFFF5EB, s12;
	v32 =	vadd.s32 s22, v1;
	v8 =	vld [tilespmem:s0+$0x860];
	[tilespmem:v26+s31+$0x0] =	vst.idx.msk $0xffff, v6  }
0x19c: {  	v31 =	vadd.s32 s21, v1;
	v6 =	vld [tilespmem:s1+$0x860];
	s23 =	sadd.s32 $0xFFFFF5EB, s13;
	[tilespmem:v28+s31+$0x0] =	vst.idx.msk $0xffff, v12  }
0x19d: {  	s24 =	sadd.s32 $0xFFFFF5EF, s12;
	v33 =	vadd.s32 s23, v1;
	[tilespmem:v29+s31+$0x0] =	vst.idx.msk $0xffff, v11;
	v12 =	vld [tilespmem:s7+$0x860]  }
0x19e: {  	v34 =	vadd.s32 s24, v1;
	s25 =	sadd.s32 $0xFFFFF5EF, s13;
	v11 =	vld [tilespmem:s3+$0x860];
	[tilespmem:v30+s31+$0x0] =	vst.idx.msk $0xffff, v15  }
0x19f: {  	v35 =	vadd.s32 s25, v1;
	v15 =	vld [tilespmem:s8+$0x860]  }
0x1a0: {  	s30 =	sor.u32 $0xC60, s4;
	s29 =	sadd.s32 $0xFFFFF5F0, s14;
	[tilespmem:v32+s31+$0x0] =	vst.idx.msk $0xffff, v8  }
0x1a1: {  	s26 =	sor.u32 $0xC60, s5;
	s28 =	sadd.s32 $0xFFFFF5EC, s12;
	v37 =	vadd.s32 s29, v1;
	v8 =	vld [tilespmem:s30+$0x8200];
	[tilespmem:v31+s31+$0x0] =	vst.idx.msk $0xffff, v6  }
0x1a2: {  	s15 =	sor.u32 $0xC60, s10;
	s16 =	sadd.s32 $0xFFFFF5EC, s13;
	v36 =	vadd.s32 s28, v1;
	v6 =	vld [tilespmem:s26+$0x8200];
	[tilespmem:v33+s31+$0x0] =	vst.idx.msk $0xffff, v12  }
0x1a3: {  	s18 =	sor.u32 $0xC60, s6;
	v38 =	vadd.s32 s16, v1;
	s17 =	sadd.s32 $0xFFFFF5F0, s12;
	[tilespmem:v34+s31+$0x0] =	vst.idx.msk $0xffff, v11;
	v12 =	vld [tilespmem:s15+$0x8200]  }
0x1a4: {  	v39 =	vadd.s32 s17, v1;
	s19 =	sadd.s32 $0xFFFFF5F0, s13;
	s20 =	sor.u32 $0xC60, s9;
	v11 =	vld [tilespmem:s18+$0x8200];
	[tilespmem:v35+s31+$0x0] =	vst.idx.msk $0xffff, v15  }
0x1a5: {  	v40 =	vadd.s32 s19, v1;
	v15 =	vld [tilespmem:s20+$0x8200]  }
0x1a6: {  	s22 =	sadd.s32 $0xFFFFFFFD, s14;
	[tilespmem:v37+s31+$0x0] =	vst.idx.msk $0xffff, v8  }
0x1a7: {  	s21 =	sadd.s32 $0xFFFFFFF9, s12;
	v42 =	vadd.s32 s22, v1;
	v8 =	vld [tilespmem:s0+$0x70];
	[tilespmem:v36+s31+$0x0] =	vst.idx.msk $0xffff, v6  }
0x1a8: {  	v41 =	vadd.s32 s21, v1;
	s23 =	sadd.s32 $0xFFFFFFF9, s13;
	v6 =	vld [tilespmem:s1+$0x70];
	[tilespmem:v38+s31+$0x0] =	vst.idx.msk $0xffff, v12  }
0x1a9: {  	s24 =	sadd.s32 $0xFFFFFFFD, s12;
	v43 =	vadd.s32 s23, v1;
	[tilespmem:v39+s31+$0x0] =	vst.idx.msk $0xffff, v11;
	v12 =	vld [tilespmem:s7+$0x70]  }
0x1aa: {  	v44 =	vadd.s32 s24, v1;
	s25 =	sadd.s32 $0xFFFFFFFD, s13;
	v11 =	vld [tilespmem:s3+$0x70];
	[tilespmem:v40+s31+$0x0] =	vst.idx.msk $0xffff, v15  }
0x1ab: {  	v45 =	vadd.s32 s25, v1;
	v15 =	vld [tilespmem:s8+$0x70]  }
0x1ac: {  	s28 =	sadd.s32 $0xFFFFFFFE, s14;
	[tilespmem:v42+s31+$0x0] =	vst.idx.msk $0xffff, v8  }
0x1ad: {  	v47 =	vadd.s32 s28, v1;
	s26 =	sadd.s32 $0xFFFFFFFA, s12;
	v8 =	vld [tilespmem:s0+$0x470];
	[tilespmem:v41+s31+$0x0] =	vst.idx.msk $0xffff, v6  }
0x1ae: {  	s29 =	sadd.s32 $0xFFFFFFFA, s13;
	v46 =	vadd.s32 s26, v1;
	v6 =	vld [tilespmem:s1+$0x470];
	[tilespmem:v43+s31+$0x0] =	vst.idx.msk $0xffff, v12  }
0x1af: {  	v48 =	vadd.s32 s29, v1;
	s30 =	sadd.s32 $0xFFFFFFFE, s12;
	[tilespmem:v44+s31+$0x0] =	vst.idx.msk $0xffff, v11;
	v12 =	vld [tilespmem:s7+$0x470]  }
0x1b0: {  	s11 =	sadd.s32 $0xFFFFFFFE, s13;
	v49 =	vadd.s32 s30, v1;
	v11 =	vld [tilespmem:s3+$0x470];
	[tilespmem:v45+s31+$0x0] =	vst.idx.msk $0xffff, v15  }
0x1b1: {  	v50 =	vadd.s32 s11, v1;
	v15 =	vld [tilespmem:s8+$0x470]  }
0x1b2: {  	s16 =	sadd.s32 $0xFFFFFFFF, s14;
	[tilespmem:v47+s31+$0x0] =	vst.idx.msk $0xffff, v8  }
0x1b3: {  	v52 =	vadd.s32 s16, v1;
	v53 =	vld [tilespmem:s0+$0x870];
	[tilespmem:v46+s31+$0x0] =	vst.idx.msk $0xffff, v6;
	s15 =	sadd.s32 $0xFFFFFFFB, s12  }
0x1b4: {  	s17 =	sadd.s32 $0xFFFFFFFB, s13;
	v6 =	vld [tilespmem:s1+$0x870];
	v51 =	vadd.s32 s15, v1;
	[tilespmem:v48+s31+$0x0] =	vst.idx.msk $0xffff, v12  }
0x1b5: {  	v55 =	vadd.s32 s17, v1;
	s18 =	sadd.s32 $0xFFFFFFFF, s12;
	[tilespmem:v49+s31+$0x0] =	vst.idx.msk $0xffff, v11;
	v54 =	vld [tilespmem:s7+$0x870]  }
0x1b6: {  	s19 =	sadd.s32 $0xFFFFFFFF, s13;
	v56 =	vadd.s32 s18, v1;
	[tilespmem:v50+s31+$0x0] =	vst.idx.msk $0xffff, v15;
	v57 =	vld [tilespmem:s3+$0x870]  }
0x1b7: {  	[tilespmem:v5+s31+$0x0] =	vst.idx.msk $0xffff, v4;
	v58 =	vadd.s32 s19, v1;
	v59 =	vld [tilespmem:s8+$0x870]  }
0x1b8: {  	s22 =	sor.u32 $0xC70, s4;
	[tilespmem:v52+s31+$0x0] =	vst.idx.msk $0xffff, v53  }
0x1b9: {  	s21 =	sadd.s32 $0xFFFFFFFC, s12;
	v61 =	vadd.s32 s14, v1;
	v9 =	vld [tilespmem:s22+$0x8200];
	s20 =	sor.u32 $0xC70, s5;
	[tilespmem:v51+s31+$0x0] =	vst.idx.msk $0xffff, v6  }
0x1ba: {  	s24 =	sadd.s32 $0xFFFFFFFC, s13;
	v60 =	vadd.s32 s21, v1;
	s23 =	sor.u32 $0xC70, s10;
	v6 =	vld [tilespmem:s20+$0x8200];
	[tilespmem:v55+s31+$0x0] =	vst.idx.msk $0xffff, v54  }
0x1bb: {  	v62 =	vadd.s32 s24, v1;
	s25 =	sor.u32 $0xC70, s6;
	[tilespmem:v56+s31+$0x0] =	vst.idx.msk $0xffff, v57;
	v10 =	vld [tilespmem:s23+$0x8200]  }
0x1bc: {  	v63 =	vadd.s32 s12, v1;
	s26 =	sor.u32 $0xC70, s9;
	v13 =	vld [tilespmem:s25+$0x8200];
	[tilespmem:v58+s31+$0x0] =	vst.idx.msk $0xffff, v59  }
0x1bd: {  	[tilespmem:v2+s31+$0x0] =	vst.idx.msk $0xffff, v3;
	v2 =	vadd.s32 s13, v1;
	v3 =	vld [tilespmem:s26+$0x8200]  }
0x1be: {  	[tilespmem:v61+s31+$0x0] =	vst.idx.msk $0xffff, v9  }
0x1bf: {  	[tilespmem:v60+s31+$0x0] =	vst.idx.msk $0xffff, v6  }
0x1c0: {  	[tilespmem:v62+s31+$0x0] =	vst.idx.msk $0xffff, v10  }
0x1c1: {  	[tilespmem:v63+s31+$0x0] =	vst.idx.msk $0xffff, v13  }
0x1c2: {  	[tilespmem:v2+s31+$0x0] =	vst.idx.msk $0xffff, v3  }
0x1c3: {  	s28 =	sld [smem:$0x7F9];
	_ =	sdelay $0x2  }
0x1c4: {  	s0 =	smul.u32 $0x1400, s28;
	_ =	sdelay $0x1  }
0x1c5: {  	s29 =	sadd.s32 $0x6400, s0;
	[smem:$0x7F7] =	sst s0  }
0x1c6: {  	s30 =	sadd.s32 $0xC800, s0;
	[smem:$0x7F5] =	sst s29  }
0x1c7: {  	s0 =	sadd.s32 $0x12C00, s0;
	[smem:$0x7F6] =	sst s30  }
0x1c8: {  	s4 =	simm.s32 $0x0;
	[smem:$0x7F8] =	sst s0  }
.LBB2_5:
0x1c9: {  	s0 =	simm.s32 $0x0  }
0x1ca: {  	s0 =	sand.u32 $0x2, s0  }
0x1cb: {  	s17 =	sshll.u32 s4, $0x2;
	s2 =	sor.u32 $0x1, s0  }
0x1cc: {  	s1 =	sor.u32 s17, s2  }
0x1cd: {  	s1 =	smul.u32 $0xA1, s1;
	_ =	sdelay $0x1  }
0x1ce: {  	s1 =	sadd.s32 $0x0, s1  }
0x1cf: {  	p0 =	slt.u32 s4, $0x2;
	v2 =	vadd.s32 s1, v0  }
0x1d0: {  	s1 =	simm.s32 @!p0 $0x3  }
0x1d1: {  	s3 =	sor.u32 s17, s0;
	_ =	swait.ge @!p0 [sflag:s1], $0x5000  }
0x1d2: {  	s3 =	smul.u32 $0xA1, s3;
	[sflag:s1] =	ssyncset.done @!p0 $0x0  }
0x1d3: {  	[sflag:s1] =	ssyncadd.s32 @!p0 $0xFFFFB000  }
0x1d4: {  	s26 =	sadd.s32 $0x0, s3;
	v3 =	vld.idx.msk [tilespmem:v2+s31+$0x0], $0xffff  }
0x1d5: {  	v2 =	vadd.s32 s26, v0;
	_ =	sdelay $0x3  }
0x1d6: {  	(v2sf) =	vpush v3, $0x0  }
0x1d7: {  	v2 =	vld.idx.msk [tilespmem:v2+s31+$0x0], $0xffff;
	(v2sf) =	vpush v3, $0x1  }
0x1d8: {  	(v2sf) =	vpush v3, $0x2  }
0x1d9: {  	(v2sf) =	vpush v3, $0x3;
	_ =	sdelay $0x2  }
0x1da: {  	(v2sf) =	vpush v2, $0x0  }
0x1db: {  	(v2sf) =	vpush v2, $0x1  }
0x1dc: {  	(v2sf) =	vpush v2, $0x2  }
0x1dd: {  	(v2sf) =	vpush v2, $0x3;
	_ =	sdelay $0x5  }
0x1de: {  	s3 =	spop (v2sf)  }
0x1df: {  	s5 =	spop (v2sf);
	v4 =	vld [tilespmem:s3+$0x0]  }
0x1e0: {  	s10 =	spop (v2sf);
	v5 =	vld [tilespmem:s5+$0x0]  }
0x1e1: {  	v6 =	vld [tilespmem:s10+$0x0];
	s7 =	spop (v2sf)  }
0x1e2: {  	s6 =	sand.u32 $0x1, s4;
	v7 =	vld [tilespmem:s7+$0x0]  }
0x1e3: {  	s8 =	smul.u32 $0x14000, s6  }
0x1e4: {  	[smem:$0x7DC] =	sst s4;
	s14 =	spop (v2sf)  }
0x1e5: {  	s9 =	spop (v2sf);
	v8 =	vld [tilespmem:s14+$0x0]  }
0x1e6: {  	s2 =	smul.u32 $0x5000, s2;
	s8 =	sshrl.u32 s8, $0x2;
	s15 =	spop (v2sf);
	v9 =	vld [tilespmem:s9+$0x0]  }
0x1e7: {  	v4 =	vadd.f32 v5, v4;
	s11 =	spop (v2sf);
	v5 =	vadd.f32 v7, v6;
	v6 =	vld [tilespmem:s15+$0x0];
	[smem:$0x7DD] =	sst s8  }
0x1e8: {  	s16 =	sadd.s32 $0x12280, s8;
	s2 =	sshrl.u32 s2, $0x2;
	v7 =	vld [tilespmem:s11+$0x0]  }
0x1e9: {  	s2 =	sadd.s32 s2, s16;
	v4 =	vadd.f32 v5, v4  }
0x1ea: {  	s12 =	sadd.s32 $0x0, s2  }
0x1eb: {  	[tilespmem:s12+$0x0] =	vst v4  }
0x1ec: {  	s0 =	smul.u32 $0x5000, s0;
	v4 =	vld [tilespmem:s3+$0x10]  }
0x1ed: {  	v5 =	vadd.f32 v9, v8;
	v8 =	vld [tilespmem:s5+$0x10];
	v6 =	vadd.f32 v7, v6  }
0x1ee: {  	s0 =	sshrl.u32 s0, $0x2;
	v9 =	vld [tilespmem:s7+$0x10]  }
0x1ef: {  	s18 =	sadd.s32 s0, s16;
	v7 =	vld [tilespmem:s10+$0x10];
	v5 =	vadd.f32 v6, v5  }
0x1f0: {  	s13 =	sadd.s32 $0x0, s18  }
0x1f1: {  	[tilespmem:s13+$0x0] =	vst v5  }
0x1f2: {  	v5 =	vld [tilespmem:s14+$0x10]  }
0x1f3: {  	v6 =	vld [tilespmem:s9+$0x10]  }
0x1f4: {  	v4 =	vadd.f32 v8, v4;
	v7 =	vadd.f32 v9, v7;
	v8 =	vld [tilespmem:s15+$0x10]  }
0x1f5: {  	v9 =	vld [tilespmem:s11+$0x10]  }
0x1f6: {  	v4 =	vadd.f32 v7, v4;
	_ =	sdelay $0x1  }
0x1f7: {  	[tilespmem:s12+$0x10] =	vst v4  }
0x1f8: {  	v4 =	vld [tilespmem:s3+$0x20]  }
0x1f9: {  	v5 =	vadd.f32 v6, v5;
	v6 =	vld [tilespmem:s5+$0x20];
	v7 =	vadd.f32 v9, v8  }
0x1fa: {  	v8 =	vld [tilespmem:s10+$0x20]  }
0x1fb: {  	v9 =	vld [tilespmem:s7+$0x20];
	v5 =	vadd.f32 v7, v5;
	_ =	sdelay $0x1  }
0x1fc: {  	[tilespmem:s13+$0x10] =	vst v5  }
0x1fd: {  	v5 =	vld [tilespmem:s14+$0x20]  }
0x1fe: {  	v7 =	vld [tilespmem:s9+$0x20]  }
0x1ff: {  	v4 =	vadd.f32 v6, v4;
	v6 =	vadd.f32 v9, v8;
	v8 =	vld [tilespmem:s15+$0x20]  }
0x200: {  	v9 =	vld [tilespmem:s11+$0x20]  }
0x201: {  	v4 =	vadd.f32 v6, v4;
	_ =	sdelay $0x1  }
0x202: {  	[tilespmem:s12+$0x20] =	vst v4  }
0x203: {  	v4 =	vld [tilespmem:s3+$0x30]  }
0x204: {  	v6 =	vld [tilespmem:s5+$0x30];
	v5 =	vadd.f32 v7, v5;
	v7 =	vadd.f32 v9, v8  }
0x205: {  	v8 =	vld [tilespmem:s10+$0x30]  }
0x206: {  	v9 =	vld [tilespmem:s7+$0x30];
	v5 =	vadd.f32 v7, v5;
	_ =	sdelay $0x1  }
0x207: {  	[tilespmem:s13+$0x20] =	vst v5  }
0x208: {  	v5 =	vld [tilespmem:s14+$0x30]  }
0x209: {  	v7 =	vld [tilespmem:s9+$0x30]  }
0x20a: {  	v4 =	vadd.f32 v6, v4;
	v6 =	vadd.f32 v9, v8;
	v8 =	vld [tilespmem:s15+$0x30]  }
0x20b: {  	v9 =	vld [tilespmem:s11+$0x30]  }
0x20c: {  	v4 =	vadd.f32 v6, v4;
	_ =	sdelay $0x1  }
0x20d: {  	[tilespmem:s12+$0x30] =	vst v4  }
0x20e: {  	v4 =	vld [tilespmem:s3+$0x40]  }
0x20f: {  	v5 =	vadd.f32 v7, v5;
	v6 =	vld [tilespmem:s5+$0x40];
	v7 =	vadd.f32 v9, v8  }
0x210: {  	v8 =	vld [tilespmem:s10+$0x40]  }
0x211: {  	v9 =	vld [tilespmem:s7+$0x40];
	v5 =	vadd.f32 v7, v5;
	_ =	sdelay $0x1  }
0x212: {  	[tilespmem:s13+$0x30] =	vst v5  }
0x213: {  	v5 =	vld [tilespmem:s14+$0x40]  }
0x214: {  	v7 =	vld [tilespmem:s9+$0x40]  }
0x215: {  	v4 =	vadd.f32 v6, v4;
	v6 =	vadd.f32 v9, v8;
	v8 =	vld [tilespmem:s15+$0x40]  }
0x216: {  	v9 =	vld [tilespmem:s11+$0x40]  }
0x217: {  	v4 =	vadd.f32 v6, v4;
	_ =	sdelay $0x1  }
0x218: {  	[tilespmem:s12+$0x40] =	vst v4  }
0x219: {  	v4 =	vld [tilespmem:s3+$0x50]  }
0x21a: {  	v5 =	vadd.f32 v7, v5;
	v6 =	vld [tilespmem:s5+$0x50];
	v7 =	vadd.f32 v9, v8  }
0x21b: {  	v8 =	vld [tilespmem:s10+$0x50]  }
0x21c: {  	v9 =	vld [tilespmem:s7+$0x50];
	v5 =	vadd.f32 v7, v5;
	_ =	sdelay $0x1  }
0x21d: {  	[tilespmem:s13+$0x40] =	vst v5  }
0x21e: {  	v5 =	vld [tilespmem:s14+$0x50]  }
0x21f: {  	(v2sf) =	vpush v2, $0x4;
	v7 =	vld [tilespmem:s9+$0x50]  }
0x220: {  	v4 =	vadd.f32 v6, v4;
	v6 =	vadd.f32 v9, v8;
	v8 =	vld [tilespmem:s15+$0x50]  }
0x221: {  	(v2sf) =	vpush v2, $0x5;
	v9 =	vld [tilespmem:s11+$0x50]  }
0x222: {  	(v2sf) =	vpush v2, $0x6;
	v4 =	vadd.f32 v6, v4  }
0x223: {  	(v2sf) =	vpush v2, $0x7  }
0x224: {  	(v2sf) =	vpush v2, $0x8;
	[tilespmem:s12+$0x50] =	vst v4  }
0x225: {  	(v2sf) =	vpush v2, $0x9;
	v4 =	vld [tilespmem:s3+$0x60]  }
0x226: {  	v5 =	vadd.f32 v7, v5;
	v6 =	vld [tilespmem:s5+$0x60];
	v7 =	vadd.f32 v9, v8  }
0x227: {  	(v2sf) =	vpush v2, $0xA;
	v8 =	vld [tilespmem:s10+$0x60]  }
0x228: {  	(v2sf) =	vpush v2, $0xB;
	v9 =	vld [tilespmem:s7+$0x60];
	v5 =	vadd.f32 v7, v5  }
0x229: {  	(v2sf) =	vpush v2, $0xC  }
0x22a: {  	(v2sf) =	vpush v2, $0xD;
	[tilespmem:s13+$0x50] =	vst v5  }
0x22b: {  	(v2sf) =	vpush v2, $0xE;
	v5 =	vld [tilespmem:s14+$0x60]  }
0x22c: {  	(v2sf) =	vpush v2, $0xF;
	v7 =	vld [tilespmem:s9+$0x60]  }
0x22d: {  	v4 =	vadd.f32 v6, v4;
	v6 =	vadd.f32 v9, v8;
	v8 =	vld [tilespmem:s15+$0x60]  }
0x22e: {  	v2 =	vld [tilespmem:s11+$0x60]  }
0x22f: {  	(v2sf) =	vpush v3, $0x4;
	v4 =	vadd.f32 v6, v4  }
0x230: {  	(v2sf) =	vpush v3, $0x5;
	s0 =	spop (v2sf)  }
0x231: {  	(v2sf) =	vpush v3, $0x6;
	s1 =	spop (v2sf);
	[tilespmem:s12+$0x60] =	vst v4  }
0x232: {  	(v2sf) =	vpush v3, $0x7;
	v6 =	vld [tilespmem:s5+$0x70];
	s5 =	spop (v2sf)  }
0x233: {  	v4 =	vld [tilespmem:s3+$0x70];
	v5 =	vadd.f32 v7, v5;
	v2 =	vadd.f32 v2, v8;
	s3 =	spop (v2sf)  }
0x234: {  	v7 =	vld [tilespmem:s10+$0x70];
	s10 =	spop (v2sf)  }
0x235: {  	v8 =	vld [tilespmem:s7+$0x70];
	v2 =	vadd.f32 v2, v5;
	s8 =	spop (v2sf)  }
0x236: {  	s7 =	spop (v2sf)  }
0x237: {  	[tilespmem:s13+$0x60] =	vst v2;
	s4 =	spop (v2sf)  }
0x238: {  	v2 =	vld [tilespmem:s14+$0x70];
	s19 =	spop (v2sf)  }
0x239: {  	v5 =	vld [tilespmem:s9+$0x70];
	[smem:$0x7EC] =	sst s19;
	s20 =	spop (v2sf)  }
0x23a: {  	v4 =	vadd.f32 v6, v4;
	v6 =	vadd.f32 v8, v7;
	v7 =	vld [tilespmem:s15+$0x70];
	[smem:$0x7ED] =	sst s20  }
0x23b: {  	s21 =	spop (v2sf);
	v8 =	vld [tilespmem:s11+$0x70]  }
0x23c: {  	v4 =	vadd.f32 v6, v4;
	[smem:$0x7EE] =	sst s21;
	s22 =	spop (v2sf)  }
0x23d: {  	[dreg:$0x13] =	wrdreg s22  }
0x23e: {  	s23 =	spop (v2sf);
	[tilespmem:s12+$0x70] =	vst v4  }
0x23f: {  	s24 =	spop (v2sf);
	v4 =	vld [tilespmem:s23+$0x0]  }
0x240: {  	v2 =	vadd.f32 v5, v2;
	s25 =	spop (v2sf);
	v5 =	vld [tilespmem:s24+$0x0];
	v6 =	vadd.f32 v8, v7  }
0x241: {  	s14 =	spop (v2sf);
	v7 =	vld [tilespmem:s25+$0x0]  }
0x242: {  	v8 =	vld [tilespmem:s14+$0x0];
	v2 =	vadd.f32 v6, v2;
	_ =	sdelay $0x1  }
0x243: {  	[tilespmem:s13+$0x70] =	vst v2  }
0x244: {  	v2 =	vld [tilespmem:s0+$0x0]  }
0x245: {  	v6 =	vld [tilespmem:s1+$0x0]  }
0x246: {  	v4 =	vadd.f32 v5, v4;
	v5 =	vadd.f32 v8, v7;
	v7 =	vld [tilespmem:s5+$0x0]  }
0x247: {  	s12 =	simm.s32 $0x0;
	v8 =	vld [tilespmem:s3+$0x0]  }
0x248: {  	s26 =	sor.u32 $0x80, s12;
	v4 =	vadd.f32 v5, v4  }
0x249: {  	s15 =	sadd.s32 s26, s2  }
0x24a: {  	[tilespmem:s15+$0x0] =	vst v4  }
0x24b: {  	v4 =	vld [tilespmem:s23+$0x10]  }
0x24c: {  	v2 =	vadd.f32 v6, v2;
	v5 =	vld [tilespmem:s24+$0x10];
	v6 =	vadd.f32 v8, v7  }
0x24d: {  	v7 =	vld [tilespmem:s25+$0x10]  }
0x24e: {  	v8 =	vld [tilespmem:s14+$0x10];
	v2 =	vadd.f32 v6, v2  }
0x24f: {  	s13 =	sadd.s32 s26, s18;
	[smem:$0x7E1] =	sst s18  }
0x250: {  	[tilespmem:s13+$0x0] =	vst v2  }
0x251: {  	v2 =	vld [tilespmem:s0+$0x10]  }
0x252: {  	v6 =	vld [tilespmem:s1+$0x10]  }
0x253: {  	v4 =	vadd.f32 v5, v4;
	v5 =	vadd.f32 v8, v7;
	v7 =	vld [tilespmem:s5+$0x10]  }
0x254: {  	v8 =	vld [tilespmem:s3+$0x10]  }
0x255: {  	v4 =	vadd.f32 v5, v4;
	_ =	sdelay $0x1  }
0x256: {  	[tilespmem:s15+$0x10] =	vst v4  }
0x257: {  	v4 =	vld [tilespmem:s23+$0x20]  }
0x258: {  	v2 =	vadd.f32 v6, v2;
	v5 =	vld [tilespmem:s24+$0x20];
	v6 =	vadd.f32 v8, v7  }
0x259: {  	v7 =	vld [tilespmem:s25+$0x20]  }
0x25a: {  	v8 =	vld [tilespmem:s14+$0x20];
	v2 =	vadd.f32 v6, v2;
	_ =	sdelay $0x1  }
0x25b: {  	[tilespmem:s13+$0x10] =	vst v2  }
0x25c: {  	v2 =	vld [tilespmem:s0+$0x20]  }
0x25d: {  	v6 =	vld [tilespmem:s1+$0x20]  }
0x25e: {  	v4 =	vadd.f32 v5, v4;
	v5 =	vadd.f32 v8, v7;
	v7 =	vld [tilespmem:s5+$0x20]  }
0x25f: {  	v8 =	vld [tilespmem:s3+$0x20]  }
0x260: {  	v4 =	vadd.f32 v5, v4;
	_ =	sdelay $0x1  }
0x261: {  	[tilespmem:s15+$0x20] =	vst v4  }
0x262: {  	v4 =	vld [tilespmem:s23+$0x30]  }
0x263: {  	v2 =	vadd.f32 v6, v2;
	v5 =	vld [tilespmem:s24+$0x30];
	v6 =	vadd.f32 v8, v7  }
0x264: {  	v7 =	vld [tilespmem:s25+$0x30]  }
0x265: {  	v8 =	vld [tilespmem:s14+$0x30];
	v2 =	vadd.f32 v6, v2;
	_ =	sdelay $0x1  }
0x266: {  	[tilespmem:s13+$0x20] =	vst v2  }
0x267: {  	v2 =	vld [tilespmem:s0+$0x30]  }
0x268: {  	v6 =	vld [tilespmem:s1+$0x30]  }
0x269: {  	v4 =	vadd.f32 v5, v4;
	v5 =	vadd.f32 v8, v7;
	v7 =	vld [tilespmem:s5+$0x30]  }
0x26a: {  	v8 =	vld [tilespmem:s3+$0x30]  }
0x26b: {  	v4 =	vadd.f32 v5, v4;
	_ =	sdelay $0x1  }
0x26c: {  	[tilespmem:s15+$0x30] =	vst v4  }
0x26d: {  	v4 =	vld [tilespmem:s23+$0x40]  }
0x26e: {  	v2 =	vadd.f32 v6, v2;
	v5 =	vadd.f32 v8, v7;
	v6 =	vld [tilespmem:s24+$0x40]  }
0x26f: {  	v7 =	vld [tilespmem:s25+$0x40]  }
0x270: {  	v2 =	vadd.f32 v5, v2;
	v5 =	vld [tilespmem:s14+$0x40];
	_ =	sdelay $0x1  }
0x271: {  	[tilespmem:s13+$0x30] =	vst v2  }
0x272: {  	v2 =	vld [tilespmem:s0+$0x40]  }
0x273: {  	v8 =	vld [tilespmem:s1+$0x40]  }
0x274: {  	v9 =	vld [tilespmem:s5+$0x40];
	v4 =	vadd.f32 v6, v4;
	v5 =	vadd.f32 v5, v7  }
0x275: {  	v6 =	vld [tilespmem:s3+$0x40]  }
0x276: {  	v4 =	vadd.f32 v5, v4;
	_ =	sdelay $0x1  }
0x277: {  	[tilespmem:s15+$0x40] =	vst v4  }
0x278: {  	v4 =	vld [tilespmem:s23+$0x50]  }
0x279: {  	v2 =	vadd.f32 v8, v2;
	v5 =	vadd.f32 v6, v9;
	v6 =	vld [tilespmem:s24+$0x50]  }
0x27a: {  	v7 =	vld [tilespmem:s25+$0x50]  }
0x27b: {  	v2 =	vadd.f32 v5, v2;
	v5 =	vld [tilespmem:s14+$0x50];
	_ =	sdelay $0x1  }
0x27c: {  	[tilespmem:s13+$0x40] =	vst v2  }
0x27d: {  	v2 =	vld [tilespmem:s0+$0x50]  }
0x27e: {  	v8 =	vld [tilespmem:s1+$0x50]  }
0x27f: {  	v9 =	vld [tilespmem:s5+$0x50];
	v4 =	vadd.f32 v6, v4;
	v5 =	vadd.f32 v5, v7  }
0x280: {  	v6 =	vld [tilespmem:s3+$0x50]  }
0x281: {  	v4 =	vadd.f32 v5, v4;
	_ =	sdelay $0x1  }
0x282: {  	[tilespmem:s15+$0x50] =	vst v4  }
0x283: {  	v4 =	vld [tilespmem:s23+$0x60]  }
0x284: {  	v2 =	vadd.f32 v8, v2;
	v5 =	vadd.f32 v6, v9;
	v6 =	vld [tilespmem:s24+$0x60]  }
0x285: {  	v7 =	vld [tilespmem:s25+$0x60]  }
0x286: {  	v2 =	vadd.f32 v5, v2;
	v5 =	vld [tilespmem:s14+$0x60];
	_ =	sdelay $0x1  }
0x287: {  	[tilespmem:s13+$0x50] =	vst v2  }
0x288: {  	v2 =	vld [tilespmem:s0+$0x60]  }
0x289: {  	v8 =	vld [tilespmem:s1+$0x60]  }
0x28a: {  	v9 =	vld [tilespmem:s5+$0x60];
	v4 =	vadd.f32 v6, v4;
	v5 =	vadd.f32 v5, v7  }
0x28b: {  	v6 =	vld [tilespmem:s3+$0x60]  }
0x28c: {  	(v2sf) =	vpush v3, $0x8;
	v4 =	vadd.f32 v5, v4  }
0x28d: {  	(v2sf) =	vpush v3, $0x9  }
0x28e: {  	(v2sf) =	vpush v3, $0xA;
	[tilespmem:s15+$0x60] =	vst v4  }
0x28f: {  	(v2sf) =	vpush v3, $0xB;
	v4 =	vld [tilespmem:s23+$0x70]  }
0x290: {  	v2 =	vadd.f32 v8, v2;
	v5 =	vadd.f32 v6, v9;
	v6 =	vld [tilespmem:s24+$0x70]  }
0x291: {  	v7 =	vld [tilespmem:s25+$0x70]  }
0x292: {  	v2 =	vadd.f32 v5, v2;
	v5 =	vld [tilespmem:s14+$0x70];
	_ =	sdelay $0x1  }
0x293: {  	[tilespmem:s13+$0x60] =	vst v2  }
0x294: {  	v2 =	vld [tilespmem:s0+$0x70]  }
0x295: {  	v8 =	vld [tilespmem:s1+$0x70]  }
0x296: {  	v9 =	vld [tilespmem:s5+$0x70];
	v4 =	vadd.f32 v6, v4;
	v5 =	vadd.f32 v5, v7  }
0x297: {  	v6 =	vld [tilespmem:s3+$0x70]  }
0x298: {  	v4 =	vadd.f32 v5, v4;
	_ =	sdelay $0x1  }
0x299: {  	s21 =	smov.u32 s18;
	s18 =	spop (v2sf);
	[tilespmem:s15+$0x70] =	vst v4  }
0x29a: {  	s19 =	spop (v2sf);
	v4 =	vld [tilespmem:s18+$0x0]  }
0x29b: {  	s20 =	spop (v2sf);
	v2 =	vadd.f32 v8, v2;
	v5 =	vadd.f32 v6, v9;
	v6 =	vld [tilespmem:s19+$0x0]  }
0x29c: {  	s25 =	spop (v2sf);
	v7 =	vld [tilespmem:s20+$0x0]  }
0x29d: {  	v2 =	vadd.f32 v5, v2;
	v5 =	vld [tilespmem:s25+$0x0];
	_ =	sdelay $0x1  }
0x29e: {  	[tilespmem:s13+$0x70] =	vst v2  }
0x29f: {  	v2 =	vld [tilespmem:s10+$0x0]  }
0x2a0: {  	v8 =	vld [tilespmem:s8+$0x0]  }
0x2a1: {  	v9 =	vld [tilespmem:s7+$0x0];
	v4 =	vadd.f32 v6, v4;
	v5 =	vadd.f32 v5, v7  }
0x2a2: {  	v6 =	vld [tilespmem:s4+$0x0]  }
0x2a3: {  	s11 =	sor.u32 $0x100, s12;
	v4 =	vadd.f32 v5, v4  }
0x2a4: {  	s14 =	sadd.s32 s11, s2  }
0x2a5: {  	[tilespmem:s14+$0x0] =	vst v4  }
0x2a6: {  	s13 =	simm.s32 $0x2;
	v4 =	vld [tilespmem:s18+$0x10]  }
0x2a7: {  	s15 =	sand.u32 $0x2, s13;
	v2 =	vadd.f32 v8, v2;
	v5 =	vadd.f32 v6, v9;
	v6 =	vld [tilespmem:s19+$0x10]  }
0x2a8: {  	s0 =	sor.u32 $0x1, s15;
	v7 =	vld [tilespmem:s20+$0x10];
	[dreg:$0x4] =	wrdreg s17  }
0x2a9: {  	s24 =	sor.u32 s17, s0;
	v2 =	vadd.f32 v5, v2;
	v5 =	vld [tilespmem:s25+$0x10]  }
0x2aa: {  	s11 =	sadd.s32 s11, s21;
	s26 =	smul.u32 $0xA1, s24  }
0x2ab: {  	[tilespmem:s11+$0x0] =	vst v2  }
0x2ac: {  	s3 =	sadd.s32 $0x0, s26;
	v8 =	vld [tilespmem:s10+$0x10]  }
0x2ad: {  	v2 =	vadd.s32 s3, v0;
	v9 =	vld [tilespmem:s8+$0x10]  }
0x2ae: {  	v10 =	vld [tilespmem:s7+$0x10];
	v4 =	vadd.f32 v6, v4;
	v5 =	vadd.f32 v5, v7  }
0x2af: {  	s5 =	sor.u32 s17, s15;
	v6 =	vld [tilespmem:s4+$0x10]  }
0x2b0: {  	s3 =	smul.u32 $0xA1, s5;
	v4 =	vadd.f32 v5, v4;
	_ =	sdelay $0x1  }
0x2b1: {  	s3 =	sadd.s32 $0x0, s3;
	v2 =	vld.idx.msk [tilespmem:v2+s31+$0x0], $0xffff;
	[tilespmem:s14+$0x10] =	vst v4  }
0x2b2: {  	v4 =	vadd.s32 s3, v0;
	v5 =	vld [tilespmem:s18+$0x20]  }
0x2b3: {  	v7 =	vadd.f32 v9, v8;
	v6 =	vadd.f32 v6, v10;
	v8 =	vld [tilespmem:s19+$0x20]  }
0x2b4: {  	v9 =	vld [tilespmem:s20+$0x20]  }
0x2b5: {  	v6 =	vadd.f32 v6, v7;
	v7 =	vld [tilespmem:s25+$0x20]  }
0x2b6: {  	(v2sf) =	vpush v2, $0x0  }
0x2b7: {  	(v2sf) =	vpush v2, $0x1;
	[tilespmem:s11+$0x10] =	vst v6;
	v4 =	vld.idx.msk [tilespmem:v4+s31+$0x0], $0xffff  }
0x2b8: {  	(v2sf) =	vpush v2, $0x2;
	v6 =	vld [tilespmem:s10+$0x20]  }
0x2b9: {  	v10 =	vld [tilespmem:s8+$0x20];
	(v2sf) =	vpush v2, $0x3  }
0x2ba: {  	v5 =	vadd.f32 v8, v5;
	v8 =	vld [tilespmem:s7+$0x20];
	v7 =	vadd.f32 v7, v9  }
0x2bb: {  	v9 =	vld [tilespmem:s4+$0x20]  }
0x2bc: {  	v5 =	vadd.f32 v7, v5;
	_ =	sdelay $0x1  }
0x2bd: {  	[tilespmem:s14+$0x20] =	vst v5  }
0x2be: {  	(v2sf) =	vpush v4, $0x0;
	v5 =	vld [tilespmem:s18+$0x30]  }
0x2bf: {  	v6 =	vadd.f32 v10, v6;
	v7 =	vadd.f32 v9, v8;
	v8 =	vld [tilespmem:s19+$0x30]  }
0x2c0: {  	(v2sf) =	vpush v4, $0x1;
	v9 =	vld [tilespmem:s20+$0x30]  }
0x2c1: {  	(v2sf) =	vpush v4, $0x2;
	v6 =	vadd.f32 v7, v6;
	v7 =	vld [tilespmem:s25+$0x30]  }
0x2c2: {  	(v2sf) =	vpush v4, $0x3  }
0x2c3: {  	[tilespmem:s11+$0x20] =	vst v6  }
0x2c4: {  	v6 =	vld [tilespmem:s10+$0x30]  }
0x2c5: {  	s24 =	spop (v2sf);
	v10 =	vld [tilespmem:s8+$0x30]  }
0x2c6: {  	v5 =	vadd.f32 v8, v5;
	s21 =	spop (v2sf);
	v8 =	vld [tilespmem:s24+$0x0];
	v7 =	vadd.f32 v7, v9  }
0x2c7: {  	s22 =	spop (v2sf);
	v9 =	vld [tilespmem:s21+$0x0]  }
0x2c8: {  	s23 =	spop (v2sf);
	v5 =	vadd.f32 v7, v5;
	v7 =	vld [tilespmem:s22+$0x0]  }
0x2c9: {  	v11 =	vld [tilespmem:s23+$0x0]  }
0x2ca: {  	v12 =	vld [tilespmem:s7+$0x30];
	[tilespmem:s14+$0x30] =	vst v5  }
0x2cb: {  	(v2sf) =	vpush v4, $0x4;
	v5 =	vld [tilespmem:s18+$0x40]  }
0x2cc: {  	(v2sf) =	vpush v4, $0x5;
	v13 =	vld [tilespmem:s19+$0x40]  }
0x2cd: {  	s0 =	smul.u32 $0x5000, s0;
	(v2sf) =	vpush v4, $0x6;
	v14 =	vld [tilespmem:s20+$0x40]  }
0x2ce: {  	v15 =	vld [tilespmem:s25+$0x40];
	v8 =	vadd.f32 v9, v8;
	s30 =	spop (v2sf);
	v7 =	vadd.f32 v11, v7  }
0x2cf: {  	s0 =	sshrl.u32 s0, $0x2;
	(v2sf) =	vpush v4, $0x7;
	v9 =	vld [tilespmem:s30+$0x0];
	s26 =	spop (v2sf)  }
0x2d0: {  	s3 =	sadd.s32 s0, s16;
	(v2sf) =	vpush v4, $0x8;
	v11 =	vld [tilespmem:s26+$0x0];
	[dreg:$0x5] =	wrdreg s16;
	s28 =	spop (v2sf);
	v7 =	vadd.f32 v7, v8  }
0x2d1: {  	s0 =	sadd.s32 $0x0, s3;
	(v2sf) =	vpush v4, $0x9;
	v8 =	vld [tilespmem:s28+$0x0];
	s29 =	spop (v2sf)  }
0x2d2: {  	(v2sf) =	vpush v4, $0xA;
	v16 =	vld [tilespmem:s29+$0x0];
	[tilespmem:s0+$0x0] =	vst v7  }
0x2d3: {  	v5 =	vadd.f32 v13, v5;
	v7 =	vadd.f32 v15, v14;
	v27 =	vld [tilespmem:s24+$0x10]  }
0x2d4: {  	(v2sf) =	vpush v4, $0xB;
	v28 =	vld [tilespmem:s21+$0x10]  }
0x2d5: {  	(v2sf) =	vpush v4, $0xC;
	v29 =	vld [tilespmem:s23+$0x10];
	v5 =	vadd.f32 v7, v5  }
0x2d6: {  	s1 =	smul.u32 $0x5000, s15;
	(v2sf) =	vpush v4, $0xD;
	v7 =	vld [tilespmem:s22+$0x10]  }
0x2d7: {  	v17 =	vld [tilespmem:s4+$0x30];
	v9 =	vadd.f32 v11, v9;
	v8 =	vadd.f32 v16, v8;
	[tilespmem:s14+$0x40] =	vst v5  }
0x2d8: {  	s1 =	sshrl.u32 s1, $0x2;
	(v2sf) =	vpush v4, $0xE;
	v5 =	vld [tilespmem:s18+$0x50]  }
0x2d9: {  	s9 =	sadd.s32 s1, s16;
	(v2sf) =	vpush v4, $0xF;
	v4 =	vld [tilespmem:s20+$0x50];
	v8 =	vadd.f32 v8, v9  }
0x2da: {  	s31 =	sadd.s32 $0x0, s9;
	v9 =	vld [tilespmem:s19+$0x50]  }
0x2db: {  	v11 =	vadd.f32 v28, v27;
	v7 =	vadd.f32 v29, v7;
	[tilespmem:s31+$0x0] =	vst v8;
	v8 =	vld [tilespmem:s25+$0x50]  }
0x2dc: {  	v6 =	vadd.f32 v10, v6;
	v30 =	vld [tilespmem:s30+$0x10]  }
0x2dd: {  	v10 =	vadd.f32 v17, v12;
	v31 =	vld [tilespmem:s26+$0x10];
	v7 =	vadd.f32 v7, v11  }
0x2de: {  	s17 =	spop (v2sf);
	v11 =	vld [tilespmem:s28+$0x10]  }
0x2df: {  	s13 =	spop (v2sf);
	v6 =	vadd.f32 v10, v6;
	v32 =	vld [tilespmem:s29+$0x10];
	[tilespmem:s0+$0x10] =	vst v7  }
0x2e0: {  	s15 =	spop (v2sf);
	v5 =	vadd.f32 v9, v5;
	v7 =	vld [tilespmem:s24+$0x20];
	v4 =	vadd.f32 v8, v4  }
0x2e1: {  	s16 =	spop (v2sf);
	v9 =	vld [tilespmem:s22+$0x20]  }
0x2e2: {  	s6 =	spop (v2sf);
	[tilespmem:s11+$0x30] =	vst v6;
	v6 =	vld [tilespmem:s23+$0x20];
	v5 =	vadd.f32 v4, v5  }
0x2e3: {  	v8 =	vld [tilespmem:s21+$0x20];
	[smem:$0x7DE] =	sst s6;
	s6 =	spop (v2sf)  }
0x2e4: {  	v10 =	vadd.f32 v31, v30;
	v11 =	vadd.f32 v32, v11;
	s5 =	spop (v2sf);
	v4 =	vld [tilespmem:s10+$0x40];
	[tilespmem:s14+$0x50] =	vst v5  }
0x2e5: {  	v5 =	vld [tilespmem:s18+$0x60];
	[smem:$0x7DF] =	sst s5;
	s5 =	spop (v2sf)  }
0x2e6: {  	v10 =	vadd.f32 v11, v10;
	v11 =	vld [tilespmem:s19+$0x60];
	[smem:$0x7E0] =	sst s5;
	s5 =	spop (v2sf)  }
0x2e7: {  	v33 =	vld [tilespmem:s20+$0x60];
	[dreg:$0xf] =	wrdreg s5  }
0x2e8: {  	v6 =	vadd.f32 v6, v9;
	v7 =	vadd.f32 v8, v7;
	s5 =	spop (v2sf);
	[tilespmem:s31+$0x10] =	vst v10  }
0x2e9: {  	v10 =	vld [tilespmem:s25+$0x60];
	[dreg:$0xe] =	wrdreg s5;
	s5 =	spop (v2sf)  }
0x2ea: {  	v6 =	vadd.f32 v6, v7;
	v8 =	vld [tilespmem:s30+$0x20];
	[dreg:$0xd] =	wrdreg s5;
	s5 =	spop (v2sf)  }
0x2eb: {  	v9 =	vld [tilespmem:s26+$0x20];
	[dreg:$0xc] =	wrdreg s5  }
0x2ec: {  	[tilespmem:s0+$0x20] =	vst v6  }
0x2ed: {  	v6 =	vld [tilespmem:s24+$0x30]  }
0x2ee: {  	v34 =	vld [tilespmem:s21+$0x30]  }
0x2ef: {  	v35 =	vld [tilespmem:s22+$0x30]  }
0x2f0: {  	v36 =	vld [tilespmem:s23+$0x30];
	_ =	sdelay $0x4  }
0x2f1: {  	v6 =	vadd.f32 v34, v6;
	v37 =	vadd.f32 v36, v35;
	_ =	sdelay $0x1  }
0x2f2: {  	v6 =	vadd.f32 v37, v6;
	_ =	sdelay $0x1  }
0x2f3: {  	[tilespmem:s0+$0x30] =	vst v6  }
0x2f4: {  	v6 =	vld [tilespmem:s24+$0x40]  }
0x2f5: {  	v38 =	vld [tilespmem:s21+$0x40]  }
0x2f6: {  	v39 =	vld [tilespmem:s22+$0x40]  }
0x2f7: {  	v40 =	vld [tilespmem:s23+$0x40];
	_ =	sdelay $0x4  }
0x2f8: {  	v6 =	vadd.f32 v38, v6;
	v41 =	vadd.f32 v40, v39;
	_ =	sdelay $0x1  }
0x2f9: {  	v6 =	vadd.f32 v41, v6;
	_ =	sdelay $0x1  }
0x2fa: {  	[tilespmem:s0+$0x40] =	vst v6  }
0x2fb: {  	v6 =	vld [tilespmem:s24+$0x50]  }
0x2fc: {  	v42 =	vld [tilespmem:s21+$0x50]  }
0x2fd: {  	v43 =	vld [tilespmem:s22+$0x50]  }
0x2fe: {  	v44 =	vld [tilespmem:s23+$0x50];
	_ =	sdelay $0x4  }
0x2ff: {  	v6 =	vadd.f32 v42, v6;
	v45 =	vadd.f32 v44, v43;
	_ =	sdelay $0x1  }
0x300: {  	v6 =	vadd.f32 v45, v6;
	_ =	sdelay $0x1  }
0x301: {  	[tilespmem:s0+$0x50] =	vst v6  }
0x302: {  	v6 =	vld [tilespmem:s24+$0x60]  }
0x303: {  	v46 =	vld [tilespmem:s21+$0x60]  }
0x304: {  	v47 =	vld [tilespmem:s22+$0x60]  }
0x305: {  	v48 =	vld [tilespmem:s23+$0x60]  }
0x306: {  	(v2sf) =	vpush v3, $0xC  }
0x307: {  	(v2sf) =	vpush v3, $0xD  }
0x308: {  	(v2sf) =	vpush v3, $0xE;
	v7 =	vld [tilespmem:s28+$0x20]  }
0x309: {  	(v2sf) =	vpush v3, $0xF;
	v49 =	vld [tilespmem:s29+$0x20]  }
0x30a: {  	v6 =	vadd.f32 v46, v6;
	v50 =	vadd.f32 v48, v47  }
0x30b: {  	(v2sf) =	vpush v2, $0x4  }
0x30c: {  	(v2sf) =	vpush v2, $0x5;
	v3 =	vadd.f32 v50, v6  }
0x30d: {  	(v2sf) =	vpush v2, $0x6  }
0x30e: {  	v7 =	vadd.f32 v49, v7;
	v6 =	vadd.f32 v9, v8;
	[tilespmem:s0+$0x60] =	vst v3  }
0x30f: {  	(v2sf) =	vpush v2, $0x7;
	v3 =	vld [tilespmem:s24+$0x70]  }
0x310: {  	v6 =	vadd.f32 v7, v6;
	v8 =	vld [tilespmem:s21+$0x70]  }
0x311: {  	v7 =	vld [tilespmem:s22+$0x70]  }
0x312: {  	v9 =	vld [tilespmem:s23+$0x70];
	[tilespmem:s31+$0x20] =	vst v6  }
0x313: {  	v5 =	vadd.f32 v11, v5;
	v6 =	vadd.f32 v10, v33;
	v10 =	vld [tilespmem:s30+$0x30]  }
0x314: {  	v11 =	vld [tilespmem:s26+$0x30]  }
0x315: {  	v51 =	vld [tilespmem:s29+$0x30];
	v5 =	vadd.f32 v6, v5  }
0x316: {  	v6 =	vld [tilespmem:s28+$0x30]  }
0x317: {  	s24 =	spop (v2sf);
	[tilespmem:s14+$0x60] =	vst v5;
	v3 =	vadd.f32 v8, v3;
	v5 =	vadd.f32 v9, v7  }
0x318: {  	s21 =	spop (v2sf);
	v7 =	vld [tilespmem:s18+$0x70]  }
0x319: {  	s22 =	spop (v2sf);
	v8 =	vld [tilespmem:s19+$0x70];
	v3 =	vadd.f32 v5, v3  }
0x31a: {  	s23 =	spop (v2sf);
	v9 =	vld [tilespmem:s25+$0x70]  }
0x31b: {  	v5 =	vld [tilespmem:s20+$0x70];
	s20 =	spop (v2sf);
	v6 =	vadd.f32 v51, v6;
	[tilespmem:s0+$0x70] =	vst v3;
	v3 =	vadd.f32 v11, v10  }
0x31c: {  	s0 =	spop (v2sf);
	v10 =	vld [tilespmem:s20+$0x0]  }
0x31d: {  	s19 =	spop (v2sf);
	v3 =	vadd.f32 v6, v3;
	v6 =	vld [tilespmem:s0+$0x0]  }
0x31e: {  	v11 =	vld [tilespmem:s19+$0x0];
	s25 =	spop (v2sf)  }
0x31f: {  	[tilespmem:s31+$0x30] =	vst v3;
	v3 =	vld [tilespmem:s25+$0x0]  }
0x320: {  	v7 =	vadd.f32 v8, v7;
	v5 =	vadd.f32 v9, v5;
	v8 =	vld [tilespmem:s30+$0x40]  }
0x321: {  	v9 =	vld [tilespmem:s26+$0x40]  }
0x322: {  	v5 =	vadd.f32 v5, v7;
	v7 =	vld [tilespmem:s28+$0x40]  }
0x323: {  	v52 =	vld [tilespmem:s29+$0x40]  }
0x324: {  	[tilespmem:s14+$0x70] =	vst v5;
	v5 =	vadd.f32 v6, v10;
	v3 =	vadd.f32 v3, v11  }
0x325: {  	s14 =	simm.s32 $0x0;
	v6 =	vld [tilespmem:s24+$0x0]  }
0x326: {  	v10 =	vld [tilespmem:s21+$0x0];
	s1 =	sor.u32 $0x80, s14;
	v3 =	vadd.f32 v3, v5  }
0x327: {  	s18 =	sadd.s32 s1, s3;
	v5 =	vld [tilespmem:s22+$0x0];
	[smem:$0x7E3] =	sst s3  }
0x328: {  	v8 =	vadd.f32 v9, v8;
	v7 =	vadd.f32 v52, v7;
	v11 =	vld [tilespmem:s23+$0x0];
	[tilespmem:s18+$0x0] =	vst v3  }
0x329: {  	v3 =	vld [tilespmem:s20+$0x10]  }
0x32a: {  	v7 =	vadd.f32 v7, v8;
	v8 =	vld [tilespmem:s0+$0x10]  }
0x32b: {  	v9 =	vld [tilespmem:s19+$0x10]  }
0x32c: {  	[tilespmem:s31+$0x40] =	vst v7;
	v7 =	vld [tilespmem:s25+$0x10]  }
0x32d: {  	v53 =	vld [tilespmem:s30+$0x50]  }
0x32e: {  	s12 =	sor.u32 $0x180, s12;
	v6 =	vadd.f32 v10, v6;
	v10 =	vld [tilespmem:s26+$0x50];
	v5 =	vadd.f32 v11, v5  }
0x32f: {  	v11 =	vld [tilespmem:s28+$0x50];
	[smem:$0x7E2] =	sst s12  }
0x330: {  	v5 =	vadd.f32 v5, v6;
	v6 =	vld [tilespmem:s29+$0x50]  }
0x331: {  	s12 =	sadd.s32 s12, s2;
	v3 =	vadd.f32 v8, v3;
	v7 =	vadd.f32 v7, v9  }
0x332: {  	[tilespmem:s12+$0x0] =	vst v5  }
0x333: {  	v3 =	vadd.f32 v7, v3;
	v5 =	vld [tilespmem:s24+$0x10]  }
0x334: {  	v7 =	vld [tilespmem:s21+$0x10]  }
0x335: {  	v9 =	vadd.f32 v10, v53;
	v8 =	vld [tilespmem:s22+$0x10];
	[tilespmem:s18+$0x10] =	vst v3;
	v6 =	vadd.f32 v6, v11  }
0x336: {  	v3 =	vld [tilespmem:s20+$0x20]  }
0x337: {  	v10 =	vld [tilespmem:s19+$0x20];
	v6 =	vadd.f32 v6, v9  }
0x338: {  	v9 =	vld [tilespmem:s0+$0x20]  }
0x339: {  	[tilespmem:s31+$0x50] =	vst v6;
	v6 =	vld [tilespmem:s25+$0x20]  }
0x33a: {  	v11 =	vld [tilespmem:s30+$0x60]  }
0x33b: {  	v54 =	vld [tilespmem:s26+$0x60]  }
0x33c: {  	v55 =	vld [tilespmem:s28+$0x60]  }
0x33d: {  	v56 =	vld [tilespmem:s29+$0x60]  }
0x33e: {  	v57 =	vld [tilespmem:s23+$0x10];
	v3 =	vadd.f32 v9, v3;
	v6 =	vadd.f32 v6, v10;
	_ =	sdelay $0x1  }
0x33f: {  	v9 =	vld [tilespmem:s8+$0x40];
	v3 =	vadd.f32 v6, v3  }
0x340: {  	v10 =	vld [tilespmem:s4+$0x40]  }
0x341: {  	v11 =	vadd.f32 v54, v11;
	v58 =	vadd.f32 v56, v55;
	v6 =	vld [tilespmem:s7+$0x40];
	[tilespmem:s18+$0x20] =	vst v3  }
0x342: {  	v3 =	vadd.f32 v7, v5;
	v5 =	vadd.f32 v57, v8;
	v7 =	vld [tilespmem:s20+$0x30]  }
0x343: {  	v8 =	vadd.f32 v58, v11;
	v11 =	vld [tilespmem:s0+$0x30]  }
0x344: {  	v3 =	vadd.f32 v5, v3;
	v5 =	vld [tilespmem:s19+$0x30]  }
0x345: {  	[tilespmem:s31+$0x60] =	vst v8;
	v8 =	vld [tilespmem:s25+$0x30]  }
0x346: {  	v59 =	vld [tilespmem:s30+$0x70];
	[tilespmem:s12+$0x10] =	vst v3  }
0x347: {  	v4 =	vadd.f32 v9, v4;
	v6 =	vadd.f32 v10, v6;
	v3 =	vld [tilespmem:s24+$0x20]  }
0x348: {  	v60 =	vld [tilespmem:s21+$0x20]  }
0x349: {  	v9 =	vld [tilespmem:s22+$0x20];
	v4 =	vadd.f32 v6, v4  }
0x34a: {  	v10 =	vld [tilespmem:s23+$0x20];
	v7 =	vadd.f32 v11, v7;
	v5 =	vadd.f32 v8, v5  }
0x34b: {  	v6 =	vld [tilespmem:s28+$0x70]  }
0x34c: {  	v8 =	vld [tilespmem:s26+$0x70];
	[tilespmem:s11+$0x40] =	vst v4;
	v5 =	vadd.f32 v5, v7  }
0x34d: {  	v4 =	vld [tilespmem:s10+$0x50]  }
0x34e: {  	v7 =	vld [tilespmem:s29+$0x70];
	[tilespmem:s18+$0x30] =	vst v5  }
0x34f: {  	v3 =	vadd.f32 v60, v3;
	v5 =	vadd.f32 v10, v9;
	v9 =	vld [tilespmem:s20+$0x40]  }
0x350: {  	v10 =	vld [tilespmem:s0+$0x40]  }
0x351: {  	v11 =	vld [tilespmem:s25+$0x40];
	v3 =	vadd.f32 v5, v3  }
0x352: {  	v5 =	vld [tilespmem:s19+$0x40]  }
0x353: {  	v61 =	vld [tilespmem:s8+$0x50];
	v6 =	vadd.f32 v7, v6;
	[tilespmem:s12+$0x20] =	vst v3;
	v3 =	vadd.f32 v8, v59  }
0x354: {  	v7 =	vld [tilespmem:s24+$0x30]  }
0x355: {  	v8 =	vld [tilespmem:s21+$0x30];
	v3 =	vadd.f32 v6, v3  }
0x356: {  	v6 =	vld [tilespmem:s22+$0x30]  }
0x357: {  	v9 =	vadd.f32 v10, v9;
	v5 =	vadd.f32 v11, v5;
	[tilespmem:s31+$0x70] =	vst v3;
	v3 =	vld [tilespmem:s23+$0x30]  }
0x358: {  	v10 =	vld [tilespmem:s17+$0x0]  }
0x359: {  	v11 =	vld [tilespmem:s13+$0x0];
	v5 =	vadd.f32 v5, v9  }
0x35a: {  	v9 =	vld [tilespmem:s15+$0x0]  }
0x35b: {  	v62 =	vld [tilespmem:s16+$0x0];
	[tilespmem:s18+$0x40] =	vst v5  }
0x35c: {  	v5 =	vadd.f32 v8, v7;
	v7 =	vld [tilespmem:s0+$0x50];
	v3 =	vadd.f32 v3, v6  }
0x35d: {  	v8 =	vld [tilespmem:s25+$0x50]  }
0x35e: {  	v6 =	vld [tilespmem:s20+$0x50];
	v3 =	vadd.f32 v3, v5  }
0x35f: {  	v5 =	vld [tilespmem:s19+$0x50]  }
0x360: {  	v63 =	vld [tilespmem:s7+$0x50];
	v9 =	vadd.f32 v62, v9;
	[tilespmem:s12+$0x30] =	vst v3;
	v3 =	vadd.f32 v11, v10  }
0x361: {  	v10 =	vld [tilespmem:s24+$0x40]  }
0x362: {  	v11 =	vld [tilespmem:s21+$0x40];
	v3 =	vadd.f32 v9, v3  }
0x363: {  	s2 =	sadd.s32 s1, s9;
	v9 =	vld [tilespmem:s22+$0x40];
	[smem:$0x7EA] =	sst s9  }
0x364: {  	v18 =	vld [tilespmem:s23+$0x40];
	v5 =	vadd.f32 v8, v5;
	[tilespmem:s2+$0x0] =	vst v3;
	v3 =	vadd.f32 v7, v6  }
0x365: {  	v6 =	vld [tilespmem:s17+$0x10]  }
0x366: {  	v7 =	vld [tilespmem:s13+$0x10];
	v3 =	vadd.f32 v5, v3  }
0x367: {  	v8 =	vld [tilespmem:s16+$0x10]  }
0x368: {  	v5 =	vld [tilespmem:s15+$0x10];
	[tilespmem:s18+$0x50] =	vst v3  }
0x369: {  	v3 =	vadd.f32 v11, v10;
	v9 =	vadd.f32 v18, v9;
	v10 =	vld [tilespmem:s20+$0x60]  }
0x36a: {  	v11 =	vld [tilespmem:s0+$0x60]  }
0x36b: {  	v19 =	vld [tilespmem:s25+$0x60];
	v3 =	vadd.f32 v9, v3  }
0x36c: {  	v9 =	vld [tilespmem:s19+$0x60]  }
0x36d: {  	v5 =	vadd.f32 v8, v5;
	[tilespmem:s12+$0x40] =	vst v3;
	v3 =	vadd.f32 v7, v6  }
0x36e: {  	v6 =	vld [tilespmem:s24+$0x50]  }
0x36f: {  	v7 =	vld [tilespmem:s21+$0x50];
	v3 =	vadd.f32 v5, v3  }
0x370: {  	v8 =	vld [tilespmem:s23+$0x50]  }
0x371: {  	v5 =	vld [tilespmem:s22+$0x50];
	v9 =	vadd.f32 v19, v9;
	[tilespmem:s2+$0x10] =	vst v3;
	v3 =	vadd.f32 v11, v10  }
0x372: {  	v10 =	vld [tilespmem:s17+$0x20]  }
0x373: {  	(v2sf) =	vpush v2, $0x8;
	v11 =	vld [tilespmem:s13+$0x20];
	v3 =	vadd.f32 v9, v3  }
0x374: {  	(v2sf) =	vpush v2, $0x9;
	v21 =	vld [tilespmem:s16+$0x20]  }
0x375: {  	(v2sf) =	vpush v2, $0xA;
	v9 =	vld [tilespmem:s15+$0x20];
	[tilespmem:s18+$0x60] =	vst v3  }
0x376: {  	(v2sf) =	vpush v2, $0xB;
	v3 =	vld [tilespmem:s20+$0x70]  }
0x377: {  	v6 =	vadd.f32 v7, v6;
	v5 =	vadd.f32 v8, v5;
	v23 =	vld [tilespmem:s0+$0x70]  }
0x378: {  	v7 =	vld [tilespmem:s19+$0x70]  }
0x379: {  	v8 =	vld [tilespmem:s25+$0x70];
	v5 =	vadd.f32 v5, v6  }
0x37a: {  	v6 =	vadd.f32 v11, v10;
	v9 =	vadd.f32 v21, v9;
	_ =	sdelay $0x1  }
0x37b: {  	[tilespmem:s12+$0x50] =	vst v5;
	v5 =	vadd.f32 v9, v6  }
0x37c: {  	v20 =	vld [tilespmem:s4+$0x50]  }
0x37d: {  	v3 =	vadd.f32 v23, v3;
	[tilespmem:s2+$0x20] =	vst v5;
	v5 =	vadd.f32 v8, v7  }
0x37e: {  	v7 =	vld [tilespmem:s17+$0x30]  }
0x37f: {  	v8 =	vld [tilespmem:s13+$0x30];
	v3 =	vadd.f32 v5, v3  }
0x380: {  	v5 =	vld [tilespmem:s15+$0x30]  }
0x381: {  	v4 =	vadd.f32 v61, v4;
	v22 =	vadd.f32 v20, v63;
	s0 =	spop (v2sf);
	[tilespmem:s18+$0x70] =	vst v3;
	v3 =	vld [tilespmem:s16+$0x30]  }
0x382: {  	s26 =	spop (v2sf);
	v10 =	vld [tilespmem:s0+$0x0]  }
0x383: {  	v4 =	vadd.f32 v22, v4;
	s25 =	spop (v2sf);
	v11 =	vld [tilespmem:s26+$0x0]  }
0x384: {  	s20 =	spop (v2sf);
	s18 =	simm.s32 $0x4;
	v24 =	vld [tilespmem:s25+$0x0]  }
0x385: {  	[tilespmem:s11+$0x50] =	vst v4;
	v25 =	vld [tilespmem:s20+$0x0];
	s1 =	sand.u32 $0x2, s18  }
0x386: {  	s18 =	rddreg [dreg:$0x4];
	v7 =	vadd.f32 v8, v7;
	s30 =	sor.u32 $0x1, s1;
	v3 =	vadd.f32 v3, v5  }
0x387: {  	v4 =	vld [tilespmem:s10+$0x60];
	s19 =	sor.u32 s18, s30  }
0x388: {  	v27 =	vld [tilespmem:s4+$0x60];
	s14 =	smul.u32 $0xA1, s19;
	v3 =	vadd.f32 v3, v7  }
0x389: {  	v26 =	vld [tilespmem:s22+$0x60]  }
0x38a: {  	v6 =	vld [tilespmem:s24+$0x60];
	s14 =	sadd.s32 $0x10, s14;
	[tilespmem:s2+$0x30] =	vst v3;
	v3 =	vadd.f32 v11, v10;
	v10 =	vadd.f32 v25, v24  }
0x38b: {  	s5 =	simm.s32 $0x0;
	v9 =	vld [tilespmem:s21+$0x60];
	v11 =	vadd.s32 s14, v0  }
0x38c: {  	s29 =	sor.u32 $0x100, s5;
	v8 =	vld [tilespmem:s8+$0x60];
	v3 =	vadd.f32 v10, v3  }
0x38d: {  	s19 =	sadd.s32 s29, s3;
	v5 =	vld [tilespmem:s23+$0x60]  }
0x38e: {  	v7 =	vld [tilespmem:s7+$0x60];
	[tilespmem:s19+$0x0] =	vst v3  }
0x38f: {  	s14 =	simm.s32 $0xD200;
	v31 =	vld [tilespmem:s0+$0x10]  }
0x390: {  	v3 =	vld.idx.msk [tilespmem:v11+s14+$0x0], $0xffff  }
0x391: {  	v6 =	vadd.f32 v9, v6;
	v9 =	vld [tilespmem:s26+$0x10]  }
0x392: {  	v4 =	vadd.f32 v8, v4;
	v8 =	vld [tilespmem:s25+$0x10]  }
0x393: {  	v5 =	vadd.f32 v5, v26;
	v11 =	vld [tilespmem:s20+$0x10]  }
0x394: {  	v28 =	vld [tilespmem:s17+$0x40];
	v7 =	vadd.f32 v27, v7  }
0x395: {  	v29 =	vld [tilespmem:s13+$0x40];
	v5 =	vadd.f32 v5, v6  }
0x396: {  	v30 =	vld [tilespmem:s16+$0x40];
	v32 =	vadd.f32 v7, v4  }
0x397: {  	v10 =	vld [tilespmem:s15+$0x40];
	[tilespmem:s12+$0x60] =	vst v5;
	(v2sf) =	vpush v3, $0x0;
	v9 =	vadd.f32 v9, v31  }
0x398: {  	v4 =	vld [tilespmem:s24+$0x70];
	v8 =	vadd.f32 v11, v8;
	(v2sf) =	vpush v3, $0x1  }
0x399: {  	v5 =	vld [tilespmem:s21+$0x70];
	(v2sf) =	vpush v3, $0x2  }
0x39a: {  	v6 =	vld [tilespmem:s22+$0x70];
	[tilespmem:s11+$0x60] =	vst v32;
	v8 =	vadd.f32 v8, v9;
	(v2sf) =	vpush v3, $0x3  }
0x39b: {  	v19 =	vld [tilespmem:s8+$0x70]  }
0x39c: {  	v7 =	vadd.f32 v29, v28;
	v10 =	vadd.f32 v30, v10;
	v9 =	vld [tilespmem:s10+$0x70];
	[tilespmem:s19+$0x10] =	vst v8  }
0x39d: {  	s24 =	sor.u32 s18, s1;
	v11 =	vld [tilespmem:s0+$0x20]  }
0x39e: {  	v10 =	vadd.f32 v10, v7;
	s10 =	smul.u32 $0xA1, s24;
	v33 =	vld [tilespmem:s26+$0x20]  }
0x39f: {  	v34 =	vld [tilespmem:s25+$0x20]  }
0x3a0: {  	[tilespmem:s2+$0x40] =	vst v10;
	s10 =	sadd.s32 $0x10, s10;
	v35 =	vld [tilespmem:s20+$0x20]  }
0x3a1: {  	v10 =	vld [tilespmem:s17+$0x50];
	v8 =	vadd.s32 s10, v0  }
0x3a2: {  	v36 =	vld [tilespmem:s13+$0x50]  }
0x3a3: {  	v37 =	vld [tilespmem:s15+$0x50]  }
0x3a4: {  	v38 =	vld [tilespmem:s16+$0x50]  }
0x3a5: {  	v7 =	vld [tilespmem:s23+$0x70];
	v11 =	vadd.f32 v33, v11;
	v39 =	vadd.f32 v35, v34  }
0x3a6: {  	v8 =	vld.idx.msk [tilespmem:v8+s14+$0x0], $0xffff;
	s14 =	spop (v2sf)  }
0x3a7: {  	v11 =	vadd.f32 v39, v11;
	v40 =	vld [tilespmem:s14+$0x0];
	s28 =	spop (v2sf)  }
0x3a8: {  	v41 =	vld [tilespmem:s28+$0x0];
	s23 =	spop (v2sf)  }
0x3a9: {  	v10 =	vadd.f32 v36, v10;
	[tilespmem:s19+$0x20] =	vst v11;
	v11 =	vadd.f32 v38, v37;
	v42 =	vld [tilespmem:s23+$0x0];
	s24 =	spop (v2sf)  }
0x3aa: {  	v18 =	vld [tilespmem:s24+$0x0]  }
0x3ab: {  	(v2sf) =	vpush v8, $0x0;
	v43 =	vld [tilespmem:s0+$0x30];
	v10 =	vadd.f32 v11, v10  }
0x3ac: {  	s3 =	smul.u32 $0x5000, s30;
	v44 =	vld [tilespmem:s26+$0x30];
	(v2sf) =	vpush v8, $0x1  }
0x3ad: {  	v45 =	vld [tilespmem:s20+$0x30];
	(v2sf) =	vpush v8, $0x2;
	[tilespmem:s2+$0x50] =	vst v10  }
0x3ae: {  	s5 =	sshrl.u32 s3, $0x2;
	v11 =	vld [tilespmem:s25+$0x30];
	(v2sf) =	vpush v8, $0x3;
	s8 =	rddreg [dreg:$0x5]  }
0x3af: {  	v46 =	vld [tilespmem:s7+$0x70];
	s10 =	sadd.s32 s5, s8;
	v13 =	vadd.f32 v41, v40;
	v12 =	vadd.f32 v18, v42  }
0x3b0: {  	v47 =	vld [tilespmem:s4+$0x70];
	[smem:$0x7E4] =	sst s10  }
0x3b1: {  	v48 =	vld [tilespmem:s17+$0x60];
	v10 =	vadd.f32 v12, v13  }
0x3b2: {  	s7 =	sadd.s32 $0x200, s10;
	v49 =	vld [tilespmem:s13+$0x60]  }
0x3b3: {  	v11 =	vadd.f32 v45, v11;
	v20 =	vld [tilespmem:s15+$0x60];
	[tilespmem:s7+$0x0] =	vst v10;
	v10 =	vadd.f32 v44, v43  }
0x3b4: {  	v50 =	vld [tilespmem:s14+$0x10]  }
0x3b5: {  	v51 =	vld [tilespmem:s28+$0x10];
	v10 =	vadd.f32 v11, v10  }
0x3b6: {  	v52 =	vld [tilespmem:s24+$0x10]  }
0x3b7: {  	v11 =	vld [tilespmem:s23+$0x10];
	[tilespmem:s19+$0x30] =	vst v10  }
0x3b8: {  	v10 =	vld [tilespmem:s0+$0x40]  }
0x3b9: {  	v21 =	vld [tilespmem:s26+$0x40]  }
0x3ba: {  	v22 =	vld [tilespmem:s25+$0x40]  }
0x3bb: {  	s21 =	spop (v2sf);
	v23 =	vld [tilespmem:s20+$0x40]  }
0x3bc: {  	v53 =	vld [tilespmem:s21+$0x0];
	s30 =	spop (v2sf);
	v15 =	vadd.f32 v51, v50;
	v11 =	vadd.f32 v52, v11  }
0x3bd: {  	v54 =	vld [tilespmem:s30+$0x0];
	s31 =	spop (v2sf)  }
0x3be: {  	v55 =	vld [tilespmem:s31+$0x0];
	s22 =	spop (v2sf);
	v11 =	vadd.f32 v11, v15  }
0x3bf: {  	v24 =	vld [tilespmem:s22+$0x0]  }
0x3c0: {  	v25 =	vld [tilespmem:s16+$0x60];
	v10 =	vadd.f32 v21, v10;
	[tilespmem:s7+$0x10] =	vst v11;
	v11 =	vadd.f32 v23, v22  }
0x3c1: {  	s1 =	smul.u32 $0x5000, s1;
	v56 =	vld [tilespmem:s14+$0x20]  }
0x3c2: {  	v57 =	vld [tilespmem:s28+$0x20];
	v10 =	vadd.f32 v11, v10  }
0x3c3: {  	s1 =	sshrl.u32 s1, $0x2;
	v58 =	vld [tilespmem:s24+$0x20]  }
0x3c4: {  	s1 =	sadd.s32 s1, s8;
	v16 =	vadd.f32 v54, v53;
	v15 =	vadd.f32 v24, v55;
	v11 =	vld [tilespmem:s23+$0x20];
	[tilespmem:s19+$0x40] =	vst v10  }
0x3c5: {  	v10 =	vld [tilespmem:s0+$0x50];
	[smem:$0x7E8] =	sst s1  }
0x3c6: {  	v15 =	vadd.f32 v15, v16;
	v59 =	vld [tilespmem:s26+$0x50]  }
0x3c7: {  	s10 =	sadd.s32 $0x200, s1;
	v60 =	vld [tilespmem:s25+$0x50]  }
0x3c8: {  	[tilespmem:s10+$0x0] =	vst v15;
	v61 =	vld [tilespmem:s20+$0x50]  }
0x3c9: {  	v21 =	vadd.f32 v57, v56;
	v11 =	vadd.f32 v58, v11;
	v62 =	vld [tilespmem:s21+$0x10]  }
0x3ca: {  	v63 =	vld [tilespmem:s30+$0x10]  }
0x3cb: {  	v24 =	vld [tilespmem:s31+$0x10];
	v11 =	vadd.f32 v11, v21  }
0x3cc: {  	v26 =	vld [tilespmem:s22+$0x10]  }
0x3cd: {  	[tilespmem:s7+$0x20] =	vst v11;
	v10 =	vadd.f32 v59, v10;
	v11 =	vadd.f32 v61, v60  }
0x3ce: {  	v27 =	vld [tilespmem:s14+$0x30]  }
0x3cf: {  	v28 =	vld [tilespmem:s28+$0x30];
	v10 =	vadd.f32 v11, v10  }
0x3d0: {  	v25 =	vadd.f32 v25, v20;
	v29 =	vld [tilespmem:s24+$0x30]  }
0x3d1: {  	v31 =	vadd.f32 v63, v62;
	v20 =	vadd.f32 v26, v24;
	v11 =	vld [tilespmem:s23+$0x30];
	[tilespmem:s19+$0x50] =	vst v10  }
0x3d2: {  	v10 =	vld [tilespmem:s0+$0x60]  }
0x3d3: {  	v17 =	vadd.f32 v20, v31;
	v32 =	vld [tilespmem:s26+$0x60]  }
0x3d4: {  	v33 =	vld [tilespmem:s25+$0x60]  }
0x3d5: {  	v12 =	vadd.f32 v49, v48;
	[tilespmem:s10+$0x10] =	vst v17;
	v34 =	vld [tilespmem:s20+$0x60]  }
0x3d6: {  	v13 =	vadd.f32 v28, v27;
	v35 =	vld [tilespmem:s21+$0x20];
	v11 =	vadd.f32 v29, v11  }
0x3d7: {  	v12 =	vadd.f32 v25, v12;
	v36 =	vld [tilespmem:s30+$0x20]  }
0x3d8: {  	v37 =	vld [tilespmem:s31+$0x20];
	v11 =	vadd.f32 v11, v13  }
0x3d9: {  	[tilespmem:s2+$0x60] =	vst v12;
	v38 =	vld [tilespmem:s22+$0x20]  }
0x3da: {  	v30 =	vld [tilespmem:s17+$0x70];
	[tilespmem:s7+$0x30] =	vst v11  }
0x3db: {  	v14 =	vadd.f32 v47, v46;
	v11 =	vld [tilespmem:s14+$0x40]  }
0x3dc: {  	v10 =	vadd.f32 v32, v10;
	v17 =	vadd.f32 v34, v33;
	v39 =	vld [tilespmem:s28+$0x40]  }
0x3dd: {  	v9 =	vadd.f32 v19, v9;
	v12 =	vadd.f32 v36, v35;
	v40 =	vld [tilespmem:s23+$0x40]  }
0x3de: {  	v13 =	vadd.f32 v38, v37;
	v10 =	vadd.f32 v17, v10;
	v41 =	vld [tilespmem:s24+$0x40]  }
0x3df: {  	v9 =	vadd.f32 v14, v9;
	v42 =	vld [tilespmem:s13+$0x70]  }
0x3e0: {  	v43 =	vld [tilespmem:s15+$0x70];
	[tilespmem:s19+$0x60] =	vst v10;
	v10 =	vadd.f32 v13, v12  }
0x3e1: {  	[tilespmem:s11+$0x70] =	vst v9;
	v44 =	vld [tilespmem:s16+$0x70]  }
0x3e2: {  	v9 =	vld [tilespmem:s0+$0x70];
	s13 =	sld [smem:$0x7EC];
	[tilespmem:s10+$0x20] =	vst v10  }
0x3e3: {  	v10 =	vadd.f32 v39, v11;
	v11 =	vadd.f32 v41, v40;
	v46 =	vld [tilespmem:s21+$0x30]  }
0x3e4: {  	v47 =	vld [tilespmem:s30+$0x30]  }
0x3e5: {  	v48 =	vld [tilespmem:s22+$0x30];
	v10 =	vadd.f32 v11, v10  }
0x3e6: {  	v45 =	vld [tilespmem:s13+$0x0]  }
0x3e7: {  	v16 =	vadd.f32 v42, v30;
	v14 =	vadd.f32 v44, v43;
	v11 =	vld [tilespmem:s31+$0x30];
	[tilespmem:s7+$0x40] =	vst v10  }
0x3e8: {  	v10 =	vld [tilespmem:s14+$0x50]  }
0x3e9: {  	(v2sf) =	vpush v8, $0x4;
	v14 =	vadd.f32 v14, v16;
	v49 =	vld [tilespmem:s28+$0x50]  }
0x3ea: {  	(v2sf) =	vpush v8, $0x5;
	v50 =	vld [tilespmem:s23+$0x50];
	s4 =	sld [smem:$0x7ED]  }
0x3eb: {  	(v2sf) =	vpush v8, $0x6;
	v51 =	vld [tilespmem:s24+$0x50];
	s1 =	sld [smem:$0x7EE];
	[tilespmem:s2+$0x70] =	vst v14  }
0x3ec: {  	(v2sf) =	vpush v8, $0x7;
	s0 =	rddreg [dreg:$0x13];
	v56 =	vld [tilespmem:s6+$0x0]  }
0x3ed: {  	(v2sf) =	vpush v8, $0x8;
	s5 =	sld [smem:$0x7DE];
	v54 =	vld [tilespmem:s0+$0x0]  }
0x3ee: {  	s15 =	smov.u32 s6;
	v13 =	vadd.f32 v47, v46;
	s6 =	sld [smem:$0x7DF];
	v11 =	vadd.f32 v48, v11;
	v52 =	vld [tilespmem:s4+$0x0]  }
0x3ef: {  	(v2sf) =	vpush v8, $0x9;
	s18 =	sld [smem:$0x7E0];
	v53 =	vld [tilespmem:s1+$0x0]  }
0x3f0: {  	(v2sf) =	vpush v8, $0xA;
	v55 =	vld [tilespmem:s5+$0x0];
	v11 =	vadd.f32 v11, v13  }
0x3f1: {  	(v2sf) =	vpush v8, $0xB;
	v57 =	vld [tilespmem:s6+$0x0]  }
0x3f2: {  	v58 =	vld [tilespmem:s18+$0x0];
	v10 =	vadd.f32 v49, v10;
	v15 =	vadd.f32 v51, v50;
	[tilespmem:s10+$0x30] =	vst v11  }
0x3f3: {  	(v2sf) =	vpush v8, $0xC;
	v11 =	vld [tilespmem:s21+$0x40]  }
0x3f4: {  	(v2sf) =	vpush v8, $0xD;
	v10 =	vadd.f32 v15, v10;
	v59 =	vld [tilespmem:s30+$0x40]  }
0x3f5: {  	(v2sf) =	vpush v8, $0xE;
	v63 =	vld [tilespmem:s31+$0x40]  }
0x3f6: {  	(v2sf) =	vpush v8, $0xF;
	v8 =	vld [tilespmem:s22+$0x40];
	[tilespmem:s7+$0x50] =	vst v10  }
0x3f7: {  	v10 =	vld [tilespmem:s14+$0x60]  }
0x3f8: {  	v13 =	vadd.f32 v56, v55;
	v18 =	vadd.f32 v58, v57;
	v60 =	vld [tilespmem:s28+$0x60]  }
0x3f9: {  	(v2sf) =	vpush v2, $0xC;
	v61 =	vld [tilespmem:s23+$0x60]  }
0x3fa: {  	(v2sf) =	vpush v2, $0xD;
	v62 =	vld [tilespmem:s24+$0x60];
	v13 =	vadd.f32 v18, v13  }
0x3fb: {  	(v2sf) =	vpush v2, $0xE;
	v24 =	vld [tilespmem:s26+$0x70];
	s26 =	sadd.s32 s29, s9  }
0x3fc: {  	v25 =	vld [tilespmem:s25+$0x70];
	v11 =	vadd.f32 v59, v11;
	v8 =	vadd.f32 v8, v63;
	[tilespmem:s26+$0x0] =	vst v13  }
0x3fd: {  	(v2sf) =	vpush v2, $0xF;
	v2 =	vld [tilespmem:s20+$0x70];
	v12 =	vadd.f32 v52, v45;
	s2 =	sld [smem:$0x7E1]  }
0x3fe: {  	v14 =	vadd.f32 v54, v53;
	v13 =	vld [tilespmem:s5+$0x10];
	s16 =	sld [smem:$0x7E2];
	v8 =	vadd.f32 v8, v11  }
0x3ff: {  	s11 =	spop (v2sf);
	v27 =	vld [tilespmem:s15+$0x10];
	v10 =	vadd.f32 v60, v10;
	v26 =	vadd.f32 v62, v61  }
0x400: {  	s25 =	spop (v2sf);
	v12 =	vadd.f32 v14, v12;
	v28 =	vld [tilespmem:s6+$0x10]  }
0x401: {  	v29 =	vld [tilespmem:s18+$0x10];
	[tilespmem:s10+$0x40] =	vst v8;
	v10 =	vadd.f32 v26, v10;
	s3 =	sadd.s32 s16, s2;
	s16 =	spop (v2sf)  }
0x402: {  	v8 =	vld [tilespmem:s21+$0x50];
	[tilespmem:s3+$0x0] =	vst v12;
	s20 =	spop (v2sf)  }
0x403: {  	[tilespmem:s7+$0x60] =	vst v10;
	v11 =	vld [tilespmem:s13+$0x10];
	s17 =	spop (v2sf)  }
0x404: {  	v10 =	vld [tilespmem:s14+$0x70];
	[smem:$0x7E5] =	sst s17;
	s29 =	spop (v2sf)  }
0x405: {  	v32 =	vld [tilespmem:s30+$0x50];
	s9 =	spop (v2sf)  }
0x406: {  	s2 =	smov.u32 s13;
	v30 =	vadd.f32 v27, v13;
	v31 =	vadd.f32 v29, v28;
	v33 =	vld [tilespmem:s31+$0x50];
	[smem:$0x7E6] =	sst s9;
	s13 =	spop (v2sf)  }
0x407: {  	v34 =	vld [tilespmem:s22+$0x50];
	[smem:$0x7E7] =	sst s13;
	s14 =	spop (v2sf)  }
0x408: {  	v12 =	vadd.f32 v31, v30;
	v35 =	vld [tilespmem:s4+$0x10];
	[smem:$0x7EF] =	sst s14;
	s17 =	spop (v2sf)  }
0x409: {  	v9 =	vadd.f32 v24, v9;
	v2 =	vadd.f32 v2, v25;
	v36 =	vld [tilespmem:s1+$0x10];
	[dreg:$0x14] =	wrdreg s17  }
0x40a: {  	s8 =	spop (v2sf);
	[tilespmem:s26+$0x10] =	vst v12  }
0x40b: {  	v2 =	vadd.f32 v2, v9;
	v37 =	vld [tilespmem:s0+$0x10];
	s13 =	spop (v2sf);
	[dreg:$0x11] =	wrdreg s8  }
0x40c: {  	v9 =	vld [tilespmem:s5+$0x20];
	[dreg:$0x12] =	wrdreg s13  }
0x40d: {  	[tilespmem:s19+$0x70] =	vst v2;
	v2 =	vld [tilespmem:s15+$0x20]  }
0x40e: {  	v46 =	vld [tilespmem:s6+$0x20]  }
0x40f: {  	v47 =	vld [tilespmem:s18+$0x20]  }
0x410: {  	v8 =	vadd.f32 v32, v8;
	s17 =	spop (v2sf);
	v38 =	vadd.f32 v34, v33;
	v48 =	vld [tilespmem:s28+$0x70]  }
0x411: {  	s19 =	spop (v2sf);
	v39 =	vld [tilespmem:s17+$0x0]  }
0x412: {  	v40 =	vld [tilespmem:s19+$0x0];
	v8 =	vadd.f32 v38, v8;
	s8 =	spop (v2sf)  }
0x413: {  	s9 =	smov.u32 s0;
	v41 =	vld [tilespmem:s8+$0x0];
	s0 =	spop (v2sf)  }
0x414: {  	v42 =	vld [tilespmem:s0+$0x0];
	[tilespmem:s10+$0x50] =	vst v8  }
0x415: {  	v8 =	vld [tilespmem:s21+$0x60]  }
0x416: {  	s14 =	simm.s32 $0x0;
	v43 =	vld [tilespmem:s30+$0x60]  }
0x417: {  	s13 =	sor.u32 $0x180, s14;
	v44 =	vld [tilespmem:s31+$0x60]  }
0x418: {  	v45 =	vld [tilespmem:s22+$0x60];
	[smem:$0x7EB] =	sst s13  }
0x419: {  	v49 =	vld [tilespmem:s23+$0x70];
	s23 =	sld [smem:$0x7E3];
	v13 =	vadd.f32 v40, v39;
	v12 =	vadd.f32 v42, v41;
	_ =	sdelay $0x1  }
0x41a: {  	v12 =	vadd.f32 v12, v13  }
0x41b: {  	s14 =	sadd.s32 s13, s23  }
0x41c: {  	v11 =	vadd.f32 v35, v11;
	[tilespmem:s14+$0x0] =	vst v12  }
0x41d: {  	v17 =	vadd.f32 v37, v36;
	v2 =	vadd.f32 v2, v9;
	v9 =	vld [tilespmem:s17+$0x10]  }
0x41e: {  	v52 =	vld [tilespmem:s19+$0x10]  }
0x41f: {  	v11 =	vadd.f32 v17, v11;
	v53 =	vld [tilespmem:s8+$0x10]  }
0x420: {  	v14 =	vadd.f32 v47, v46;
	v54 =	vld [tilespmem:s0+$0x10]  }
0x421: {  	v50 =	vld [tilespmem:s24+$0x70];
	[tilespmem:s3+$0x10] =	vst v11  }
0x422: {  	v2 =	vadd.f32 v14, v2;
	v11 =	vld [tilespmem:s2+$0x20]  }
0x423: {  	v58 =	vld [tilespmem:s4+$0x20]  }
0x424: {  	v59 =	vld [tilespmem:s1+$0x20];
	[tilespmem:s26+$0x20] =	vst v2  }
0x425: {  	v2 =	vld [tilespmem:s5+$0x30];
	v9 =	vadd.f32 v52, v9;
	v12 =	vadd.f32 v54, v53  }
0x426: {  	v55 =	vld [tilespmem:s15+$0x30]  }
0x427: {  	v56 =	vld [tilespmem:s6+$0x30];
	v9 =	vadd.f32 v12, v9  }
0x428: {  	v57 =	vld [tilespmem:s18+$0x30]  }
0x429: {  	v60 =	vld [tilespmem:s9+$0x20];
	v8 =	vadd.f32 v43, v8;
	v51 =	vadd.f32 v45, v44;
	[tilespmem:s14+$0x10] =	vst v9  }
0x42a: {  	(v2sf) =	vpush v3, $0x4;
	v9 =	vld [tilespmem:s17+$0x20]  }
0x42b: {  	(v2sf) =	vpush v3, $0x5;
	v8 =	vadd.f32 v51, v8;
	v61 =	vld [tilespmem:s19+$0x20]  }
0x42c: {  	(v2sf) =	vpush v3, $0x6;
	v62 =	vld [tilespmem:s8+$0x20]  }
0x42d: {  	[tilespmem:s10+$0x60] =	vst v8;
	v2 =	vadd.f32 v55, v2;
	v14 =	vadd.f32 v57, v56;
	v63 =	vld [tilespmem:s0+$0x20]  }
0x42e: {  	(v2sf) =	vpush v3, $0x7;
	v11 =	vadd.f32 v58, v11;
	v8 =	vld [tilespmem:s21+$0x70]  }
0x42f: {  	v24 =	vld [tilespmem:s30+$0x70];
	v2 =	vadd.f32 v14, v2;
	v12 =	vadd.f32 v60, v59  }
0x430: {  	v25 =	vld [tilespmem:s31+$0x70]  }
0x431: {  	v29 =	vld [tilespmem:s22+$0x70];
	[tilespmem:s26+$0x30] =	vst v2;
	v11 =	vadd.f32 v12, v11  }
0x432: {  	v2 =	vld [tilespmem:s5+$0x40];
	v9 =	vadd.f32 v61, v9;
	v14 =	vadd.f32 v63, v62  }
0x433: {  	v26 =	vld [tilespmem:s15+$0x40]  }
0x434: {  	s22 =	smov.u32 s3;
	v27 =	vld [tilespmem:s6+$0x40];
	[tilespmem:s3+$0x20] =	vst v11;
	v9 =	vadd.f32 v14, v9  }
0x435: {  	v28 =	vld [tilespmem:s18+$0x40];
	[dreg:$0x18] =	wrdreg s22  }
0x436: {  	[tilespmem:s14+$0x20] =	vst v9  }
0x437: {  	v10 =	vadd.f32 v48, v10;
	v13 =	vadd.f32 v50, v49;
	v9 =	vld [tilespmem:s17+$0x30]  }
0x438: {  	v32 =	vld [tilespmem:s19+$0x30]  }
0x439: {  	v10 =	vadd.f32 v13, v10;
	v33 =	vld [tilespmem:s8+$0x30]  }
0x43a: {  	v34 =	vld [tilespmem:s0+$0x30]  }
0x43b: {  	v8 =	vadd.f32 v24, v8;
	v18 =	vadd.f32 v29, v25;
	v35 =	vld [tilespmem:s1+$0x30];
	[tilespmem:s7+$0x70] =	vst v10;
	s1 =	spop (v2sf)  }
0x43c: {  	s21 =	smov.u32 s2;
	v38 =	vld [tilespmem:s1+$0x0];
	s2 =	spop (v2sf)  }
0x43d: {  	s23 =	smov.u32 s4;
	v8 =	vadd.f32 v18, v8;
	v39 =	vld [tilespmem:s2+$0x0];
	s4 =	spop (v2sf)  }
0x43e: {  	v2 =	vadd.f32 v26, v2;
	v31 =	vadd.f32 v28, v27;
	v40 =	vld [tilespmem:s4+$0x0];
	s7 =	spop (v2sf)  }
0x43f: {  	v41 =	vld [tilespmem:s7+$0x0];
	v9 =	vadd.f32 v32, v9;
	v12 =	vadd.f32 v34, v33  }
0x440: {  	v2 =	vadd.f32 v31, v2  }
0x441: {  	[tilespmem:s10+$0x70] =	vst v8;
	v9 =	vadd.f32 v12, v9  }
0x442: {  	v11 =	vld [tilespmem:s21+$0x30];
	[tilespmem:s26+$0x40] =	vst v2  }
0x443: {  	v36 =	vld [tilespmem:s9+$0x30];
	[tilespmem:s14+$0x30] =	vst v9  }
0x444: {  	v2 =	vld [tilespmem:s5+$0x50];
	v16 =	vadd.f32 v39, v38;
	v12 =	vadd.f32 v41, v40;
	s21 =	sld [smem:$0x7E4]  }
0x445: {  	s24 =	simm.s32 $0x200;
	v9 =	vld [tilespmem:s17+$0x40]  }
0x446: {  	s9 =	sor.u32 $0x80, s24;
	v12 =	vadd.f32 v12, v16;
	v42 =	vld [tilespmem:s19+$0x40]  }
0x447: {  	v43 =	vld [tilespmem:s8+$0x40];
	s13 =	sadd.s32 s9, s21  }
0x448: {  	v8 =	vld [tilespmem:s0+$0x40];
	[tilespmem:s13+$0x0] =	vst v12  }
0x449: {  	v49 =	vld [tilespmem:s1+$0x10]  }
0x44a: {  	v50 =	vld [tilespmem:s2+$0x10]  }
0x44b: {  	v4 =	vadd.f32 v5, v4;
	v5 =	vadd.f32 v7, v6;
	v6 =	vld [tilespmem:s4+$0x10]  }
0x44c: {  	v51 =	vld [tilespmem:s7+$0x10]  }
0x44d: {  	v37 =	vld [tilespmem:s15+$0x50]  }
0x44e: {  	v10 =	vld [tilespmem:s6+$0x50]  }
0x44f: {  	v48 =	vld [tilespmem:s18+$0x50]  }
0x450: {  	v9 =	vadd.f32 v42, v9;
	v8 =	vadd.f32 v8, v43  }
0x451: {  	v53 =	vadd.f32 v50, v49;
	v6 =	vadd.f32 v51, v6  }
0x452: {  	v8 =	vadd.f32 v8, v9  }
0x453: {  	v6 =	vadd.f32 v6, v53  }
0x454: {  	v2 =	vadd.f32 v37, v2;
	v10 =	vadd.f32 v48, v10;
	[tilespmem:s14+$0x40] =	vst v8  }
0x455: {  	v30 =	vld [tilespmem:s23+$0x30];
	s23 =	sld [smem:$0x7E8];
	[tilespmem:s13+$0x10] =	vst v6  }
0x456: {  	v2 =	vadd.f32 v10, v2;
	v10 =	vld [tilespmem:s1+$0x20]  }
0x457: {  	v54 =	vld [tilespmem:s2+$0x20]  }
0x458: {  	v55 =	vld [tilespmem:s4+$0x20]  }
0x459: {  	v56 =	vld [tilespmem:s7+$0x20];
	_ =	sdelay $0x4  }
0x45a: {  	v10 =	vadd.f32 v54, v10;
	v57 =	vadd.f32 v56, v55;
	_ =	sdelay $0x1  }
0x45b: {  	v10 =	vadd.f32 v57, v10;
	_ =	sdelay $0x1  }
0x45c: {  	[tilespmem:s13+$0x20] =	vst v10  }
0x45d: {  	v10 =	vld [tilespmem:s1+$0x30]  }
0x45e: {  	v58 =	vld [tilespmem:s2+$0x30]  }
0x45f: {  	v59 =	vld [tilespmem:s4+$0x30]  }
0x460: {  	v60 =	vld [tilespmem:s7+$0x30];
	_ =	sdelay $0x4  }
0x461: {  	v10 =	vadd.f32 v58, v10;
	v61 =	vadd.f32 v60, v59;
	_ =	sdelay $0x1  }
0x462: {  	v10 =	vadd.f32 v61, v10;
	_ =	sdelay $0x1  }
0x463: {  	[tilespmem:s13+$0x30] =	vst v10  }
0x464: {  	v10 =	vld [tilespmem:s1+$0x40]  }
0x465: {  	v62 =	vld [tilespmem:s2+$0x40]  }
0x466: {  	v63 =	vld [tilespmem:s4+$0x40]  }
0x467: {  	v18 =	vld [tilespmem:s7+$0x40];
	_ =	sdelay $0x4  }
0x468: {  	v10 =	vadd.f32 v62, v10;
	v19 =	vadd.f32 v18, v63;
	_ =	sdelay $0x1  }
0x469: {  	v10 =	vadd.f32 v19, v10;
	_ =	sdelay $0x1  }
0x46a: {  	[tilespmem:s13+$0x40] =	vst v10  }
0x46b: {  	v10 =	vld [tilespmem:s1+$0x50]  }
0x46c: {  	v20 =	vld [tilespmem:s2+$0x50]  }
0x46d: {  	v21 =	vld [tilespmem:s4+$0x50]  }
0x46e: {  	v22 =	vld [tilespmem:s7+$0x50];
	_ =	sdelay $0x4  }
0x46f: {  	v10 =	vadd.f32 v20, v10;
	v23 =	vadd.f32 v22, v21;
	_ =	sdelay $0x1  }
0x470: {  	v10 =	vadd.f32 v23, v10;
	_ =	sdelay $0x1  }
0x471: {  	[tilespmem:s13+$0x50] =	vst v10  }
0x472: {  	v10 =	vld [tilespmem:s1+$0x60]  }
0x473: {  	v24 =	vld [tilespmem:s2+$0x60]  }
0x474: {  	v25 =	vld [tilespmem:s4+$0x60]  }
0x475: {  	v26 =	vld [tilespmem:s7+$0x60];
	_ =	sdelay $0x4  }
0x476: {  	v44 =	vld [tilespmem:s11+$0x0];
	v10 =	vadd.f32 v24, v10;
	v27 =	vadd.f32 v26, v25  }
0x477: {  	v45 =	vld [tilespmem:s25+$0x0]  }
0x478: {  	(v2sf) =	vpush v3, $0x8;
	v46 =	vld [tilespmem:s16+$0x0];
	v10 =	vadd.f32 v27, v10  }
0x479: {  	(v2sf) =	vpush v3, $0x9;
	v47 =	vld [tilespmem:s20+$0x0]  }
0x47a: {  	(v2sf) =	vpush v3, $0xA;
	[tilespmem:s13+$0x60] =	vst v10  }
0x47b: {  	(v2sf) =	vpush v3, $0xB;
	v10 =	vld [tilespmem:s1+$0x70]  }
0x47c: {  	v28 =	vld [tilespmem:s2+$0x70]  }
0x47d: {  	v7 =	vadd.f32 v45, v44;
	v29 =	vld [tilespmem:s4+$0x70]  }
0x47e: {  	v9 =	vadd.f32 v47, v46;
	v8 =	vadd.f32 v30, v11;
	v30 =	vld [tilespmem:s7+$0x70]  }
0x47f: {  	v11 =	vadd.f32 v36, v35;
	v52 =	vld [tilespmem:s17+$0x50]  }
0x480: {  	v7 =	vadd.f32 v9, v7;
	v9 =	vld [tilespmem:s19+$0x50]  }
0x481: {  	v4 =	vadd.f32 v5, v4;
	[tilespmem:s26+$0x50] =	vst v2;
	v5 =	vadd.f32 v11, v8;
	v8 =	vld [tilespmem:s8+$0x50];
	s23 =	sadd.s32 s9, s23  }
0x482: {  	[tilespmem:s23+$0x0] =	vst v7;
	v7 =	vld [tilespmem:s0+$0x50]  }
0x483: {  	v6 =	vld [tilespmem:s5+$0x60];
	v10 =	vadd.f32 v28, v10;
	v31 =	vadd.f32 v30, v29  }
0x484: {  	v11 =	vld [tilespmem:s11+$0x10]  }
0x485: {  	[tilespmem:s12+$0x70] =	vst v4;
	v4 =	vld [tilespmem:s25+$0x10];
	v10 =	vadd.f32 v31, v10  }
0x486: {  	[tilespmem:s22+$0x30] =	vst v5;
	v5 =	vld [tilespmem:s16+$0x10]  }
0x487: {  	v2 =	vld [tilespmem:s20+$0x10];
	[tilespmem:s13+$0x70] =	vst v10;
	s13 =	spop (v2sf)  }
0x488: {  	v10 =	vld [tilespmem:s13+$0x0];
	s9 =	spop (v2sf)  }
0x489: {  	v32 =	vld [tilespmem:s9+$0x0];
	s2 =	spop (v2sf)  }
0x48a: {  	v33 =	vld [tilespmem:s2+$0x0];
	s4 =	spop (v2sf)  }
0x48b: {  	v34 =	vld [tilespmem:s4+$0x0];
	_ =	sdelay $0x4  }
0x48c: {  	v10 =	vadd.f32 v32, v10;
	v35 =	vadd.f32 v34, v33  }
0x48d: {  	s24 =	simm.s32 $0x200  }
0x48e: {  	s10 =	sor.u32 $0x100, s24;
	v10 =	vadd.f32 v35, v10  }
0x48f: {  	s30 =	sadd.s32 s10, s21;
	[smem:$0x7E9] =	sst s10  }
0x490: {  	[tilespmem:s30+$0x0] =	vst v10  }
0x491: {  	v10 =	vld [tilespmem:s13+$0x10]  }
0x492: {  	v36 =	vld [tilespmem:s9+$0x10]  }
0x493: {  	v37 =	vld [tilespmem:s2+$0x10]  }
0x494: {  	v38 =	vld [tilespmem:s4+$0x10];
	_ =	sdelay $0x4  }
0x495: {  	v10 =	vadd.f32 v36, v10;
	v39 =	vadd.f32 v38, v37;
	_ =	sdelay $0x1  }
0x496: {  	v10 =	vadd.f32 v39, v10;
	_ =	sdelay $0x1  }
0x497: {  	v4 =	vadd.f32 v4, v11;
	v2 =	vadd.f32 v2, v5;
	[tilespmem:s30+$0x10] =	vst v10  }
0x498: {  	v5 =	vld [tilespmem:s13+$0x20]  }
0x499: {  	v2 =	vadd.f32 v2, v4;
	v4 =	vld [tilespmem:s9+$0x20]  }
0x49a: {  	v10 =	vld [tilespmem:s2+$0x20]  }
0x49b: {  	[tilespmem:s23+$0x10] =	vst v2;
	v2 =	vld [tilespmem:s4+$0x20]  }
0x49c: {  	v9 =	vadd.f32 v9, v52;
	v7 =	vadd.f32 v7, v8;
	v8 =	vld [tilespmem:s11+$0x20]  }
0x49d: {  	v11 =	vld [tilespmem:s25+$0x20]  }
0x49e: {  	v7 =	vadd.f32 v7, v9;
	v9 =	vld [tilespmem:s16+$0x20]  }
0x49f: {  	v40 =	vld [tilespmem:s20+$0x20];
	[smem:$0x7F4] =	sst s14  }
0x4a0: {  	[tilespmem:s14+$0x50] =	vst v7;
	v4 =	vadd.f32 v4, v5;
	v2 =	vadd.f32 v2, v10  }
0x4a1: {  	v7 =	vld [tilespmem:s19+$0x60]  }
0x4a2: {  	v5 =	vld [tilespmem:s17+$0x60];
	v2 =	vadd.f32 v2, v4  }
0x4a3: {  	v10 =	vld [tilespmem:s0+$0x60]  }
0x4a4: {  	v8 =	vadd.f32 v11, v8;
	v9 =	vadd.f32 v40, v9;
	v4 =	vld [tilespmem:s8+$0x60];
	[tilespmem:s30+$0x20] =	vst v2  }
0x4a5: {  	v2 =	vld [tilespmem:s13+$0x30]  }
0x4a6: {  	v8 =	vadd.f32 v9, v8;
	v9 =	vld [tilespmem:s9+$0x30]  }
0x4a7: {  	v11 =	vld [tilespmem:s2+$0x30]  }
0x4a8: {  	[tilespmem:s23+$0x20] =	vst v8;
	v8 =	vld [tilespmem:s4+$0x30]  }
0x4a9: {  	v41 =	vld [tilespmem:s11+$0x30]  }
0x4aa: {  	v42 =	vld [tilespmem:s20+$0x30];
	v5 =	vadd.f32 v7, v5;
	v4 =	vadd.f32 v10, v4  }
0x4ab: {  	v7 =	vld [tilespmem:s25+$0x30]  }
0x4ac: {  	v10 =	vld [tilespmem:s16+$0x30];
	v4 =	vadd.f32 v4, v5  }
0x4ad: {  	v2 =	vadd.f32 v9, v2;
	v5 =	vadd.f32 v8, v11;
	_ =	sdelay $0x1  }
0x4ae: {  	[tilespmem:s14+$0x60] =	vst v4;
	s14 =	simm.s32 $0x6;
	v2 =	vadd.f32 v5, v2  }
0x4af: {  	v4 =	vld [tilespmem:s17+$0x70];
	[dreg:$0x9] =	wrdreg s14  }
0x4b0: {  	s12 =	simm.s32 $0x6;
	v7 =	vadd.f32 v7, v41;
	v8 =	vadd.f32 v42, v10;
	v5 =	vld [tilespmem:s19+$0x70];
	[tilespmem:s30+$0x30] =	vst v2  }
0x4b1: {  	s31 =	sand.u32 $0x2, s12;
	v2 =	vld [tilespmem:s13+$0x40]  }
0x4b2: {  	s17 =	sor.u32 $0x1, s31;
	v7 =	vadd.f32 v8, v7;
	s19 =	rddreg [dreg:$0x4];
	v8 =	vld [tilespmem:s9+$0x40]  }
0x4b3: {  	v9 =	vld [tilespmem:s2+$0x40];
	s21 =	sor.u32 s19, s17  }
0x4b4: {  	[tilespmem:s23+$0x30] =	vst v7;
	v7 =	vld [tilespmem:s4+$0x40];
	s22 =	sor.u32 s19, s31;
	s7 =	smul.u32 $0xA1, s21  }
0x4b5: {  	v11 =	vld [tilespmem:s11+$0x40];
	s24 =	smul.u32 $0xA1, s22  }
0x4b6: {  	v43 =	vld [tilespmem:s25+$0x40];
	s7 =	sadd.s32 $0x10, s7  }
0x4b7: {  	v44 =	vld [tilespmem:s16+$0x40];
	v10 =	vadd.s32 s7, v0;
	s7 =	sadd.s32 $0x10, s24  }
0x4b8: {  	v46 =	vld [tilespmem:s20+$0x40];
	v45 =	vadd.s32 s7, v0  }
0x4b9: {  	v47 =	vld [tilespmem:s15+$0x60];
	v8 =	vadd.f32 v8, v2;
	v7 =	vadd.f32 v7, v9  }
0x4ba: {  	v9 =	vld [tilespmem:s6+$0x60]  }
0x4bb: {  	s3 =	simm.s32 $0xD200;
	v7 =	vadd.f32 v7, v8;
	v8 =	vld [tilespmem:s18+$0x60]  }
0x4bc: {  	v2 =	vld.idx.msk [tilespmem:v10+s3+$0x0], $0xffff  }
0x4bd: {  	v10 =	vadd.f32 v43, v11;
	v11 =	vadd.f32 v46, v44;
	[tilespmem:s30+$0x40] =	vst v7;
	v48 =	vld.idx.msk [tilespmem:v45+s3+$0x0], $0xffff  }
0x4be: {  	v7 =	vld [tilespmem:s13+$0x50]  }
0x4bf: {  	v49 =	vld [tilespmem:s2+$0x50];
	v10 =	vadd.f32 v11, v10  }
0x4c0: {  	v11 =	vld [tilespmem:s9+$0x50]  }
0x4c1: {  	v6 =	vadd.f32 v47, v6;
	[tilespmem:s23+$0x40] =	vst v10;
	v10 =	vld [tilespmem:s4+$0x50];
	(v2sf) =	vpush v2, $0x0  }
0x4c2: {  	v8 =	vadd.f32 v8, v9;
	v50 =	vld [tilespmem:s11+$0x50];
	(v2sf) =	vpush v2, $0x1  }
0x4c3: {  	v51 =	vld [tilespmem:s25+$0x50];
	(v2sf) =	vpush v2, $0x2  }
0x4c4: {  	v52 =	vld [tilespmem:s16+$0x50];
	v8 =	vadd.f32 v8, v6;
	(v2sf) =	vpush v2, $0x3  }
0x4c5: {  	v53 =	vld [tilespmem:s20+$0x50];
	v9 =	vadd.f32 v11, v7;
	(v2sf) =	vpush v48, $0x0  }
0x4c6: {  	v10 =	vadd.f32 v10, v49;
	(v2sf) =	vpush v48, $0x1  }
0x4c7: {  	v6 =	vld [tilespmem:s8+$0x70];
	(v2sf) =	vpush v48, $0x2  }
0x4c8: {  	v7 =	vld [tilespmem:s0+$0x70];
	[tilespmem:s26+$0x60] =	vst v8;
	v11 =	vadd.f32 v10, v9;
	(v2sf) =	vpush v48, $0x3  }
0x4c9: {  	v8 =	vld [tilespmem:s5+$0x70];
	v54 =	vadd.f32 v51, v50;
	(v2sf) =	vpush v48, $0x4  }
0x4ca: {  	v55 =	vadd.f32 v53, v52;
	v9 =	vld [tilespmem:s15+$0x70];
	[tilespmem:s30+$0x50] =	vst v11;
	(v2sf) =	vpush v48, $0x5  }
0x4cb: {  	v56 =	vld [tilespmem:s13+$0x60];
	(v2sf) =	vpush v48, $0x6  }
0x4cc: {  	v11 =	vadd.f32 v55, v54;
	v57 =	vld [tilespmem:s9+$0x60];
	(v2sf) =	vpush v48, $0x7  }
0x4cd: {  	v58 =	vld [tilespmem:s2+$0x60];
	(v2sf) =	vpush v48, $0x8  }
0x4ce: {  	v59 =	vld [tilespmem:s4+$0x60];
	[tilespmem:s23+$0x50] =	vst v11;
	(v2sf) =	vpush v48, $0x9  }
0x4cf: {  	v60 =	vld [tilespmem:s11+$0x60];
	(v2sf) =	vpush v48, $0xA  }
0x4d0: {  	v61 =	vld [tilespmem:s25+$0x60];
	(v2sf) =	vpush v48, $0xB;
	s24 =	spop (v2sf)  }
0x4d1: {  	v62 =	vld [tilespmem:s16+$0x60];
	s28 =	spop (v2sf)  }
0x4d2: {  	v63 =	vld [tilespmem:s20+$0x60];
	v13 =	vadd.f32 v57, v56;
	(v2sf) =	vpush v48, $0xC;
	s5 =	spop (v2sf)  }
0x4d3: {  	v10 =	vld [tilespmem:s6+$0x70];
	v14 =	vadd.f32 v59, v58;
	(v2sf) =	vpush v48, $0xD;
	s21 =	spop (v2sf)  }
0x4d4: {  	v24 =	vld [tilespmem:s24+$0x0];
	(v2sf) =	vpush v48, $0xE;
	s22 =	spop (v2sf)  }
0x4d5: {  	v13 =	vadd.f32 v14, v13;
	v25 =	vld [tilespmem:s28+$0x0];
	(v2sf) =	vpush v48, $0xF;
	s8 =	spop (v2sf)  }
0x4d6: {  	v27 =	vld [tilespmem:s5+$0x0];
	s7 =	spop (v2sf)  }
0x4d7: {  	v26 =	vadd.f32 v61, v60;
	v28 =	vadd.f32 v63, v62;
	[tilespmem:s30+$0x60] =	vst v13;
	v29 =	vld [tilespmem:s21+$0x0];
	s12 =	spop (v2sf)  }
0x4d8: {  	v13 =	vld [tilespmem:s13+$0x70];
	(v2sf) =	vpush v3, $0xC;
	s13 =	spop (v2sf)  }
0x4d9: {  	v11 =	vld [tilespmem:s18+$0x70];
	v14 =	vadd.f32 v28, v26;
	(v2sf) =	vpush v3, $0xD;
	s19 =	spop (v2sf)  }
0x4da: {  	v30 =	vld [tilespmem:s2+$0x70];
	(v2sf) =	vpush v3, $0xE;
	s14 =	spop (v2sf)  }
0x4db: {  	s10 =	smul.u32 $0x5000, s17;
	v31 =	vld [tilespmem:s4+$0x70];
	[tilespmem:s23+$0x60] =	vst v14;
	(v2sf) =	vpush v3, $0xF;
	s17 =	spop (v2sf)  }
0x4dc: {  	v14 =	vld [tilespmem:s11+$0x70];
	s3 =	rddreg [dreg:$0x5];
	s15 =	spop (v2sf)  }
0x4dd: {  	v12 =	vadd.f32 v25, v24;
	v3 =	vld [tilespmem:s9+$0x70];
	v32 =	vadd.f32 v29, v27;
	[smem:$0x7F3] =	sst s15;
	s18 =	spop (v2sf)  }
0x4de: {  	s0 =	sshrl.u32 s10, $0x2;
	v33 =	vld [tilespmem:s22+$0x0];
	[smem:$0x7F2] =	sst s18;
	s2 =	spop (v2sf)  }
0x4df: {  	s10 =	sadd.s32 s0, s3;
	v12 =	vadd.f32 v32, v12;
	v34 =	vld [tilespmem:s8+$0x0];
	[smem:$0x7F1] =	sst s2;
	s4 =	spop (v2sf)  }
0x4e0: {  	s11 =	sadd.s32 $0x200, s10;
	v35 =	vld [tilespmem:s7+$0x0];
	[smem:$0x7F0] =	sst s4  }
0x4e1: {  	s6 =	spop (v2sf);
	[tilespmem:s11+$0x0] =	vst v12  }
0x4e2: {  	v37 =	vadd.f32 v31, v30;
	v3 =	vadd.f32 v3, v13;
	v36 =	vld [tilespmem:s12+$0x0];
	s9 =	spop (v2sf);
	[dreg:$0x8] =	wrdreg s6  }
0x4e3: {  	s15 =	spop (v2sf);
	v38 =	vld [tilespmem:s24+$0x10];
	[dreg:$0x6] =	wrdreg s9  }
0x4e4: {  	v3 =	vadd.f32 v37, v3;
	s18 =	spop (v2sf);
	v39 =	vld [tilespmem:s28+$0x10];
	[dreg:$0xb] =	wrdreg s15  }
0x4e5: {  	v40 =	vld [tilespmem:s5+$0x10];
	[dreg:$0x7] =	wrdreg s18  }
0x4e6: {  	[tilespmem:s30+$0x70] =	vst v3;
	v3 =	vld [tilespmem:s21+$0x10]  }
0x4e7: {  	s1 =	smul.u32 $0x5000, s31;
	s0 =	spop (v2sf)  }
0x4e8: {  	v16 =	vadd.f32 v34, v33;
	s4 =	spop (v2sf);
	v15 =	vadd.f32 v36, v35;
	v41 =	vld [tilespmem:s0+$0x0]  }
0x4e9: {  	s2 =	sshrl.u32 s1, $0x2;
	s30 =	spop (v2sf);
	v42 =	vld [tilespmem:s4+$0x0]  }
0x4ea: {  	s9 =	sadd.s32 s2, s3;
	v43 =	vld [tilespmem:s30+$0x0];
	s31 =	spop (v2sf);
	v15 =	vadd.f32 v15, v16  }
0x4eb: {  	s2 =	sadd.s32 $0x200, s9;
	v44 =	vld [tilespmem:s31+$0x0];
	v13 =	vadd.f32 v39, v38;
	v3 =	vadd.f32 v3, v40  }
0x4ec: {  	v45 =	vld [tilespmem:s25+$0x70];
	[tilespmem:s2+$0x0] =	vst v15  }
0x4ed: {  	v46 =	vld [tilespmem:s22+$0x10];
	v3 =	vadd.f32 v3, v13  }
0x4ee: {  	v15 =	vld [tilespmem:s8+$0x10]  }
0x4ef: {  	v47 =	vld [tilespmem:s7+$0x10];
	[tilespmem:s11+$0x10] =	vst v3  }
0x4f0: {  	v48 =	vld [tilespmem:s12+$0x10];
	v16 =	vadd.f32 v44, v43;
	v3 =	vadd.f32 v42, v41;
	s6 =	sld [smem:$0x7E4]  }
0x4f1: {  	s3 =	simm.s32 $0x200;
	v49 =	vld [tilespmem:s24+$0x20]  }
0x4f2: {  	s25 =	sor.u32 $0x180, s3;
	v50 =	vld [tilespmem:s28+$0x20];
	v3 =	vadd.f32 v16, v3  }
0x4f3: {  	v51 =	vld [tilespmem:s5+$0x20];
	s18 =	sadd.s32 s25, s6  }
0x4f4: {  	v52 =	vld [tilespmem:s21+$0x20];
	[tilespmem:s18+$0x0] =	vst v3  }
0x4f5: {  	v53 =	vadd.f32 v48, v47;
	v3 =	vadd.f32 v15, v46;
	v54 =	vld [tilespmem:s0+$0x10]  }
0x4f6: {  	v55 =	vld [tilespmem:s4+$0x10]  }
0x4f7: {  	v56 =	vld [tilespmem:s30+$0x10];
	v3 =	vadd.f32 v53, v3  }
0x4f8: {  	v57 =	vld [tilespmem:s31+$0x10]  }
0x4f9: {  	v58 =	vld [tilespmem:s16+$0x70];
	v16 =	vadd.f32 v52, v51;
	[tilespmem:s2+$0x10] =	vst v3;
	v3 =	vadd.f32 v50, v49  }
0x4fa: {  	v59 =	vld [tilespmem:s22+$0x20]  }
0x4fb: {  	v60 =	vld [tilespmem:s8+$0x20];
	v3 =	vadd.f32 v16, v3  }
0x4fc: {  	v61 =	vld [tilespmem:s7+$0x20]  }
0x4fd: {  	v62 =	vld [tilespmem:s12+$0x20];
	v12 =	vadd.f32 v57, v56;
	[tilespmem:s11+$0x20] =	vst v3;
	v3 =	vadd.f32 v55, v54  }
0x4fe: {  	v63 =	vld [tilespmem:s24+$0x30]  }
0x4ff: {  	v24 =	vld [tilespmem:s28+$0x30];
	v3 =	vadd.f32 v12, v3  }
0x500: {  	v25 =	vld [tilespmem:s5+$0x30]  }
0x501: {  	v26 =	vld [tilespmem:s21+$0x30];
	[tilespmem:s18+$0x10] =	vst v3  }
0x502: {  	v16 =	vadd.f32 v62, v61;
	v3 =	vadd.f32 v60, v59;
	v27 =	vld [tilespmem:s0+$0x20]  }
0x503: {  	v28 =	vld [tilespmem:s4+$0x20]  }
0x504: {  	v29 =	vld [tilespmem:s30+$0x20];
	v3 =	vadd.f32 v16, v3  }
0x505: {  	v30 =	vld [tilespmem:s31+$0x20]  }
0x506: {  	v31 =	vld [tilespmem:s20+$0x70];
	v12 =	vadd.f32 v26, v25;
	[tilespmem:s2+$0x20] =	vst v3;
	v3 =	vadd.f32 v24, v63  }
0x507: {  	v32 =	vld [tilespmem:s22+$0x30]  }
0x508: {  	v33 =	vld [tilespmem:s8+$0x30];
	v3 =	vadd.f32 v12, v3  }
0x509: {  	v34 =	vld [tilespmem:s7+$0x30]  }
0x50a: {  	v35 =	vld [tilespmem:s12+$0x30];
	v16 =	vadd.f32 v30, v29;
	[tilespmem:s11+$0x30] =	vst v3;
	v3 =	vadd.f32 v28, v27  }
0x50b: {  	v36 =	vld [tilespmem:s24+$0x40]  }
0x50c: {  	v37 =	vld [tilespmem:s28+$0x40];
	v3 =	vadd.f32 v16, v3  }
0x50d: {  	v38 =	vld [tilespmem:s5+$0x40]  }
0x50e: {  	v14 =	vadd.f32 v45, v14;
	v39 =	vadd.f32 v31, v58;
	v40 =	vld [tilespmem:s21+$0x40];
	[tilespmem:s18+$0x20] =	vst v3  }
0x50f: {  	v12 =	vadd.f32 v35, v34;
	v3 =	vadd.f32 v33, v32;
	v41 =	vld [tilespmem:s0+$0x30]  }
0x510: {  	v14 =	vadd.f32 v39, v14;
	v42 =	vld [tilespmem:s4+$0x30]  }
0x511: {  	v43 =	vld [tilespmem:s30+$0x30];
	v3 =	vadd.f32 v12, v3  }
0x512: {  	[tilespmem:s23+$0x70] =	vst v14;
	v44 =	vld [tilespmem:s31+$0x30]  }
0x513: {  	v58 =	vld [tilespmem:s29+$0x0];
	s20 =	sld [smem:$0x7E5];
	v16 =	vadd.f32 v40, v38;
	[tilespmem:s2+$0x30] =	vst v3;
	v3 =	vadd.f32 v37, v36  }
0x514: {  	v46 =	vld [tilespmem:s22+$0x40]  }
0x515: {  	v47 =	vld [tilespmem:s8+$0x40];
	v3 =	vadd.f32 v16, v3  }
0x516: {  	v48 =	vld [tilespmem:s7+$0x40]  }
0x517: {  	v49 =	vld [tilespmem:s12+$0x40];
	v12 =	vadd.f32 v44, v43;
	[tilespmem:s11+$0x40] =	vst v3;
	v3 =	vadd.f32 v42, v41  }
0x518: {  	v50 =	vld [tilespmem:s24+$0x50]  }
0x519: {  	v51 =	vld [tilespmem:s28+$0x50];
	v3 =	vadd.f32 v12, v3  }
0x51a: {  	v52 =	vld [tilespmem:s5+$0x50]  }
0x51b: {  	v53 =	vld [tilespmem:s21+$0x50];
	[tilespmem:s18+$0x30] =	vst v3  }
0x51c: {  	v16 =	vadd.f32 v49, v48;
	v3 =	vadd.f32 v47, v46;
	v54 =	vld [tilespmem:s0+$0x40]  }
0x51d: {  	v55 =	vld [tilespmem:s4+$0x40]  }
0x51e: {  	v56 =	vld [tilespmem:s30+$0x40];
	v3 =	vadd.f32 v16, v3  }
0x51f: {  	v57 =	vld [tilespmem:s31+$0x40]  }
0x520: {  	v45 =	vld [tilespmem:s20+$0x0];
	v12 =	vadd.f32 v53, v52;
	[tilespmem:s2+$0x40] =	vst v3;
	v3 =	vadd.f32 v51, v50  }
0x521: {  	v59 =	vld [tilespmem:s22+$0x50]  }
0x522: {  	v60 =	vld [tilespmem:s8+$0x50];
	v3 =	vadd.f32 v12, v3  }
0x523: {  	v61 =	vld [tilespmem:s7+$0x50]  }
0x524: {  	v62 =	vld [tilespmem:s12+$0x50];
	v16 =	vadd.f32 v57, v56;
	[tilespmem:s11+$0x50] =	vst v3;
	v3 =	vadd.f32 v55, v54  }
0x525: {  	v63 =	vld [tilespmem:s24+$0x60]  }
0x526: {  	v24 =	vld [tilespmem:s28+$0x60];
	v3 =	vadd.f32 v16, v3  }
0x527: {  	v25 =	vld [tilespmem:s5+$0x60]  }
0x528: {  	v26 =	vld [tilespmem:s21+$0x60];
	[tilespmem:s18+$0x40] =	vst v3  }
0x529: {  	v12 =	vadd.f32 v62, v61;
	v3 =	vadd.f32 v60, v59;
	v27 =	vld [tilespmem:s0+$0x50]  }
0x52a: {  	v28 =	vld [tilespmem:s4+$0x50];
	s15 =	sld [smem:$0x7E6]  }
0x52b: {  	v29 =	vld [tilespmem:s30+$0x50];
	v3 =	vadd.f32 v12, v3  }
0x52c: {  	v30 =	vld [tilespmem:s31+$0x50]  }
0x52d: {  	v31 =	vld [tilespmem:s15+$0x0];
	[tilespmem:s2+$0x50] =	vst v3  }
0x52e: {  	v18 =	vadd.f32 v24, v63;
	v16 =	vadd.f32 v26, v25;
	v3 =	vld [tilespmem:s22+$0x60]  }
0x52f: {  	v32 =	vld [tilespmem:s8+$0x60];
	s1 =	sld [smem:$0x7E7]  }
0x530: {  	v16 =	vadd.f32 v16, v18;
	v33 =	vld [tilespmem:s7+$0x60]  }
0x531: {  	v34 =	vld [tilespmem:s12+$0x60];
	v13 =	vadd.f32 v28, v27;
	v12 =	vadd.f32 v30, v29  }
0x532: {  	[tilespmem:s11+$0x60] =	vst v16;
	v35 =	vld [tilespmem:s1+$0x0]  }
0x533: {  	(v2sf) =	vpush v2, $0x4;
	v36 =	vld [tilespmem:s24+$0x70];
	v12 =	vadd.f32 v12, v13  }
0x534: {  	(v2sf) =	vpush v2, $0x5;
	v37 =	vld [tilespmem:s28+$0x70]  }
0x535: {  	(v2sf) =	vpush v2, $0x6;
	v16 =	vld [tilespmem:s5+$0x70];
	[tilespmem:s18+$0x50] =	vst v12  }
0x536: {  	v43 =	vld [tilespmem:s21+$0x70];
	v3 =	vadd.f32 v32, v3;
	v38 =	vadd.f32 v34, v33;
	s6 =	sld [smem:$0x7E8]  }
0x537: {  	v17 =	vadd.f32 v58, v45;
	v39 =	vld [tilespmem:s0+$0x60];
	s24 =	sld [smem:$0x7E9];
	v14 =	vadd.f32 v35, v31  }
0x538: {  	(v2sf) =	vpush v2, $0x7;
	v40 =	vld [tilespmem:s4+$0x60];
	v3 =	vadd.f32 v38, v3  }
0x539: {  	v41 =	vld [tilespmem:s30+$0x60];
	v14 =	vadd.f32 v14, v17  }
0x53a: {  	v42 =	vld [tilespmem:s31+$0x60];
	s23 =	sadd.s32 s24, s6;
	[tilespmem:s2+$0x60] =	vst v3  }
0x53b: {  	v44 =	vld [tilespmem:s22+$0x70];
	s22 =	rddreg [dreg:$0x18];
	[tilespmem:s23+$0x0] =	vst v14  }
0x53c: {  	v14 =	vld [tilespmem:s20+$0x10]  }
0x53d: {  	v45 =	vld [tilespmem:s29+$0x10]  }
0x53e: {  	v46 =	vld [tilespmem:s15+$0x10]  }
0x53f: {  	v3 =	vadd.f32 v40, v39;
	v12 =	vadd.f32 v42, v41;
	v47 =	vld [tilespmem:s1+$0x10]  }
0x540: {  	v13 =	vadd.f32 v37, v36;
	v48 =	vadd.f32 v43, v16  }
0x541: {  	v49 =	vld [tilespmem:s8+$0x70];
	v3 =	vadd.f32 v12, v3  }
0x542: {  	v51 =	vadd.f32 v48, v13;
	v50 =	vld [tilespmem:s7+$0x70]  }
0x543: {  	v52 =	vld [tilespmem:s12+$0x70];
	[tilespmem:s18+$0x60] =	vst v3  }
0x544: {  	[tilespmem:s11+$0x70] =	vst v51;
	v3 =	vld [tilespmem:s0+$0x70];
	s0 =	spop (v2sf);
	v53 =	vadd.f32 v45, v14;
	v54 =	vadd.f32 v47, v46  }
0x545: {  	v55 =	vld [tilespmem:s0+$0x0];
	s11 =	spop (v2sf)  }
0x546: {  	v56 =	vld [tilespmem:s11+$0x0];
	s21 =	spop (v2sf);
	v14 =	vadd.f32 v54, v53  }
0x547: {  	v57 =	vld [tilespmem:s21+$0x0];
	s16 =	spop (v2sf)  }
0x548: {  	v58 =	vld [tilespmem:s16+$0x0];
	[tilespmem:s23+$0x10] =	vst v14  }
0x549: {  	v59 =	vadd.f32 v49, v44;
	v13 =	vadd.f32 v52, v50;
	v60 =	vld [tilespmem:s20+$0x20]  }
0x54a: {  	v61 =	vld [tilespmem:s29+$0x20]  }
0x54b: {  	v13 =	vadd.f32 v13, v59;
	v62 =	vld [tilespmem:s15+$0x20]  }
0x54c: {  	v63 =	vld [tilespmem:s1+$0x20]  }
0x54d: {  	v12 =	vld [tilespmem:s4+$0x70];
	[tilespmem:s2+$0x70] =	vst v13;
	v15 =	vadd.f32 v56, v55;
	v24 =	vadd.f32 v58, v57  }
0x54e: {  	s3 =	simm.s32 $0x200;
	v25 =	vld [tilespmem:s13+$0x0]  }
0x54f: {  	s4 =	sor.u32 $0x80, s3;
	v26 =	vld [tilespmem:s19+$0x0];
	v15 =	vadd.f32 v24, v15  }
0x550: {  	v8 =	vadd.f32 v9, v8;
	v9 =	vadd.f32 v11, v10;
	s7 =	sadd.s32 s4, s10;
	v27 =	vld [tilespmem:s14+$0x0]  }
0x551: {  	v10 =	vld [tilespmem:s17+$0x0];
	v11 =	vadd.f32 v61, v60;
	v13 =	vadd.f32 v63, v62;
	[tilespmem:s7+$0x0] =	vst v15  }
0x552: {  	v8 =	vadd.f32 v9, v8;
	v28 =	vld [tilespmem:s0+$0x10]  }
0x553: {  	v9 =	vld [tilespmem:s11+$0x10];
	v11 =	vadd.f32 v13, v11  }
0x554: {  	[tilespmem:s26+$0x70] =	vst v8;
	v29 =	vld [tilespmem:s21+$0x10]  }
0x555: {  	v8 =	vld [tilespmem:s16+$0x10];
	s8 =	rddreg [dreg:$0xf];
	[tilespmem:s23+$0x20] =	vst v11  }
0x556: {  	v10 =	vadd.f32 v10, v27;
	v11 =	vadd.f32 v26, v25;
	v31 =	vld [tilespmem:s20+$0x30]  }
0x557: {  	v32 =	vld [tilespmem:s29+$0x30]  }
0x558: {  	s5 =	smov.u32 s15;
	v33 =	vld [tilespmem:s1+$0x30];
	v10 =	vadd.f32 v10, v11  }
0x559: {  	s12 =	sadd.s32 s4, s9;
	v11 =	vld [tilespmem:s5+$0x30]  }
0x55a: {  	v30 =	vld [tilespmem:s8+$0x0];
	v9 =	vadd.f32 v9, v28;
	v8 =	vadd.f32 v8, v29;
	[tilespmem:s12+$0x0] =	vst v10  }
0x55b: {  	v10 =	vld [tilespmem:s13+$0x10]  }
0x55c: {  	v34 =	vld [tilespmem:s19+$0x10];
	v8 =	vadd.f32 v8, v9  }
0x55d: {  	v9 =	vld [tilespmem:s14+$0x10]  }
0x55e: {  	v35 =	vld [tilespmem:s17+$0x10];
	[tilespmem:s7+$0x10] =	vst v8;
	v8 =	vadd.f32 v32, v31;
	v11 =	vadd.f32 v33, v11  }
0x55f: {  	v36 =	vld [tilespmem:s0+$0x20]  }
0x560: {  	v37 =	vld [tilespmem:s11+$0x20];
	v8 =	vadd.f32 v11, v8  }
0x561: {  	v38 =	vld [tilespmem:s16+$0x20]  }
0x562: {  	s2 =	rddreg [dreg:$0xe];
	v11 =	vld [tilespmem:s21+$0x20];
	[tilespmem:s23+$0x30] =	vst v8  }
0x563: {  	v9 =	vadd.f32 v35, v9;
	v8 =	vadd.f32 v34, v10;
	v10 =	vld [tilespmem:s20+$0x40]  }
0x564: {  	v40 =	vld [tilespmem:s29+$0x40]  }
0x565: {  	v41 =	vld [tilespmem:s1+$0x40];
	v8 =	vadd.f32 v9, v8  }
0x566: {  	v9 =	vld [tilespmem:s5+$0x40]  }
0x567: {  	v39 =	vld [tilespmem:s2+$0x0];
	v11 =	vadd.f32 v38, v11;
	[tilespmem:s12+$0x10] =	vst v8;
	v8 =	vadd.f32 v37, v36  }
0x568: {  	v42 =	vld [tilespmem:s13+$0x20]  }
0x569: {  	v43 =	vld [tilespmem:s19+$0x20];
	v8 =	vadd.f32 v11, v8  }
0x56a: {  	v44 =	vld [tilespmem:s17+$0x20]  }
0x56b: {  	v11 =	vld [tilespmem:s14+$0x20];
	v9 =	vadd.f32 v41, v9;
	[tilespmem:s7+$0x20] =	vst v8;
	v8 =	vadd.f32 v40, v10  }
0x56c: {  	v10 =	vld [tilespmem:s0+$0x30]  }
0x56d: {  	v45 =	vld [tilespmem:s11+$0x30];
	v8 =	vadd.f32 v9, v8  }
0x56e: {  	v46 =	vld [tilespmem:s16+$0x30]  }
0x56f: {  	s15 =	rddreg [dreg:$0xd];
	v9 =	vld [tilespmem:s21+$0x30];
	[tilespmem:s23+$0x40] =	vst v8  }
0x570: {  	v11 =	vadd.f32 v44, v11;
	v8 =	vadd.f32 v43, v42;
	v48 =	vld [tilespmem:s20+$0x50]  }
0x571: {  	v49 =	vld [tilespmem:s29+$0x50]  }
0x572: {  	v50 =	vld [tilespmem:s1+$0x50];
	v8 =	vadd.f32 v11, v8  }
0x573: {  	v11 =	vld [tilespmem:s5+$0x50]  }
0x574: {  	v47 =	vld [tilespmem:s15+$0x0];
	v9 =	vadd.f32 v46, v9;
	[tilespmem:s12+$0x20] =	vst v8;
	v8 =	vadd.f32 v45, v10  }
0x575: {  	v10 =	vld [tilespmem:s13+$0x30]  }
0x576: {  	v51 =	vld [tilespmem:s19+$0x30];
	v8 =	vadd.f32 v9, v8  }
0x577: {  	v52 =	vld [tilespmem:s17+$0x30]  }
0x578: {  	v9 =	vld [tilespmem:s14+$0x30];
	v11 =	vadd.f32 v50, v11;
	[tilespmem:s7+$0x30] =	vst v8;
	v8 =	vadd.f32 v49, v48  }
0x579: {  	v53 =	vld [tilespmem:s0+$0x40]  }
0x57a: {  	v54 =	vld [tilespmem:s11+$0x40];
	v8 =	vadd.f32 v11, v8  }
0x57b: {  	v55 =	vld [tilespmem:s16+$0x40]  }
0x57c: {  	s24 =	rddreg [dreg:$0xc];
	v11 =	vld [tilespmem:s21+$0x40];
	[tilespmem:s23+$0x50] =	vst v8  }
0x57d: {  	v9 =	vadd.f32 v52, v9;
	v8 =	vadd.f32 v51, v10;
	v10 =	vld [tilespmem:s20+$0x60]  }
0x57e: {  	v57 =	vld [tilespmem:s29+$0x60]  }
0x57f: {  	v58 =	vld [tilespmem:s1+$0x60];
	v8 =	vadd.f32 v9, v8  }
0x580: {  	v9 =	vld [tilespmem:s5+$0x60]  }
0x581: {  	v56 =	vld [tilespmem:s24+$0x0];
	v11 =	vadd.f32 v55, v11;
	[tilespmem:s12+$0x30] =	vst v8;
	v8 =	vadd.f32 v54, v53  }
0x582: {  	v59 =	vld [tilespmem:s13+$0x40]  }
0x583: {  	v60 =	vld [tilespmem:s19+$0x40];
	v8 =	vadd.f32 v11, v8  }
0x584: {  	v61 =	vld [tilespmem:s17+$0x40]  }
0x585: {  	v11 =	vld [tilespmem:s14+$0x40];
	v9 =	vadd.f32 v58, v9;
	[tilespmem:s7+$0x40] =	vst v8;
	v8 =	vadd.f32 v57, v10  }
0x586: {  	v62 =	vld [tilespmem:s0+$0x50]  }
0x587: {  	v10 =	vld [tilespmem:s11+$0x50];
	v26 =	vadd.f32 v9, v8  }
0x588: {  	v24 =	vld [tilespmem:s21+$0x50]  }
0x589: {  	v63 =	vadd.f32 v39, v30;
	v27 =	vld [tilespmem:s16+$0x50];
	[tilespmem:s23+$0x60] =	vst v26  }
0x58a: {  	v9 =	vld [tilespmem:s31+$0x70];
	s31 =	smov.u32 s10;
	v30 =	vadd.f32 v60, v59;
	v11 =	vadd.f32 v61, v11;
	s10 =	sld [smem:$0x7EA]  }
0x58b: {  	v25 =	vadd.f32 v56, v47;
	s26 =	sld [smem:$0x7EB]  }
0x58c: {  	v8 =	vld [tilespmem:s30+$0x70];
	v11 =	vadd.f32 v11, v30  }
0x58d: {  	v13 =	vadd.f32 v25, v63;
	v28 =	vld [tilespmem:s20+$0x70]  }
0x58e: {  	v19 =	vld [tilespmem:s29+$0x70];
	s20 =	rddreg [dreg:$0x14];
	[tilespmem:s12+$0x40] =	vst v11;
	s28 =	sadd.s32 s26, s10  }
0x58f: {  	v10 =	vadd.f32 v10, v62;
	v14 =	vadd.f32 v27, v24;
	v11 =	vld [tilespmem:s13+$0x50];
	[tilespmem:s28+$0x0] =	vst v13  }
0x590: {  	v31 =	vld [tilespmem:s8+$0x10]  }
0x591: {  	v10 =	vadd.f32 v14, v10;
	v32 =	vld [tilespmem:s2+$0x10]  }
0x592: {  	v33 =	vld [tilespmem:s15+$0x10]  }
0x593: {  	v34 =	vld [tilespmem:s24+$0x10];
	[tilespmem:s7+$0x50] =	vst v10  }
0x594: {  	v10 =	vld [tilespmem:s0+$0x60]  }
0x595: {  	v35 =	vld [tilespmem:s11+$0x60]  }
0x596: {  	v36 =	vld [tilespmem:s21+$0x60]  }
0x597: {  	v37 =	vld [tilespmem:s16+$0x60]  }
0x598: {  	v38 =	vld [tilespmem:s19+$0x50];
	v16 =	vadd.f32 v32, v31;
	v13 =	vadd.f32 v34, v33  }
0x599: {  	v39 =	vld [tilespmem:s14+$0x50]  }
0x59a: {  	v40 =	vld [tilespmem:s17+$0x50];
	v13 =	vadd.f32 v13, v16  }
0x59b: {  	v41 =	vld [tilespmem:s5+$0x70]  }
0x59c: {  	v42 =	vld [tilespmem:s1+$0x70];
	v10 =	vadd.f32 v35, v10;
	v43 =	vadd.f32 v37, v36;
	[tilespmem:s28+$0x10] =	vst v13  }
0x59d: {  	v44 =	vld [tilespmem:s8+$0x20]  }
0x59e: {  	v10 =	vadd.f32 v43, v10;
	v45 =	vld [tilespmem:s2+$0x20]  }
0x59f: {  	v11 =	vadd.f32 v38, v11;
	v47 =	vadd.f32 v40, v39;
	v46 =	vld [tilespmem:s15+$0x20]  }
0x5a0: {  	v48 =	vld [tilespmem:s24+$0x20];
	[tilespmem:s7+$0x60] =	vst v10  }
0x5a1: {  	v11 =	vadd.f32 v47, v11;
	v10 =	vld [tilespmem:s0+$0x70]  }
0x5a2: {  	s10 =	smov.u32 s2;
	s2 =	sld [smem:$0x7EC];
	v59 =	vld [tilespmem:s11+$0x70]  }
0x5a3: {  	s4 =	sld [smem:$0x7ED];
	[tilespmem:s12+$0x50] =	vst v11;
	v61 =	vld [tilespmem:s21+$0x70]  }
0x5a4: {  	v11 =	vld [tilespmem:s13+$0x60]  }
0x5a5: {  	v51 =	vld [tilespmem:s19+$0x60]  }
0x5a6: {  	v52 =	vld [tilespmem:s14+$0x60]  }
0x5a7: {  	v53 =	vld [tilespmem:s17+$0x60];
	s26 =	rddreg [dreg:$0x13];
	v18 =	vadd.f32 v45, v44;
	v13 =	vadd.f32 v48, v46  }
0x5a8: {  	s0 =	sld [smem:$0x7EE];
	v55 =	vld [tilespmem:s26+$0x40]  }
0x5a9: {  	v49 =	vld [tilespmem:s2+$0x40];
	v13 =	vadd.f32 v13, v18  }
0x5aa: {  	v50 =	vld [tilespmem:s4+$0x40]  }
0x5ab: {  	v54 =	vld [tilespmem:s0+$0x40];
	[tilespmem:s28+$0x20] =	vst v13  }
0x5ac: {  	v11 =	vadd.f32 v51, v11;
	v57 =	vadd.f32 v53, v52;
	v13 =	vld [tilespmem:s8+$0x30]  }
0x5ad: {  	v56 =	vld [tilespmem:s10+$0x30]  }
0x5ae: {  	v11 =	vadd.f32 v57, v11;
	v26 =	vld [tilespmem:s15+$0x30]  }
0x5af: {  	(v2sf) =	vpush v2, $0x8;
	v58 =	vld [tilespmem:s24+$0x30]  }
0x5b0: {  	v62 =	vld [tilespmem:s16+$0x70];
	v14 =	vadd.f32 v50, v49;
	v60 =	vadd.f32 v55, v54;
	[tilespmem:s12+$0x60] =	vst v11  }
0x5b1: {  	v11 =	vld [tilespmem:s13+$0x70]  }
0x5b2: {  	v14 =	vadd.f32 v60, v14;
	v63 =	vld [tilespmem:s19+$0x70]  }
0x5b3: {  	v44 =	vld [tilespmem:s14+$0x70]  }
0x5b4: {  	v27 =	vld [tilespmem:s17+$0x70];
	[tilespmem:s22+$0x40] =	vst v14;
	v13 =	vadd.f32 v56, v13;
	v29 =	vadd.f32 v58, v26  }
0x5b5: {  	v30 =	vld [tilespmem:s2+$0x50]  }
0x5b6: {  	v31 =	vld [tilespmem:s4+$0x50];
	v13 =	vadd.f32 v29, v13  }
0x5b7: {  	v34 =	vadd.f32 v19, v28;
	v35 =	vadd.f32 v42, v41;
	v32 =	vld [tilespmem:s0+$0x50]  }
0x5b8: {  	v33 =	vld [tilespmem:s26+$0x50];
	[tilespmem:s28+$0x30] =	vst v13  }
0x5b9: {  	(v2sf) =	vpush v2, $0x9;
	v13 =	vadd.f32 v35, v34;
	v36 =	vld [tilespmem:s8+$0x40]  }
0x5ba: {  	v10 =	vadd.f32 v59, v10;
	v16 =	vadd.f32 v62, v61;
	v37 =	vld [tilespmem:s10+$0x40]  }
0x5bb: {  	(v2sf) =	vpush v2, $0xA;
	v38 =	vld [tilespmem:s15+$0x40];
	[tilespmem:s23+$0x70] =	vst v13  }
0x5bc: {  	(v2sf) =	vpush v2, $0xB;
	v10 =	vadd.f32 v16, v10;
	v39 =	vld [tilespmem:s24+$0x40];
	s23 =	rddreg [dreg:$0x12]  }
0x5bd: {  	v17 =	vadd.f32 v31, v30;
	v14 =	vadd.f32 v33, v32;
	v41 =	vld [tilespmem:s20+$0x0];
	s1 =	rddreg [dreg:$0x11]  }
0x5be: {  	s16 =	smov.u32 s10;
	s10 =	sld [smem:$0x7EF];
	v42 =	vld [tilespmem:s1+$0x0]  }
0x5bf: {  	s21 =	smov.u32 s26;
	s26 =	spop (v2sf);
	v14 =	vadd.f32 v14, v17;
	[tilespmem:s7+$0x70] =	vst v10;
	v43 =	vld [tilespmem:s23+$0x0]  }
0x5c0: {  	v54 =	vld [tilespmem:s26+$0x0]  }
0x5c1: {  	[tilespmem:s22+$0x50] =	vst v14;
	v40 =	vld [tilespmem:s10+$0x0];
	v45 =	vadd.f32 v37, v36;
	v13 =	vadd.f32 v39, v38  }
0x5c2: {  	v46 =	vld [tilespmem:s2+$0x60]  }
0x5c3: {  	v47 =	vld [tilespmem:s4+$0x60];
	v13 =	vadd.f32 v13, v45  }
0x5c4: {  	v11 =	vadd.f32 v63, v11;
	v55 =	vadd.f32 v27, v44;
	v49 =	vld [tilespmem:s0+$0x60]  }
0x5c5: {  	v50 =	vld [tilespmem:s21+$0x60];
	[tilespmem:s28+$0x40] =	vst v13  }
0x5c6: {  	v11 =	vadd.f32 v55, v11;
	v13 =	vld [tilespmem:s8+$0x50]  }
0x5c7: {  	v51 =	vld [tilespmem:s16+$0x50]  }
0x5c8: {  	[tilespmem:s12+$0x70] =	vst v11;
	s12 =	smov.u32 s24;
	v17 =	vadd.f32 v43, v42;
	v48 =	vadd.f32 v41, v40;
	v52 =	vld [tilespmem:s15+$0x50]  }
0x5c9: {  	v8 =	vadd.f32 v9, v8;
	s14 =	smov.u32 s8;
	s8 =	spop (v2sf);
	v9 =	vld [tilespmem:s12+$0x50]  }
0x5ca: {  	v56 =	vld [tilespmem:s8+$0x0];
	s29 =	spop (v2sf);
	v17 =	vadd.f32 v17, v48  }
0x5cb: {  	v4 =	vadd.f32 v5, v4;
	s25 =	sadd.s32 s25, s6;
	v57 =	vld [tilespmem:s29+$0x0];
	s30 =	spop (v2sf)  }
0x5cc: {  	v5 =	vadd.f32 v47, v46;
	v58 =	vadd.f32 v50, v49;
	v59 =	vld [tilespmem:s30+$0x0];
	[tilespmem:s25+$0x0] =	vst v17  }
0x5cd: {  	v53 =	vld [tilespmem:s10+$0x10];
	s24 =	sld [smem:$0x7F0]  }
0x5ce: {  	s17 =	smov.u32 s1;
	v5 =	vadd.f32 v58, v5;
	v10 =	vld [tilespmem:s1+$0x10];
	s1 =	sld [smem:$0x7F1]  }
0x5cf: {  	v6 =	vadd.f32 v7, v6;
	v17 =	vld [tilespmem:s20+$0x10];
	s6 =	sld [smem:$0x7F2]  }
0x5d0: {  	s11 =	smov.u32 s15;
	v7 =	vld [tilespmem:s23+$0x10];
	s15 =	sld [smem:$0x7F3];
	[tilespmem:s22+$0x60] =	vst v5  }
0x5d1: {  	v6 =	vadd.f32 v6, v4;
	v3 =	vadd.f32 v12, v3;
	v4 =	vld [tilespmem:s2+$0x70];
	s5 =	sld [smem:$0x7F4]  }
0x5d2: {  	v5 =	vld [tilespmem:s4+$0x70]  }
0x5d3: {  	v8 =	vadd.f32 v8, v3;
	v3 =	vld [tilespmem:s0+$0x70]  }
0x5d4: {  	s7 =	simm.s32 $0x200;
	v11 =	vld [tilespmem:s15+$0x0];
	[tilespmem:s5+$0x70] =	vst v6  }
0x5d5: {  	v63 =	vadd.f32 v9, v52;
	v61 =	vld [tilespmem:s6+$0x0];
	[dreg:$0x10] =	wrdreg s7  }
0x5d6: {  	v62 =	vadd.f32 v56, v54;
	v14 =	vadd.f32 v59, v57;
	[tilespmem:s18+$0x70] =	vst v8;
	v8 =	vld [tilespmem:s1+$0x0]  }
0x5d7: {  	v16 =	vadd.f32 v17, v53;
	v7 =	vadd.f32 v7, v10;
	v9 =	vld [tilespmem:s24+$0x0]  }
0x5d8: {  	s13 =	sor.u32 $0x100, s3;
	v60 =	vadd.f32 v51, v13;
	v6 =	vadd.f32 v14, v62  }
0x5d9: {  	s19 =	sadd.s32 s13, s31;
	v7 =	vadd.f32 v7, v16;
	[dreg:$0xa] =	wrdreg s9  }
0x5da: {  	s13 =	sadd.s32 s13, s9;
	v10 =	vadd.f32 v61, v11;
	[tilespmem:s19+$0x0] =	vst v6;
	v6 =	vadd.f32 v63, v60  }
.LBB2_6:
0x5db: {  	[dreg:$0x13] =	wrdreg s21  }
0x5dc: {  	s18 =	rddreg [dreg:$0x9];
	v11 =	vld [tilespmem:s26+$0x10];
	[tilespmem:s25+$0x10] =	vst v7;
	v7 =	vadd.f32 v9, v8  }
0x5dd: {  	[dreg:$0x18] =	wrdreg s22;
	[tilespmem:s28+$0x50] =	vst v6;
	v6 =	vld [tilespmem:s29+$0x10];
	s18 =	sadd.s32 $0x2, s18  }
0x5de: {  	s2 =	rddreg [dreg:$0xb];
	s21 =	sand.u32 $0x2, s18;
	v8 =	vld [tilespmem:s8+$0x10];
	v7 =	vadd.f32 v7, v10  }
0x5df: {  	s22 =	rddreg [dreg:$0x4];
	s5 =	sor.u32 $0x1, s21;
	v9 =	vld [tilespmem:s30+$0x10]  }
0x5e0: {  	s0 =	smov.u32 s11;
	s4 =	smov.u32 s2;
	s11 =	sor.u32 s22, s5;
	v4 =	vadd.f32 v5, v4;
	v5 =	vld [tilespmem:s10+$0x20];
	[tilespmem:s13+$0x0] =	vst v7  }
0x5e1: {  	[dreg:$0x11] =	wrdreg s4;
	s4 =	sshrl.u32 s18, $0x2;
	s11 =	smul.u32 $0xA1, s11;
	v7 =	vld [tilespmem:s20+$0x20]  }
0x5e2: {  	p0 =	slt.u32 s18, $0x26;
	[dreg:$0x9] =	wrdreg s18;
	s18 =	sshll.u32 s4, $0x4;
	v10 =	vld [tilespmem:s15+$0x10]  }
0x5e3: {  	s2 =	sor.u32 s22, s21;
	s7 =	smul.u32 $0x5000, s21;
	s21 =	sadd.s32 s18, s11;
	v14 =	vld [tilespmem:s6+$0x10]  }
0x5e4: {  	v13 =	vadd.s32 s21, v0;
	v15 =	vld [tilespmem:s1+$0x10]  }
0x5e5: {  	v8 =	vadd.f32 v8, v11;
	v6 =	vadd.f32 v9, v6;
	v9 =	vld [tilespmem:s24+$0x10]  }
0x5e6: {  	[dreg:$0xc] =	wrdreg s12;
	s3 =	smov.u32 s17;
	s12 =	smul.u32 $0xA1, s2  }
0x5e7: {  	v11 =	vld [tilespmem:s3+$0x20];
	v8 =	vadd.f32 v6, v8  }
0x5e8: {  	[dreg:$0x15] =	wrdreg s0;
	s22 =	simm.s32 $0xD200;
	s0 =	sadd.s32 s18, s12;
	v5 =	vadd.f32 v7, v5;
	v7 =	vld [tilespmem:s23+$0x20]  }
0x5e9: {  	v12 =	vadd.s32 s0, v0;
	v6 =	vld.idx.msk [tilespmem:v13+s22+$0x0], $0xffff;
	[tilespmem:s19+$0x10] =	vst v8  }
0x5ea: {  	v10 =	vadd.f32 v14, v10;
	v8 =	vld [tilespmem:s26+$0x20];
	v9 =	vadd.f32 v9, v15  }
0x5eb: {  	v41 =	vld [tilespmem:s8+$0x20]  }
0x5ec: {  	v42 =	vld [tilespmem:s29+$0x20];
	v9 =	vadd.f32 v9, v10  }
0x5ed: {  	v10 =	vld [tilespmem:s30+$0x20];
	v7 =	vadd.f32 v7, v11  }
0x5ee: {  	v11 =	vld.idx.msk [tilespmem:v12+s22+$0x0], $0xffff;
	[tilespmem:s13+$0x10] =	vst v9  }
0x5ef: {  	v9 =	vld [tilespmem:s15+$0x20];
	v5 =	vadd.f32 v7, v5  }
0x5f0: {  	v43 =	vld [tilespmem:s6+$0x20]  }
0x5f1: {  	(v2sf) =	vpush v6, $0x0;
	v7 =	vld [tilespmem:s14+$0x60];
	[tilespmem:s25+$0x20] =	vst v5  }
0x5f2: {  	(v2sf) =	vpush v6, $0x1;
	v8 =	vadd.f32 v41, v8;
	v5 =	vld [tilespmem:s1+$0x20]  }
0x5f3: {  	(v2sf) =	vpush v6, $0x2;
	v10 =	vadd.f32 v10, v42;
	v44 =	vld [tilespmem:s24+$0x20]  }
0x5f4: {  	(v2sf) =	vpush v6, $0x3  }
0x5f5: {  	v8 =	vadd.f32 v10, v8;
	v10 =	vld [tilespmem:s10+$0x30]  }
0x5f6: {  	v45 =	vld [tilespmem:s20+$0x30]  }
0x5f7: {  	(v2sf) =	vpush v11, $0x0;
	v16 =	vld [tilespmem:s23+$0x30];
	[tilespmem:s19+$0x20] =	vst v8  }
0x5f8: {  	v9 =	vadd.f32 v43, v9;
	v46 =	vld [tilespmem:s26+$0x30];
	v5 =	vadd.f32 v44, v5  }
0x5f9: {  	(v2sf) =	vpush v11, $0x1;
	v47 =	vld [tilespmem:s8+$0x30]  }
0x5fa: {  	(v2sf) =	vpush v11, $0x2;
	v48 =	vld [tilespmem:s29+$0x30];
	v5 =	vadd.f32 v5, v9  }
0x5fb: {  	(v2sf) =	vpush v11, $0x3;
	v9 =	vld [tilespmem:s30+$0x30]  }
0x5fc: {  	v8 =	vld [tilespmem:s3+$0x30];
	(v2sf) =	vpush v11, $0x4;
	[tilespmem:s13+$0x20] =	vst v5  }
0x5fd: {  	(v2sf) =	vpush v11, $0x5;
	v5 =	vld [tilespmem:s16+$0x60]  }
0x5fe: {  	(v2sf) =	vpush v11, $0x6;
	v49 =	vld [tilespmem:s15+$0x30]  }
0x5ff: {  	v10 =	vadd.f32 v45, v10;
	(v2sf) =	vpush v11, $0x7;
	v17 =	vld [tilespmem:s6+$0x30]  }
0x600: {  	s9 =	smov.u32 s24;
	v12 =	vadd.f32 v47, v46;
	s24 =	spop (v2sf);
	v18 =	vld [tilespmem:s1+$0x30];
	v9 =	vadd.f32 v9, v48  }
0x601: {  	[dreg:$0x12] =	wrdreg s23;
	v8 =	vadd.f32 v16, v8;
	(v2sf) =	vpush v11, $0x8;
	s23 =	spop (v2sf);
	v50 =	vld [tilespmem:s24+$0x0]  }
0x602: {  	(v2sf) =	vpush v11, $0x9;
	s11 =	spop (v2sf);
	v51 =	vld [tilespmem:s23+$0x0];
	v9 =	vadd.f32 v9, v12  }
0x603: {  	(v2sf) =	vpush v11, $0xA;
	v52 =	vld [tilespmem:s11+$0x0];
	s21 =	spop (v2sf)  }
0x604: {  	v8 =	vadd.f32 v8, v10;
	(v2sf) =	vpush v11, $0xB;
	v10 =	vld [tilespmem:s21+$0x0];
	[tilespmem:s19+$0x30] =	vst v9  }
0x605: {  	[smem:$0x7DB] =	sst s31;
	(v2sf) =	vpush v11, $0xC;
	v9 =	vld [tilespmem:s26+$0x40]  }
0x606: {  	[dreg:$0x14] =	wrdreg s20;
	(v2sf) =	vpush v11, $0xD;
	v5 =	vadd.f32 v5, v7;
	v7 =	vld [tilespmem:s8+$0x40]  }
0x607: {  	[dreg:$0x1a] =	wrdreg s25;
	[tilespmem:s25+$0x30] =	vst v8;
	s0 =	spop (v2sf);
	(v2sf) =	vpush v11, $0xE;
	v8 =	vld [tilespmem:s29+$0x40]  }
0x608: {  	s5 =	smul.u32 $0x5000, s5;
	s22 =	spop (v2sf);
	(v2sf) =	vpush v11, $0xF;
	v11 =	vld [tilespmem:s30+$0x40]  }
0x609: {  	s17 =	rddreg [dreg:$0x5];
	s7 =	sshrl.u32 s7, $0x2;
	v53 =	vld [tilespmem:s0+$0x0];
	v13 =	vadd.f32 v51, v50;
	v10 =	vadd.f32 v10, v52  }
0x60a: {  	s31 =	sadd.s32 s7, s17;
	s7 =	sshrl.u32 s5, $0x2;
	s18 =	spop (v2sf);
	v54 =	vld [tilespmem:s22+$0x0]  }
0x60b: {  	s25 =	sshll.u32 s4, $0x9;
	s4 =	sadd.s32 s7, s17;
	s20 =	spop (v2sf);
	v55 =	vld [tilespmem:s18+$0x0];
	v10 =	vadd.f32 v10, v13  }
0x60c: {  	s7 =	sadd.s32 s25, s4;
	v56 =	vld [tilespmem:s20+$0x0]  }
0x60d: {  	[tilespmem:s7+$0x0] =	vst v10;
	v10 =	vld [tilespmem:s9+$0x30];
	v7 =	vadd.f32 v7, v9;
	v8 =	vadd.f32 v11, v8  }
0x60e: {  	v9 =	vld [tilespmem:s24+$0x10]  }
0x60f: {  	v57 =	vld [tilespmem:s23+$0x10];
	v7 =	vadd.f32 v8, v7  }
0x610: {  	v58 =	vld [tilespmem:s21+$0x10]  }
0x611: {  	v11 =	vadd.f32 v54, v53;
	v8 =	vld [tilespmem:s11+$0x10];
	v13 =	vadd.f32 v56, v55;
	[tilespmem:s19+$0x40] =	vst v7  }
0x612: {  	v14 =	vadd.f32 v17, v49;
	v7 =	vadd.f32 v10, v18;
	v10 =	vld [tilespmem:s26+$0x50]  }
0x613: {  	v11 =	vadd.f32 v13, v11;
	v59 =	vld [tilespmem:s8+$0x50]  }
0x614: {  	[dreg:$0x19] =	wrdreg s28;
	s28 =	sadd.s32 s25, s31;
	v60 =	vld [tilespmem:s29+$0x50];
	v7 =	vadd.f32 v7, v14  }
0x615: {  	[tilespmem:s28+$0x0] =	vst v11;
	v11 =	vld [tilespmem:s30+$0x50]  }
0x616: {  	v9 =	vadd.f32 v57, v9;
	v61 =	vld [tilespmem:s0+$0x10];
	v8 =	vadd.f32 v58, v8;
	[tilespmem:s13+$0x30] =	vst v7  }
0x617: {  	v7 =	vld [tilespmem:s22+$0x10]  }
0x618: {  	v8 =	vadd.f32 v8, v9;
	v62 =	vld [tilespmem:s18+$0x10]  }
0x619: {  	v9 =	vld [tilespmem:s20+$0x10]  }
0x61a: {  	v10 =	vadd.f32 v59, v10;
	[tilespmem:s7+$0x10] =	vst v8;
	v8 =	vld [tilespmem:s15+$0x40];
	v11 =	vadd.f32 v11, v60  }
0x61b: {  	v63 =	vld [tilespmem:s24+$0x20]  }
0x61c: {  	v20 =	vld [tilespmem:s23+$0x20];
	v10 =	vadd.f32 v11, v10  }
0x61d: {  	s2 =	spop (v2sf);
	v21 =	vld [tilespmem:s21+$0x20]  }
0x61e: {  	[dreg:$0xf] =	wrdreg s14;
	s14 =	spop (v2sf);
	v11 =	vld [tilespmem:s11+$0x20];
	v7 =	vadd.f32 v7, v61;
	v9 =	vadd.f32 v9, v62;
	[tilespmem:s19+$0x50] =	vst v10  }
0x61f: {  	[dreg:$0xe] =	wrdreg s16;
	s16 =	spop (v2sf);
	v10 =	vld [tilespmem:s26+$0x60]  }
0x620: {  	s17 =	spop (v2sf);
	v22 =	vld [tilespmem:s29+$0x60];
	v7 =	vadd.f32 v9, v7  }
0x621: {  	s12 =	spop (v2sf);
	v9 =	vld [tilespmem:s8+$0x60]  }
0x622: {  	s5 =	spop (v2sf);
	[tilespmem:s28+$0x10] =	vst v7;
	v7 =	vld [tilespmem:s30+$0x60]  }
0x623: {  	[dreg:$0x1d] =	wrdreg s12;
	s12 =	spop (v2sf);
	v13 =	vadd.f32 v20, v63;
	v11 =	vadd.f32 v21, v11;
	v23 =	vld [tilespmem:s0+$0x20]  }
0x624: {  	[dreg:$0x1e] =	wrdreg s5;
	s5 =	spop (v2sf);
	v24 =	vld [tilespmem:s22+$0x20]  }
0x625: {  	[dreg:$0x1f] =	wrdreg s12;
	s12 =	spop (v2sf);
	v25 =	vld [tilespmem:s18+$0x20];
	v11 =	vadd.f32 v11, v13  }
0x626: {  	[dreg:$0x1c] =	wrdreg s5;
	s5 =	spop (v2sf);
	v26 =	vld [tilespmem:s20+$0x20]  }
0x627: {  	[dreg:$0x16] =	wrdreg s5;
	s5 =	spop (v2sf);
	[tilespmem:s7+$0x20] =	vst v11;
	v11 =	vld [tilespmem:s6+$0x40];
	v9 =	vadd.f32 v9, v10;
	v7 =	vadd.f32 v7, v22  }
0x628: {  	[dreg:$0x17] =	wrdreg s12;
	s12 =	spop (v2sf);
	(v2sf) =	vpush v2, $0xC;
	v10 =	vld [tilespmem:s24+$0x30]  }
0x629: {  	(v2sf) =	vpush v2, $0xD;
	v27 =	vld [tilespmem:s23+$0x30];
	v7 =	vadd.f32 v7, v9  }
0x62a: {  	(v2sf) =	vpush v2, $0xE;
	v28 =	vld [tilespmem:s11+$0x30]  }
0x62b: {  	v29 =	vld [tilespmem:s21+$0x30];
	v13 =	vadd.f32 v26, v25;
	v9 =	vadd.f32 v24, v23;
	[tilespmem:s19+$0x60] =	vst v7  }
0x62c: {  	(v2sf) =	vpush v2, $0xF;
	v7 =	vadd.f32 v11, v8;
	v8 =	vld [tilespmem:s26+$0x70]  }
0x62d: {  	v2 =	vmov v6;
	v6 =	vadd.f32 v13, v9;
	v9 =	vld [tilespmem:s8+$0x70]  }
0x62e: {  	v11 =	vld [tilespmem:s29+$0x70]  }
0x62f: {  	[tilespmem:s28+$0x20] =	vst v6;
	v6 =	vld [tilespmem:s30+$0x70]  }
0x630: {  	v10 =	vadd.f32 v27, v10;
	v12 =	vadd.f32 v29, v28;
	v30 =	vld [tilespmem:s0+$0x30]  }
0x631: {  	v31 =	vld [tilespmem:s22+$0x30]  }
0x632: {  	v10 =	vadd.f32 v12, v10;
	v32 =	vld [tilespmem:s18+$0x30]  }
0x633: {  	v33 =	vld [tilespmem:s20+$0x30]  }
0x634: {  	[tilespmem:s7+$0x30] =	vst v10;
	v10 =	vld [tilespmem:s1+$0x40];
	v8 =	vadd.f32 v9, v8;
	v6 =	vadd.f32 v6, v11  }
0x635: {  	v34 =	vld [tilespmem:s23+$0x40]  }
0x636: {  	v35 =	vld [tilespmem:s21+$0x40];
	v6 =	vadd.f32 v6, v8  }
0x637: {  	v9 =	vld [tilespmem:s24+$0x40]  }
0x638: {  	s26 =	spop (v2sf);
	v11 =	vadd.f32 v31, v30;
	v12 =	vadd.f32 v33, v32;
	v8 =	vld [tilespmem:s11+$0x40];
	[tilespmem:s19+$0x70] =	vst v6  }
0x639: {  	s29 =	spop (v2sf);
	v6 =	vld [tilespmem:s26+$0x0]  }
0x63a: {  	s30 =	spop (v2sf);
	v11 =	vadd.f32 v12, v11;
	v36 =	vld [tilespmem:s29+$0x0]  }
0x63b: {  	[dreg:$0x1b] =	wrdreg s12;
	s12 =	spop (v2sf);
	v37 =	vld [tilespmem:s30+$0x0]  }
0x63c: {  	[tilespmem:s28+$0x30] =	vst v11;
	v11 =	vld [tilespmem:s12+$0x0]  }
0x63d: {  	v9 =	vadd.f32 v34, v9;
	v38 =	vld [tilespmem:s0+$0x40];
	v8 =	vadd.f32 v35, v8  }
0x63e: {  	v39 =	vld [tilespmem:s22+$0x40]  }
0x63f: {  	[dreg:$0xd] =	wrdreg s3;
	v40 =	vld [tilespmem:s18+$0x40];
	v8 =	vadd.f32 v8, v9  }
0x640: {  	s3 =	smov.u32 s25;
	s25 =	sld [smem:$0x7DB];
	v9 =	vld [tilespmem:s20+$0x40]  }
0x641: {  	[dreg:$0xb] =	wrdreg s5;
	v6 =	vadd.f32 v36, v6;
	v11 =	vadd.f32 v11, v37;
	[tilespmem:s7+$0x40] =	vst v8;
	v8 =	vld [tilespmem:s9+$0x40]  }
0x642: {  	s5 =	rddreg [dreg:$0x10];
	v41 =	vld [tilespmem:s24+$0x50]  }
0x643: {  	s19 =	sor.u32 $0x180, s5;
	v42 =	vld [tilespmem:s23+$0x50];
	v6 =	vadd.f32 v11, v6  }
0x644: {  	s25 =	sadd.s32 s19, s25;
	v11 =	vld [tilespmem:s11+$0x50]  }
0x645: {  	v13 =	vadd.f32 v39, v38;
	v43 =	vld [tilespmem:s21+$0x50];
	v9 =	vadd.f32 v9, v40;
	[tilespmem:s25+$0x0] =	vst v6  }
0x646: {  	v6 =	vadd.f32 v8, v10;
	v8 =	vld [tilespmem:s26+$0x10]  }
0x647: {  	v9 =	vadd.f32 v9, v13;
	v10 =	vld [tilespmem:s29+$0x10]  }
0x648: {  	v6 =	vadd.f32 v6, v7;
	v7 =	vld [tilespmem:s30+$0x10]  }
0x649: {  	[tilespmem:s28+$0x40] =	vst v9;
	v9 =	vld [tilespmem:s12+$0x10]  }
0x64a: {  	v12 =	vadd.f32 v42, v41;
	v11 =	vadd.f32 v43, v11;
	v44 =	vld [tilespmem:s0+$0x50];
	[tilespmem:s13+$0x40] =	vst v6  }
0x64b: {  	v6 =	vld [tilespmem:s22+$0x50]  }
0x64c: {  	v11 =	vadd.f32 v11, v12;
	v45 =	vld [tilespmem:s18+$0x50]  }
0x64d: {  	v46 =	vld [tilespmem:s20+$0x50]  }
0x64e: {  	[tilespmem:s7+$0x50] =	vst v11;
	v11 =	vld [tilespmem:s15+$0x50];
	v8 =	vadd.f32 v10, v8;
	v7 =	vadd.f32 v9, v7  }
0x64f: {  	v10 =	vld [tilespmem:s23+$0x60]  }
0x650: {  	v47 =	vld [tilespmem:s21+$0x60];
	v7 =	vadd.f32 v7, v8  }
0x651: {  	v9 =	vld [tilespmem:s24+$0x60]  }
0x652: {  	v8 =	vld [tilespmem:s11+$0x60];
	v6 =	vadd.f32 v6, v44;
	v12 =	vadd.f32 v46, v45;
	[tilespmem:s25+$0x10] =	vst v7  }
0x653: {  	v7 =	vld [tilespmem:s26+$0x20]  }
0x654: {  	v6 =	vadd.f32 v12, v6;
	v48 =	vld [tilespmem:s29+$0x20]  }
0x655: {  	v49 =	vld [tilespmem:s30+$0x20]  }
0x656: {  	(v2sf) =	vpush v2, $0x4;
	[tilespmem:s28+$0x50] =	vst v6;
	v6 =	vld [tilespmem:s12+$0x20]  }
0x657: {  	v9 =	vadd.f32 v10, v9;
	v8 =	vadd.f32 v47, v8;
	v50 =	vld [tilespmem:s0+$0x60]  }
0x658: {  	(v2sf) =	vpush v2, $0x5;
	v10 =	vld [tilespmem:s22+$0x60]  }
0x659: {  	(v2sf) =	vpush v2, $0x6;
	v51 =	vld [tilespmem:s18+$0x60];
	v8 =	vadd.f32 v8, v9  }
0x65a: {  	(v2sf) =	vpush v2, $0x7;
	v9 =	vld [tilespmem:s20+$0x60]  }
0x65b: {  	v7 =	vadd.f32 v48, v7;
	[tilespmem:s7+$0x60] =	vst v8;
	v8 =	vld [tilespmem:s6+$0x50];
	v6 =	vadd.f32 v6, v49  }
0x65c: {  	v52 =	vld [tilespmem:s24+$0x70]  }
0x65d: {  	v53 =	vld [tilespmem:s23+$0x70];
	v6 =	vadd.f32 v6, v7  }
0x65e: {  	v54 =	vld [tilespmem:s21+$0x70]  }
0x65f: {  	v10 =	vadd.f32 v10, v50;
	v7 =	vld [tilespmem:s11+$0x70];
	v9 =	vadd.f32 v9, v51;
	[tilespmem:s25+$0x20] =	vst v6  }
0x660: {  	v6 =	vadd.f32 v8, v11;
	v8 =	vld [tilespmem:s26+$0x30]  }
0x661: {  	v9 =	vadd.f32 v9, v10;
	v10 =	vld [tilespmem:s29+$0x30]  }
0x662: {  	v11 =	vld [tilespmem:s30+$0x30]  }
0x663: {  	[tilespmem:s28+$0x60] =	vst v9;
	v9 =	vld [tilespmem:s12+$0x30]  }
0x664: {  	v12 =	vadd.f32 v53, v52;
	v55 =	vld [tilespmem:s0+$0x70];
	v7 =	vadd.f32 v54, v7  }
0x665: {  	v56 =	vld [tilespmem:s22+$0x70]  }
0x666: {  	v57 =	vld [tilespmem:s18+$0x70];
	v7 =	vadd.f32 v7, v12  }
0x667: {  	v58 =	vld [tilespmem:s20+$0x70];
	s18 =	spop (v2sf)  }
0x668: {  	s8 =	rddreg [dreg:$0xa];
	s11 =	spop (v2sf);
	v8 =	vadd.f32 v10, v8;
	[tilespmem:s7+$0x70] =	vst v7;
	v7 =	vld [tilespmem:s1+$0x50];
	v9 =	vadd.f32 v9, v11  }
0x669: {  	s8 =	sadd.s32 s19, s8;
	s19 =	spop (v2sf);
	v10 =	vld [tilespmem:s18+$0x0]  }
0x66a: {  	s7 =	spop (v2sf);
	v59 =	vld [tilespmem:s11+$0x0];
	v8 =	vadd.f32 v9, v8  }
0x66b: {  	v60 =	vld [tilespmem:s7+$0x0]  }
0x66c: {  	v11 =	vadd.f32 v56, v55;
	v12 =	vadd.f32 v58, v57;
	v9 =	vld [tilespmem:s19+$0x0];
	[tilespmem:s25+$0x30] =	vst v8  }
0x66d: {  	v8 =	vld [tilespmem:s26+$0x40]  }
0x66e: {  	v11 =	vadd.f32 v12, v11;
	v61 =	vld [tilespmem:s29+$0x40]  }
0x66f: {  	v62 =	vld [tilespmem:s30+$0x40]  }
0x670: {  	[tilespmem:s28+$0x70] =	vst v11;
	v11 =	vld [tilespmem:s12+$0x40]  }
0x671: {  	v63 =	vld [tilespmem:s2+$0x0];
	v10 =	vadd.f32 v59, v10;
	v9 =	vadd.f32 v60, v9  }
0x672: {  	v20 =	vld [tilespmem:s14+$0x0]  }
0x673: {  	s5 =	smov.u32 s31;
	s31 =	smov.u32 s4;
	s24 =	sor.u32 $0x80, s3;
	v21 =	vld [tilespmem:s16+$0x0];
	v9 =	vadd.f32 v9, v10  }
0x674: {  	s20 =	sadd.s32 s24, s31;
	v10 =	vld [tilespmem:s17+$0x0]  }
0x675: {  	v8 =	vadd.f32 v61, v8;
	v11 =	vadd.f32 v11, v62;
	[tilespmem:s20+$0x0] =	vst v9;
	v9 =	vld [tilespmem:s9+$0x50]  }
0x676: {  	v22 =	vld [tilespmem:s18+$0x10]  }
0x677: {  	v23 =	vld [tilespmem:s11+$0x10];
	v8 =	vadd.f32 v11, v8  }
0x678: {  	v11 =	vld [tilespmem:s19+$0x10]  }
0x679: {  	v13 =	vadd.f32 v20, v63;
	v24 =	vld [tilespmem:s7+$0x10];
	v10 =	vadd.f32 v10, v21;
	[tilespmem:s25+$0x40] =	vst v8  }
0x67a: {  	v8 =	vld [tilespmem:s26+$0x50];
	v7 =	vadd.f32 v9, v7  }
0x67b: {  	v9 =	vadd.f32 v10, v13;
	v10 =	vld [tilespmem:s29+$0x50]  }
0x67c: {  	s0 =	sadd.s32 s24, s5;
	v6 =	vadd.f32 v7, v6;
	v7 =	vld [tilespmem:s30+$0x50]  }
0x67d: {  	[tilespmem:s0+$0x0] =	vst v9;
	v9 =	vld [tilespmem:s12+$0x50]  }
0x67e: {  	v12 =	vadd.f32 v23, v22;
	v11 =	vadd.f32 v24, v11;
	v25 =	vld [tilespmem:s2+$0x10];
	[tilespmem:s13+$0x50] =	vst v6  }
0x67f: {  	v6 =	vld [tilespmem:s14+$0x10]  }
0x680: {  	v11 =	vadd.f32 v11, v12;
	v26 =	vld [tilespmem:s16+$0x10]  }
0x681: {  	v27 =	vld [tilespmem:s17+$0x10]  }
0x682: {  	[tilespmem:s20+$0x10] =	vst v11;
	v11 =	vld [tilespmem:s15+$0x60];
	v8 =	vadd.f32 v10, v8;
	v7 =	vadd.f32 v9, v7  }
0x683: {  	v10 =	vld [tilespmem:s11+$0x20]  }
0x684: {  	v28 =	vld [tilespmem:s7+$0x20];
	v7 =	vadd.f32 v7, v8  }
0x685: {  	v9 =	vld [tilespmem:s18+$0x20]  }
0x686: {  	v8 =	vld [tilespmem:s19+$0x20];
	v6 =	vadd.f32 v6, v25;
	v12 =	vadd.f32 v27, v26;
	[tilespmem:s25+$0x50] =	vst v7  }
0x687: {  	v7 =	vld [tilespmem:s26+$0x60]  }
0x688: {  	v6 =	vadd.f32 v12, v6;
	v29 =	vld [tilespmem:s29+$0x60]  }
0x689: {  	v30 =	vld [tilespmem:s30+$0x60]  }
0x68a: {  	[tilespmem:s0+$0x10] =	vst v6;
	v6 =	vld [tilespmem:s12+$0x60]  }
0x68b: {  	v9 =	vadd.f32 v10, v9;
	v8 =	vadd.f32 v28, v8;
	v31 =	vld [tilespmem:s2+$0x20]  }
0x68c: {  	v10 =	vld [tilespmem:s14+$0x20]  }
0x68d: {  	v32 =	vld [tilespmem:s16+$0x20];
	v8 =	vadd.f32 v8, v9  }
0x68e: {  	v9 =	vld [tilespmem:s17+$0x20]  }
0x68f: {  	v7 =	vadd.f32 v29, v7;
	[tilespmem:s20+$0x20] =	vst v8;
	v8 =	vld [tilespmem:s6+$0x60];
	v6 =	vadd.f32 v6, v30  }
0x690: {  	v33 =	vld [tilespmem:s18+$0x30]  }
0x691: {  	v34 =	vld [tilespmem:s11+$0x30];
	v6 =	vadd.f32 v6, v7  }
0x692: {  	v35 =	vld [tilespmem:s7+$0x30]  }
0x693: {  	v10 =	vadd.f32 v10, v31;
	v7 =	vld [tilespmem:s19+$0x30];
	v9 =	vadd.f32 v9, v32;
	[tilespmem:s25+$0x60] =	vst v6  }
0x694: {  	v6 =	vadd.f32 v8, v11;
	v8 =	vld [tilespmem:s26+$0x70]  }
0x695: {  	v9 =	vadd.f32 v9, v10;
	v10 =	vld [tilespmem:s29+$0x70]  }
0x696: {  	v11 =	vld [tilespmem:s30+$0x70]  }
0x697: {  	[tilespmem:s0+$0x20] =	vst v9;
	v9 =	vld [tilespmem:s12+$0x70]  }
0x698: {  	v36 =	vld [tilespmem:s2+$0x30]  }
0x699: {  	v37 =	vld [tilespmem:s14+$0x30]  }
0x69a: {  	v38 =	vld [tilespmem:s16+$0x30]  }
0x69b: {  	v12 =	vadd.f32 v34, v33;
	v7 =	vadd.f32 v35, v7;
	v39 =	vld [tilespmem:s17+$0x30];
	_ =	sdelay $0x1  }
0x69c: {  	v40 =	vld [tilespmem:s1+$0x60];
	v7 =	vadd.f32 v7, v12  }
0x69d: {  	s29 =	rddreg [dreg:$0x14];
	v8 =	vadd.f32 v10, v8;
	v10 =	vld [tilespmem:s9+$0x60];
	v9 =	vadd.f32 v9, v11  }
0x69e: {  	v43 =	vld [tilespmem:s29+$0x40];
	[tilespmem:s20+$0x30] =	vst v7;
	v11 =	vadd.f32 v37, v36  }
0x69f: {  	v13 =	vadd.f32 v39, v38;
	v41 =	vld [tilespmem:s11+$0x40];
	v7 =	vadd.f32 v9, v8  }
0x6a0: {  	v8 =	vld [tilespmem:s10+$0x40]  }
0x6a1: {  	v9 =	vld [tilespmem:s18+$0x40];
	v11 =	vadd.f32 v13, v11;
	[tilespmem:s25+$0x70] =	vst v7  }
0x6a2: {  	v10 =	vadd.f32 v10, v40;
	v7 =	vld [tilespmem:s19+$0x40]  }
0x6a3: {  	s26 =	rddreg [dreg:$0xd];
	v42 =	vld [tilespmem:s7+$0x40];
	[tilespmem:s0+$0x30] =	vst v11  }
0x6a4: {  	v6 =	vadd.f32 v10, v6;
	v10 =	vld [tilespmem:s26+$0x40]  }
0x6a5: {  	v11 =	vld [tilespmem:s2+$0x40]  }
0x6a6: {  	v44 =	vld [tilespmem:s14+$0x40];
	[tilespmem:s13+$0x60] =	vst v6  }
0x6a7: {  	v6 =	vld [tilespmem:s16+$0x40]  }
0x6a8: {  	v45 =	vld [tilespmem:s17+$0x40]  }
0x6a9: {  	v9 =	vadd.f32 v41, v9;
	v7 =	vadd.f32 v42, v7  }
0x6aa: {  	v46 =	vld [tilespmem:s6+$0x70]  }
0x6ab: {  	v50 =	vld [tilespmem:s9+$0x70];
	v7 =	vadd.f32 v7, v9  }
0x6ac: {  	v9 =	vld [tilespmem:s15+$0x70]  }
0x6ad: {  	v11 =	vadd.f32 v44, v11;
	[tilespmem:s20+$0x40] =	vst v7;
	v7 =	vld [tilespmem:s1+$0x70];
	v6 =	vadd.f32 v45, v6  }
0x6ae: {  	v47 =	vld [tilespmem:s18+$0x50]  }
0x6af: {  	v48 =	vld [tilespmem:s11+$0x50];
	v6 =	vadd.f32 v6, v11  }
0x6b0: {  	s22 =	rddreg [dreg:$0x1f];
	v49 =	vld [tilespmem:s19+$0x50]  }
0x6b1: {  	s1 =	smov.u32 s22;
	s22 =	rddreg [dreg:$0x12];
	v11 =	vld [tilespmem:s7+$0x50];
	[tilespmem:s0+$0x40] =	vst v6  }
0x6b2: {  	v6 =	vld [tilespmem:s22+$0x40]  }
0x6b3: {  	s21 =	rddreg [dreg:$0x1e];
	v51 =	vld [tilespmem:s2+$0x50]  }
0x6b4: {  	s23 =	rddreg [dreg:$0x1c];
	v52 =	vld [tilespmem:s14+$0x50]  }
0x6b5: {  	s24 =	smov.u32 s23;
	s23 =	rddreg [dreg:$0x13];
	v9 =	vadd.f32 v46, v9;
	v53 =	vld [tilespmem:s16+$0x50];
	v7 =	vadd.f32 v50, v7  }
0x6b6: {  	s12 =	rddreg [dreg:$0x1d];
	v54 =	vld [tilespmem:s17+$0x50];
	v13 =	vadd.f32 v48, v47;
	v11 =	vadd.f32 v11, v49  }
0x6b7: {  	s25 =	rddreg [dreg:$0xc];
	v8 =	vadd.f32 v43, v8;
	v7 =	vadd.f32 v7, v9  }
0x6b8: {  	s9 =	rddreg [dreg:$0x15];
	v9 =	vld [tilespmem:s25+$0x60];
	v11 =	vadd.f32 v11, v13;
	v6 =	vadd.f32 v6, v10  }
0x6b9: {  	s15 =	smov.u32 s12;
	s12 =	smov.u32 s22;
	s22 =	rddreg [dreg:$0x1b];
	v10 =	vld [tilespmem:s9+$0x60]  }
0x6ba: {  	s6 =	smov.u32 s21;
	s21 =	smov.u32 s25;
	s25 =	rddreg [dreg:$0x7];
	[tilespmem:s20+$0x50] =	vst v11;
	v6 =	vadd.f32 v6, v8;
	v8 =	vld [tilespmem:s23+$0x70]  }
0x6bb: {  	v55 =	vadd.f32 v52, v51;
	s23 =	smov.u32 s25;
	v11 =	vld [tilespmem:s18+$0x60];
	[tilespmem:s13+$0x70] =	vst v7;
	s25 =	smov.u32 s22;
	v7 =	vadd.f32 v54, v53  }
0x6bc: {  	v56 =	vld [tilespmem:s11+$0x60];
	[dreg:$0x7] =	wrdreg s25  }
0x6bd: {  	v57 =	vld [tilespmem:s7+$0x60];
	s25 =	rddreg [dreg:$0x1a];
	v7 =	vadd.f32 v7, v55  }
0x6be: {  	s13 =	rddreg [dreg:$0x8];
	[tilespmem:s25+$0x40] =	vst v6;
	v6 =	vld [tilespmem:s19+$0x60];
	v9 =	vadd.f32 v9, v10  }
0x6bf: {  	s4 =	rddreg [dreg:$0x6];
	v10 =	vld [tilespmem:s13+$0x0];
	[tilespmem:s0+$0x50] =	vst v7;
	v3 =	vadd.f32 v8, v3  }
0x6c0: {  	v7 =	vld [tilespmem:s4+$0x0];
	v5 =	vadd.f32 v9, v5  }
0x6c1: {  	s28 =	rddreg [dreg:$0x19];
	v8 =	vld [tilespmem:s2+$0x60];
	v3 =	vadd.f32 v3, v4  }
0x6c2: {  	s22 =	rddreg [dreg:$0x18];
	v4 =	vld [tilespmem:s14+$0x60];
	[tilespmem:s28+$0x60] =	vst v5  }
0x6c3: {  	v5 =	vld [tilespmem:s16+$0x60];
	[tilespmem:s22+$0x70] =	vst v3  }
0x6c4: {  	v9 =	vadd.f32 v56, v11;
	v6 =	vadd.f32 v57, v6;
	s22 =	smov.u32 s28;
	v3 =	vld [tilespmem:s17+$0x60]  }
0x6c5: {  	s28 =	smov.u32 s25;
	s25 =	smov.u32 s8;
	s8 =	rddreg [dreg:$0x11]  }
0x6c6: {  	(v2sf) =	vpush v2, $0x8;
	v6 =	vadd.f32 v6, v9;
	v9 =	vld [tilespmem:s8+$0x0]  }
0x6c7: {  	(v2sf) =	vpush v2, $0x9;
	v11 =	vld [tilespmem:s23+$0x0]  }
0x6c8: {  	(v2sf) =	vpush v2, $0xA;
	[tilespmem:s20+$0x60] =	vst v6;
	v6 =	vld [tilespmem:s10+$0x50]  }
0x6c9: {  	v4 =	vadd.f32 v4, v8;
	v8 =	vld [tilespmem:s18+$0x70];
	v3 =	vadd.f32 v3, v5  }
0x6ca: {  	(v2sf) =	vpush v2, $0xB;
	v7 =	vadd.f32 v7, v10;
	v10 =	vld [tilespmem:s19+$0x70]  }
0x6cb: {  	v5 =	vld [tilespmem:s11+$0x70];
	v3 =	vadd.f32 v3, v4  }
0x6cc: {  	v9 =	vadd.f32 v11, v9;
	v11 =	vld [tilespmem:s29+$0x50]  }
0x6cd: {  	v4 =	vld [tilespmem:s7+$0x70];
	[tilespmem:s0+$0x60] =	vst v3  }
0x6ce: {  	v3 =	vadd.f32 v9, v7;
	v7 =	vld [tilespmem:s26+$0x50]  }
0x6cf: {  	v9 =	vld [tilespmem:s2+$0x70]  }
0x6d0: {  	v58 =	vld [tilespmem:s14+$0x70];
	[tilespmem:s25+$0x0] =	vst v3  }
0x6d1: {  	v3 =	vld [tilespmem:s16+$0x70]  }
0x6d2: {  	v5 =	vadd.f32 v5, v8;
	v4 =	vadd.f32 v4, v10;
	v8 =	vld [tilespmem:s17+$0x70];
	_ =	sdelay $0x1  }
0x6d3: {  	v10 =	vld [tilespmem:s4+$0x10];
	v4 =	vadd.f32 v4, v5  }
0x6d4: {  	v5 =	vld [tilespmem:s13+$0x10]  }
0x6d5: {  	s11 =	smov.u32 s26;
	v6 =	vadd.f32 v11, v6;
	s26 =	spop (v2sf);
	[tilespmem:s20+$0x70] =	vst v4;
	v4 =	vld [tilespmem:s8+$0x10]  }
0x6d6: {  	s17 =	smov.u32 s8;
	v9 =	vadd.f32 v58, v9;
	s8 =	spop (v2sf);
	v11 =	vld [tilespmem:s26+$0x0];
	v3 =	vadd.f32 v8, v3  }
0x6d7: {  	s18 =	smov.u32 s29;
	v59 =	vld [tilespmem:s8+$0x0];
	s29 =	spop (v2sf)  }
0x6d8: {  	v60 =	vld [tilespmem:s29+$0x0];
	s30 =	spop (v2sf);
	v3 =	vadd.f32 v3, v9  }
0x6d9: {  	v9 =	vld [tilespmem:s30+$0x0]  }
0x6da: {  	v5 =	vadd.f32 v10, v5;
	v10 =	vld [tilespmem:s23+$0x10];
	[tilespmem:s0+$0x70] =	vst v3  }
0x6db: {  	v3 =	vld [tilespmem:s12+$0x50];
	_ =	sdelay $0x1  }
0x6dc: {  	[dreg:$0x10] =	wrdreg s3  }
0x6dd: {  	[dreg:$0xa] =	wrdreg s5;
	v61 =	vld [tilespmem:s15+$0x0]  }
0x6de: {  	s19 =	sor.u32 $0x100, s3;
	s3 =	rddreg [dreg:$0x17];
	v62 =	vld [tilespmem:s6+$0x0];
	v11 =	vadd.f32 v59, v11  }
.Ltmp1:
0x6df: {  	s14 =	smov.u32 s10;
	s2 =	rddreg [dreg:$0xe];
	v8 =	vld [tilespmem:s1+$0x0];
	v63 =	vadd.f32 v9, v60;
	v3 =	vadd.f32 v3, v7;
	(pc) =	sbr.rel @p0 .LBB2_6-.Ltmp1, $4  }
0x6e0: {  	s10 =	smov.u32 s13;
	s16 =	smov.u32 s18;
	s20 =	rddreg [dreg:$0xf];
	v9 =	vld [tilespmem:s24+$0x0];
	v10 =	vadd.f32 v10, v4  }
0x6e1: {  	s13 =	sadd.s32 s19, s5;
	s5 =	smov.u32 s3;
	v11 =	vadd.f32 v63, v11;
	v6 =	vadd.f32 v3, v6;
	v3 =	vld [tilespmem:s9+$0x70];
	s9 =	rddreg [dreg:$0x16]  }
0x6e2: {  	s19 =	sadd.s32 s19, s31;
	[dreg:$0x8] =	wrdreg s5;
	v4 =	vld [tilespmem:s20+$0x70];
	s18 =	smov.u32 s9  }
0x6e3: {  	s20 =	smov.u32 s4;
	v7 =	vadd.f32 v10, v5;
	v5 =	vld [tilespmem:s2+$0x70];
	v10 =	vadd.f32 v62, v61;
	[tilespmem:s19+$0x0] =	vst v11;
	[dreg:$0x6] =	wrdreg s18  }
0x6e4: {  	v11 =	vld [tilespmem:s26+$0x10]  }
0x6e5: {  	v12 =	vld [tilespmem:s8+$0x10]  }
0x6e6: {  	v13 =	vld [tilespmem:s29+$0x10]  }
0x6e7: {  	v14 =	vld [tilespmem:s30+$0x10];
	_ =	sdelay $0x4  }
0x6e8: {  	v11 =	vadd.f32 v12, v11;
	v21 =	vadd.f32 v14, v13;
	_ =	sdelay $0x1  }
0x6e9: {  	v11 =	vadd.f32 v21, v11;
	_ =	sdelay $0x1  }
0x6ea: {  	[tilespmem:s19+$0x10] =	vst v11  }
0x6eb: {  	v11 =	vld [tilespmem:s26+$0x20]  }
0x6ec: {  	v22 =	vld [tilespmem:s8+$0x20]  }
0x6ed: {  	v23 =	vld [tilespmem:s29+$0x20]  }
0x6ee: {  	v24 =	vld [tilespmem:s30+$0x20];
	_ =	sdelay $0x4  }
0x6ef: {  	v11 =	vadd.f32 v22, v11;
	v25 =	vadd.f32 v24, v23;
	_ =	sdelay $0x1  }
0x6f0: {  	v11 =	vadd.f32 v25, v11;
	_ =	sdelay $0x1  }
0x6f1: {  	v8 =	vadd.f32 v9, v8;
	[tilespmem:s19+$0x20] =	vst v11  }
0x6f2: {  	v11 =	vld [tilespmem:s26+$0x30]  }
0x6f3: {  	v8 =	vadd.f32 v8, v10;
	v26 =	vld [tilespmem:s8+$0x30]  }
0x6f4: {  	v27 =	vld [tilespmem:s29+$0x30]  }
0x6f5: {  	[tilespmem:s13+$0x0] =	vst v8;
	v28 =	vld [tilespmem:s30+$0x30]  }
0x6f6: {  	v8 =	vld [tilespmem:s15+$0x10]  }
0x6f7: {  	v30 =	vld [tilespmem:s6+$0x10]  }
0x6f8: {  	v31 =	vld [tilespmem:s1+$0x10]  }
0x6f9: {  	v32 =	vld [tilespmem:s24+$0x10]  }
0x6fa: {  	v29 =	vadd.f32 v26, v11;
	v9 =	vadd.f32 v28, v27;
	_ =	sdelay $0x1  }
0x6fb: {  	v9 =	vadd.f32 v9, v29;
	_ =	sdelay $0x1  }
0x6fc: {  	v8 =	vadd.f32 v30, v8;
	v10 =	vadd.f32 v32, v31;
	[tilespmem:s19+$0x30] =	vst v9  }
0x6fd: {  	v9 =	vld [tilespmem:s26+$0x40]  }
0x6fe: {  	v8 =	vadd.f32 v10, v8;
	v33 =	vld [tilespmem:s8+$0x40]  }
0x6ff: {  	v34 =	vld [tilespmem:s29+$0x40]  }
0x700: {  	[tilespmem:s13+$0x10] =	vst v8;
	v35 =	vld [tilespmem:s30+$0x40]  }
0x701: {  	v8 =	vld [tilespmem:s15+$0x20]  }
0x702: {  	v37 =	vld [tilespmem:s6+$0x20]  }
0x703: {  	v38 =	vld [tilespmem:s1+$0x20]  }
0x704: {  	v39 =	vld [tilespmem:s24+$0x20]  }
0x705: {  	v9 =	vadd.f32 v33, v9;
	v36 =	vadd.f32 v35, v34;
	_ =	sdelay $0x1  }
0x706: {  	v9 =	vadd.f32 v36, v9;
	_ =	sdelay $0x1  }
0x707: {  	v8 =	vadd.f32 v37, v8;
	v10 =	vadd.f32 v39, v38;
	[tilespmem:s19+$0x40] =	vst v9  }
0x708: {  	v9 =	vld [tilespmem:s26+$0x50]  }
0x709: {  	v8 =	vadd.f32 v10, v8;
	v40 =	vld [tilespmem:s8+$0x50]  }
0x70a: {  	v41 =	vld [tilespmem:s29+$0x50]  }
0x70b: {  	[tilespmem:s13+$0x20] =	vst v8;
	v42 =	vld [tilespmem:s30+$0x50]  }
0x70c: {  	v8 =	vld [tilespmem:s15+$0x30]  }
0x70d: {  	v44 =	vld [tilespmem:s6+$0x30]  }
0x70e: {  	v45 =	vld [tilespmem:s1+$0x30]  }
0x70f: {  	v46 =	vld [tilespmem:s24+$0x30]  }
0x710: {  	v9 =	vadd.f32 v40, v9;
	v43 =	vadd.f32 v42, v41;
	_ =	sdelay $0x1  }
0x711: {  	v9 =	vadd.f32 v43, v9;
	_ =	sdelay $0x1  }
0x712: {  	v8 =	vadd.f32 v44, v8;
	v10 =	vadd.f32 v46, v45;
	[tilespmem:s19+$0x50] =	vst v9  }
0x713: {  	v9 =	vld [tilespmem:s26+$0x60]  }
0x714: {  	v8 =	vadd.f32 v10, v8;
	v47 =	vld [tilespmem:s8+$0x60]  }
0x715: {  	v48 =	vld [tilespmem:s29+$0x60]  }
0x716: {  	[tilespmem:s13+$0x30] =	vst v8;
	v49 =	vld [tilespmem:s30+$0x60]  }
0x717: {  	v8 =	vld [tilespmem:s15+$0x40]  }
0x718: {  	v51 =	vld [tilespmem:s6+$0x40]  }
0x719: {  	v52 =	vld [tilespmem:s1+$0x40]  }
0x71a: {  	v53 =	vld [tilespmem:s24+$0x40]  }
0x71b: {  	v9 =	vadd.f32 v47, v9;
	v50 =	vadd.f32 v49, v48  }
0x71c: {  	(v2sf) =	vpush v2, $0xC  }
0x71d: {  	(v2sf) =	vpush v2, $0xD;
	v9 =	vadd.f32 v50, v9  }
0x71e: {  	(v2sf) =	vpush v2, $0xE  }
0x71f: {  	v8 =	vadd.f32 v51, v8;
	v10 =	vadd.f32 v53, v52;
	[tilespmem:s19+$0x60] =	vst v9  }
0x720: {  	(v2sf) =	vpush v2, $0xF;
	v9 =	vld [tilespmem:s26+$0x70]  }
0x721: {  	v8 =	vadd.f32 v10, v8;
	v2 =	vld [tilespmem:s8+$0x70]  }
0x722: {  	v54 =	vld [tilespmem:s29+$0x70]  }
0x723: {  	[tilespmem:s13+$0x40] =	vst v8;
	v55 =	vld [tilespmem:s30+$0x70]  }
0x724: {  	v57 =	vld [tilespmem:s15+$0x50]  }
0x725: {  	v58 =	vld [tilespmem:s6+$0x50]  }
0x726: {  	v59 =	vld [tilespmem:s1+$0x50]  }
0x727: {  	v60 =	vld [tilespmem:s24+$0x50]  }
0x728: {  	v2 =	vadd.f32 v2, v9;
	v56 =	vadd.f32 v55, v54;
	_ =	sdelay $0x1  }
0x729: {  	v2 =	vadd.f32 v56, v2;
	_ =	sdelay $0x1  }
0x72a: {  	s4 =	spop (v2sf);
	v8 =	vadd.f32 v60, v59;
	v9 =	vadd.f32 v58, v57;
	[tilespmem:s19+$0x70] =	vst v2  }
0x72b: {  	s7 =	spop (v2sf);
	v2 =	vld [tilespmem:s4+$0x0]  }
0x72c: {  	s26 =	spop (v2sf);
	v8 =	vadd.f32 v8, v9;
	v61 =	vld [tilespmem:s7+$0x0]  }
0x72d: {  	s2 =	spop (v2sf);
	v62 =	vld [tilespmem:s26+$0x0]  }
0x72e: {  	[tilespmem:s13+$0x50] =	vst v8;
	v63 =	vld [tilespmem:s2+$0x0]  }
0x72f: {  	v16 =	vld [tilespmem:s15+$0x60]  }
0x730: {  	v17 =	vld [tilespmem:s6+$0x60]  }
0x731: {  	v18 =	vld [tilespmem:s1+$0x60]  }
0x732: {  	v19 =	vld [tilespmem:s24+$0x60]  }
0x733: {  	v2 =	vadd.f32 v61, v2;
	v15 =	vadd.f32 v63, v62  }
0x734: {  	s0 =	rddreg [dreg:$0x10]  }
0x735: {  	s5 =	sor.u32 $0x180, s0;
	v2 =	vadd.f32 v15, v2  }
0x736: {  	s0 =	sadd.s32 s5, s31  }
0x737: {  	v9 =	vadd.f32 v17, v16;
	v8 =	vadd.f32 v19, v18;
	[tilespmem:s0+$0x0] =	vst v2  }
0x738: {  	v2 =	vld [tilespmem:s4+$0x10]  }
0x739: {  	v8 =	vadd.f32 v8, v9;
	v20 =	vld [tilespmem:s7+$0x10]  }
0x73a: {  	v21 =	vld [tilespmem:s26+$0x10]  }
0x73b: {  	[tilespmem:s13+$0x60] =	vst v8;
	v22 =	vld [tilespmem:s2+$0x10]  }
0x73c: {  	v8 =	vld [tilespmem:s15+$0x70]  }
0x73d: {  	v24 =	vld [tilespmem:s6+$0x70]  }
0x73e: {  	v25 =	vld [tilespmem:s1+$0x70]  }
0x73f: {  	v26 =	vld [tilespmem:s24+$0x70];
	_ =	sdelay $0x1  }
0x740: {  	v2 =	vadd.f32 v20, v2;
	v23 =	vadd.f32 v22, v21;
	_ =	sdelay $0x1  }
0x741: {  	v2 =	vadd.f32 v23, v2  }
0x742: {  	v8 =	vadd.f32 v24, v8;
	v9 =	vadd.f32 v26, v25  }
0x743: {  	[tilespmem:s0+$0x10] =	vst v2  }
0x744: {  	v8 =	vadd.f32 v9, v8;
	v2 =	vld [tilespmem:s4+$0x20]  }
0x745: {  	v27 =	vld [tilespmem:s7+$0x20]  }
0x746: {  	[tilespmem:s13+$0x70] =	vst v8;
	v28 =	vld [tilespmem:s26+$0x20]  }
0x747: {  	v29 =	vld [tilespmem:s2+$0x20];
	s9 =	rddreg [dreg:$0x8]  }
0x748: {  	s3 =	rddreg [dreg:$0x6];
	v31 =	vld [tilespmem:s9+$0x0]  }
0x749: {  	s13 =	rddreg [dreg:$0xb];
	v32 =	vld [tilespmem:s3+$0x0]  }
0x74a: {  	s29 =	rddreg [dreg:$0x7];
	v33 =	vld [tilespmem:s13+$0x0]  }
0x74b: {  	v34 =	vld [tilespmem:s29+$0x0]  }
0x74c: {  	v2 =	vadd.f32 v27, v2;
	v30 =	vadd.f32 v29, v28;
	_ =	sdelay $0x1  }
0x74d: {  	v2 =	vadd.f32 v30, v2;
	_ =	sdelay $0x1  }
0x74e: {  	v9 =	vadd.f32 v32, v31;
	v8 =	vadd.f32 v34, v33;
	[tilespmem:s0+$0x20] =	vst v2  }
0x74f: {  	v2 =	vld [tilespmem:s4+$0x30]  }
0x750: {  	v8 =	vadd.f32 v8, v9;
	v35 =	vld [tilespmem:s7+$0x30];
	s30 =	rddreg [dreg:$0xa]  }
0x751: {  	v36 =	vld [tilespmem:s26+$0x30];
	s1 =	sadd.s32 s5, s30  }
0x752: {  	v37 =	vld [tilespmem:s2+$0x30];
	[tilespmem:s1+$0x0] =	vst v8  }
0x753: {  	v39 =	vld [tilespmem:s9+$0x10]  }
0x754: {  	v40 =	vld [tilespmem:s3+$0x10]  }
0x755: {  	v41 =	vld [tilespmem:s13+$0x10]  }
0x756: {  	v42 =	vld [tilespmem:s29+$0x10]  }
0x757: {  	[tilespmem:s25+$0x10] =	vst v7;
	v2 =	vadd.f32 v35, v2;
	v38 =	vadd.f32 v37, v36  }
0x758: {  	v46 =	vld [tilespmem:s10+$0x20]  }
0x759: {  	v47 =	vld [tilespmem:s20+$0x20];
	v2 =	vadd.f32 v38, v2  }
0x75a: {  	v48 =	vld [tilespmem:s17+$0x20]  }
0x75b: {  	v49 =	vld [tilespmem:s23+$0x20];
	v9 =	vadd.f32 v40, v39;
	v8 =	vadd.f32 v42, v41;
	[tilespmem:s0+$0x30] =	vst v2  }
0x75c: {  	v2 =	vld [tilespmem:s4+$0x40]  }
0x75d: {  	v43 =	vld [tilespmem:s7+$0x40];
	v8 =	vadd.f32 v8, v9  }
0x75e: {  	v44 =	vld [tilespmem:s26+$0x40]  }
0x75f: {  	v45 =	vld [tilespmem:s2+$0x40];
	[tilespmem:s1+$0x10] =	vst v8  }
0x760: {  	v10 =	vadd.f32 v47, v46;
	v9 =	vadd.f32 v49, v48;
	v8 =	vld [tilespmem:s9+$0x20]  }
0x761: {  	v50 =	vld [tilespmem:s3+$0x20]  }
0x762: {  	v9 =	vadd.f32 v9, v10;
	v51 =	vld [tilespmem:s13+$0x20]  }
0x763: {  	v52 =	vld [tilespmem:s29+$0x20]  }
0x764: {  	[tilespmem:s25+$0x20] =	vst v9;
	v2 =	vadd.f32 v43, v2;
	v7 =	vadd.f32 v45, v44  }
0x765: {  	v56 =	vld [tilespmem:s10+$0x30]  }
0x766: {  	v57 =	vld [tilespmem:s20+$0x30];
	v2 =	vadd.f32 v7, v2  }
0x767: {  	v58 =	vld [tilespmem:s17+$0x30]  }
0x768: {  	v59 =	vld [tilespmem:s23+$0x30];
	v8 =	vadd.f32 v50, v8;
	v7 =	vadd.f32 v52, v51;
	[tilespmem:s0+$0x40] =	vst v2  }
0x769: {  	v2 =	vld [tilespmem:s4+$0x50]  }
0x76a: {  	v53 =	vld [tilespmem:s7+$0x50];
	v7 =	vadd.f32 v7, v8  }
0x76b: {  	v54 =	vld [tilespmem:s26+$0x50]  }
0x76c: {  	v55 =	vld [tilespmem:s2+$0x50];
	[tilespmem:s1+$0x20] =	vst v7  }
0x76d: {  	v12 =	vadd.f32 v57, v56;
	v8 =	vadd.f32 v59, v58;
	v61 =	vld [tilespmem:s9+$0x30]  }
0x76e: {  	v62 =	vld [tilespmem:s3+$0x30]  }
0x76f: {  	v8 =	vadd.f32 v8, v12;
	v63 =	vld [tilespmem:s13+$0x30]  }
0x770: {  	v16 =	vld [tilespmem:s29+$0x30]  }
0x771: {  	[tilespmem:s25+$0x30] =	vst v8;
	v2 =	vadd.f32 v53, v2;
	v60 =	vadd.f32 v55, v54  }
0x772: {  	v20 =	vld [tilespmem:s10+$0x40]  }
0x773: {  	v21 =	vld [tilespmem:s20+$0x40];
	v2 =	vadd.f32 v60, v2  }
0x774: {  	v22 =	vld [tilespmem:s17+$0x40]  }
0x775: {  	v23 =	vld [tilespmem:s23+$0x40];
	v9 =	vadd.f32 v62, v61;
	v7 =	vadd.f32 v16, v63;
	[tilespmem:s0+$0x50] =	vst v2  }
0x776: {  	v2 =	vld [tilespmem:s4+$0x60]  }
0x777: {  	v17 =	vld [tilespmem:s7+$0x60];
	v7 =	vadd.f32 v7, v9  }
0x778: {  	v18 =	vld [tilespmem:s26+$0x60]  }
0x779: {  	v19 =	vld [tilespmem:s2+$0x60];
	[tilespmem:s1+$0x30] =	vst v7  }
0x77a: {  	v7 =	vld [tilespmem:s9+$0x40]  }
0x77b: {  	v24 =	vld [tilespmem:s3+$0x40]  }
0x77c: {  	v25 =	vld [tilespmem:s13+$0x40]  }
0x77d: {  	v26 =	vld [tilespmem:s29+$0x40]  }
0x77e: {  	v10 =	vadd.f32 v21, v20;
	v9 =	vadd.f32 v23, v22  }
0x77f: {  	[tilespmem:s28+$0x50] =	vst v6;
	v2 =	vadd.f32 v17, v2;
	v8 =	vadd.f32 v19, v18  }
0x780: {  	v34 =	vld [tilespmem:s14+$0x60];
	v9 =	vadd.f32 v9, v10  }
0x781: {  	v35 =	vld [tilespmem:s16+$0x60];
	v2 =	vadd.f32 v8, v2  }
0x782: {  	v36 =	vld [tilespmem:s11+$0x60];
	[tilespmem:s25+$0x40] =	vst v9;
	v7 =	vadd.f32 v24, v7;
	v8 =	vadd.f32 v26, v25  }
0x783: {  	v9 =	vld [tilespmem:s10+$0x50]  }
0x784: {  	v29 =	vld [tilespmem:s20+$0x50];
	v7 =	vadd.f32 v8, v7  }
0x785: {  	v30 =	vld [tilespmem:s17+$0x50]  }
0x786: {  	v31 =	vld [tilespmem:s23+$0x50];
	[tilespmem:s1+$0x40] =	vst v7  }
0x787: {  	v7 =	vld [tilespmem:s9+$0x50]  }
0x788: {  	v32 =	vld [tilespmem:s3+$0x50]  }
0x789: {  	v15 =	vld [tilespmem:s13+$0x50]  }
0x78a: {  	v16 =	vld [tilespmem:s29+$0x50]  }
0x78b: {  	v37 =	vld [tilespmem:s12+$0x60];
	v33 =	vadd.f32 v29, v9;
	v8 =	vadd.f32 v31, v30  }
0x78c: {  	v18 =	vld [tilespmem:s21+$0x70];
	[tilespmem:s0+$0x60] =	vst v2  }
0x78d: {  	v2 =	vld [tilespmem:s4+$0x70];
	v6 =	vadd.f32 v8, v33  }
0x78e: {  	v27 =	vld [tilespmem:s7+$0x70]  }
0x78f: {  	v28 =	vld [tilespmem:s26+$0x70];
	[tilespmem:s25+$0x50] =	vst v6;
	v38 =	vadd.f32 v32, v7;
	v39 =	vadd.f32 v16, v15  }
0x790: {  	v40 =	vld [tilespmem:s10+$0x60]  }
0x791: {  	v41 =	vld [tilespmem:s20+$0x60];
	v6 =	vadd.f32 v39, v38  }
0x792: {  	v42 =	vld [tilespmem:s17+$0x60]  }
0x793: {  	v43 =	vld [tilespmem:s23+$0x60];
	[tilespmem:s1+$0x50] =	vst v6  }
0x794: {  	v44 =	vadd.f32 v35, v34;
	v8 =	vadd.f32 v37, v36;
	v45 =	vld [tilespmem:s9+$0x60]  }
0x795: {  	v46 =	vld [tilespmem:s3+$0x60]  }
0x796: {  	v6 =	vadd.f32 v8, v44;
	v47 =	vld [tilespmem:s13+$0x60]  }
0x797: {  	v48 =	vld [tilespmem:s29+$0x60]  }
0x798: {  	v17 =	vld [tilespmem:s2+$0x70];
	v49 =	vadd.f32 v41, v40;
	v7 =	vadd.f32 v43, v42;
	[tilespmem:s28+$0x60] =	vst v6  }
0x799: {  	v50 =	vld [tilespmem:s14+$0x70]  }
0x79a: {  	v6 =	vadd.f32 v7, v49;
	v51 =	vld [tilespmem:s16+$0x70]  }
0x79b: {  	v52 =	vld [tilespmem:s11+$0x70]  }
0x79c: {  	v53 =	vld [tilespmem:s12+$0x70];
	[tilespmem:s25+$0x60] =	vst v6;
	v54 =	vadd.f32 v46, v45;
	v8 =	vadd.f32 v48, v47  }
0x79d: {  	v55 =	vld [tilespmem:s10+$0x70]  }
0x79e: {  	v56 =	vld [tilespmem:s20+$0x70];
	v6 =	vadd.f32 v8, v54  }
0x79f: {  	v57 =	vld [tilespmem:s17+$0x70]  }
0x7a0: {  	v58 =	vld [tilespmem:s23+$0x70];
	[tilespmem:s1+$0x60] =	vst v6  }
0x7a1: {  	v6 =	vld [tilespmem:s9+$0x70]  }
0x7a2: {  	v19 =	vld [tilespmem:s3+$0x70]  }
0x7a3: {  	v4 =	vadd.f32 v5, v4;
	v3 =	vadd.f32 v18, v3;
	v20 =	vld [tilespmem:s13+$0x70]  }
0x7a4: {  	v2 =	vadd.f32 v27, v2;
	v60 =	vadd.f32 v17, v28;
	v59 =	vld [tilespmem:s29+$0x70]  }
0x7a5: {  	v61 =	vadd.f32 v51, v50;
	v7 =	vadd.f32 v53, v52  }
0x7a6: {  	v3 =	vadd.f32 v3, v4  }
0x7a7: {  	v2 =	vadd.f32 v60, v2;
	v62 =	vadd.f32 v7, v61  }
0x7a8: {  	v63 =	vadd.f32 v56, v55;
	v8 =	vadd.f32 v58, v57;
	s14 =	sld [smem:$0x7FB]  }
0x7a9: {  	s15 =	rddreg [dreg:$0x4];
	[tilespmem:s0+$0x70] =	vst v2;
	v2 =	vadd.f32 v19, v6;
	v5 =	vadd.f32 v59, v20  }
0x7aa: {  	[tilespmem:s22+$0x70] =	vst v3;
	v3 =	vadd.f32 v8, v63  }
0x7ab: {  	[tilespmem:s28+$0x70] =	vst v62;
	v2 =	vadd.f32 v5, v2  }
0x7ac: {  	s17 =	sld [smem:$0x7F7];
	s2 =	sadd.s32 s14, s15;
	[tilespmem:s25+$0x70] =	vst v3  }
0x7ad: {  	s18 =	rddreg [dreg:$0x2];
	s16 =	smul.u32 $0x6400, s2;
	[tilespmem:s1+$0x70] =	vst v2  }
0x7ae: {  	s21 =	rddreg [dreg:$0x5]  }
0x7af: {  	s2 =	sadd.s32 s17, s16;
	s22 =	sld [smem:$0x7F5]  }
0x7b0: {  	s2 =	sshrl.u32 s2, $0x3;
	s23 =	sld [smem:$0x7DD]  }
0x7b1: {  	s20 =	simm.s32 $0x0;
	s19 =	sadd.s32 s18, s2;
	s30 =	sld [smem:$0x7DC]  }
0x7b2: {  	[hbm4b:s19+s20] =	stream.linear.scatter [tilespmem:s21], [sflag:$0x3], $0x1400, $0x38;
	[tilespmem:$0x1C280] =	vst v63  }
0x7b3: {  	s25 =	sld [smem:$0x7F6];
	s1 =	sadd.s32 s22, s16  }
0x7b4: {  	s28 =	sld [smem:$0x7F8];
	s1 =	sshrl.u32 s1, $0x3  }
0x7b5: {  	s24 =	sadd.s32 $0x13680, s23;
	s4 =	sadd.s32 $0x1, s30;
	s1 =	sadd.s32 s18, s1  }
0x7b6: {  	[hbm4b:s1+s20] =	stream.linear.scatter [tilespmem:s24], [sflag:$0x3], $0x1400, $0x38;
	[tilespmem:$0x1C280] =	vst v63  }
0x7b7: {  	s31 =	simm.s32 $0xD200;
	p0 =	sne.s32 s4, $0x20;
	s1 =	sadd.s32 s25, s16  }
.Ltmp2:
0x7b8: {  	s0 =	sadd.s32 s28, s16;
	s1 =	sshrl.u32 s1, $0x3;
	(pc) =	sbr.rel @p0 .LBB2_5-.Ltmp2, $4  }
0x7b9: {  	s26 =	sadd.s32 $0x14A80, s23;
	s0 =	sshrl.u32 s0, $0x3;
	s1 =	sadd.s32 s18, s1  }
0x7ba: {  	[hbm4b:s1+s20] =	stream.linear.scatter [tilespmem:s26], [sflag:$0x3], $0x1400, $0x38;
	[tilespmem:$0x1C280] =	vst v63  }
0x7bb: {  	s3 =	simm.s32 $0x0;
	s29 =	sadd.s32 $0x15E80, s23;
	s0 =	sadd.s32 s18, s0  }
0x7bc: {  	[hbm4b:s0+s20] =	stream.linear.scatter [tilespmem:s29], [sflag:$0x3], $0x1400, $0x38;
	[tilespmem:$0x1C280] =	vst v63  }
0x7bd: {  	s0 =	simm.s32 $0x3  }
0x7be: {  	_ =	swait.ge [sflag:s0], $0x5000  }
0x7bf: {  	[sflag:s0] =	ssyncset.done $0x0  }
0x7c0: {  	[sflag:s0] =	ssyncadd.s32 $0xFFFFB000  }
0x7c1: {  	_ =	swait.ge [sflag:s0], $0x5000  }
0x7c2: {  	s1 =	sld [smem:$0x7F9];
	_ =	sdelay $0x2  }
0x7c3: {  	s1 =	sadd.s32 $0x1, s1  }
0x7c4: {  	p0 =	sne.s32 s1, $0x5  }
.Ltmp3:
0x7c5: {  	_ = 	snop;
	(pc) =	sbr.rel @p0 .LBB2_2-.Ltmp3, $3  }
0x7c6: {  	_ =	sdelay $0x1  }
0x7c7: {  	[sflag:s0] =	ssyncset.done $0x0  }
0x7c8: {  	[sflag:s0] =	ssyncadd.s32 $0xFFFFB000  }
0x7c9: {  	s1 =	sld [smem:$0x7FA]  }
0x7ca: {  	s0 =	sld [smem:$0x7FD];
	_ =	sdelay $0x1  }
0x7cb: {  	s1 =	sadd.s32 $0x1, s1  }
0x7cc: {  	p0 =	sne.s32 s1, s0  }
.Ltmp4:
0x7cd: {  	_ = 	snop;
	(pc) =	sbr.rel @p0 .LBB2_1-.Ltmp4, $1  }
0x7ce: {  	_ =	sdelay $0x3  }
0x7cf: {  	_ =	sfence.sel $0x180000  }
0x7d0: {  	[bflag:$0x0] =	sbarrier.arrive $0xFFFF  }
0x7d1: {  	_ =	strace $0x90000047  }
0x7d2: {  	s0 =	stileid.u32;
	[bflag:$0x2] =	sbarrier.arrive $0xFFFF  }
0x7d3: {  	p0 =	sne.s32 s0, $0x0;
	s0 =	rddreg [dreg:$0x3]  }
0x7d4: {  	s0 =	sadd.s32 @!p0 $0x100000, s0  }
0x7d5: {  	[sflag:s0] =	ssyncadd.tile.s32 @!p0 $0x1;
	_ =	shalt  }
.Lfunc_end2:
_tile_overlayer_lowered:
.L_overlay_start_2:
0x7d6: {  	(tag) =	ssettag $0x2  }
0x7d7: {  	s0 =	rddreg [dreg:$0x0];
	s2 =	stileid.u32  }
0x7d8: {  	s1 =	rddreg [dreg:$0x1];
	p0 =	sne.s32 s2, $0x0  }
0x7d9: {  	s3 =	rddreg [dreg:$0x2];
	[bflag:$0x3] =	sbarrier.arrive $0xFFFF;
	s2 =	simm.s32 @!p0 $0x1C04  }
0x7da: {  	[timem:s3], [sflag:s2] =	dma.local @!p0 [hbm:s0], s1  }
0x7db: {  	s0 =	simm.s32 @!p0 $0x4  }
0x7dc: {  	_ =	swait.ge @!p0 [sflag:s0], s1  }
0x7dd: {  	s1 =	ssub.s32 @!p0 $0x0, s1;
	[sflag:s0] =	ssyncset.done @!p0 $0x0  }
0x7de: {  	[sflag:s0] =	ssyncadd.s32 @!p0 s1  }
0x7df: {  	[bflag:$0x3] =	sbarrier.arrive $0xFFFF  }
0x7e0: {  	_ =	shalt  }

</sc_bundles>
